<compile_context>
chip_gen: v7x
topology: tpu7x:2x2x1
jax: 0.10.2.dev20260603
libtpu: 0.0.44.dev20260713+nightly
codegen_flags: <defaults>
</compile_context>

<pallas_src>
import jax
import jax.numpy as jnp
from jax import lax
from jax.experimental import pallas as pl
from jax.experimental.pallas import tpu as pltpu
from jax.experimental.pallas import tpu_sc as plsc

N = 10000
E = 160000
D = 256
H = 128
NC = 2
NS = 16
L = 16

NPAD = 10240
SUB = NPAD // NS
ET1 = E // NS
CH = 125
NCH = (E // NS) // CH
WCH = 128
RB = 1000



DROW = NPAD // H


def _deg_dis_body(dst_hbm, dis_out, dst_v, acc2, idx_v, red_v, deg_s):
    c = lax.axis_index("c")
    s = lax.axis_index("s")

    @pl.when(c == 0)
    def _():
        pltpu.sync_copy(dst_hbm.at[pl.ds(s * ET1, ET1)], dst_v)
        zero = jnp.zeros((L,), jnp.float32)

        @pl.loop(0, DROW, unroll=4)
        def _(i):
            for m in range(H // L):
                acc2[i, pl.ds(m * L, L)] = zero

        @pl.when(s == 0)
        def _():
            pltpu.sync_copy(acc2, deg_s)

        base16 = lax.iota(jnp.int32, L)

        @pl.loop(0, DROW // L)
        def _(i):
            idx_v[0, pl.ds(i * L, L)] = base16 + i * L

        plsc.subcore_barrier()

        ones = jnp.ones((L,), jnp.float32)

        @pl.loop(0, ET1 // L, unroll=4)
        def _(i):
            v = dst_v[pl.ds(i * L, L)]
            plsc.addupdate_scatter(acc2, [v >> 7, v & 127], ones)

        pltpu.sync_copy(acc2, deg_s.at[idx_v.at[0]], add=True)
        plsc.subcore_barrier()
        pltpu.sync_copy(deg_s, acc2)

        @pl.loop(0, SUB // H)
        def _(r):
            row = s * (SUB // H) + r
            for m in range(H // L):
                d = acc2[row, pl.ds(m * L, L)]
                half = d * 0.5
                bi = plsc.bitcast(d, jnp.int32)
                bi = jnp.int32(0x5F3759DF) - (bi >> 1)
                y = plsc.bitcast(bi, jnp.float32)
                y = y * (1.5 - half * y * y)
                y = y * (1.5 - half * y * y)
                y = y * (1.5 - half * y * y)
                y = jnp.where(d > 0.0, y, 0.0)
                red_v[pl.ds(r * H + m * L, L)] = y

        pltpu.sync_copy(red_v, dis_out.at[pl.ds(s * SUB, SUB)])


_deg_dis = pl.kernel(
    _deg_dis_body,
    out_type=jax.ShapeDtypeStruct((NPAD,), jnp.float32),
    compiler_params=pltpu.CompilerParams(needs_layout_passes=False),
    mesh=plsc.VectorSubcoreMesh(
        core_axis_name="c", subcore_axis_name="s",
        num_cores=NC, num_subcores=NS,
    ),
    scratch_types=[
        pltpu.VMEM((ET1,), jnp.int32),
        pltpu.VMEM((DROW, H), jnp.float32),
        pltpu.VMEM((1, DROW), jnp.int32),
        pltpu.VMEM((SUB,), jnp.float32),
        pltpu.VMEM_SHARED((DROW, H), jnp.float32),
    ],
)



def _mm_body(x_ref, w_ref, dis_ref, h0_ref, h1_ref):
    h = jnp.dot(x_ref[...], w_ref[...], preferred_element_type=jnp.float32)
    h = h * dis_ref[...]
    h0_ref[...] = h[:, :H]
    h1_ref[...] = h[:, H:]


_mm = pl.pallas_call(
    _mm_body,
    grid=(N // RB,),
    in_specs=[
        pl.BlockSpec((RB, D), lambda i: (i, 0)),
        pl.BlockSpec((D, D), lambda i: (0, 0)),
        pl.BlockSpec((RB, 1), lambda i: (i, 0)),
    ],
    out_specs=[
        pl.BlockSpec((RB, H), lambda i: (i, 0)),
        pl.BlockSpec((RB, H), lambda i: (i, 0)),
    ],
    out_shape=[
        jax.ShapeDtypeStruct((N, H), jnp.float32),
        jax.ShapeDtypeStruct((N, H), jnp.float32),
    ],
)



GRP = 8
NG = NCH // GRP


def _edge_body(h0, h1, src_hbm, dst_hbm, s_out,
               src_v, dstb0, dstb1, buf0, buf1,
               gsem0, gsem1, isem0, isem1, acc_s):
    c = lax.axis_index("c")
    s = lax.axis_index("s")

    pltpu.sync_copy(src_hbm.at[s], src_v)

    zero = jnp.zeros((L,), jnp.float32)

    @pl.loop(0, WCH)
    def _(i):
        @pl.loop(0, H // L)
        def _(k):
            buf0[i, pl.ds(k * L, L)] = zero

    @pl.loop(0, SUB // WCH)
    def _(r):
        pltpu.sync_copy(buf0, acc_s.at[pl.ds(s * SUB + r * WCH, WCH)])

    plsc.subcore_barrier()

    def run_edges(h_ref):
        pltpu.async_copy(dst_hbm.at[s].at[pl.ds(0, GRP)], dstb0, isem0)
        pltpu.async_copy(dst_hbm.at[s].at[pl.ds(GRP, GRP)], dstb1, isem1)
        pltpu.async_copy(h_ref.at[src_v.at[0]], buf0.at[pl.ds(0, CH)], gsem0)
        pltpu.async_copy(h_ref.at[src_v.at[1]], buf1.at[pl.ds(0, CH)], gsem1)

        @pl.loop(0, NG, step=2)
        def _(g):
            for half, dstb, isem in ((0, dstb0, isem0), (1, dstb1, isem1)):
                gg = g + half
                pltpu.make_async_copy(
                    dst_hbm.at[s].at[pl.ds(gg * GRP, GRP)], dstb, isem
                ).wait()
                for r in range(GRP):
                    jj = gg * GRP + r
                    buf, gsem = (buf0, gsem0) if r % 2 == 0 else (buf1, gsem1)
                    bufs = buf.at[pl.ds(0, CH)]
                    pltpu.make_async_copy(
                        h_ref.at[src_v.at[jj]], bufs, gsem
                    ).wait()
                    pltpu.sync_copy(bufs, acc_s.at[dstb.at[r]], add=True)

                    @pl.when(jj + 2 < NCH)
                    def _():
                        pltpu.async_copy(
                            h_ref.at[src_v.at[jj + 2]], bufs, gsem
                        )

                @pl.when(gg + 2 < NG)
                def _():
                    pltpu.async_copy(
                        dst_hbm.at[s].at[pl.ds((gg + 2) * GRP, GRP)],
                        dstb, isem,
                    )

    @pl.when(c == 0)
    def _():
        run_edges(h0)

    @pl.when(c == 1)
    def _():
        run_edges(h1)

    plsc.subcore_barrier()

    base = s * SUB
    pltpu.sync_copy(acc_s.at[pl.ds(base, SUB)],
                    s_out.at[c].at[pl.ds(base, SUB)])


_edge = pl.kernel(
    _edge_body,
    out_type=jax.ShapeDtypeStruct((NC, NPAD, H), jnp.float32),
    compiler_params=pltpu.CompilerParams(needs_layout_passes=False),
    mesh=plsc.VectorSubcoreMesh(
        core_axis_name="c", subcore_axis_name="s",
        num_cores=NC, num_subcores=NS,
    ),
    scratch_types=[
        pltpu.VMEM((NCH, CH), jnp.int32),
        pltpu.VMEM((GRP, CH), jnp.int32),
        pltpu.VMEM((GRP, CH), jnp.int32),
        pltpu.VMEM((WCH, H), jnp.float32),
        pltpu.VMEM((WCH, H), jnp.float32),
        pltpu.SemaphoreType.DMA,
        pltpu.SemaphoreType.DMA,
        pltpu.SemaphoreType.DMA,
        pltpu.SemaphoreType.DMA,
        pltpu.VMEM_SHARED((NPAD, H), jnp.float32),
    ],
)



def _final_body(s0_ref, s1_ref, dis_ref, b_ref, o_ref):
    d = dis_ref[...]
    o = jnp.concatenate([s0_ref[0] * d, s1_ref[0] * d], axis=1) + b_ref[...]
    o_ref[...] = jnp.maximum(o, 0.0)


_final = pl.pallas_call(
    _final_body,
    grid=(N // RB,),
    in_specs=[
        pl.BlockSpec((1, RB, H), lambda i: (0, i, 0)),
        pl.BlockSpec((1, RB, H), lambda i: (1, i, 0)),
        pl.BlockSpec((RB, 1), lambda i: (i, 0)),
        pl.BlockSpec((1, D), lambda i: (0, 0)),
    ],
    out_specs=pl.BlockSpec((RB, D), lambda i: (i, 0)),
    out_shape=jax.ShapeDtypeStruct((N, D), jnp.float32),
)


def kernel(x, edge_index, W, b):
    src = edge_index[0]
    dst = edge_index[1]
    dis_pad = _deg_dis(dst)
    dis = dis_pad[:N].reshape(N, 1)
    h0, h1 = _mm(x, W, dis)
    src3 = src.reshape(NS, NCH, CH)
    dst3 = dst.reshape(NS, NCH, CH)
    s_out = _edge(h0, h1, src3, dst3)
    return _final(s_out, s_out, dis, b.reshape(1, D))

# --- scband reference (transcript-rebuilt; emitter-appended) ---
"""Pipeline reference for scband-abstract-gclayer-1374389534961 (READ-ONLY COPY).

The authoritative reference and input builder live on the scoring server;
editing this copy changes nothing except your own understanding.
"""

import jax, jax.numpy as jnp
import numpy as np

N_NODES = 10000
N_EDGES = 160000
D_FEAT = 256


def setup_inputs(seed: int = 0) -> dict:
    key = jax.random.key(seed)
    k1, k2, k3 = jax.random.split(key, 3)
    x = jax.random.normal(k1, (N_NODES, D_FEAT), dtype=jnp.float32)
    edge_index = jax.random.randint(k2, (2, N_EDGES), 0, N_NODES, dtype=jnp.int32)
    # GCNConv learned parameters (in_channels=256, out_channels=256)
    W = jax.random.normal(k3, (D_FEAT, D_FEAT), dtype=jnp.float32) * (1.0 / np.sqrt(D_FEAT))
    b = jnp.zeros((D_FEAT,), dtype=jnp.float32)
    return {"x": x, "edge_index": edge_index, "W": W, "b": b}


def reference(x, edge_index, W, b):
    # AbstractGCLayer.forward: g_conv(x, edge_index) -> (no batch norm) -> relu -> (no dropout)
    # g_conv is a GCN convolution with symmetric degree normalization.
    src = edge_index[0]
    dst = edge_index[1]
    n = x.shape[0]
    # linear transform (compute-heavy part)
    h = x @ W
    # symmetric normalization D^{-1/2} A D^{-1/2}
    ones = jnp.ones((src.shape[0],), dtype=h.dtype)
    deg = jax.ops.segment_sum(ones, dst, num_segments=n)
    deg_inv_sqrt = jnp.where(deg > 0, 1.0 / jnp.sqrt(jnp.maximum(deg, 1e-12)), 0.0)
    norm = deg_inv_sqrt[src] * deg_inv_sqrt[dst]
    # gather messages from source nodes, scale, scatter-add to destination nodes
    msg = h[src] * norm[:, None]
    out = jax.ops.segment_sum(msg, dst, num_segments=n) + b
    # activation = relu (activations['relu'])
    return jax.nn.relu(out)

if __name__ == "__main__":
    import jax
    _d = setup_inputs()
    print(jax.jit(kernel)(*tuple(_d.values())))

</pallas_src>

<mosaic_0001>
#map = affine_map<(d0, d1) -> (0)>
module attributes {stable_mosaic.version = 14 : i64} {
  func.func @_deg_dis_body(%arg0: i32, %arg1: i32, %arg2: memref<160000xi32, #tpu.memory_space<hbm>>, %arg3: memref<10240xf32, #tpu.memory_space<hbm>>, %arg4: memref<10000xi32, #tpu.memory_space<vmem>>, %arg5: memref<80x128xf32, #tpu.memory_space<vmem>>, %arg6: memref<1x80xi32, #tpu.memory_space<vmem>>, %arg7: memref<640xf32, #tpu.memory_space<vmem>>, %arg8: memref<80x128xf32, #tpu.memory_space<vmem_shared>>) attributes {dimension_semantics = [#tpu.dimension_semantics<core_parallel>, #tpu.dimension_semantics<subcore_parallel>], iteration_bounds = array<i64: 2, 16>, scalar_prefetch = 0 : i64, scratch_operands = 5 : i64, tpu.core_type = #tpu.core_type<sc_vector_subcore>, window_params = [{transform_indices = #map}, {transform_indices = #map}]} {
    %eq3A = arith.constant 0 : i32
    %eq3A_0 = arith.cmpi eq, %arg0, %eq3A : i32
    %convert_element_type3A = arith.extui %eq3A_0 : i1 to i32
    %cond3A = arith.constant 0 : i32
    %cond3A_1 = arith.cmpi ne, %convert_element_type3A, %cond3A : i32
    scf.if %cond3A_1 {
      %mul3A = arith.constant 10000 : i32
      %mul3A_2 = arith.muli %arg1, %mul3A : i32
      "tpu.region"() ({
        %run_scoped3A_45 = tpu.sem_alloc : memref<!tpu.dma_semaphore, #tpu.memory_space<semaphore_mem>>
        %dma_start3A = tpu.memref_slice %arg2[%mul3A_2] : memref<160000xi32, #tpu.memory_space<hbm>> -> memref<10000xi32, #tpu.memory_space<hbm>>
        %dma_start3A_46 = tpu.memref_slice %arg2[%mul3A_2] : memref<160000xi32, #tpu.memory_space<hbm>> -> memref<10000xi32, #tpu.memory_space<hbm>>
        tpu.enqueue_dma source(%dma_start3A_46 : memref<10000xi32, #tpu.memory_space<hbm>>) target(%arg4 : memref<10000xi32, #tpu.memory_space<vmem>>) target_semaphore(%run_scoped3A_45 : memref<!tpu.dma_semaphore, #tpu.memory_space<semaphore_mem>>)
        %dma_wait3A = tpu.memref_slice %arg2[%mul3A_2] : memref<160000xi32, #tpu.memory_space<hbm>> -> memref<10000xi32, #tpu.memory_space<hbm>>
        %dma_wait3A_47 = tpu.memref_slice %arg2[%mul3A_2] : memref<160000xi32, #tpu.memory_space<hbm>> -> memref<10000xi32, #tpu.memory_space<hbm>>
        tpu.wait_dma2 semaphore(%run_scoped3A_45 : memref<!tpu.dma_semaphore, #tpu.memory_space<semaphore_mem>>) src(%dma_wait3A_47 : memref<10000xi32, #tpu.memory_space<hbm>>) dst(%arg4 : memref<10000xi32, #tpu.memory_space<vmem>>)
        tpu.yield
      }) : () -> ()
      %broadcast_in_dim3A = arith.constant 0.000000e+00 : f32
      %broadcast_in_dim3A_3 = vector.broadcast %broadcast_in_dim3A : f32 to vector<16xf32>
      %scan3A = arith.constant 0 : i32
      %scan3A_4 = arith.constant 80 : i32
      %scan3A_5 = arith.addi %scan3A, %scan3A_4 : i32
      %scan3A_6 = arith.constant 4 : i32
      scf.for %scan3A_45 = %scan3A to %scan3A_5 step %scan3A_6  : i32 {
        %mul3A_46 = arith.constant 1 : i32
        %mul3A_47 = arith.muli %scan3A_45, %mul3A_46 : i32
        %add3A_48 = arith.constant 0 : i32
        %add3A_49 = arith.addi %add3A_48, %mul3A_47 : i32
        %swap3A = arith.index_cast %add3A_49 : i32 to index
        %swap3A_50 = arith.constant 0 : index
        %swap3A_51 = tpu.vector_load %arg5[%swap3A, %swap3A_50] {strides = array<i32>} : memref<80x128xf32, #tpu.memory_space<vmem>>, vector<16xf32>,
        tpu.vector_store %arg5[%swap3A, %swap3A_50], %broadcast_in_dim3A_3 {strides = array<i32>} : memref<80x128xf32, #tpu.memory_space<vmem>>, vector<16xf32>,
        %swap3A_52 = arith.index_cast %add3A_49 : i32 to index
        %swap3A_53 = arith.constant 16 : index
        %swap3A_54 = tpu.vector_load %arg5[%swap3A_52, %swap3A_53] {strides = array<i32>} : memref<80x128xf32, #tpu.memory_space<vmem>>, vector<16xf32>,
        tpu.vector_store %arg5[%swap3A_52, %swap3A_53], %broadcast_in_dim3A_3 {strides = array<i32>} : memref<80x128xf32, #tpu.memory_space<vmem>>, vector<16xf32>,
        %swap3A_55 = arith.index_cast %add3A_49 : i32 to index
        %swap3A_56 = arith.constant 32 : index
        %swap3A_57 = tpu.vector_load %arg5[%swap3A_55, %swap3A_56] {strides = array<i32>} : memref<80x128xf32, #tpu.memory_space<vmem>>, vector<16xf32>,
        tpu.vector_store %arg5[%swap3A_55, %swap3A_56], %broadcast_in_dim3A_3 {strides = array<i32>} : memref<80x128xf32, #tpu.memory_space<vmem>>, vector<16xf32>,
        %swap3A_58 = arith.index_cast %add3A_49 : i32 to index
        %swap3A_59 = arith.constant 48 : index
        %swap3A_60 = tpu.vector_load %arg5[%swap3A_58, %swap3A_59] {strides = array<i32>} : memref<80x128xf32, #tpu.memory_space<vmem>>, vector<16xf32>,
        tpu.vector_store %arg5[%swap3A_58, %swap3A_59], %broadcast_in_dim3A_3 {strides = array<i32>} : memref<80x128xf32, #tpu.memory_space<vmem>>, vector<16xf32>,
        %swap3A_61 = arith.index_cast %add3A_49 : i32 to index
        %swap3A_62 = arith.constant 64 : index
        %swap3A_63 = tpu.vector_load %arg5[%swap3A_61, %swap3A_62] {strides = array<i32>} : memref<80x128xf32, #tpu.memory_space<vmem>>, vector<16xf32>,
        tpu.vector_store %arg5[%swap3A_61, %swap3A_62], %broadcast_in_dim3A_3 {strides = array<i32>} : memref<80x128xf32, #tpu.memory_space<vmem>>, vector<16xf32>,
        %swap3A_64 = arith.index_cast %add3A_49 : i32 to index
        %swap3A_65 = arith.constant 80 : index
        %swap3A_66 = tpu.vector_load %arg5[%swap3A_64, %swap3A_65] {strides = array<i32>} : memref<80x128xf32, #tpu.memory_space<vmem>>, vector<16xf32>,
        tpu.vector_store %arg5[%swap3A_64, %swap3A_65], %broadcast_in_dim3A_3 {strides = array<i32>} : memref<80x128xf32, #tpu.memory_space<vmem>>, vector<16xf32>,
        %swap3A_67 = arith.index_cast %add3A_49 : i32 to index
        %swap3A_68 = arith.constant 96 : index
        %swap3A_69 = tpu.vector_load %arg5[%swap3A_67, %swap3A_68] {strides = array<i32>} : memref<80x128xf32, #tpu.memory_space<vmem>>, vector<16xf32>,
        tpu.vector_store %arg5[%swap3A_67, %swap3A_68], %broadcast_in_dim3A_3 {strides = array<i32>} : memref<80x128xf32, #tpu.memory_space<vmem>>, vector<16xf32>,
        %swap3A_70 = arith.index_cast %add3A_49 : i32 to index
        %swap3A_71 = arith.constant 112 : index
        %swap3A_72 = tpu.vector_load %arg5[%swap3A_70, %swap3A_71] {strides = array<i32>} : memref<80x128xf32, #tpu.memory_space<vmem>>, vector<16xf32>,
        tpu.vector_store %arg5[%swap3A_70, %swap3A_71], %broadcast_in_dim3A_3 {strides = array<i32>} : memref<80x128xf32, #tpu.memory_space<vmem>>, vector<16xf32>,
        %scan3A_73 = arith.constant 1 : i32
        %scan3A_74 = arith.addi %scan3A_45, %scan3A_73 : i32
        %mul3A_75 = arith.constant 1 : i32
        %mul3A_76 = arith.muli %scan3A_74, %mul3A_75 : i32
        %add3A_77 = arith.constant 0 : i32
        %add3A_78 = arith.addi %add3A_77, %mul3A_76 : i32
        %swap3A_79 = arith.index_cast %add3A_78 : i32 to index
        %swap3A_80 = arith.constant 0 : index
        %swap3A_81 = tpu.vector_load %arg5[%swap3A_79, %swap3A_80] {strides = array<i32>} : memref<80x128xf32, #tpu.memory_space<vmem>>, vector<16xf32>,
        tpu.vector_store %arg5[%swap3A_79, %swap3A_80], %broadcast_in_dim3A_3 {strides = array<i32>} : memref<80x128xf32, #tpu.memory_space<vmem>>, vector<16xf32>,
        %swap3A_82 = arith.index_cast %add3A_78 : i32 to index
        %swap3A_83 = arith.constant 16 : index
        %swap3A_84 = tpu.vector_load %arg5[%swap3A_82, %swap3A_83] {strides = array<i32>} : memref<80x128xf32, #tpu.memory_space<vmem>>, vector<16xf32>,
        tpu.vector_store %arg5[%swap3A_82, %swap3A_83], %broadcast_in_dim3A_3 {strides = array<i32>} : memref<80x128xf32, #tpu.memory_space<vmem>>, vector<16xf32>,
        %swap3A_85 = arith.index_cast %add3A_78 : i32 to index
        %swap3A_86 = arith.constant 32 : index
        %swap3A_87 = tpu.vector_load %arg5[%swap3A_85, %swap3A_86] {strides = array<i32>} : memref<80x128xf32, #tpu.memory_space<vmem>>, vector<16xf32>,
        tpu.vector_store %arg5[%swap3A_85, %swap3A_86], %broadcast_in_dim3A_3 {strides = array<i32>} : memref<80x128xf32, #tpu.memory_space<vmem>>, vector<16xf32>,
        %swap3A_88 = arith.index_cast %add3A_78 : i32 to index
        %swap3A_89 = arith.constant 48 : index
        %swap3A_90 = tpu.vector_load %arg5[%swap3A_88, %swap3A_89] {strides = array<i32>} : memref<80x128xf32, #tpu.memory_space<vmem>>, vector<16xf32>,
        tpu.vector_store %arg5[%swap3A_88, %swap3A_89], %broadcast_in_dim3A_3 {strides = array<i32>} : memref<80x128xf32, #tpu.memory_space<vmem>>, vector<16xf32>,
        %swap3A_91 = arith.index_cast %add3A_78 : i32 to index
        %swap3A_92 = arith.constant 64 : index
        %swap3A_93 = tpu.vector_load %arg5[%swap3A_91, %swap3A_92] {strides = array<i32>} : memref<80x128xf32, #tpu.memory_space<vmem>>, vector<16xf32>,
        tpu.vector_store %arg5[%swap3A_91, %swap3A_92], %broadcast_in_dim3A_3 {strides = array<i32>} : memref<80x128xf32, #tpu.memory_space<vmem>>, vector<16xf32>,
        %swap3A_94 = arith.index_cast %add3A_78 : i32 to index
        %swap3A_95 = arith.constant 80 : index
        %swap3A_96 = tpu.vector_load %arg5[%swap3A_94, %swap3A_95] {strides = array<i32>} : memref<80x128xf32, #tpu.memory_space<vmem>>, vector<16xf32>,
        tpu.vector_store %arg5[%swap3A_94, %swap3A_95], %broadcast_in_dim3A_3 {strides = array<i32>} : memref<80x128xf32, #tpu.memory_space<vmem>>, vector<16xf32>,
        %swap3A_97 = arith.index_cast %add3A_78 : i32 to index
        %swap3A_98 = arith.constant 96 : index
        %swap3A_99 = tpu.vector_load %arg5[%swap3A_97, %swap3A_98] {strides = array<i32>} : memref<80x128xf32, #tpu.memory_space<vmem>>, vector<16xf32>,
        tpu.vector_store %arg5[%swap3A_97, %swap3A_98], %broadcast_in_dim3A_3 {strides = array<i32>} : memref<80x128xf32, #tpu.memory_space<vmem>>, vector<16xf32>,
        %swap3A_100 = arith.index_cast %add3A_78 : i32 to index
        %swap3A_101 = arith.constant 112 : index
        %swap3A_102 = tpu.vector_load %arg5[%swap3A_100, %swap3A_101] {strides = array<i32>} : memref<80x128xf32, #tpu.memory_space<vmem>>, vector<16xf32>,
        tpu.vector_store %arg5[%swap3A_100, %swap3A_101], %broadcast_in_dim3A_3 {strides = array<i32>} : memref<80x128xf32, #tpu.memory_space<vmem>>, vector<16xf32>,
        %scan3A_103 = arith.constant 2 : i32
        %scan3A_104 = arith.addi %scan3A_45, %scan3A_103 : i32
        %mul3A_105 = arith.constant 1 : i32
        %mul3A_106 = arith.muli %scan3A_104, %mul3A_105 : i32
        %add3A_107 = arith.constant 0 : i32
        %add3A_108 = arith.addi %add3A_107, %mul3A_106 : i32
        %swap3A_109 = arith.index_cast %add3A_108 : i32 to index
        %swap3A_110 = arith.constant 0 : index
        %swap3A_111 = tpu.vector_load %arg5[%swap3A_109, %swap3A_110] {strides = array<i32>} : memref<80x128xf32, #tpu.memory_space<vmem>>, vector<16xf32>,
        tpu.vector_store %arg5[%swap3A_109, %swap3A_110], %broadcast_in_dim3A_3 {strides = array<i32>} : memref<80x128xf32, #tpu.memory_space<vmem>>, vector<16xf32>,
        %swap3A_112 = arith.index_cast %add3A_108 : i32 to index
        %swap3A_113 = arith.constant 16 : index
        %swap3A_114 = tpu.vector_load %arg5[%swap3A_112, %swap3A_113] {strides = array<i32>} : memref<80x128xf32, #tpu.memory_space<vmem>>, vector<16xf32>,
        tpu.vector_store %arg5[%swap3A_112, %swap3A_113], %broadcast_in_dim3A_3 {strides = array<i32>} : memref<80x128xf32, #tpu.memory_space<vmem>>, vector<16xf32>,
        %swap3A_115 = arith.index_cast %add3A_108 : i32 to index
        %swap3A_116 = arith.constant 32 : index
        %swap3A_117 = tpu.vector_load %arg5[%swap3A_115, %swap3A_116] {strides = array<i32>} : memref<80x128xf32, #tpu.memory_space<vmem>>, vector<16xf32>,
        tpu.vector_store %arg5[%swap3A_115, %swap3A_116], %broadcast_in_dim3A_3 {strides = array<i32>} : memref<80x128xf32, #tpu.memory_space<vmem>>, vector<16xf32>,
        %swap3A_118 = arith.index_cast %add3A_108 : i32 to index
        %swap3A_119 = arith.constant 48 : index
        %swap3A_120 = tpu.vector_load %arg5[%swap3A_118, %swap3A_119] {strides = array<i32>} : memref<80x128xf32, #tpu.memory_space<vmem>>, vector<16xf32>,
        tpu.vector_store %arg5[%swap3A_118, %swap3A_119], %broadcast_in_dim3A_3 {strides = array<i32>} : memref<80x128xf32, #tpu.memory_space<vmem>>, vector<16xf32>,
        %swap3A_121 = arith.index_cast %add3A_108 : i32 to index
        %swap3A_122 = arith.constant 64 : index
        %swap3A_123 = tpu.vector_load %arg5[%swap3A_121, %swap3A_122] {strides = array<i32>} : memref<80x128xf32, #tpu.memory_space<vmem>>, vector<16xf32>,
        tpu.vector_store %arg5[%swap3A_121, %swap3A_122], %broadcast_in_dim3A_3 {strides = array<i32>} : memref<80x128xf32, #tpu.memory_space<vmem>>, vector<16xf32>,
        %swap3A_124 = arith.index_cast %add3A_108 : i32 to index
        %swap3A_125 = arith.constant 80 : index
        %swap3A_126 = tpu.vector_load %arg5[%swap3A_124, %swap3A_125] {strides = array<i32>} : memref<80x128xf32, #tpu.memory_space<vmem>>, vector<16xf32>,
        tpu.vector_store %arg5[%swap3A_124, %swap3A_125], %broadcast_in_dim3A_3 {strides = array<i32>} : memref<80x128xf32, #tpu.memory_space<vmem>>, vector<16xf32>,
        %swap3A_127 = arith.index_cast %add3A_108 : i32 to index
        %swap3A_128 = arith.constant 96 : index
        %swap3A_129 = tpu.vector_load %arg5[%swap3A_127, %swap3A_128] {strides = array<i32>} : memref<80x128xf32, #tpu.memory_space<vmem>>, vector<16xf32>,
        tpu.vector_store %arg5[%swap3A_127, %swap3A_128], %broadcast_in_dim3A_3 {strides = array<i32>} : memref<80x128xf32, #tpu.memory_space<vmem>>, vector<16xf32>,
        %swap3A_130 = arith.index_cast %add3A_108 : i32 to index
        %swap3A_131 = arith.constant 112 : index
        %swap3A_132 = tpu.vector_load %arg5[%swap3A_130, %swap3A_131] {strides = array<i32>} : memref<80x128xf32, #tpu.memory_space<vmem>>, vector<16xf32>,
        tpu.vector_store %arg5[%swap3A_130, %swap3A_131], %broadcast_in_dim3A_3 {strides = array<i32>} : memref<80x128xf32, #tpu.memory_space<vmem>>, vector<16xf32>,
        %scan3A_133 = arith.constant 3 : i32
        %scan3A_134 = arith.addi %scan3A_45, %scan3A_133 : i32
        %mul3A_135 = arith.constant 1 : i32
        %mul3A_136 = arith.muli %scan3A_134, %mul3A_135 : i32
        %add3A_137 = arith.constant 0 : i32
        %add3A_138 = arith.addi %add3A_137, %mul3A_136 : i32
        %swap3A_139 = arith.index_cast %add3A_138 : i32 to index
        %swap3A_140 = arith.constant 0 : index
        %swap3A_141 = tpu.vector_load %arg5[%swap3A_139, %swap3A_140] {strides = array<i32>} : memref<80x128xf32, #tpu.memory_space<vmem>>, vector<16xf32>,
        tpu.vector_store %arg5[%swap3A_139, %swap3A_140], %broadcast_in_dim3A_3 {strides = array<i32>} : memref<80x128xf32, #tpu.memory_space<vmem>>, vector<16xf32>,
        %swap3A_142 = arith.index_cast %add3A_138 : i32 to index
        %swap3A_143 = arith.constant 16 : index
        %swap3A_144 = tpu.vector_load %arg5[%swap3A_142, %swap3A_143] {strides = array<i32>} : memref<80x128xf32, #tpu.memory_space<vmem>>, vector<16xf32>,
        tpu.vector_store %arg5[%swap3A_142, %swap3A_143], %broadcast_in_dim3A_3 {strides = array<i32>} : memref<80x128xf32, #tpu.memory_space<vmem>>, vector<16xf32>,
        %swap3A_145 = arith.index_cast %add3A_138 : i32 to index
        %swap3A_146 = arith.constant 32 : index
        %swap3A_147 = tpu.vector_load %arg5[%swap3A_145, %swap3A_146] {strides = array<i32>} : memref<80x128xf32, #tpu.memory_space<vmem>>, vector<16xf32>,
        tpu.vector_store %arg5[%swap3A_145, %swap3A_146], %broadcast_in_dim3A_3 {strides = array<i32>} : memref<80x128xf32, #tpu.memory_space<vmem>>, vector<16xf32>,
        %swap3A_148 = arith.index_cast %add3A_138 : i32 to index
        %swap3A_149 = arith.constant 48 : index
        %swap3A_150 = tpu.vector_load %arg5[%swap3A_148, %swap3A_149] {strides = array<i32>} : memref<80x128xf32, #tpu.memory_space<vmem>>, vector<16xf32>,
        tpu.vector_store %arg5[%swap3A_148, %swap3A_149], %broadcast_in_dim3A_3 {strides = array<i32>} : memref<80x128xf32, #tpu.memory_space<vmem>>, vector<16xf32>,
        %swap3A_151 = arith.index_cast %add3A_138 : i32 to index
        %swap3A_152 = arith.constant 64 : index
        %swap3A_153 = tpu.vector_load %arg5[%swap3A_151, %swap3A_152] {strides = array<i32>} : memref<80x128xf32, #tpu.memory_space<vmem>>, vector<16xf32>,
        tpu.vector_store %arg5[%swap3A_151, %swap3A_152], %broadcast_in_dim3A_3 {strides = array<i32>} : memref<80x128xf32, #tpu.memory_space<vmem>>, vector<16xf32>,
        %swap3A_154 = arith.index_cast %add3A_138 : i32 to index
        %swap3A_155 = arith.constant 80 : index
        %swap3A_156 = tpu.vector_load %arg5[%swap3A_154, %swap3A_155] {strides = array<i32>} : memref<80x128xf32, #tpu.memory_space<vmem>>, vector<16xf32>,
        tpu.vector_store %arg5[%swap3A_154, %swap3A_155], %broadcast_in_dim3A_3 {strides = array<i32>} : memref<80x128xf32, #tpu.memory_space<vmem>>, vector<16xf32>,
        %swap3A_157 = arith.index_cast %add3A_138 : i32 to index
        %swap3A_158 = arith.constant 96 : index
        %swap3A_159 = tpu.vector_load %arg5[%swap3A_157, %swap3A_158] {strides = array<i32>} : memref<80x128xf32, #tpu.memory_space<vmem>>, vector<16xf32>,
        tpu.vector_store %arg5[%swap3A_157, %swap3A_158], %broadcast_in_dim3A_3 {strides = array<i32>} : memref<80x128xf32, #tpu.memory_space<vmem>>, vector<16xf32>,
        %swap3A_160 = arith.index_cast %add3A_138 : i32 to index
        %swap3A_161 = arith.constant 112 : index
        %swap3A_162 = tpu.vector_load %arg5[%swap3A_160, %swap3A_161] {strides = array<i32>} : memref<80x128xf32, #tpu.memory_space<vmem>>, vector<16xf32>,
        tpu.vector_store %arg5[%swap3A_160, %swap3A_161], %broadcast_in_dim3A_3 {strides = array<i32>} : memref<80x128xf32, #tpu.memory_space<vmem>>, vector<16xf32>,
      }
      %scan3A_7 = arith.constant 80 : i32
      %eq3A_8 = arith.constant 0 : i32
      %eq3A_9 = arith.cmpi eq, %arg1, %eq3A_8 : i32
      %convert_element_type3A_10 = arith.extui %eq3A_9 : i1 to i32
      %cond3A_11 = arith.constant 0 : i32
      %cond3A_12 = arith.cmpi ne, %convert_element_type3A_10, %cond3A_11 : i32
      scf.if %cond3A_12 {
        "tpu.region"() ({
          %run_scoped3A_45 = tpu.sem_alloc : memref<!tpu.dma_semaphore, #tpu.memory_space<semaphore_mem>>
          tpu.enqueue_dma source(%arg5 : memref<80x128xf32, #tpu.memory_space<vmem>>) target(%arg8 : memref<80x128xf32, #tpu.memory_space<vmem_shared>>) target_semaphore(%run_scoped3A_45 : memref<!tpu.dma_semaphore, #tpu.memory_space<semaphore_mem>>)
          tpu.wait_dma2 semaphore(%run_scoped3A_45 : memref<!tpu.dma_semaphore, #tpu.memory_space<semaphore_mem>>) src(%arg5 : memref<80x128xf32, #tpu.memory_space<vmem>>) dst(%arg8 : memref<80x128xf32, #tpu.memory_space<vmem_shared>>)
          tpu.yield
        }) : () -> ()
      } else {
      }
      %iota3A = tpu.iota {dimensions = array<i32: 0>} : vector<16xi32>
      %scan3A_13 = arith.constant 0 : i32
      %scan3A_14 = arith.constant 5 : i32
      %scan3A_15 = arith.addi %scan3A_13, %scan3A_14 : i32
      %scan3A_16 = arith.constant 1 : i32
      scf.for %scan3A_45 = %scan3A_13 to %scan3A_15 step %scan3A_16  : i32 {
        %mul3A_46 = arith.constant 1 : i32
        %mul3A_47 = arith.muli %scan3A_45, %mul3A_46 : i32
        %add3A_48 = arith.constant 0 : i32
        %add3A_49 = arith.addi %add3A_48, %mul3A_47 : i32
        %mul3A_50 = arith.constant 16 : i32
        %mul3A_51 = arith.muli %add3A_49, %mul3A_50 : i32
        %add3A_52 = vector.broadcast %mul3A_51 : i32 to vector<16xi32>
        %add3A_53 = arith.addi %iota3A, %add3A_52 : vector<16xi32>
        %mul3A_54 = arith.constant 16 : i32
        %mul3A_55 = arith.muli %add3A_49, %mul3A_54 : i32
        %swap3A = arith.constant 0 : i32
        %swap3A_56 = arith.index_cast %swap3A : i32 to index
        %swap3A_57 = arith.index_cast %mul3A_55 : i32 to index
        %swap3A_58 = tpu.vector_load %arg6[%swap3A_56, %swap3A_57] {strides = array<i32>} : memref<1x80xi32, #tpu.memory_space<vmem>>, vector<16xi32>,
        tpu.vector_store %arg6[%swap3A_56, %swap3A_57], %add3A_53 {strides = array<i32>} : memref<1x80xi32, #tpu.memory_space<vmem>>, vector<16xi32>,
      }
      %scan3A_17 = arith.constant 5 : i32
      %barrier3A = arith.constant 0 : index
      tpu.barrier barrier_id(%barrier3A)
      %broadcast_in_dim3A_18 = arith.constant 1.000000e+00 : f32
      %broadcast_in_dim3A_19 = vector.broadcast %broadcast_in_dim3A_18 : f32 to vector<16xf32>
      %scan3A_20 = arith.constant 0 : i32
      %scan3A_21 = arith.constant 624 : i32
      %scan3A_22 = arith.addi %scan3A_20, %scan3A_21 : i32
      %scan3A_23 = arith.constant 4 : i32
      scf.for %scan3A_45 = %scan3A_20 to %scan3A_22 step %scan3A_23  : i32 {
        %mul3A_46 = arith.constant 1 : i32
        %mul3A_47 = arith.muli %scan3A_45, %mul3A_46 : i32
        %add3A_48 = arith.constant 0 : i32
        %add3A_49 = arith.addi %add3A_48, %mul3A_47 : i32
        %mul3A_50 = arith.constant 16 : i32
        %mul3A_51 = arith.muli %add3A_49, %mul3A_50 : i32
        %get3A_52 = arith.index_cast %mul3A_51 : i32 to index
        %get3A_53 = tpu.vector_load %arg4[%get3A_52] {strides = array<i32>} : memref<10000xi32, #tpu.memory_space<vmem>>, vector<16xi32>,
        %shift_right_arithmetic3A_54 = arith.constant 7 : i32
        %shift_right_arithmetic3A_55 = vector.broadcast %shift_right_arithmetic3A_54 : i32 to vector<16xi32>
        %shift_right_arithmetic3A_56 = arith.shrsi %get3A_53, %shift_right_arithmetic3A_55 : vector<16xi32>
        %and3A_57 = arith.constant 127 : i32
        %and3A_58 = vector.broadcast %and3A_57 : i32 to vector<16xi32>
        %and3A_59 = arith.andi %get3A_53, %and3A_58 : vector<16xi32>
        tpu.vector_store_idx %arg5[%shift_right_arithmetic3A_56, %and3A_59], %broadcast_in_dim3A_19 {add = true} : memref<80x128xf32, #tpu.memory_space<vmem>>[vector<16xi32>, vector<16xi32>], vector<16xf32>,
        %scan3A_60 = arith.constant 1 : i32
        %scan3A_61 = arith.addi %scan3A_45, %scan3A_60 : i32
        %mul3A_62 = arith.constant 1 : i32
        %mul3A_63 = arith.muli %scan3A_61, %mul3A_62 : i32
        %add3A_64 = arith.constant 0 : i32
        %add3A_65 = arith.addi %add3A_64, %mul3A_63 : i32
        %mul3A_66 = arith.constant 16 : i32
        %mul3A_67 = arith.muli %add3A_65, %mul3A_66 : i32
        %get3A_68 = arith.index_cast %mul3A_67 : i32 to index
        %get3A_69 = tpu.vector_load %arg4[%get3A_68] {strides = array<i32>} : memref<10000xi32, #tpu.memory_space<vmem>>, vector<16xi32>,
        %shift_right_arithmetic3A_70 = arith.constant 7 : i32
        %shift_right_arithmetic3A_71 = vector.broadcast %shift_right_arithmetic3A_70 : i32 to vector<16xi32>
        %shift_right_arithmetic3A_72 = arith.shrsi %get3A_69, %shift_right_arithmetic3A_71 : vector<16xi32>
        %and3A_73 = arith.constant 127 : i32
        %and3A_74 = vector.broadcast %and3A_73 : i32 to vector<16xi32>
        %and3A_75 = arith.andi %get3A_69, %and3A_74 : vector<16xi32>
        tpu.vector_store_idx %arg5[%shift_right_arithmetic3A_72, %and3A_75], %broadcast_in_dim3A_19 {add = true} : memref<80x128xf32, #tpu.memory_space<vmem>>[vector<16xi32>, vector<16xi32>], vector<16xf32>,
        %scan3A_76 = arith.constant 2 : i32
        %scan3A_77 = arith.addi %scan3A_45, %scan3A_76 : i32
        %mul3A_78 = arith.constant 1 : i32
        %mul3A_79 = arith.muli %scan3A_77, %mul3A_78 : i32
        %add3A_80 = arith.constant 0 : i32
        %add3A_81 = arith.addi %add3A_80, %mul3A_79 : i32
        %mul3A_82 = arith.constant 16 : i32
        %mul3A_83 = arith.muli %add3A_81, %mul3A_82 : i32
        %get3A_84 = arith.index_cast %mul3A_83 : i32 to index
        %get3A_85 = tpu.vector_load %arg4[%get3A_84] {strides = array<i32>} : memref<10000xi32, #tpu.memory_space<vmem>>, vector<16xi32>,
        %shift_right_arithmetic3A_86 = arith.constant 7 : i32
        %shift_right_arithmetic3A_87 = vector.broadcast %shift_right_arithmetic3A_86 : i32 to vector<16xi32>
        %shift_right_arithmetic3A_88 = arith.shrsi %get3A_85, %shift_right_arithmetic3A_87 : vector<16xi32>
        %and3A_89 = arith.constant 127 : i32
        %and3A_90 = vector.broadcast %and3A_89 : i32 to vector<16xi32>
        %and3A_91 = arith.andi %get3A_85, %and3A_90 : vector<16xi32>
        tpu.vector_store_idx %arg5[%shift_right_arithmetic3A_88, %and3A_91], %broadcast_in_dim3A_19 {add = true} : memref<80x128xf32, #tpu.memory_space<vmem>>[vector<16xi32>, vector<16xi32>], vector<16xf32>,
        %scan3A_92 = arith.constant 3 : i32
        %scan3A_93 = arith.addi %scan3A_45, %scan3A_92 : i32
        %mul3A_94 = arith.constant 1 : i32
        %mul3A_95 = arith.muli %scan3A_93, %mul3A_94 : i32
        %add3A_96 = arith.constant 0 : i32
        %add3A_97 = arith.addi %add3A_96, %mul3A_95 : i32
        %mul3A_98 = arith.constant 16 : i32
        %mul3A_99 = arith.muli %add3A_97, %mul3A_98 : i32
        %get3A_100 = arith.index_cast %mul3A_99 : i32 to index
        %get3A_101 = tpu.vector_load %arg4[%get3A_100] {strides = array<i32>} : memref<10000xi32, #tpu.memory_space<vmem>>, vector<16xi32>,
        %shift_right_arithmetic3A_102 = arith.constant 7 : i32
        %shift_right_arithmetic3A_103 = vector.broadcast %shift_right_arithmetic3A_102 : i32 to vector<16xi32>
        %shift_right_arithmetic3A_104 = arith.shrsi %get3A_101, %shift_right_arithmetic3A_103 : vector<16xi32>
        %and3A_105 = arith.constant 127 : i32
        %and3A_106 = vector.broadcast %and3A_105 : i32 to vector<16xi32>
        %and3A_107 = arith.andi %get3A_101, %and3A_106 : vector<16xi32>
        tpu.vector_store_idx %arg5[%shift_right_arithmetic3A_104, %and3A_107], %broadcast_in_dim3A_19 {add = true} : memref<80x128xf32, #tpu.memory_space<vmem>>[vector<16xi32>, vector<16xi32>], vector<16xf32>,
      }
      %scan3A_24 = arith.constant 624 : i32
      %scan3A_25 = arith.addi %scan3A_20, %scan3A_24 : i32
      %mul3A_26 = arith.constant 1 : i32
      %mul3A_27 = arith.muli %scan3A_25, %mul3A_26 : i32
      %add3A = arith.constant 0 : i32
      %add3A_28 = arith.addi %add3A, %mul3A_27 : i32
      %mul3A_29 = arith.constant 16 : i32
      %mul3A_30 = arith.muli %add3A_28, %mul3A_29 : i32
      %get3A = arith.index_cast %mul3A_30 : i32 to index
      %get3A_31 = tpu.vector_load %arg4[%get3A] {strides = array<i32>} : memref<10000xi32, #tpu.memory_space<vmem>>, vector<16xi32>,
      %shift_right_arithmetic3A = arith.constant 7 : i32
      %shift_right_arithmetic3A_32 = vector.broadcast %shift_right_arithmetic3A : i32 to vector<16xi32>
      %shift_right_arithmetic3A_33 = arith.shrsi %get3A_31, %shift_right_arithmetic3A_32 : vector<16xi32>
      %and3A = arith.constant 127 : i32
      %and3A_34 = vector.broadcast %and3A : i32 to vector<16xi32>
      %and3A_35 = arith.andi %get3A_31, %and3A_34 : vector<16xi32>
      tpu.vector_store_idx %arg5[%shift_right_arithmetic3A_33, %and3A_35], %broadcast_in_dim3A_19 {add = true} : memref<80x128xf32, #tpu.memory_space<vmem>>[vector<16xi32>, vector<16xi32>], vector<16xf32>,
      %scan3A_36 = arith.constant 625 : i32
      %run_scoped3A = arith.constant 0 : i32
      "tpu.region"() ({
        %run_scoped3A_45 = tpu.sem_alloc : memref<!tpu.dma_semaphore, #tpu.memory_space<semaphore_mem>>
        %dma_start3A = arith.constant 0 : i32
        %dma_start3A_46 = tpu.memref_slice %arg6[%run_scoped3A, %dma_start3A] : memref<1x80xi32, #tpu.memory_space<vmem>> -> memref<1x80xi32, #tpu.memory_space<vmem>>
        %dma_start3A_47 = tpu.memref_squeeze %dma_start3A_46 : memref<1x80xi32, #tpu.memory_space<vmem>> -> memref<80xi32, #tpu.memory_space<vmem>>
        %dma_start3A_48 = arith.constant 0 : i32
        %dma_start3A_49 = arith.constant 0 : i32
        %dma_start3A_50 = tpu.memref_slice %arg8[%dma_start3A_48, %dma_start3A_49] : memref<80x128xf32, #tpu.memory_space<vmem_shared>> -> memref<80x128xf32, #tpu.memory_space<vmem_shared>>
        tpu.enqueue_indirect_dma source(%arg5 : memref<80x128xf32, #tpu.memory_space<vmem>>) target(%dma_start3A_50 : memref<80x128xf32, #tpu.memory_space<vmem_shared>>) offsets(%dma_start3A_47 : memref<80xi32, #tpu.memory_space<vmem>>) semaphore(%run_scoped3A_45 : memref<!tpu.dma_semaphore, #tpu.memory_space<semaphore_mem>>) {add = true}
        %dma_wait3A = arith.constant 0 : i32
        %dma_wait3A_51 = tpu.memref_slice %arg6[%run_scoped3A, %dma_wait3A] : memref<1x80xi32, #tpu.memory_space<vmem>> -> memref<1x80xi32, #tpu.memory_space<vmem>>
        %dma_wait3A_52 = tpu.memref_squeeze %dma_wait3A_51 : memref<1x80xi32, #tpu.memory_space<vmem>> -> memref<80xi32, #tpu.memory_space<vmem>>
        %dma_wait3A_53 = arith.constant 0 : i32
        %dma_wait3A_54 = arith.constant 0 : i32
        %dma_wait3A_55 = tpu.memref_slice %arg8[%dma_wait3A_53, %dma_wait3A_54] : memref<80x128xf32, #tpu.memory_space<vmem_shared>> -> memref<80x128xf32, #tpu.memory_space<vmem_shared>>
        tpu.wait_indirect_dma semaphore(%run_scoped3A_45 : memref<!tpu.dma_semaphore, #tpu.memory_space<semaphore_mem>>) src(%arg5 : memref<80x128xf32, #tpu.memory_space<vmem>>) dst(%dma_wait3A_55 : memref<80x128xf32, #tpu.memory_space<vmem_shared>>)
        tpu.yield
      }) : () -> ()
      %barrier3A_37 = arith.constant 0 : index
      tpu.barrier barrier_id(%barrier3A_37)
      "tpu.region"() ({
        %run_scoped3A_45 = tpu.sem_alloc : memref<!tpu.dma_semaphore, #tpu.memory_space<semaphore_mem>>
        tpu.enqueue_dma source(%arg8 : memref<80x128xf32, #tpu.memory_space<vmem_shared>>) target(%arg5 : memref<80x128xf32, #tpu.memory_space<vmem>>) target_semaphore(%run_scoped3A_45 : memref<!tpu.dma_semaphore, #tpu.memory_space<semaphore_mem>>)
        tpu.wait_dma2 semaphore(%run_scoped3A_45 : memref<!tpu.dma_semaphore, #tpu.memory_space<semaphore_mem>>) src(%arg8 : memref<80x128xf32, #tpu.memory_space<vmem_shared>>) dst(%arg5 : memref<80x128xf32, #tpu.memory_space<vmem>>)
        tpu.yield
      }) : () -> ()
      %scan3A_38 = arith.constant 0 : i32
      %scan3A_39 = arith.constant 5 : i32
      %scan3A_40 = arith.addi %scan3A_38, %scan3A_39 : i32
      %scan3A_41 = arith.constant 1 : i32
      scf.for %scan3A_45 = %scan3A_38 to %scan3A_40 step %scan3A_41  : i32 {
        %mul3A_46 = arith.constant 1 : i32
        %mul3A_47 = arith.muli %scan3A_45, %mul3A_46 : i32
        %add3A_48 = arith.constant 0 : i32
        %add3A_49 = arith.addi %add3A_48, %mul3A_47 : i32
        %mul3A_50 = arith.constant 5 : i32
        %mul3A_51 = arith.muli %arg1, %mul3A_50 : i32
        %add3A_52 = arith.addi %mul3A_51, %add3A_49 : i32
        %get3A_53 = arith.index_cast %add3A_52 : i32 to index
        %get3A_54 = arith.constant 0 : index
        %get3A_55 = tpu.vector_load %arg5[%get3A_53, %get3A_54] {strides = array<i32>} : memref<80x128xf32, #tpu.memory_space<vmem>>, vector<16xf32>,
        %mul3A_56 = arith.constant 5.000000e-01 : f32
        %mul3A_57 = vector.broadcast %mul3A_56 : f32 to vector<16xf32>
        %mul3A_58 = arith.mulf %get3A_55, %mul3A_57 : vector<16xf32>
        %bitcast3A = vector.bitcast %get3A_55 : vector<16xf32> to vector<16xi32>
        %shift_right_arithmetic3A_59 = arith.constant 1 : i32
        %shift_right_arithmetic3A_60 = vector.broadcast %shift_right_arithmetic3A_59 : i32 to vector<16xi32>
        %shift_right_arithmetic3A_61 = arith.shrsi %bitcast3A, %shift_right_arithmetic3A_60 : vector<16xi32>
        %sub3A = arith.constant 1597463007 : i32
        %sub3A_62 = vector.broadcast %sub3A : i32 to vector<16xi32>
        %sub3A_63 = arith.subi %sub3A_62, %shift_right_arithmetic3A_61 : vector<16xi32>
        %bitcast3A_64 = vector.bitcast %sub3A_63 : vector<16xi32> to vector<16xf32>
        %mul3A_65 = arith.mulf %mul3A_58, %bitcast3A_64 : vector<16xf32>
        %mul3A_66 = arith.mulf %mul3A_65, %bitcast3A_64 : vector<16xf32>
        %sub3A_67 = arith.constant 1.500000e+00 : f32
        %sub3A_68 = vector.broadcast %sub3A_67 : f32 to vector<16xf32>
        %sub3A_69 = arith.subf %sub3A_68, %mul3A_66 : vector<16xf32>
        %mul3A_70 = arith.mulf %bitcast3A_64, %sub3A_69 : vector<16xf32>
        %mul3A_71 = arith.mulf %mul3A_58, %mul3A_70 : vector<16xf32>
        %mul3A_72 = arith.mulf %mul3A_71, %mul3A_70 : vector<16xf32>
        %sub3A_73 = arith.constant 1.500000e+00 : f32
        %sub3A_74 = vector.broadcast %sub3A_73 : f32 to vector<16xf32>
        %sub3A_75 = arith.subf %sub3A_74, %mul3A_72 : vector<16xf32>
        %mul3A_76 = arith.mulf %mul3A_70, %sub3A_75 : vector<16xf32>
        %mul3A_77 = arith.mulf %mul3A_58, %mul3A_76 : vector<16xf32>
        %mul3A_78 = arith.mulf %mul3A_77, %mul3A_76 : vector<16xf32>
        %sub3A_79 = arith.constant 1.500000e+00 : f32
        %sub3A_80 = vector.broadcast %sub3A_79 : f32 to vector<16xf32>
        %sub3A_81 = arith.subf %sub3A_80, %mul3A_78 : vector<16xf32>
        %mul3A_82 = arith.mulf %mul3A_76, %sub3A_81 : vector<16xf32>
        %gt3A = arith.constant 0.000000e+00 : f32
        %gt3A_83 = vector.broadcast %gt3A : f32 to vector<16xf32>
        %gt3A_84 = arith.cmpf ogt, %get3A_55, %gt3A_83 : vector<16xf32>
        %jit3A = arith.constant 0.000000e+00 : f32
        %broadcast_in_dim3A_85 = vector.broadcast %jit3A : f32 to vector<16xf32>
        %select_n3A = arith.select %gt3A_84, %mul3A_82, %broadcast_in_dim3A_85 : vector<16xi1>, vector<16xf32>
        %mul3A_86 = arith.constant 128 : i32
        %mul3A_87 = arith.muli %add3A_49, %mul3A_86 : i32
        %add3A_88 = arith.constant 0 : i32
        %add3A_89 = arith.addi %mul3A_87, %add3A_88 : i32
        %swap3A = arith.index_cast %add3A_89 : i32 to index
        %swap3A_90 = tpu.vector_load %arg7[%swap3A] {strides = array<i32>} : memref<640xf32, #tpu.memory_space<vmem>>, vector<16xf32>,
        tpu.vector_store %arg7[%swap3A], %select_n3A {strides = array<i32>} : memref<640xf32, #tpu.memory_space<vmem>>, vector<16xf32>,
        %get3A_91 = arith.index_cast %add3A_52 : i32 to index
        %get3A_92 = arith.constant 16 : index
        %get3A_93 = tpu.vector_load %arg5[%get3A_91, %get3A_92] {strides = array<i32>} : memref<80x128xf32, #tpu.memory_space<vmem>>, vector<16xf32>,
        %mul3A_94 = arith.constant 5.000000e-01 : f32
        %mul3A_95 = vector.broadcast %mul3A_94 : f32 to vector<16xf32>
        %mul3A_96 = arith.mulf %get3A_93, %mul3A_95 : vector<16xf32>
        %bitcast3A_97 = vector.bitcast %get3A_93 : vector<16xf32> to vector<16xi32>
        %shift_right_arithmetic3A_98 = arith.constant 1 : i32
        %shift_right_arithmetic3A_99 = vector.broadcast %shift_right_arithmetic3A_98 : i32 to vector<16xi32>
        %shift_right_arithmetic3A_100 = arith.shrsi %bitcast3A_97, %shift_right_arithmetic3A_99 : vector<16xi32>
        %sub3A_101 = arith.constant 1597463007 : i32
        %sub3A_102 = vector.broadcast %sub3A_101 : i32 to vector<16xi32>
        %sub3A_103 = arith.subi %sub3A_102, %shift_right_arithmetic3A_100 : vector<16xi32>
        %bitcast3A_104 = vector.bitcast %sub3A_103 : vector<16xi32> to vector<16xf32>
        %mul3A_105 = arith.mulf %mul3A_96, %bitcast3A_104 : vector<16xf32>
        %mul3A_106 = arith.mulf %mul3A_105, %bitcast3A_104 : vector<16xf32>
        %sub3A_107 = arith.constant 1.500000e+00 : f32
        %sub3A_108 = vector.broadcast %sub3A_107 : f32 to vector<16xf32>
        %sub3A_109 = arith.subf %sub3A_108, %mul3A_106 : vector<16xf32>
        %mul3A_110 = arith.mulf %bitcast3A_104, %sub3A_109 : vector<16xf32>
        %mul3A_111 = arith.mulf %mul3A_96, %mul3A_110 : vector<16xf32>
        %mul3A_112 = arith.mulf %mul3A_111, %mul3A_110 : vector<16xf32>
        %sub3A_113 = arith.constant 1.500000e+00 : f32
        %sub3A_114 = vector.broadcast %sub3A_113 : f32 to vector<16xf32>
        %sub3A_115 = arith.subf %sub3A_114, %mul3A_112 : vector<16xf32>
        %mul3A_116 = arith.mulf %mul3A_110, %sub3A_115 : vector<16xf32>
        %mul3A_117 = arith.mulf %mul3A_96, %mul3A_116 : vector<16xf32>
        %mul3A_118 = arith.mulf %mul3A_117, %mul3A_116 : vector<16xf32>
        %sub3A_119 = arith.constant 1.500000e+00 : f32
        %sub3A_120 = vector.broadcast %sub3A_119 : f32 to vector<16xf32>
        %sub3A_121 = arith.subf %sub3A_120, %mul3A_118 : vector<16xf32>
        %mul3A_122 = arith.mulf %mul3A_116, %sub3A_121 : vector<16xf32>
        %gt3A_123 = arith.constant 0.000000e+00 : f32
        %gt3A_124 = vector.broadcast %gt3A_123 : f32 to vector<16xf32>
        %gt3A_125 = arith.cmpf ogt, %get3A_93, %gt3A_124 : vector<16xf32>
        %jit3A_126 = arith.constant 0.000000e+00 : f32
        %broadcast_in_dim3A_127 = vector.broadcast %jit3A_126 : f32 to vector<16xf32>
        %select_n3A_128 = arith.select %gt3A_125, %mul3A_122, %broadcast_in_dim3A_127 : vector<16xi1>, vector<16xf32>
        %mul3A_129 = arith.constant 128 : i32
        %mul3A_130 = arith.muli %add3A_49, %mul3A_129 : i32
        %add3A_131 = arith.constant 16 : i32
        %add3A_132 = arith.addi %mul3A_130, %add3A_131 : i32
        %swap3A_133 = arith.index_cast %add3A_132 : i32 to index
        %swap3A_134 = tpu.vector_load %arg7[%swap3A_133] {strides = array<i32>} : memref<640xf32, #tpu.memory_space<vmem>>, vector<16xf32>,
        tpu.vector_store %arg7[%swap3A_133], %select_n3A_128 {strides = array<i32>} : memref<640xf32, #tpu.memory_space<vmem>>, vector<16xf32>,
        %get3A_135 = arith.index_cast %add3A_52 : i32 to index
        %get3A_136 = arith.constant 32 : index
        %get3A_137 = tpu.vector_load %arg5[%get3A_135, %get3A_136] {strides = array<i32>} : memref<80x128xf32, #tpu.memory_space<vmem>>, vector<16xf32>,
        %mul3A_138 = arith.constant 5.000000e-01 : f32
        %mul3A_139 = vector.broadcast %mul3A_138 : f32 to vector<16xf32>
        %mul3A_140 = arith.mulf %get3A_137, %mul3A_139 : vector<16xf32>
        %bitcast3A_141 = vector.bitcast %get3A_137 : vector<16xf32> to vector<16xi32>
        %shift_right_arithmetic3A_142 = arith.constant 1 : i32
        %shift_right_arithmetic3A_143 = vector.broadcast %shift_right_arithmetic3A_142 : i32 to vector<16xi32>
        %shift_right_arithmetic3A_144 = arith.shrsi %bitcast3A_141, %shift_right_arithmetic3A_143 : vector<16xi32>
        %sub3A_145 = arith.constant 1597463007 : i32
        %sub3A_146 = vector.broadcast %sub3A_145 : i32 to vector<16xi32>
        %sub3A_147 = arith.subi %sub3A_146, %shift_right_arithmetic3A_144 : vector<16xi32>
        %bitcast3A_148 = vector.bitcast %sub3A_147 : vector<16xi32> to vector<16xf32>
        %mul3A_149 = arith.mulf %mul3A_140, %bitcast3A_148 : vector<16xf32>
        %mul3A_150 = arith.mulf %mul3A_149, %bitcast3A_148 : vector<16xf32>
        %sub3A_151 = arith.constant 1.500000e+00 : f32
        %sub3A_152 = vector.broadcast %sub3A_151 : f32 to vector<16xf32>
        %sub3A_153 = arith.subf %sub3A_152, %mul3A_150 : vector<16xf32>
        %mul3A_154 = arith.mulf %bitcast3A_148, %sub3A_153 : vector<16xf32>
        %mul3A_155 = arith.mulf %mul3A_140, %mul3A_154 : vector<16xf32>
        %mul3A_156 = arith.mulf %mul3A_155, %mul3A_154 : vector<16xf32>
        %sub3A_157 = arith.constant 1.500000e+00 : f32
        %sub3A_158 = vector.broadcast %sub3A_157 : f32 to vector<16xf32>
        %sub3A_159 = arith.subf %sub3A_158, %mul3A_156 : vector<16xf32>
        %mul3A_160 = arith.mulf %mul3A_154, %sub3A_159 : vector<16xf32>
        %mul3A_161 = arith.mulf %mul3A_140, %mul3A_160 : vector<16xf32>
        %mul3A_162 = arith.mulf %mul3A_161, %mul3A_160 : vector<16xf32>
        %sub3A_163 = arith.constant 1.500000e+00 : f32
        %sub3A_164 = vector.broadcast %sub3A_163 : f32 to vector<16xf32>
        %sub3A_165 = arith.subf %sub3A_164, %mul3A_162 : vector<16xf32>
        %mul3A_166 = arith.mulf %mul3A_160, %sub3A_165 : vector<16xf32>
        %gt3A_167 = arith.constant 0.000000e+00 : f32
        %gt3A_168 = vector.broadcast %gt3A_167 : f32 to vector<16xf32>
        %gt3A_169 = arith.cmpf ogt, %get3A_137, %gt3A_168 : vector<16xf32>
        %jit3A_170 = arith.constant 0.000000e+00 : f32
        %broadcast_in_dim3A_171 = vector.broadcast %jit3A_170 : f32 to vector<16xf32>
        %select_n3A_172 = arith.select %gt3A_169, %mul3A_166, %broadcast_in_dim3A_171 : vector<16xi1>, vector<16xf32>
        %mul3A_173 = arith.constant 128 : i32
        %mul3A_174 = arith.muli %add3A_49, %mul3A_173 : i32
        %add3A_175 = arith.constant 32 : i32
        %add3A_176 = arith.addi %mul3A_174, %add3A_175 : i32
        %swap3A_177 = arith.index_cast %add3A_176 : i32 to index
        %swap3A_178 = tpu.vector_load %arg7[%swap3A_177] {strides = array<i32>} : memref<640xf32, #tpu.memory_space<vmem>>, vector<16xf32>,
        tpu.vector_store %arg7[%swap3A_177], %select_n3A_172 {strides = array<i32>} : memref<640xf32, #tpu.memory_space<vmem>>, vector<16xf32>,
        %get3A_179 = arith.index_cast %add3A_52 : i32 to index
        %get3A_180 = arith.constant 48 : index
        %get3A_181 = tpu.vector_load %arg5[%get3A_179, %get3A_180] {strides = array<i32>} : memref<80x128xf32, #tpu.memory_space<vmem>>, vector<16xf32>,
        %mul3A_182 = arith.constant 5.000000e-01 : f32
        %mul3A_183 = vector.broadcast %mul3A_182 : f32 to vector<16xf32>
        %mul3A_184 = arith.mulf %get3A_181, %mul3A_183 : vector<16xf32>
        %bitcast3A_185 = vector.bitcast %get3A_181 : vector<16xf32> to vector<16xi32>
        %shift_right_arithmetic3A_186 = arith.constant 1 : i32
        %shift_right_arithmetic3A_187 = vector.broadcast %shift_right_arithmetic3A_186 : i32 to vector<16xi32>
        %shift_right_arithmetic3A_188 = arith.shrsi %bitcast3A_185, %shift_right_arithmetic3A_187 : vector<16xi32>
        %sub3A_189 = arith.constant 1597463007 : i32
        %sub3A_190 = vector.broadcast %sub3A_189 : i32 to vector<16xi32>
        %sub3A_191 = arith.subi %sub3A_190, %shift_right_arithmetic3A_188 : vector<16xi32>
        %bitcast3A_192 = vector.bitcast %sub3A_191 : vector<16xi32> to vector<16xf32>
        %mul3A_193 = arith.mulf %mul3A_184, %bitcast3A_192 : vector<16xf32>
        %mul3A_194 = arith.mulf %mul3A_193, %bitcast3A_192 : vector<16xf32>
        %sub3A_195 = arith.constant 1.500000e+00 : f32
        %sub3A_196 = vector.broadcast %sub3A_195 : f32 to vector<16xf32>
        %sub3A_197 = arith.subf %sub3A_196, %mul3A_194 : vector<16xf32>
        %mul3A_198 = arith.mulf %bitcast3A_192, %sub3A_197 : vector<16xf32>
        %mul3A_199 = arith.mulf %mul3A_184, %mul3A_198 : vector<16xf32>
        %mul3A_200 = arith.mulf %mul3A_199, %mul3A_198 : vector<16xf32>
        %sub3A_201 = arith.constant 1.500000e+00 : f32
        %sub3A_202 = vector.broadcast %sub3A_201 : f32 to vector<16xf32>
        %sub3A_203 = arith.subf %sub3A_202, %mul3A_200 : vector<16xf32>
        %mul3A_204 = arith.mulf %mul3A_198, %sub3A_203 : vector<16xf32>
        %mul3A_205 = arith.mulf %mul3A_184, %mul3A_204 : vector<16xf32>
        %mul3A_206 = arith.mulf %mul3A_205, %mul3A_204 : vector<16xf32>
        %sub3A_207 = arith.constant 1.500000e+00 : f32
        %sub3A_208 = vector.broadcast %sub3A_207 : f32 to vector<16xf32>
        %sub3A_209 = arith.subf %sub3A_208, %mul3A_206 : vector<16xf32>
        %mul3A_210 = arith.mulf %mul3A_204, %sub3A_209 : vector<16xf32>
        %gt3A_211 = arith.constant 0.000000e+00 : f32
        %gt3A_212 = vector.broadcast %gt3A_211 : f32 to vector<16xf32>
        %gt3A_213 = arith.cmpf ogt, %get3A_181, %gt3A_212 : vector<16xf32>
        %jit3A_214 = arith.constant 0.000000e+00 : f32
        %broadcast_in_dim3A_215 = vector.broadcast %jit3A_214 : f32 to vector<16xf32>
        %select_n3A_216 = arith.select %gt3A_213, %mul3A_210, %broadcast_in_dim3A_215 : vector<16xi1>, vector<16xf32>
        %mul3A_217 = arith.constant 128 : i32
        %mul3A_218 = arith.muli %add3A_49, %mul3A_217 : i32
        %add3A_219 = arith.constant 48 : i32
        %add3A_220 = arith.addi %mul3A_218, %add3A_219 : i32
        %swap3A_221 = arith.index_cast %add3A_220 : i32 to index
        %swap3A_222 = tpu.vector_load %arg7[%swap3A_221] {strides = array<i32>} : memref<640xf32, #tpu.memory_space<vmem>>, vector<16xf32>,
        tpu.vector_store %arg7[%swap3A_221], %select_n3A_216 {strides = array<i32>} : memref<640xf32, #tpu.memory_space<vmem>>, vector<16xf32>,
        %get3A_223 = arith.index_cast %add3A_52 : i32 to index
        %get3A_224 = arith.constant 64 : index
        %get3A_225 = tpu.vector_load %arg5[%get3A_223, %get3A_224] {strides = array<i32>} : memref<80x128xf32, #tpu.memory_space<vmem>>, vector<16xf32>,
        %mul3A_226 = arith.constant 5.000000e-01 : f32
        %mul3A_227 = vector.broadcast %mul3A_226 : f32 to vector<16xf32>
        %mul3A_228 = arith.mulf %get3A_225, %mul3A_227 : vector<16xf32>
        %bitcast3A_229 = vector.bitcast %get3A_225 : vector<16xf32> to vector<16xi32>
        %shift_right_arithmetic3A_230 = arith.constant 1 : i32
        %shift_right_arithmetic3A_231 = vector.broadcast %shift_right_arithmetic3A_230 : i32 to vector<16xi32>
        %shift_right_arithmetic3A_232 = arith.shrsi %bitcast3A_229, %shift_right_arithmetic3A_231 : vector<16xi32>
        %sub3A_233 = arith.constant 1597463007 : i32
        %sub3A_234 = vector.broadcast %sub3A_233 : i32 to vector<16xi32>
        %sub3A_235 = arith.subi %sub3A_234, %shift_right_arithmetic3A_232 : vector<16xi32>
        %bitcast3A_236 = vector.bitcast %sub3A_235 : vector<16xi32> to vector<16xf32>
        %mul3A_237 = arith.mulf %mul3A_228, %bitcast3A_236 : vector<16xf32>
        %mul3A_238 = arith.mulf %mul3A_237, %bitcast3A_236 : vector<16xf32>
        %sub3A_239 = arith.constant 1.500000e+00 : f32
        %sub3A_240 = vector.broadcast %sub3A_239 : f32 to vector<16xf32>
        %sub3A_241 = arith.subf %sub3A_240, %mul3A_238 : vector<16xf32>
        %mul3A_242 = arith.mulf %bitcast3A_236, %sub3A_241 : vector<16xf32>
        %mul3A_243 = arith.mulf %mul3A_228, %mul3A_242 : vector<16xf32>
        %mul3A_244 = arith.mulf %mul3A_243, %mul3A_242 : vector<16xf32>
        %sub3A_245 = arith.constant 1.500000e+00 : f32
        %sub3A_246 = vector.broadcast %sub3A_245 : f32 to vector<16xf32>
        %sub3A_247 = arith.subf %sub3A_246, %mul3A_244 : vector<16xf32>
        %mul3A_248 = arith.mulf %mul3A_242, %sub3A_247 : vector<16xf32>
        %mul3A_249 = arith.mulf %mul3A_228, %mul3A_248 : vector<16xf32>
        %mul3A_250 = arith.mulf %mul3A_249, %mul3A_248 : vector<16xf32>
        %sub3A_251 = arith.constant 1.500000e+00 : f32
        %sub3A_252 = vector.broadcast %sub3A_251 : f32 to vector<16xf32>
        %sub3A_253 = arith.subf %sub3A_252, %mul3A_250 : vector<16xf32>
        %mul3A_254 = arith.mulf %mul3A_248, %sub3A_253 : vector<16xf32>
        %gt3A_255 = arith.constant 0.000000e+00 : f32
        %gt3A_256 = vector.broadcast %gt3A_255 : f32 to vector<16xf32>
        %gt3A_257 = arith.cmpf ogt, %get3A_225, %gt3A_256 : vector<16xf32>
        %jit3A_258 = arith.constant 0.000000e+00 : f32
        %broadcast_in_dim3A_259 = vector.broadcast %jit3A_258 : f32 to vector<16xf32>
        %select_n3A_260 = arith.select %gt3A_257, %mul3A_254, %broadcast_in_dim3A_259 : vector<16xi1>, vector<16xf32>
        %mul3A_261 = arith.constant 128 : i32
        %mul3A_262 = arith.muli %add3A_49, %mul3A_261 : i32
        %add3A_263 = arith.constant 64 : i32
        %add3A_264 = arith.addi %mul3A_262, %add3A_263 : i32
        %swap3A_265 = arith.index_cast %add3A_264 : i32 to index
        %swap3A_266 = tpu.vector_load %arg7[%swap3A_265] {strides = array<i32>} : memref<640xf32, #tpu.memory_space<vmem>>, vector<16xf32>,
        tpu.vector_store %arg7[%swap3A_265], %select_n3A_260 {strides = array<i32>} : memref<640xf32, #tpu.memory_space<vmem>>, vector<16xf32>,
        %get3A_267 = arith.index_cast %add3A_52 : i32 to index
        %get3A_268 = arith.constant 80 : index
        %get3A_269 = tpu.vector_load %arg5[%get3A_267, %get3A_268] {strides = array<i32>} : memref<80x128xf32, #tpu.memory_space<vmem>>, vector<16xf32>,
        %mul3A_270 = arith.constant 5.000000e-01 : f32
        %mul3A_271 = vector.broadcast %mul3A_270 : f32 to vector<16xf32>
        %mul3A_272 = arith.mulf %get3A_269, %mul3A_271 : vector<16xf32>
        %bitcast3A_273 = vector.bitcast %get3A_269 : vector<16xf32> to vector<16xi32>
        %shift_right_arithmetic3A_274 = arith.constant 1 : i32
        %shift_right_arithmetic3A_275 = vector.broadcast %shift_right_arithmetic3A_274 : i32 to vector<16xi32>
        %shift_right_arithmetic3A_276 = arith.shrsi %bitcast3A_273, %shift_right_arithmetic3A_275 : vector<16xi32>
        %sub3A_277 = arith.constant 1597463007 : i32
        %sub3A_278 = vector.broadcast %sub3A_277 : i32 to vector<16xi32>
        %sub3A_279 = arith.subi %sub3A_278, %shift_right_arithmetic3A_276 : vector<16xi32>
        %bitcast3A_280 = vector.bitcast %sub3A_279 : vector<16xi32> to vector<16xf32>
        %mul3A_281 = arith.mulf %mul3A_272, %bitcast3A_280 : vector<16xf32>
        %mul3A_282 = arith.mulf %mul3A_281, %bitcast3A_280 : vector<16xf32>
        %sub3A_283 = arith.constant 1.500000e+00 : f32
        %sub3A_284 = vector.broadcast %sub3A_283 : f32 to vector<16xf32>
        %sub3A_285 = arith.subf %sub3A_284, %mul3A_282 : vector<16xf32>
        %mul3A_286 = arith.mulf %bitcast3A_280, %sub3A_285 : vector<16xf32>
        %mul3A_287 = arith.mulf %mul3A_272, %mul3A_286 : vector<16xf32>
        %mul3A_288 = arith.mulf %mul3A_287, %mul3A_286 : vector<16xf32>
        %sub3A_289 = arith.constant 1.500000e+00 : f32
        %sub3A_290 = vector.broadcast %sub3A_289 : f32 to vector<16xf32>
        %sub3A_291 = arith.subf %sub3A_290, %mul3A_288 : vector<16xf32>
        %mul3A_292 = arith.mulf %mul3A_286, %sub3A_291 : vector<16xf32>
        %mul3A_293 = arith.mulf %mul3A_272, %mul3A_292 : vector<16xf32>
        %mul3A_294 = arith.mulf %mul3A_293, %mul3A_292 : vector<16xf32>
        %sub3A_295 = arith.constant 1.500000e+00 : f32
        %sub3A_296 = vector.broadcast %sub3A_295 : f32 to vector<16xf32>
        %sub3A_297 = arith.subf %sub3A_296, %mul3A_294 : vector<16xf32>
        %mul3A_298 = arith.mulf %mul3A_292, %sub3A_297 : vector<16xf32>
        %gt3A_299 = arith.constant 0.000000e+00 : f32
        %gt3A_300 = vector.broadcast %gt3A_299 : f32 to vector<16xf32>
        %gt3A_301 = arith.cmpf ogt, %get3A_269, %gt3A_300 : vector<16xf32>
        %jit3A_302 = arith.constant 0.000000e+00 : f32
        %broadcast_in_dim3A_303 = vector.broadcast %jit3A_302 : f32 to vector<16xf32>
        %select_n3A_304 = arith.select %gt3A_301, %mul3A_298, %broadcast_in_dim3A_303 : vector<16xi1>, vector<16xf32>
        %mul3A_305 = arith.constant 128 : i32
        %mul3A_306 = arith.muli %add3A_49, %mul3A_305 : i32
        %add3A_307 = arith.constant 80 : i32
        %add3A_308 = arith.addi %mul3A_306, %add3A_307 : i32
        %swap3A_309 = arith.index_cast %add3A_308 : i32 to index
        %swap3A_310 = tpu.vector_load %arg7[%swap3A_309] {strides = array<i32>} : memref<640xf32, #tpu.memory_space<vmem>>, vector<16xf32>,
        tpu.vector_store %arg7[%swap3A_309], %select_n3A_304 {strides = array<i32>} : memref<640xf32, #tpu.memory_space<vmem>>, vector<16xf32>,
        %get3A_311 = arith.index_cast %add3A_52 : i32 to index
        %get3A_312 = arith.constant 96 : index
        %get3A_313 = tpu.vector_load %arg5[%get3A_311, %get3A_312] {strides = array<i32>} : memref<80x128xf32, #tpu.memory_space<vmem>>, vector<16xf32>,
        %mul3A_314 = arith.constant 5.000000e-01 : f32
        %mul3A_315 = vector.broadcast %mul3A_314 : f32 to vector<16xf32>
        %mul3A_316 = arith.mulf %get3A_313, %mul3A_315 : vector<16xf32>
        %bitcast3A_317 = vector.bitcast %get3A_313 : vector<16xf32> to vector<16xi32>
        %shift_right_arithmetic3A_318 = arith.constant 1 : i32
        %shift_right_arithmetic3A_319 = vector.broadcast %shift_right_arithmetic3A_318 : i32 to vector<16xi32>
        %shift_right_arithmetic3A_320 = arith.shrsi %bitcast3A_317, %shift_right_arithmetic3A_319 : vector<16xi32>
        %sub3A_321 = arith.constant 1597463007 : i32
        %sub3A_322 = vector.broadcast %sub3A_321 : i32 to vector<16xi32>
        %sub3A_323 = arith.subi %sub3A_322, %shift_right_arithmetic3A_320 : vector<16xi32>
        %bitcast3A_324 = vector.bitcast %sub3A_323 : vector<16xi32> to vector<16xf32>
        %mul3A_325 = arith.mulf %mul3A_316, %bitcast3A_324 : vector<16xf32>
        %mul3A_326 = arith.mulf %mul3A_325, %bitcast3A_324 : vector<16xf32>
        %sub3A_327 = arith.constant 1.500000e+00 : f32
        %sub3A_328 = vector.broadcast %sub3A_327 : f32 to vector<16xf32>
        %sub3A_329 = arith.subf %sub3A_328, %mul3A_326 : vector<16xf32>
        %mul3A_330 = arith.mulf %bitcast3A_324, %sub3A_329 : vector<16xf32>
        %mul3A_331 = arith.mulf %mul3A_316, %mul3A_330 : vector<16xf32>
        %mul3A_332 = arith.mulf %mul3A_331, %mul3A_330 : vector<16xf32>
        %sub3A_333 = arith.constant 1.500000e+00 : f32
        %sub3A_334 = vector.broadcast %sub3A_333 : f32 to vector<16xf32>
        %sub3A_335 = arith.subf %sub3A_334, %mul3A_332 : vector<16xf32>
        %mul3A_336 = arith.mulf %mul3A_330, %sub3A_335 : vector<16xf32>
        %mul3A_337 = arith.mulf %mul3A_316, %mul3A_336 : vector<16xf32>
        %mul3A_338 = arith.mulf %mul3A_337, %mul3A_336 : vector<16xf32>
        %sub3A_339 = arith.constant 1.500000e+00 : f32
        %sub3A_340 = vector.broadcast %sub3A_339 : f32 to vector<16xf32>
        %sub3A_341 = arith.subf %sub3A_340, %mul3A_338 : vector<16xf32>
        %mul3A_342 = arith.mulf %mul3A_336, %sub3A_341 : vector<16xf32>
        %gt3A_343 = arith.constant 0.000000e+00 : f32
        %gt3A_344 = vector.broadcast %gt3A_343 : f32 to vector<16xf32>
        %gt3A_345 = arith.cmpf ogt, %get3A_313, %gt3A_344 : vector<16xf32>
        %jit3A_346 = arith.constant 0.000000e+00 : f32
        %broadcast_in_dim3A_347 = vector.broadcast %jit3A_346 : f32 to vector<16xf32>
        %select_n3A_348 = arith.select %gt3A_345, %mul3A_342, %broadcast_in_dim3A_347 : vector<16xi1>, vector<16xf32>
        %mul3A_349 = arith.constant 128 : i32
        %mul3A_350 = arith.muli %add3A_49, %mul3A_349 : i32
        %add3A_351 = arith.constant 96 : i32
        %add3A_352 = arith.addi %mul3A_350, %add3A_351 : i32
        %swap3A_353 = arith.index_cast %add3A_352 : i32 to index
        %swap3A_354 = tpu.vector_load %arg7[%swap3A_353] {strides = array<i32>} : memref<640xf32, #tpu.memory_space<vmem>>, vector<16xf32>,
        tpu.vector_store %arg7[%swap3A_353], %select_n3A_348 {strides = array<i32>} : memref<640xf32, #tpu.memory_space<vmem>>, vector<16xf32>,
        %get3A_355 = arith.index_cast %add3A_52 : i32 to index
        %get3A_356 = arith.constant 112 : index
        %get3A_357 = tpu.vector_load %arg5[%get3A_355, %get3A_356] {strides = array<i32>} : memref<80x128xf32, #tpu.memory_space<vmem>>, vector<16xf32>,
        %mul3A_358 = arith.constant 5.000000e-01 : f32
        %mul3A_359 = vector.broadcast %mul3A_358 : f32 to vector<16xf32>
        %mul3A_360 = arith.mulf %get3A_357, %mul3A_359 : vector<16xf32>
        %bitcast3A_361 = vector.bitcast %get3A_357 : vector<16xf32> to vector<16xi32>
        %shift_right_arithmetic3A_362 = arith.constant 1 : i32
        %shift_right_arithmetic3A_363 = vector.broadcast %shift_right_arithmetic3A_362 : i32 to vector<16xi32>
        %shift_right_arithmetic3A_364 = arith.shrsi %bitcast3A_361, %shift_right_arithmetic3A_363 : vector<16xi32>
        %sub3A_365 = arith.constant 1597463007 : i32
        %sub3A_366 = vector.broadcast %sub3A_365 : i32 to vector<16xi32>
        %sub3A_367 = arith.subi %sub3A_366, %shift_right_arithmetic3A_364 : vector<16xi32>
        %bitcast3A_368 = vector.bitcast %sub3A_367 : vector<16xi32> to vector<16xf32>
        %mul3A_369 = arith.mulf %mul3A_360, %bitcast3A_368 : vector<16xf32>
        %mul3A_370 = arith.mulf %mul3A_369, %bitcast3A_368 : vector<16xf32>
        %sub3A_371 = arith.constant 1.500000e+00 : f32
        %sub3A_372 = vector.broadcast %sub3A_371 : f32 to vector<16xf32>
        %sub3A_373 = arith.subf %sub3A_372, %mul3A_370 : vector<16xf32>
        %mul3A_374 = arith.mulf %bitcast3A_368, %sub3A_373 : vector<16xf32>
        %mul3A_375 = arith.mulf %mul3A_360, %mul3A_374 : vector<16xf32>
        %mul3A_376 = arith.mulf %mul3A_375, %mul3A_374 : vector<16xf32>
        %sub3A_377 = arith.constant 1.500000e+00 : f32
        %sub3A_378 = vector.broadcast %sub3A_377 : f32 to vector<16xf32>
        %sub3A_379 = arith.subf %sub3A_378, %mul3A_376 : vector<16xf32>
        %mul3A_380 = arith.mulf %mul3A_374, %sub3A_379 : vector<16xf32>
        %mul3A_381 = arith.mulf %mul3A_360, %mul3A_380 : vector<16xf32>
        %mul3A_382 = arith.mulf %mul3A_381, %mul3A_380 : vector<16xf32>
        %sub3A_383 = arith.constant 1.500000e+00 : f32
        %sub3A_384 = vector.broadcast %sub3A_383 : f32 to vector<16xf32>
        %sub3A_385 = arith.subf %sub3A_384, %mul3A_382 : vector<16xf32>
        %mul3A_386 = arith.mulf %mul3A_380, %sub3A_385 : vector<16xf32>
        %gt3A_387 = arith.constant 0.000000e+00 : f32
        %gt3A_388 = vector.broadcast %gt3A_387 : f32 to vector<16xf32>
        %gt3A_389 = arith.cmpf ogt, %get3A_357, %gt3A_388 : vector<16xf32>
        %jit3A_390 = arith.constant 0.000000e+00 : f32
        %broadcast_in_dim3A_391 = vector.broadcast %jit3A_390 : f32 to vector<16xf32>
        %select_n3A_392 = arith.select %gt3A_389, %mul3A_386, %broadcast_in_dim3A_391 : vector<16xi1>, vector<16xf32>
        %mul3A_393 = arith.constant 128 : i32
        %mul3A_394 = arith.muli %add3A_49, %mul3A_393 : i32
        %add3A_395 = arith.constant 112 : i32
        %add3A_396 = arith.addi %mul3A_394, %add3A_395 : i32
        %swap3A_397 = arith.index_cast %add3A_396 : i32 to index
        %swap3A_398 = tpu.vector_load %arg7[%swap3A_397] {strides = array<i32>} : memref<640xf32, #tpu.memory_space<vmem>>, vector<16xf32>,
        tpu.vector_store %arg7[%swap3A_397], %select_n3A_392 {strides = array<i32>} : memref<640xf32, #tpu.memory_space<vmem>>, vector<16xf32>,
      }
      %scan3A_42 = arith.constant 5 : i32
      %mul3A_43 = arith.constant 640 : i32
      %mul3A_44 = arith.muli %arg1, %mul3A_43 : i32
      "tpu.region"() ({
        %run_scoped3A_45 = tpu.sem_alloc : memref<!tpu.dma_semaphore, #tpu.memory_space<semaphore_mem>>
        %dma_start3A = tpu.memref_slice %arg3[%mul3A_44] : memref<10240xf32, #tpu.memory_space<hbm>> -> memref<640xf32, #tpu.memory_space<hbm>>
        %dma_start3A_46 = tpu.memref_slice %arg3[%mul3A_44] : memref<10240xf32, #tpu.memory_space<hbm>> -> memref<640xf32, #tpu.memory_space<hbm>>
        tpu.enqueue_dma source(%arg7 : memref<640xf32, #tpu.memory_space<vmem>>) target(%dma_start3A_46 : memref<640xf32, #tpu.memory_space<hbm>>) target_semaphore(%run_scoped3A_45 : memref<!tpu.dma_semaphore, #tpu.memory_space<semaphore_mem>>)
        %dma_wait3A = tpu.memref_slice %arg3[%mul3A_44] : memref<10240xf32, #tpu.memory_space<hbm>> -> memref<640xf32, #tpu.memory_space<hbm>>
        %dma_wait3A_47 = tpu.memref_slice %arg3[%mul3A_44] : memref<10240xf32, #tpu.memory_space<hbm>> -> memref<640xf32, #tpu.memory_space<hbm>>
        tpu.wait_dma2 semaphore(%run_scoped3A_45 : memref<!tpu.dma_semaphore, #tpu.memory_space<semaphore_mem>>) src(%arg7 : memref<640xf32, #tpu.memory_space<vmem>>) dst(%dma_wait3A_47 : memref<640xf32, #tpu.memory_space<hbm>>)
        tpu.yield
      }) : () -> ()
    } else {
    }
    return
  }
}

#map = affine_map<(d0, d1) -> (0, 0)>
#map1 = affine_map<(d0, d1) -> (0, 0, 0)>
module attributes {stable_mosaic.version = 14 : i64} {
  func.func @_edge_body(%arg0: i32, %arg1: i32, %arg2: memref<10000x128xf32, #tpu.memory_space<hbm>>, %arg3: memref<10000x128xf32, #tpu.memory_space<hbm>>, %arg4: memref<16x80x125xi32, #tpu.memory_space<hbm>>, %arg5: memref<16x80x125xi32, #tpu.memory_space<hbm>>, %arg6: memref<2x10240x128xf32, #tpu.memory_space<hbm>>, %arg7: memref<80x125xi32, #tpu.memory_space<vmem>>, %arg8: memref<8x125xi32, #tpu.memory_space<vmem>>, %arg9: memref<8x125xi32, #tpu.memory_space<vmem>>, %arg10: memref<128x128xf32, #tpu.memory_space<vmem>>, %arg11: memref<128x128xf32, #tpu.memory_space<vmem>>, %arg12: memref<!tpu.dma_semaphore, #tpu.memory_space<semaphore_mem>>, %arg13: memref<!tpu.dma_semaphore, #tpu.memory_space<semaphore_mem>>, %arg14: memref<!tpu.dma_semaphore, #tpu.memory_space<semaphore_mem>>, %arg15: memref<!tpu.dma_semaphore, #tpu.memory_space<semaphore_mem>>, %arg16: memref<10240x128xf32, #tpu.memory_space<vmem_shared>>) attributes {dimension_semantics = [#tpu.dimension_semantics<core_parallel>, #tpu.dimension_semantics<subcore_parallel>], iteration_bounds = array<i64: 2, 16>, scalar_prefetch = 0 : i64, scratch_operands = 10 : i64, tpu.core_type = #tpu.core_type<sc_vector_subcore>, window_params = [{transform_indices = #map}, {transform_indices = #map}, {transform_indices = #map1}, {transform_indices = #map1}, {transform_indices = #map1}]} {
    "tpu.region"() ({
      %run_scoped3A = tpu.sem_alloc : memref<!tpu.dma_semaphore, #tpu.memory_space<semaphore_mem>>
      %dma_start3A = arith.constant 0 : i32
      %dma_start3A_19 = arith.constant 0 : i32
      %dma_start3A_20 = tpu.memref_slice %arg4[%arg1, %dma_start3A, %dma_start3A_19] : memref<16x80x125xi32, #tpu.memory_space<hbm>> -> memref<1x80x125xi32, #tpu.memory_space<hbm>>
      %dma_start3A_21 = tpu.memref_squeeze %dma_start3A_20 : memref<1x80x125xi32, #tpu.memory_space<hbm>> -> memref<80x125xi32, #tpu.memory_space<hbm>>
      %dma_start3A_22 = arith.constant 0 : i32
      %dma_start3A_23 = arith.constant 0 : i32
      %dma_start3A_24 = tpu.memref_slice %arg4[%arg1, %dma_start3A_22, %dma_start3A_23] : memref<16x80x125xi32, #tpu.memory_space<hbm>> -> memref<1x80x125xi32, #tpu.memory_space<hbm>>
      %dma_start3A_25 = tpu.memref_squeeze %dma_start3A_24 : memref<1x80x125xi32, #tpu.memory_space<hbm>> -> memref<80x125xi32, #tpu.memory_space<hbm>>
      tpu.enqueue_dma source(%dma_start3A_25 : memref<80x125xi32, #tpu.memory_space<hbm>>) target(%arg7 : memref<80x125xi32, #tpu.memory_space<vmem>>) target_semaphore(%run_scoped3A : memref<!tpu.dma_semaphore, #tpu.memory_space<semaphore_mem>>)
      %dma_wait3A = arith.constant 0 : i32
      %dma_wait3A_26 = arith.constant 0 : i32
      %dma_wait3A_27 = tpu.memref_slice %arg4[%arg1, %dma_wait3A, %dma_wait3A_26] : memref<16x80x125xi32, #tpu.memory_space<hbm>> -> memref<1x80x125xi32, #tpu.memory_space<hbm>>
      %dma_wait3A_28 = tpu.memref_squeeze %dma_wait3A_27 : memref<1x80x125xi32, #tpu.memory_space<hbm>> -> memref<80x125xi32, #tpu.memory_space<hbm>>
      %dma_wait3A_29 = arith.constant 0 : i32
      %dma_wait3A_30 = arith.constant 0 : i32
      %dma_wait3A_31 = tpu.memref_slice %arg4[%arg1, %dma_wait3A_29, %dma_wait3A_30] : memref<16x80x125xi32, #tpu.memory_space<hbm>> -> memref<1x80x125xi32, #tpu.memory_space<hbm>>
      %dma_wait3A_32 = tpu.memref_squeeze %dma_wait3A_31 : memref<1x80x125xi32, #tpu.memory_space<hbm>> -> memref<80x125xi32, #tpu.memory_space<hbm>>
      tpu.wait_dma2 semaphore(%run_scoped3A : memref<!tpu.dma_semaphore, #tpu.memory_space<semaphore_mem>>) src(%dma_wait3A_32 : memref<80x125xi32, #tpu.memory_space<hbm>>) dst(%arg7 : memref<80x125xi32, #tpu.memory_space<vmem>>)
      tpu.yield
    }) : () -> ()
    %broadcast_in_dim3A = arith.constant 0.000000e+00 : f32
    %broadcast_in_dim3A_0 = vector.broadcast %broadcast_in_dim3A : f32 to vector<16xf32>
    %scan3A = arith.constant 0 : i32
    %scan3A_1 = arith.constant 128 : i32
    %scan3A_2 = arith.addi %scan3A, %scan3A_1 : i32
    %scan3A_3 = arith.constant 1 : i32
    scf.for %scan3A_19 = %scan3A to %scan3A_2 step %scan3A_3  : i32 {
      %mul3A_20 = arith.constant 1 : i32
      %mul3A_21 = arith.muli %scan3A_19, %mul3A_20 : i32
      %add3A = arith.constant 0 : i32
      %add3A_22 = arith.addi %add3A, %mul3A_21 : i32
      %scan3A_23 = arith.constant 0 : i32
      %scan3A_24 = arith.constant 8 : i32
      %scan3A_25 = arith.addi %scan3A_23, %scan3A_24 : i32
      %scan3A_26 = arith.constant 1 : i32
      scf.for %scan3A_28 = %scan3A_23 to %scan3A_25 step %scan3A_26  : i32 {
        %mul3A_29 = arith.constant 1 : i32
        %mul3A_30 = arith.muli %scan3A_28, %mul3A_29 : i32
        %add3A_31 = arith.constant 0 : i32
        %add3A_32 = arith.addi %add3A_31, %mul3A_30 : i32
        %mul3A_33 = arith.constant 16 : i32
        %mul3A_34 = arith.muli %add3A_32, %mul3A_33 : i32
        %swap3A = arith.index_cast %add3A_22 : i32 to index
        %swap3A_35 = arith.index_cast %mul3A_34 : i32 to index
        %swap3A_36 = tpu.vector_load %arg10[%swap3A, %swap3A_35] {strides = array<i32>} : memref<128x128xf32, #tpu.memory_space<vmem>>, vector<16xf32>,
        tpu.vector_store %arg10[%swap3A, %swap3A_35], %broadcast_in_dim3A_0 {strides = array<i32>} : memref<128x128xf32, #tpu.memory_space<vmem>>, vector<16xf32>,
      }
      %scan3A_27 = arith.constant 8 : i32
    }
    %scan3A_4 = arith.constant 128 : i32
    %scan3A_5 = arith.constant 0 : i32
    %scan3A_6 = arith.constant 5 : i32
    %scan3A_7 = arith.addi %scan3A_5, %scan3A_6 : i32
    %scan3A_8 = arith.constant 1 : i32
    scf.for %scan3A_19 = %scan3A_5 to %scan3A_7 step %scan3A_8  : i32 {
      %mul3A_20 = arith.constant 1 : i32
      %mul3A_21 = arith.muli %scan3A_19, %mul3A_20 : i32
      %add3A = arith.constant 0 : i32
      %add3A_22 = arith.addi %add3A, %mul3A_21 : i32
      %mul3A_23 = arith.constant 640 : i32
      %mul3A_24 = arith.muli %arg1, %mul3A_23 : i32
      %mul3A_25 = arith.constant 128 : i32
      %mul3A_26 = arith.muli %add3A_22, %mul3A_25 : i32
      %add3A_27 = arith.addi %mul3A_24, %mul3A_26 : i32
      "tpu.region"() ({
        %run_scoped3A = tpu.sem_alloc : memref<!tpu.dma_semaphore, #tpu.memory_space<semaphore_mem>>
        %dma_start3A = arith.constant 0 : i32
        %dma_start3A_28 = tpu.memref_slice %arg16[%add3A_27, %dma_start3A] : memref<10240x128xf32, #tpu.memory_space<vmem_shared>> -> memref<128x128xf32, #tpu.memory_space<vmem_shared>>
        %dma_start3A_29 = arith.constant 0 : i32
        %dma_start3A_30 = tpu.memref_slice %arg16[%add3A_27, %dma_start3A_29] : memref<10240x128xf32, #tpu.memory_space<vmem_shared>> -> memref<128x128xf32, #tpu.memory_space<vmem_shared>>
        tpu.enqueue_dma source(%arg10 : memref<128x128xf32, #tpu.memory_space<vmem>>) target(%dma_start3A_30 : memref<128x128xf32, #tpu.memory_space<vmem_shared>>) target_semaphore(%run_scoped3A : memref<!tpu.dma_semaphore, #tpu.memory_space<semaphore_mem>>)
        %dma_wait3A = arith.constant 0 : i32
        %dma_wait3A_31 = tpu.memref_slice %arg16[%add3A_27, %dma_wait3A] : memref<10240x128xf32, #tpu.memory_space<vmem_shared>> -> memref<128x128xf32, #tpu.memory_space<vmem_shared>>
        %dma_wait3A_32 = arith.constant 0 : i32
        %dma_wait3A_33 = tpu.memref_slice %arg16[%add3A_27, %dma_wait3A_32] : memref<10240x128xf32, #tpu.memory_space<vmem_shared>> -> memref<128x128xf32, #tpu.memory_space<vmem_shared>>
        tpu.wait_dma2 semaphore(%run_scoped3A : memref<!tpu.dma_semaphore, #tpu.memory_space<semaphore_mem>>) src(%arg10 : memref<128x128xf32, #tpu.memory_space<vmem>>) dst(%dma_wait3A_33 : memref<128x128xf32, #tpu.memory_space<vmem_shared>>)
        tpu.yield
      }) : () -> ()
    }
    %scan3A_9 = arith.constant 5 : i32
    %barrier3A = arith.constant 0 : index
    tpu.barrier barrier_id(%barrier3A)
    %eq3A = arith.constant 0 : i32
    %eq3A_10 = arith.cmpi eq, %arg0, %eq3A : i32
    %convert_element_type3A = arith.extui %eq3A_10 : i1 to i32
    %cond3A = arith.constant 0 : i32
    %cond3A_11 = arith.cmpi ne, %convert_element_type3A, %cond3A : i32
    scf.if %cond3A_11 {
      %dma_start3A = arith.constant 0 : i32
      %dma_start3A_19 = arith.constant 0 : i32
      %dma_start3A_20 = tpu.memref_slice %arg5[%arg1, %dma_start3A, %dma_start3A_19] : memref<16x80x125xi32, #tpu.memory_space<hbm>> -> memref<1x80x125xi32, #tpu.memory_space<hbm>>
      %dma_start3A_21 = tpu.memref_squeeze %dma_start3A_20 : memref<1x80x125xi32, #tpu.memory_space<hbm>> -> memref<80x125xi32, #tpu.memory_space<hbm>>
      %dma_start3A_22 = arith.constant 0 : i32
      %dma_start3A_23 = arith.constant 0 : i32
      %dma_start3A_24 = tpu.memref_slice %dma_start3A_21[%dma_start3A_22, %dma_start3A_23] : memref<80x125xi32, #tpu.memory_space<hbm>> -> memref<8x125xi32, #tpu.memory_space<hbm>>
      %dma_start3A_25 = arith.constant 0 : i32
      %dma_start3A_26 = arith.constant 0 : i32
      %dma_start3A_27 = tpu.memref_slice %arg5[%arg1, %dma_start3A_25, %dma_start3A_26] : memref<16x80x125xi32, #tpu.memory_space<hbm>> -> memref<1x80x125xi32, #tpu.memory_space<hbm>>
      %dma_start3A_28 = tpu.memref_squeeze %dma_start3A_27 : memref<1x80x125xi32, #tpu.memory_space<hbm>> -> memref<80x125xi32, #tpu.memory_space<hbm>>
      %dma_start3A_29 = arith.constant 0 : i32
      %dma_start3A_30 = arith.constant 0 : i32
      %dma_start3A_31 = tpu.memref_slice %dma_start3A_28[%dma_start3A_29, %dma_start3A_30] : memref<80x125xi32, #tpu.memory_space<hbm>> -> memref<8x125xi32, #tpu.memory_space<hbm>>
      tpu.enqueue_dma source(%dma_start3A_31 : memref<8x125xi32, #tpu.memory_space<hbm>>) target(%arg8 : memref<8x125xi32, #tpu.memory_space<vmem>>) target_semaphore(%arg14 : memref<!tpu.dma_semaphore, #tpu.memory_space<semaphore_mem>>)
      %dma_start3A_32 = arith.constant 0 : i32
      %dma_start3A_33 = arith.constant 0 : i32
      %dma_start3A_34 = tpu.memref_slice %arg5[%arg1, %dma_start3A_32, %dma_start3A_33] : memref<16x80x125xi32, #tpu.memory_space<hbm>> -> memref<1x80x125xi32, #tpu.memory_space<hbm>>
      %dma_start3A_35 = tpu.memref_squeeze %dma_start3A_34 : memref<1x80x125xi32, #tpu.memory_space<hbm>> -> memref<80x125xi32, #tpu.memory_space<hbm>>
      %dma_start3A_36 = arith.constant 8 : i32
      %dma_start3A_37 = arith.constant 0 : i32
      %dma_start3A_38 = tpu.memref_slice %dma_start3A_35[%dma_start3A_36, %dma_start3A_37] : memref<80x125xi32, #tpu.memory_space<hbm>> -> memref<8x125xi32, #tpu.memory_space<hbm>>
      %dma_start3A_39 = arith.constant 0 : i32
      %dma_start3A_40 = arith.constant 0 : i32
      %dma_start3A_41 = tpu.memref_slice %arg5[%arg1, %dma_start3A_39, %dma_start3A_40] : memref<16x80x125xi32, #tpu.memory_space<hbm>> -> memref<1x80x125xi32, #tpu.memory_space<hbm>>
      %dma_start3A_42 = tpu.memref_squeeze %dma_start3A_41 : memref<1x80x125xi32, #tpu.memory_space<hbm>> -> memref<80x125xi32, #tpu.memory_space<hbm>>
      %dma_start3A_43 = arith.constant 8 : i32
      %dma_start3A_44 = arith.constant 0 : i32
      %dma_start3A_45 = tpu.memref_slice %dma_start3A_42[%dma_start3A_43, %dma_start3A_44] : memref<80x125xi32, #tpu.memory_space<hbm>> -> memref<8x125xi32, #tpu.memory_space<hbm>>
      tpu.enqueue_dma source(%dma_start3A_45 : memref<8x125xi32, #tpu.memory_space<hbm>>) target(%arg9 : memref<8x125xi32, #tpu.memory_space<vmem>>) target_semaphore(%arg15 : memref<!tpu.dma_semaphore, #tpu.memory_space<semaphore_mem>>)
      %dma_start3A_46 = arith.constant 0 : i32
      %dma_start3A_47 = arith.constant 0 : i32
      %dma_start3A_48 = arith.constant 0 : i32
      %dma_start3A_49 = tpu.memref_slice %arg10[%dma_start3A_47, %dma_start3A_48] : memref<128x128xf32, #tpu.memory_space<vmem>> -> memref<125x128xf32, #tpu.memory_space<vmem>>
      %dma_start3A_50 = arith.constant 0 : i32
      %dma_start3A_51 = tpu.memref_slice %arg7[%dma_start3A_46, %dma_start3A_50] : memref<80x125xi32, #tpu.memory_space<vmem>> -> memref<1x125xi32, #tpu.memory_space<vmem>>
      %dma_start3A_52 = tpu.memref_squeeze %dma_start3A_51 : memref<1x125xi32, #tpu.memory_space<vmem>> -> memref<125xi32, #tpu.memory_space<vmem>>
      %dma_start3A_53 = arith.constant 0 : i32
      %dma_start3A_54 = arith.constant 0 : i32
      %dma_start3A_55 = tpu.memref_slice %arg2[%dma_start3A_53, %dma_start3A_54] : memref<10000x128xf32, #tpu.memory_space<hbm>> -> memref<10000x128xf32, #tpu.memory_space<hbm>>
      tpu.enqueue_indirect_dma source(%dma_start3A_55 : memref<10000x128xf32, #tpu.memory_space<hbm>>) target(%dma_start3A_49 : memref<125x128xf32, #tpu.memory_space<vmem>>) offsets(%dma_start3A_52 : memref<125xi32, #tpu.memory_space<vmem>>) semaphore(%arg12 : memref<!tpu.dma_semaphore, #tpu.memory_space<semaphore_mem>>)
      %dma_start3A_56 = arith.constant 1 : i32
      %dma_start3A_57 = arith.constant 0 : i32
      %dma_start3A_58 = arith.constant 0 : i32
      %dma_start3A_59 = tpu.memref_slice %arg11[%dma_start3A_57, %dma_start3A_58] : memref<128x128xf32, #tpu.memory_space<vmem>> -> memref<125x128xf32, #tpu.memory_space<vmem>>
      %dma_start3A_60 = arith.constant 0 : i32
      %dma_start3A_61 = tpu.memref_slice %arg7[%dma_start3A_56, %dma_start3A_60] : memref<80x125xi32, #tpu.memory_space<vmem>> -> memref<1x125xi32, #tpu.memory_space<vmem>>
      %dma_start3A_62 = tpu.memref_squeeze %dma_start3A_61 : memref<1x125xi32, #tpu.memory_space<vmem>> -> memref<125xi32, #tpu.memory_space<vmem>>
      %dma_start3A_63 = arith.constant 0 : i32
      %dma_start3A_64 = arith.constant 0 : i32
      %dma_start3A_65 = tpu.memref_slice %arg2[%dma_start3A_63, %dma_start3A_64] : memref<10000x128xf32, #tpu.memory_space<hbm>> -> memref<10000x128xf32, #tpu.memory_space<hbm>>
      tpu.enqueue_indirect_dma source(%dma_start3A_65 : memref<10000x128xf32, #tpu.memory_space<hbm>>) target(%dma_start3A_59 : memref<125x128xf32, #tpu.memory_space<vmem>>) offsets(%dma_start3A_62 : memref<125xi32, #tpu.memory_space<vmem>>) semaphore(%arg13 : memref<!tpu.dma_semaphore, #tpu.memory_space<semaphore_mem>>)
      %scan3A_66 = arith.constant 0 : i32
      %scan3A_67 = arith.constant 5 : i32
      %scan3A_68 = arith.addi %scan3A_66, %scan3A_67 : i32
      %scan3A_69 = arith.constant 1 : i32
      scf.for %scan3A_71 = %scan3A_66 to %scan3A_68 step %scan3A_69  : i32 {
        %mul3A_72 = arith.constant 2 : i32
        %mul3A_73 = arith.muli %scan3A_71, %mul3A_72 : i32
        %add3A = arith.constant 0 : i32
        %add3A_74 = arith.addi %add3A, %mul3A_73 : i32
        %add3A_75 = arith.constant 0 : i32
        %add3A_76 = arith.addi %add3A_74, %add3A_75 : i32
        %mul3A_77 = arith.constant 8 : i32
        %mul3A_78 = arith.muli %add3A_76, %mul3A_77 : i32
        %dma_wait3A = arith.constant 0 : i32
        %dma_wait3A_79 = arith.constant 0 : i32
        %dma_wait3A_80 = tpu.memref_slice %arg5[%arg1, %dma_wait3A, %dma_wait3A_79] : memref<16x80x125xi32, #tpu.memory_space<hbm>> -> memref<1x80x125xi32, #tpu.memory_space<hbm>>
        %dma_wait3A_81 = tpu.memref_squeeze %dma_wait3A_80 : memref<1x80x125xi32, #tpu.memory_space<hbm>> -> memref<80x125xi32, #tpu.memory_space<hbm>>
        %dma_wait3A_82 = arith.constant 0 : i32
        %dma_wait3A_83 = tpu.memref_slice %dma_wait3A_81[%mul3A_78, %dma_wait3A_82] : memref<80x125xi32, #tpu.memory_space<hbm>> -> memref<8x125xi32, #tpu.memory_space<hbm>>
        %dma_wait3A_84 = arith.constant 0 : i32
        %dma_wait3A_85 = arith.constant 0 : i32
        %dma_wait3A_86 = tpu.memref_slice %arg5[%arg1, %dma_wait3A_84, %dma_wait3A_85] : memref<16x80x125xi32, #tpu.memory_space<hbm>> -> memref<1x80x125xi32, #tpu.memory_space<hbm>>
        %dma_wait3A_87 = tpu.memref_squeeze %dma_wait3A_86 : memref<1x80x125xi32, #tpu.memory_space<hbm>> -> memref<80x125xi32, #tpu.memory_space<hbm>>
        %dma_wait3A_88 = arith.constant 0 : i32
        %dma_wait3A_89 = tpu.memref_slice %dma_wait3A_87[%mul3A_78, %dma_wait3A_88] : memref<80x125xi32, #tpu.memory_space<hbm>> -> memref<8x125xi32, #tpu.memory_space<hbm>>
        tpu.wait_dma2 semaphore(%arg14 : memref<!tpu.dma_semaphore, #tpu.memory_space<semaphore_mem>>) src(%dma_wait3A_89 : memref<8x125xi32, #tpu.memory_space<hbm>>) dst(%arg8 : memref<8x125xi32, #tpu.memory_space<vmem>>)
        %mul3A_90 = arith.constant 8 : i32
        %mul3A_91 = arith.muli %add3A_76, %mul3A_90 : i32
        %add3A_92 = arith.constant 0 : i32
        %add3A_93 = arith.addi %mul3A_91, %add3A_92 : i32
        %dma_wait3A_94 = arith.constant 0 : i32
        %dma_wait3A_95 = arith.constant 0 : i32
        %dma_wait3A_96 = tpu.memref_slice %arg10[%dma_wait3A_94, %dma_wait3A_95] : memref<128x128xf32, #tpu.memory_space<vmem>> -> memref<125x128xf32, #tpu.memory_space<vmem>>
        %dma_wait3A_97 = arith.constant 0 : i32
        %dma_wait3A_98 = tpu.memref_slice %arg7[%add3A_93, %dma_wait3A_97] : memref<80x125xi32, #tpu.memory_space<vmem>> -> memref<1x125xi32, #tpu.memory_space<vmem>>
        %dma_wait3A_99 = tpu.memref_squeeze %dma_wait3A_98 : memref<1x125xi32, #tpu.memory_space<vmem>> -> memref<125xi32, #tpu.memory_space<vmem>>
        %dma_wait3A_100 = arith.constant 0 : i32
        %dma_wait3A_101 = arith.constant 0 : i32
        %dma_wait3A_102 = tpu.memref_slice %arg2[%dma_wait3A_100, %dma_wait3A_101] : memref<10000x128xf32, #tpu.memory_space<hbm>> -> memref<10000x128xf32, #tpu.memory_space<hbm>>
        tpu.wait_indirect_dma semaphore(%arg12 : memref<!tpu.dma_semaphore, #tpu.memory_space<semaphore_mem>>) src(%dma_wait3A_102 : memref<10000x128xf32, #tpu.memory_space<hbm>>) dst(%dma_wait3A_96 : memref<125x128xf32, #tpu.memory_space<vmem>>)
        %run_scoped3A = arith.constant 0 : i32
        "tpu.region"() ({
          %run_scoped3A_454 = tpu.sem_alloc : memref<!tpu.dma_semaphore, #tpu.memory_space<semaphore_mem>>
          %dma_start3A_455 = arith.constant 0 : i32
          %dma_start3A_456 = arith.constant 0 : i32
          %dma_start3A_457 = tpu.memref_slice %arg10[%dma_start3A_455, %dma_start3A_456] : memref<128x128xf32, #tpu.memory_space<vmem>> -> memref<125x128xf32, #tpu.memory_space<vmem>>
          %dma_start3A_458 = arith.constant 0 : i32
          %dma_start3A_459 = tpu.memref_slice %arg8[%run_scoped3A, %dma_start3A_458] : memref<8x125xi32, #tpu.memory_space<vmem>> -> memref<1x125xi32, #tpu.memory_space<vmem>>
          %dma_start3A_460 = tpu.memref_squeeze %dma_start3A_459 : memref<1x125xi32, #tpu.memory_space<vmem>> -> memref<125xi32, #tpu.memory_space<vmem>>
          %dma_start3A_461 = arith.constant 0 : i32
          %dma_start3A_462 = arith.constant 0 : i32
          %dma_start3A_463 = tpu.memref_slice %arg16[%dma_start3A_461, %dma_start3A_462] : memref<10240x128xf32, #tpu.memory_space<vmem_shared>> -> memref<10240x128xf32, #tpu.memory_space<vmem_shared>>
          tpu.enqueue_indirect_dma source(%dma_start3A_457 : memref<125x128xf32, #tpu.memory_space<vmem>>) target(%dma_start3A_463 : memref<10240x128xf32, #tpu.memory_space<vmem_shared>>) offsets(%dma_start3A_460 : memref<125xi32, #tpu.memory_space<vmem>>) semaphore(%run_scoped3A_454 : memref<!tpu.dma_semaphore, #tpu.memory_space<semaphore_mem>>) {add = true}
          %dma_wait3A_464 = arith.constant 0 : i32
          %dma_wait3A_465 = arith.constant 0 : i32
          %dma_wait3A_466 = tpu.memref_slice %arg10[%dma_wait3A_464, %dma_wait3A_465] : memref<128x128xf32, #tpu.memory_space<vmem>> -> memref<125x128xf32, #tpu.memory_space<vmem>>
          %dma_wait3A_467 = arith.constant 0 : i32
          %dma_wait3A_468 = tpu.memref_slice %arg8[%run_scoped3A, %dma_wait3A_467] : memref<8x125xi32, #tpu.memory_space<vmem>> -> memref<1x125xi32, #tpu.memory_space<vmem>>
          %dma_wait3A_469 = tpu.memref_squeeze %dma_wait3A_468 : memref<1x125xi32, #tpu.memory_space<vmem>> -> memref<125xi32, #tpu.memory_space<vmem>>
          %dma_wait3A_470 = arith.constant 0 : i32
          %dma_wait3A_471 = arith.constant 0 : i32
          %dma_wait3A_472 = tpu.memref_slice %arg16[%dma_wait3A_470, %dma_wait3A_471] : memref<10240x128xf32, #tpu.memory_space<vmem_shared>> -> memref<10240x128xf32, #tpu.memory_space<vmem_shared>>
          tpu.wait_indirect_dma semaphore(%run_scoped3A_454 : memref<!tpu.dma_semaphore, #tpu.memory_space<semaphore_mem>>) src(%dma_wait3A_466 : memref<125x128xf32, #tpu.memory_space<vmem>>) dst(%dma_wait3A_472 : memref<10240x128xf32, #tpu.memory_space<vmem_shared>>)
          tpu.yield
        }) : () -> ()
        %add3A_103 = arith.constant 2 : i32
        %add3A_104 = arith.addi %add3A_93, %add3A_103 : i32
        %lt3A = arith.constant 80 : i32
        %lt3A_105 = arith.cmpi slt, %add3A_104, %lt3A : i32
        %convert_element_type3A_106 = arith.extui %lt3A_105 : i1 to i32
        %cond3A_107 = arith.constant 0 : i32
        %cond3A_108 = arith.cmpi ne, %convert_element_type3A_106, %cond3A_107 : i32
        scf.if %cond3A_108 {
          %add3A_454 = arith.constant 2 : i32
          %add3A_455 = arith.addi %add3A_93, %add3A_454 : i32
          %dma_start3A_456 = arith.constant 0 : i32
          %dma_start3A_457 = arith.constant 0 : i32
          %dma_start3A_458 = tpu.memref_slice %arg10[%dma_start3A_456, %dma_start3A_457] : memref<128x128xf32, #tpu.memory_space<vmem>> -> memref<125x128xf32, #tpu.memory_space<vmem>>
          %dma_start3A_459 = arith.constant 0 : i32
          %dma_start3A_460 = tpu.memref_slice %arg7[%add3A_455, %dma_start3A_459] : memref<80x125xi32, #tpu.memory_space<vmem>> -> memref<1x125xi32, #tpu.memory_space<vmem>>
          %dma_start3A_461 = tpu.memref_squeeze %dma_start3A_460 : memref<1x125xi32, #tpu.memory_space<vmem>> -> memref<125xi32, #tpu.memory_space<vmem>>
          %dma_start3A_462 = arith.constant 0 : i32
          %dma_start3A_463 = arith.constant 0 : i32
          %dma_start3A_464 = tpu.memref_slice %arg2[%dma_start3A_462, %dma_start3A_463] : memref<10000x128xf32, #tpu.memory_space<hbm>> -> memref<10000x128xf32, #tpu.memory_space<hbm>>
          tpu.enqueue_indirect_dma source(%dma_start3A_464 : memref<10000x128xf32, #tpu.memory_space<hbm>>) target(%dma_start3A_458 : memref<125x128xf32, #tpu.memory_space<vmem>>) offsets(%dma_start3A_461 : memref<125xi32, #tpu.memory_space<vmem>>) semaphore(%arg12 : memref<!tpu.dma_semaphore, #tpu.memory_space<semaphore_mem>>)
        } else {
        }
        %mul3A_109 = arith.constant 8 : i32
        %mul3A_110 = arith.muli %add3A_76, %mul3A_109 : i32
        %add3A_111 = arith.constant 1 : i32
        %add3A_112 = arith.addi %mul3A_110, %add3A_111 : i32
        %dma_wait3A_113 = arith.constant 0 : i32
        %dma_wait3A_114 = arith.constant 0 : i32
        %dma_wait3A_115 = tpu.memref_slice %arg11[%dma_wait3A_113, %dma_wait3A_114] : memref<128x128xf32, #tpu.memory_space<vmem>> -> memref<125x128xf32, #tpu.memory_space<vmem>>
        %dma_wait3A_116 = arith.constant 0 : i32
        %dma_wait3A_117 = tpu.memref_slice %arg7[%add3A_112, %dma_wait3A_116] : memref<80x125xi32, #tpu.memory_space<vmem>> -> memref<1x125xi32, #tpu.memory_space<vmem>>
        %dma_wait3A_118 = tpu.memref_squeeze %dma_wait3A_117 : memref<1x125xi32, #tpu.memory_space<vmem>> -> memref<125xi32, #tpu.memory_space<vmem>>
        %dma_wait3A_119 = arith.constant 0 : i32
        %dma_wait3A_120 = arith.constant 0 : i32
        %dma_wait3A_121 = tpu.memref_slice %arg2[%dma_wait3A_119, %dma_wait3A_120] : memref<10000x128xf32, #tpu.memory_space<hbm>> -> memref<10000x128xf32, #tpu.memory_space<hbm>>
        tpu.wait_indirect_dma semaphore(%arg13 : memref<!tpu.dma_semaphore, #tpu.memory_space<semaphore_mem>>) src(%dma_wait3A_121 : memref<10000x128xf32, #tpu.memory_space<hbm>>) dst(%dma_wait3A_115 : memref<125x128xf32, #tpu.memory_space<vmem>>)
        %run_scoped3A_122 = arith.constant 1 : i32
        "tpu.region"() ({
          %run_scoped3A_454 = tpu.sem_alloc : memref<!tpu.dma_semaphore, #tpu.memory_space<semaphore_mem>>
          %dma_start3A_455 = arith.constant 0 : i32
          %dma_start3A_456 = arith.constant 0 : i32
          %dma_start3A_457 = tpu.memref_slice %arg11[%dma_start3A_455, %dma_start3A_456] : memref<128x128xf32, #tpu.memory_space<vmem>> -> memref<125x128xf32, #tpu.memory_space<vmem>>
          %dma_start3A_458 = arith.constant 0 : i32
          %dma_start3A_459 = tpu.memref_slice %arg8[%run_scoped3A_122, %dma_start3A_458] : memref<8x125xi32, #tpu.memory_space<vmem>> -> memref<1x125xi32, #tpu.memory_space<vmem>>
          %dma_start3A_460 = tpu.memref_squeeze %dma_start3A_459 : memref<1x125xi32, #tpu.memory_space<vmem>> -> memref<125xi32, #tpu.memory_space<vmem>>
          %dma_start3A_461 = arith.constant 0 : i32
          %dma_start3A_462 = arith.constant 0 : i32
          %dma_start3A_463 = tpu.memref_slice %arg16[%dma_start3A_461, %dma_start3A_462] : memref<10240x128xf32, #tpu.memory_space<vmem_shared>> -> memref<10240x128xf32, #tpu.memory_space<vmem_shared>>
          tpu.enqueue_indirect_dma source(%dma_start3A_457 : memref<125x128xf32, #tpu.memory_space<vmem>>) target(%dma_start3A_463 : memref<10240x128xf32, #tpu.memory_space<vmem_shared>>) offsets(%dma_start3A_460 : memref<125xi32, #tpu.memory_space<vmem>>) semaphore(%run_scoped3A_454 : memref<!tpu.dma_semaphore, #tpu.memory_space<semaphore_mem>>) {add = true}
          %dma_wait3A_464 = arith.constant 0 : i32
          %dma_wait3A_465 = arith.constant 0 : i32
          %dma_wait3A_466 = tpu.memref_slice %arg11[%dma_wait3A_464, %dma_wait3A_465] : memref<128x128xf32, #tpu.memory_space<vmem>> -> memref<125x128xf32, #tpu.memory_space<vmem>>
          %dma_wait3A_467 = arith.constant 0 : i32
          %dma_wait3A_468 = tpu.memref_slice %arg8[%run_scoped3A_122, %dma_wait3A_467] : memref<8x125xi32, #tpu.memory_space<vmem>> -> memref<1x125xi32, #tpu.memory_space<vmem>>
          %dma_wait3A_469 = tpu.memref_squeeze %dma_wait3A_468 : memref<1x125xi32, #tpu.memory_space<vmem>> -> memref<125xi32, #tpu.memory_space<vmem>>
          %dma_wait3A_470 = arith.constant 0 : i32
          %dma_wait3A_471 = arith.constant 0 : i32
          %dma_wait3A_472 = tpu.memref_slice %arg16[%dma_wait3A_470, %dma_wait3A_471] : memref<10240x128xf32, #tpu.memory_space<vmem_shared>> -> memref<10240x128xf32, #tpu.memory_space<vmem_shared>>
          tpu.wait_indirect_dma semaphore(%run_scoped3A_454 : memref<!tpu.dma_semaphore, #tpu.memory_space<semaphore_mem>>) src(%dma_wait3A_466 : memref<125x128xf32, #tpu.memory_space<vmem>>) dst(%dma_wait3A_472 : memref<10240x128xf32, #tpu.memory_space<vmem_shared>>)
          tpu.yield
        }) : () -> ()
        %add3A_123 = arith.constant 2 : i32
        %add3A_124 = arith.addi %add3A_112, %add3A_123 : i32
        %lt3A_125 = arith.constant 80 : i32
        %lt3A_126 = arith.cmpi slt, %add3A_124, %lt3A_125 : i32
        %convert_element_type3A_127 = arith.extui %lt3A_126 : i1 to i32
        %cond3A_128 = arith.constant 0 : i32
        %cond3A_129 = arith.cmpi ne, %convert_element_type3A_127, %cond3A_128 : i32
        scf.if %cond3A_129 {
          %add3A_454 = arith.constant 2 : i32
          %add3A_455 = arith.addi %add3A_112, %add3A_454 : i32
          %dma_start3A_456 = arith.constant 0 : i32
          %dma_start3A_457 = arith.constant 0 : i32
          %dma_start3A_458 = tpu.memref_slice %arg11[%dma_start3A_456, %dma_start3A_457] : memref<128x128xf32, #tpu.memory_space<vmem>> -> memref<125x128xf32, #tpu.memory_space<vmem>>
          %dma_start3A_459 = arith.constant 0 : i32
          %dma_start3A_460 = tpu.memref_slice %arg7[%add3A_455, %dma_start3A_459] : memref<80x125xi32, #tpu.memory_space<vmem>> -> memref<1x125xi32, #tpu.memory_space<vmem>>
          %dma_start3A_461 = tpu.memref_squeeze %dma_start3A_460 : memref<1x125xi32, #tpu.memory_space<vmem>> -> memref<125xi32, #tpu.memory_space<vmem>>
          %dma_start3A_462 = arith.constant 0 : i32
          %dma_start3A_463 = arith.constant 0 : i32
          %dma_start3A_464 = tpu.memref_slice %arg2[%dma_start3A_462, %dma_start3A_463] : memref<10000x128xf32, #tpu.memory_space<hbm>> -> memref<10000x128xf32, #tpu.memory_space<hbm>>
          tpu.enqueue_indirect_dma source(%dma_start3A_464 : memref<10000x128xf32, #tpu.memory_space<hbm>>) target(%dma_start3A_458 : memref<125x128xf32, #tpu.memory_space<vmem>>) offsets(%dma_start3A_461 : memref<125xi32, #tpu.memory_space<vmem>>) semaphore(%arg13 : memref<!tpu.dma_semaphore, #tpu.memory_space<semaphore_mem>>)
        } else {
        }
        %mul3A_130 = arith.constant 8 : i32
        %mul3A_131 = arith.muli %add3A_76, %mul3A_130 : i32
        %add3A_132 = arith.constant 2 : i32
        %add3A_133 = arith.addi %mul3A_131, %add3A_132 : i32
        %dma_wait3A_134 = arith.constant 0 : i32
        %dma_wait3A_135 = arith.constant 0 : i32
        %dma_wait3A_136 = tpu.memref_slice %arg10[%dma_wait3A_134, %dma_wait3A_135] : memref<128x128xf32, #tpu.memory_space<vmem>> -> memref<125x128xf32, #tpu.memory_space<vmem>>
        %dma_wait3A_137 = arith.constant 0 : i32
        %dma_wait3A_138 = tpu.memref_slice %arg7[%add3A_133, %dma_wait3A_137] : memref<80x125xi32, #tpu.memory_space<vmem>> -> memref<1x125xi32, #tpu.memory_space<vmem>>
        %dma_wait3A_139 = tpu.memref_squeeze %dma_wait3A_138 : memref<1x125xi32, #tpu.memory_space<vmem>> -> memref<125xi32, #tpu.memory_space<vmem>>
        %dma_wait3A_140 = arith.constant 0 : i32
        %dma_wait3A_141 = arith.constant 0 : i32
        %dma_wait3A_142 = tpu.memref_slice %arg2[%dma_wait3A_140, %dma_wait3A_141] : memref<10000x128xf32, #tpu.memory_space<hbm>> -> memref<10000x128xf32, #tpu.memory_space<hbm>>
        tpu.wait_indirect_dma semaphore(%arg12 : memref<!tpu.dma_semaphore, #tpu.memory_space<semaphore_mem>>) src(%dma_wait3A_142 : memref<10000x128xf32, #tpu.memory_space<hbm>>) dst(%dma_wait3A_136 : memref<125x128xf32, #tpu.memory_space<vmem>>)
        %run_scoped3A_143 = arith.constant 2 : i32
        "tpu.region"() ({
          %run_scoped3A_454 = tpu.sem_alloc : memref<!tpu.dma_semaphore, #tpu.memory_space<semaphore_mem>>
          %dma_start3A_455 = arith.constant 0 : i32
          %dma_start3A_456 = arith.constant 0 : i32
          %dma_start3A_457 = tpu.memref_slice %arg10[%dma_start3A_455, %dma_start3A_456] : memref<128x128xf32, #tpu.memory_space<vmem>> -> memref<125x128xf32, #tpu.memory_space<vmem>>
          %dma_start3A_458 = arith.constant 0 : i32
          %dma_start3A_459 = tpu.memref_slice %arg8[%run_scoped3A_143, %dma_start3A_458] : memref<8x125xi32, #tpu.memory_space<vmem>> -> memref<1x125xi32, #tpu.memory_space<vmem>>
          %dma_start3A_460 = tpu.memref_squeeze %dma_start3A_459 : memref<1x125xi32, #tpu.memory_space<vmem>> -> memref<125xi32, #tpu.memory_space<vmem>>
          %dma_start3A_461 = arith.constant 0 : i32
          %dma_start3A_462 = arith.constant 0 : i32
          %dma_start3A_463 = tpu.memref_slice %arg16[%dma_start3A_461, %dma_start3A_462] : memref<10240x128xf32, #tpu.memory_space<vmem_shared>> -> memref<10240x128xf32, #tpu.memory_space<vmem_shared>>
          tpu.enqueue_indirect_dma source(%dma_start3A_457 : memref<125x128xf32, #tpu.memory_space<vmem>>) target(%dma_start3A_463 : memref<10240x128xf32, #tpu.memory_space<vmem_shared>>) offsets(%dma_start3A_460 : memref<125xi32, #tpu.memory_space<vmem>>) semaphore(%run_scoped3A_454 : memref<!tpu.dma_semaphore, #tpu.memory_space<semaphore_mem>>) {add = true}
          %dma_wait3A_464 = arith.constant 0 : i32
          %dma_wait3A_465 = arith.constant 0 : i32
          %dma_wait3A_466 = tpu.memref_slice %arg10[%dma_wait3A_464, %dma_wait3A_465] : memref<128x128xf32, #tpu.memory_space<vmem>> -> memref<125x128xf32, #tpu.memory_space<vmem>>
          %dma_wait3A_467 = arith.constant 0 : i32
          %dma_wait3A_468 = tpu.memref_slice %arg8[%run_scoped3A_143, %dma_wait3A_467] : memref<8x125xi32, #tpu.memory_space<vmem>> -> memref<1x125xi32, #tpu.memory_space<vmem>>
          %dma_wait3A_469 = tpu.memref_squeeze %dma_wait3A_468 : memref<1x125xi32, #tpu.memory_space<vmem>> -> memref<125xi32, #tpu.memory_space<vmem>>
          %dma_wait3A_470 = arith.constant 0 : i32
          %dma_wait3A_471 = arith.constant 0 : i32
          %dma_wait3A_472 = tpu.memref_slice %arg16[%dma_wait3A_470, %dma_wait3A_471] : memref<10240x128xf32, #tpu.memory_space<vmem_shared>> -> memref<10240x128xf32, #tpu.memory_space<vmem_shared>>
          tpu.wait_indirect_dma semaphore(%run_scoped3A_454 : memref<!tpu.dma_semaphore, #tpu.memory_space<semaphore_mem>>) src(%dma_wait3A_466 : memref<125x128xf32, #tpu.memory_space<vmem>>) dst(%dma_wait3A_472 : memref<10240x128xf32, #tpu.memory_space<vmem_shared>>)
          tpu.yield
        }) : () -> ()
        %add3A_144 = arith.constant 2 : i32
        %add3A_145 = arith.addi %add3A_133, %add3A_144 : i32
        %lt3A_146 = arith.constant 80 : i32
        %lt3A_147 = arith.cmpi slt, %add3A_145, %lt3A_146 : i32
        %convert_element_type3A_148 = arith.extui %lt3A_147 : i1 to i32
        %cond3A_149 = arith.constant 0 : i32
        %cond3A_150 = arith.cmpi ne, %convert_element_type3A_148, %cond3A_149 : i32
        scf.if %cond3A_150 {
          %add3A_454 = arith.constant 2 : i32
          %add3A_455 = arith.addi %add3A_133, %add3A_454 : i32
          %dma_start3A_456 = arith.constant 0 : i32
          %dma_start3A_457 = arith.constant 0 : i32
          %dma_start3A_458 = tpu.memref_slice %arg10[%dma_start3A_456, %dma_start3A_457] : memref<128x128xf32, #tpu.memory_space<vmem>> -> memref<125x128xf32, #tpu.memory_space<vmem>>
          %dma_start3A_459 = arith.constant 0 : i32
          %dma_start3A_460 = tpu.memref_slice %arg7[%add3A_455, %dma_start3A_459] : memref<80x125xi32, #tpu.memory_space<vmem>> -> memref<1x125xi32, #tpu.memory_space<vmem>>
          %dma_start3A_461 = tpu.memref_squeeze %dma_start3A_460 : memref<1x125xi32, #tpu.memory_space<vmem>> -> memref<125xi32, #tpu.memory_space<vmem>>
          %dma_start3A_462 = arith.constant 0 : i32
          %dma_start3A_463 = arith.constant 0 : i32
          %dma_start3A_464 = tpu.memref_slice %arg2[%dma_start3A_462, %dma_start3A_463] : memref<10000x128xf32, #tpu.memory_space<hbm>> -> memref<10000x128xf32, #tpu.memory_space<hbm>>
          tpu.enqueue_indirect_dma source(%dma_start3A_464 : memref<10000x128xf32, #tpu.memory_space<hbm>>) target(%dma_start3A_458 : memref<125x128xf32, #tpu.memory_space<vmem>>) offsets(%dma_start3A_461 : memref<125xi32, #tpu.memory_space<vmem>>) semaphore(%arg12 : memref<!tpu.dma_semaphore, #tpu.memory_space<semaphore_mem>>)
        } else {
        }
        %mul3A_151 = arith.constant 8 : i32
        %mul3A_152 = arith.muli %add3A_76, %mul3A_151 : i32
        %add3A_153 = arith.constant 3 : i32
        %add3A_154 = arith.addi %mul3A_152, %add3A_153 : i32
        %dma_wait3A_155 = arith.constant 0 : i32
        %dma_wait3A_156 = arith.constant 0 : i32
        %dma_wait3A_157 = tpu.memref_slice %arg11[%dma_wait3A_155, %dma_wait3A_156] : memref<128x128xf32, #tpu.memory_space<vmem>> -> memref<125x128xf32, #tpu.memory_space<vmem>>
        %dma_wait3A_158 = arith.constant 0 : i32
        %dma_wait3A_159 = tpu.memref_slice %arg7[%add3A_154, %dma_wait3A_158] : memref<80x125xi32, #tpu.memory_space<vmem>> -> memref<1x125xi32, #tpu.memory_space<vmem>>
        %dma_wait3A_160 = tpu.memref_squeeze %dma_wait3A_159 : memref<1x125xi32, #tpu.memory_space<vmem>> -> memref<125xi32, #tpu.memory_space<vmem>>
        %dma_wait3A_161 = arith.constant 0 : i32
        %dma_wait3A_162 = arith.constant 0 : i32
        %dma_wait3A_163 = tpu.memref_slice %arg2[%dma_wait3A_161, %dma_wait3A_162] : memref<10000x128xf32, #tpu.memory_space<hbm>> -> memref<10000x128xf32, #tpu.memory_space<hbm>>
        tpu.wait_indirect_dma semaphore(%arg13 : memref<!tpu.dma_semaphore, #tpu.memory_space<semaphore_mem>>) src(%dma_wait3A_163 : memref<10000x128xf32, #tpu.memory_space<hbm>>) dst(%dma_wait3A_157 : memref<125x128xf32, #tpu.memory_space<vmem>>)
        %run_scoped3A_164 = arith.constant 3 : i32
        "tpu.region"() ({
          %run_scoped3A_454 = tpu.sem_alloc : memref<!tpu.dma_semaphore, #tpu.memory_space<semaphore_mem>>
          %dma_start3A_455 = arith.constant 0 : i32
          %dma_start3A_456 = arith.constant 0 : i32
          %dma_start3A_457 = tpu.memref_slice %arg11[%dma_start3A_455, %dma_start3A_456] : memref<128x128xf32, #tpu.memory_space<vmem>> -> memref<125x128xf32, #tpu.memory_space<vmem>>
          %dma_start3A_458 = arith.constant 0 : i32
          %dma_start3A_459 = tpu.memref_slice %arg8[%run_scoped3A_164, %dma_start3A_458] : memref<8x125xi32, #tpu.memory_space<vmem>> -> memref<1x125xi32, #tpu.memory_space<vmem>>
          %dma_start3A_460 = tpu.memref_squeeze %dma_start3A_459 : memref<1x125xi32, #tpu.memory_space<vmem>> -> memref<125xi32, #tpu.memory_space<vmem>>
          %dma_start3A_461 = arith.constant 0 : i32
          %dma_start3A_462 = arith.constant 0 : i32
          %dma_start3A_463 = tpu.memref_slice %arg16[%dma_start3A_461, %dma_start3A_462] : memref<10240x128xf32, #tpu.memory_space<vmem_shared>> -> memref<10240x128xf32, #tpu.memory_space<vmem_shared>>
          tpu.enqueue_indirect_dma source(%dma_start3A_457 : memref<125x128xf32, #tpu.memory_space<vmem>>) target(%dma_start3A_463 : memref<10240x128xf32, #tpu.memory_space<vmem_shared>>) offsets(%dma_start3A_460 : memref<125xi32, #tpu.memory_space<vmem>>) semaphore(%run_scoped3A_454 : memref<!tpu.dma_semaphore, #tpu.memory_space<semaphore_mem>>) {add = true}
          %dma_wait3A_464 = arith.constant 0 : i32
          %dma_wait3A_465 = arith.constant 0 : i32
          %dma_wait3A_466 = tpu.memref_slice %arg11[%dma_wait3A_464, %dma_wait3A_465] : memref<128x128xf32, #tpu.memory_space<vmem>> -> memref<125x128xf32, #tpu.memory_space<vmem>>
          %dma_wait3A_467 = arith.constant 0 : i32
          %dma_wait3A_468 = tpu.memref_slice %arg8[%run_scoped3A_164, %dma_wait3A_467] : memref<8x125xi32, #tpu.memory_space<vmem>> -> memref<1x125xi32, #tpu.memory_space<vmem>>
          %dma_wait3A_469 = tpu.memref_squeeze %dma_wait3A_468 : memref<1x125xi32, #tpu.memory_space<vmem>> -> memref<125xi32, #tpu.memory_space<vmem>>
          %dma_wait3A_470 = arith.constant 0 : i32
          %dma_wait3A_471 = arith.constant 0 : i32
          %dma_wait3A_472 = tpu.memref_slice %arg16[%dma_wait3A_470, %dma_wait3A_471] : memref<10240x128xf32, #tpu.memory_space<vmem_shared>> -> memref<10240x128xf32, #tpu.memory_space<vmem_shared>>
          tpu.wait_indirect_dma semaphore(%run_scoped3A_454 : memref<!tpu.dma_semaphore, #tpu.memory_space<semaphore_mem>>) src(%dma_wait3A_466 : memref<125x128xf32, #tpu.memory_space<vmem>>) dst(%dma_wait3A_472 : memref<10240x128xf32, #tpu.memory_space<vmem_shared>>)
          tpu.yield
        }) : () -> ()
        %add3A_165 = arith.constant 2 : i32
        %add3A_166 = arith.addi %add3A_154, %add3A_165 : i32
        %lt3A_167 = arith.constant 80 : i32
        %lt3A_168 = arith.cmpi slt, %add3A_166, %lt3A_167 : i32
        %convert_element_type3A_169 = arith.extui %lt3A_168 : i1 to i32
        %cond3A_170 = arith.constant 0 : i32
        %cond3A_171 = arith.cmpi ne, %convert_element_type3A_169, %cond3A_170 : i32
        scf.if %cond3A_171 {
          %add3A_454 = arith.constant 2 : i32
          %add3A_455 = arith.addi %add3A_154, %add3A_454 : i32
          %dma_start3A_456 = arith.constant 0 : i32
          %dma_start3A_457 = arith.constant 0 : i32
          %dma_start3A_458 = tpu.memref_slice %arg11[%dma_start3A_456, %dma_start3A_457] : memref<128x128xf32, #tpu.memory_space<vmem>> -> memref<125x128xf32, #tpu.memory_space<vmem>>
          %dma_start3A_459 = arith.constant 0 : i32
          %dma_start3A_460 = tpu.memref_slice %arg7[%add3A_455, %dma_start3A_459] : memref<80x125xi32, #tpu.memory_space<vmem>> -> memref<1x125xi32, #tpu.memory_space<vmem>>
          %dma_start3A_461 = tpu.memref_squeeze %dma_start3A_460 : memref<1x125xi32, #tpu.memory_space<vmem>> -> memref<125xi32, #tpu.memory_space<vmem>>
          %dma_start3A_462 = arith.constant 0 : i32
          %dma_start3A_463 = arith.constant 0 : i32
          %dma_start3A_464 = tpu.memref_slice %arg2[%dma_start3A_462, %dma_start3A_463] : memref<10000x128xf32, #tpu.memory_space<hbm>> -> memref<10000x128xf32, #tpu.memory_space<hbm>>
          tpu.enqueue_indirect_dma source(%dma_start3A_464 : memref<10000x128xf32, #tpu.memory_space<hbm>>) target(%dma_start3A_458 : memref<125x128xf32, #tpu.memory_space<vmem>>) offsets(%dma_start3A_461 : memref<125xi32, #tpu.memory_space<vmem>>) semaphore(%arg13 : memref<!tpu.dma_semaphore, #tpu.memory_space<semaphore_mem>>)
        } else {
        }
        %mul3A_172 = arith.constant 8 : i32
        %mul3A_173 = arith.muli %add3A_76, %mul3A_172 : i32
        %add3A_174 = arith.constant 4 : i32
        %add3A_175 = arith.addi %mul3A_173, %add3A_174 : i32
        %dma_wait3A_176 = arith.constant 0 : i32
        %dma_wait3A_177 = arith.constant 0 : i32
        %dma_wait3A_178 = tpu.memref_slice %arg10[%dma_wait3A_176, %dma_wait3A_177] : memref<128x128xf32, #tpu.memory_space<vmem>> -> memref<125x128xf32, #tpu.memory_space<vmem>>
        %dma_wait3A_179 = arith.constant 0 : i32
        %dma_wait3A_180 = tpu.memref_slice %arg7[%add3A_175, %dma_wait3A_179] : memref<80x125xi32, #tpu.memory_space<vmem>> -> memref<1x125xi32, #tpu.memory_space<vmem>>
        %dma_wait3A_181 = tpu.memref_squeeze %dma_wait3A_180 : memref<1x125xi32, #tpu.memory_space<vmem>> -> memref<125xi32, #tpu.memory_space<vmem>>
        %dma_wait3A_182 = arith.constant 0 : i32
        %dma_wait3A_183 = arith.constant 0 : i32
        %dma_wait3A_184 = tpu.memref_slice %arg2[%dma_wait3A_182, %dma_wait3A_183] : memref<10000x128xf32, #tpu.memory_space<hbm>> -> memref<10000x128xf32, #tpu.memory_space<hbm>>
        tpu.wait_indirect_dma semaphore(%arg12 : memref<!tpu.dma_semaphore, #tpu.memory_space<semaphore_mem>>) src(%dma_wait3A_184 : memref<10000x128xf32, #tpu.memory_space<hbm>>) dst(%dma_wait3A_178 : memref<125x128xf32, #tpu.memory_space<vmem>>)
        %run_scoped3A_185 = arith.constant 4 : i32
        "tpu.region"() ({
          %run_scoped3A_454 = tpu.sem_alloc : memref<!tpu.dma_semaphore, #tpu.memory_space<semaphore_mem>>
          %dma_start3A_455 = arith.constant 0 : i32
          %dma_start3A_456 = arith.constant 0 : i32
          %dma_start3A_457 = tpu.memref_slice %arg10[%dma_start3A_455, %dma_start3A_456] : memref<128x128xf32, #tpu.memory_space<vmem>> -> memref<125x128xf32, #tpu.memory_space<vmem>>
          %dma_start3A_458 = arith.constant 0 : i32
          %dma_start3A_459 = tpu.memref_slice %arg8[%run_scoped3A_185, %dma_start3A_458] : memref<8x125xi32, #tpu.memory_space<vmem>> -> memref<1x125xi32, #tpu.memory_space<vmem>>
          %dma_start3A_460 = tpu.memref_squeeze %dma_start3A_459 : memref<1x125xi32, #tpu.memory_space<vmem>> -> memref<125xi32, #tpu.memory_space<vmem>>
          %dma_start3A_461 = arith.constant 0 : i32
          %dma_start3A_462 = arith.constant 0 : i32
          %dma_start3A_463 = tpu.memref_slice %arg16[%dma_start3A_461, %dma_start3A_462] : memref<10240x128xf32, #tpu.memory_space<vmem_shared>> -> memref<10240x128xf32, #tpu.memory_space<vmem_shared>>
          tpu.enqueue_indirect_dma source(%dma_start3A_457 : memref<125x128xf32, #tpu.memory_space<vmem>>) target(%dma_start3A_463 : memref<10240x128xf32, #tpu.memory_space<vmem_shared>>) offsets(%dma_start3A_460 : memref<125xi32, #tpu.memory_space<vmem>>) semaphore(%run_scoped3A_454 : memref<!tpu.dma_semaphore, #tpu.memory_space<semaphore_mem>>) {add = true}
          %dma_wait3A_464 = arith.constant 0 : i32
          %dma_wait3A_465 = arith.constant 0 : i32
          %dma_wait3A_466 = tpu.memref_slice %arg10[%dma_wait3A_464, %dma_wait3A_465] : memref<128x128xf32, #tpu.memory_space<vmem>> -> memref<125x128xf32, #tpu.memory_space<vmem>>
          %dma_wait3A_467 = arith.constant 0 : i32
          %dma_wait3A_468 = tpu.memref_slice %arg8[%run_scoped3A_185, %dma_wait3A_467] : memref<8x125xi32, #tpu.memory_space<vmem>> -> memref<1x125xi32, #tpu.memory_space<vmem>>
          %dma_wait3A_469 = tpu.memref_squeeze %dma_wait3A_468 : memref<1x125xi32, #tpu.memory_space<vmem>> -> memref<125xi32, #tpu.memory_space<vmem>>
          %dma_wait3A_470 = arith.constant 0 : i32
          %dma_wait3A_471 = arith.constant 0 : i32
          %dma_wait3A_472 = tpu.memref_slice %arg16[%dma_wait3A_470, %dma_wait3A_471] : memref<10240x128xf32, #tpu.memory_space<vmem_shared>> -> memref<10240x128xf32, #tpu.memory_space<vmem_shared>>
          tpu.wait_indirect_dma semaphore(%run_scoped3A_454 : memref<!tpu.dma_semaphore, #tpu.memory_space<semaphore_mem>>) src(%dma_wait3A_466 : memref<125x128xf32, #tpu.memory_space<vmem>>) dst(%dma_wait3A_472 : memref<10240x128xf32, #tpu.memory_space<vmem_shared>>)
          tpu.yield
        }) : () -> ()
        %add3A_186 = arith.constant 2 : i32
        %add3A_187 = arith.addi %add3A_175, %add3A_186 : i32
        %lt3A_188 = arith.constant 80 : i32
        %lt3A_189 = arith.cmpi slt, %add3A_187, %lt3A_188 : i32
        %convert_element_type3A_190 = arith.extui %lt3A_189 : i1 to i32
        %cond3A_191 = arith.constant 0 : i32
        %cond3A_192 = arith.cmpi ne, %convert_element_type3A_190, %cond3A_191 : i32
        scf.if %cond3A_192 {
          %add3A_454 = arith.constant 2 : i32
          %add3A_455 = arith.addi %add3A_175, %add3A_454 : i32
          %dma_start3A_456 = arith.constant 0 : i32
          %dma_start3A_457 = arith.constant 0 : i32
          %dma_start3A_458 = tpu.memref_slice %arg10[%dma_start3A_456, %dma_start3A_457] : memref<128x128xf32, #tpu.memory_space<vmem>> -> memref<125x128xf32, #tpu.memory_space<vmem>>
          %dma_start3A_459 = arith.constant 0 : i32
          %dma_start3A_460 = tpu.memref_slice %arg7[%add3A_455, %dma_start3A_459] : memref<80x125xi32, #tpu.memory_space<vmem>> -> memref<1x125xi32, #tpu.memory_space<vmem>>
          %dma_start3A_461 = tpu.memref_squeeze %dma_start3A_460 : memref<1x125xi32, #tpu.memory_space<vmem>> -> memref<125xi32, #tpu.memory_space<vmem>>
          %dma_start3A_462 = arith.constant 0 : i32
          %dma_start3A_463 = arith.constant 0 : i32
          %dma_start3A_464 = tpu.memref_slice %arg2[%dma_start3A_462, %dma_start3A_463] : memref<10000x128xf32, #tpu.memory_space<hbm>> -> memref<10000x128xf32, #tpu.memory_space<hbm>>
          tpu.enqueue_indirect_dma source(%dma_start3A_464 : memref<10000x128xf32, #tpu.memory_space<hbm>>) target(%dma_start3A_458 : memref<125x128xf32, #tpu.memory_space<vmem>>) offsets(%dma_start3A_461 : memref<125xi32, #tpu.memory_space<vmem>>) semaphore(%arg12 : memref<!tpu.dma_semaphore, #tpu.memory_space<semaphore_mem>>)
        } else {
        }
        %mul3A_193 = arith.constant 8 : i32
        %mul3A_194 = arith.muli %add3A_76, %mul3A_193 : i32
        %add3A_195 = arith.constant 5 : i32
        %add3A_196 = arith.addi %mul3A_194, %add3A_195 : i32
        %dma_wait3A_197 = arith.constant 0 : i32
        %dma_wait3A_198 = arith.constant 0 : i32
        %dma_wait3A_199 = tpu.memref_slice %arg11[%dma_wait3A_197, %dma_wait3A_198] : memref<128x128xf32, #tpu.memory_space<vmem>> -> memref<125x128xf32, #tpu.memory_space<vmem>>
        %dma_wait3A_200 = arith.constant 0 : i32
        %dma_wait3A_201 = tpu.memref_slice %arg7[%add3A_196, %dma_wait3A_200] : memref<80x125xi32, #tpu.memory_space<vmem>> -> memref<1x125xi32, #tpu.memory_space<vmem>>
        %dma_wait3A_202 = tpu.memref_squeeze %dma_wait3A_201 : memref<1x125xi32, #tpu.memory_space<vmem>> -> memref<125xi32, #tpu.memory_space<vmem>>
        %dma_wait3A_203 = arith.constant 0 : i32
        %dma_wait3A_204 = arith.constant 0 : i32
        %dma_wait3A_205 = tpu.memref_slice %arg2[%dma_wait3A_203, %dma_wait3A_204] : memref<10000x128xf32, #tpu.memory_space<hbm>> -> memref<10000x128xf32, #tpu.memory_space<hbm>>
        tpu.wait_indirect_dma semaphore(%arg13 : memref<!tpu.dma_semaphore, #tpu.memory_space<semaphore_mem>>) src(%dma_wait3A_205 : memref<10000x128xf32, #tpu.memory_space<hbm>>) dst(%dma_wait3A_199 : memref<125x128xf32, #tpu.memory_space<vmem>>)
        %run_scoped3A_206 = arith.constant 5 : i32
        "tpu.region"() ({
          %run_scoped3A_454 = tpu.sem_alloc : memref<!tpu.dma_semaphore, #tpu.memory_space<semaphore_mem>>
          %dma_start3A_455 = arith.constant 0 : i32
          %dma_start3A_456 = arith.constant 0 : i32
          %dma_start3A_457 = tpu.memref_slice %arg11[%dma_start3A_455, %dma_start3A_456] : memref<128x128xf32, #tpu.memory_space<vmem>> -> memref<125x128xf32, #tpu.memory_space<vmem>>
          %dma_start3A_458 = arith.constant 0 : i32
          %dma_start3A_459 = tpu.memref_slice %arg8[%run_scoped3A_206, %dma_start3A_458] : memref<8x125xi32, #tpu.memory_space<vmem>> -> memref<1x125xi32, #tpu.memory_space<vmem>>
          %dma_start3A_460 = tpu.memref_squeeze %dma_start3A_459 : memref<1x125xi32, #tpu.memory_space<vmem>> -> memref<125xi32, #tpu.memory_space<vmem>>
          %dma_start3A_461 = arith.constant 0 : i32
          %dma_start3A_462 = arith.constant 0 : i32
          %dma_start3A_463 = tpu.memref_slice %arg16[%dma_start3A_461, %dma_start3A_462] : memref<10240x128xf32, #tpu.memory_space<vmem_shared>> -> memref<10240x128xf32, #tpu.memory_space<vmem_shared>>
          tpu.enqueue_indirect_dma source(%dma_start3A_457 : memref<125x128xf32, #tpu.memory_space<vmem>>) target(%dma_start3A_463 : memref<10240x128xf32, #tpu.memory_space<vmem_shared>>) offsets(%dma_start3A_460 : memref<125xi32, #tpu.memory_space<vmem>>) semaphore(%run_scoped3A_454 : memref<!tpu.dma_semaphore, #tpu.memory_space<semaphore_mem>>) {add = true}
          %dma_wait3A_464 = arith.constant 0 : i32
          %dma_wait3A_465 = arith.constant 0 : i32
          %dma_wait3A_466 = tpu.memref_slice %arg11[%dma_wait3A_464, %dma_wait3A_465] : memref<128x128xf32, #tpu.memory_space<vmem>> -> memref<125x128xf32, #tpu.memory_space<vmem>>
          %dma_wait3A_467 = arith.constant 0 : i32
          %dma_wait3A_468 = tpu.memref_slice %arg8[%run_scoped3A_206, %dma_wait3A_467] : memref<8x125xi32, #tpu.memory_space<vmem>> -> memref<1x125xi32, #tpu.memory_space<vmem>>
          %dma_wait3A_469 = tpu.memref_squeeze %dma_wait3A_468 : memref<1x125xi32, #tpu.memory_space<vmem>> -> memref<125xi32, #tpu.memory_space<vmem>>
          %dma_wait3A_470 = arith.constant 0 : i32
          %dma_wait3A_471 = arith.constant 0 : i32
          %dma_wait3A_472 = tpu.memref_slice %arg16[%dma_wait3A_470, %dma_wait3A_471] : memref<10240x128xf32, #tpu.memory_space<vmem_shared>> -> memref<10240x128xf32, #tpu.memory_space<vmem_shared>>
          tpu.wait_indirect_dma semaphore(%run_scoped3A_454 : memref<!tpu.dma_semaphore, #tpu.memory_space<semaphore_mem>>) src(%dma_wait3A_466 : memref<125x128xf32, #tpu.memory_space<vmem>>) dst(%dma_wait3A_472 : memref<10240x128xf32, #tpu.memory_space<vmem_shared>>)
          tpu.yield
        }) : () -> ()
        %add3A_207 = arith.constant 2 : i32
        %add3A_208 = arith.addi %add3A_196, %add3A_207 : i32
        %lt3A_209 = arith.constant 80 : i32
        %lt3A_210 = arith.cmpi slt, %add3A_208, %lt3A_209 : i32
        %convert_element_type3A_211 = arith.extui %lt3A_210 : i1 to i32
        %cond3A_212 = arith.constant 0 : i32
        %cond3A_213 = arith.cmpi ne, %convert_element_type3A_211, %cond3A_212 : i32
        scf.if %cond3A_213 {
          %add3A_454 = arith.constant 2 : i32
          %add3A_455 = arith.addi %add3A_196, %add3A_454 : i32
          %dma_start3A_456 = arith.constant 0 : i32
          %dma_start3A_457 = arith.constant 0 : i32
          %dma_start3A_458 = tpu.memref_slice %arg11[%dma_start3A_456, %dma_start3A_457] : memref<128x128xf32, #tpu.memory_space<vmem>> -> memref<125x128xf32, #tpu.memory_space<vmem>>
          %dma_start3A_459 = arith.constant 0 : i32
          %dma_start3A_460 = tpu.memref_slice %arg7[%add3A_455, %dma_start3A_459] : memref<80x125xi32, #tpu.memory_space<vmem>> -> memref<1x125xi32, #tpu.memory_space<vmem>>
          %dma_start3A_461 = tpu.memref_squeeze %dma_start3A_460 : memref<1x125xi32, #tpu.memory_space<vmem>> -> memref<125xi32, #tpu.memory_space<vmem>>
          %dma_start3A_462 = arith.constant 0 : i32
          %dma_start3A_463 = arith.constant 0 : i32
          %dma_start3A_464 = tpu.memref_slice %arg2[%dma_start3A_462, %dma_start3A_463] : memref<10000x128xf32, #tpu.memory_space<hbm>> -> memref<10000x128xf32, #tpu.memory_space<hbm>>
          tpu.enqueue_indirect_dma source(%dma_start3A_464 : memref<10000x128xf32, #tpu.memory_space<hbm>>) target(%dma_start3A_458 : memref<125x128xf32, #tpu.memory_space<vmem>>) offsets(%dma_start3A_461 : memref<125xi32, #tpu.memory_space<vmem>>) semaphore(%arg13 : memref<!tpu.dma_semaphore, #tpu.memory_space<semaphore_mem>>)
        } else {
        }
        %mul3A_214 = arith.constant 8 : i32
        %mul3A_215 = arith.muli %add3A_76, %mul3A_214 : i32
        %add3A_216 = arith.constant 6 : i32
        %add3A_217 = arith.addi %mul3A_215, %add3A_216 : i32
        %dma_wait3A_218 = arith.constant 0 : i32
        %dma_wait3A_219 = arith.constant 0 : i32
        %dma_wait3A_220 = tpu.memref_slice %arg10[%dma_wait3A_218, %dma_wait3A_219] : memref<128x128xf32, #tpu.memory_space<vmem>> -> memref<125x128xf32, #tpu.memory_space<vmem>>
        %dma_wait3A_221 = arith.constant 0 : i32
        %dma_wait3A_222 = tpu.memref_slice %arg7[%add3A_217, %dma_wait3A_221] : memref<80x125xi32, #tpu.memory_space<vmem>> -> memref<1x125xi32, #tpu.memory_space<vmem>>
        %dma_wait3A_223 = tpu.memref_squeeze %dma_wait3A_222 : memref<1x125xi32, #tpu.memory_space<vmem>> -> memref<125xi32, #tpu.memory_space<vmem>>
        %dma_wait3A_224 = arith.constant 0 : i32
        %dma_wait3A_225 = arith.constant 0 : i32
        %dma_wait3A_226 = tpu.memref_slice %arg2[%dma_wait3A_224, %dma_wait3A_225] : memref<10000x128xf32, #tpu.memory_space<hbm>> -> memref<10000x128xf32, #tpu.memory_space<hbm>>
        tpu.wait_indirect_dma semaphore(%arg12 : memref<!tpu.dma_semaphore, #tpu.memory_space<semaphore_mem>>) src(%dma_wait3A_226 : memref<10000x128xf32, #tpu.memory_space<hbm>>) dst(%dma_wait3A_220 : memref<125x128xf32, #tpu.memory_space<vmem>>)
        %run_scoped3A_227 = arith.constant 6 : i32
        "tpu.region"() ({
          %run_scoped3A_454 = tpu.sem_alloc : memref<!tpu.dma_semaphore, #tpu.memory_space<semaphore_mem>>
          %dma_start3A_455 = arith.constant 0 : i32
          %dma_start3A_456 = arith.constant 0 : i32
          %dma_start3A_457 = tpu.memref_slice %arg10[%dma_start3A_455, %dma_start3A_456] : memref<128x128xf32, #tpu.memory_space<vmem>> -> memref<125x128xf32, #tpu.memory_space<vmem>>
          %dma_start3A_458 = arith.constant 0 : i32
          %dma_start3A_459 = tpu.memref_slice %arg8[%run_scoped3A_227, %dma_start3A_458] : memref<8x125xi32, #tpu.memory_space<vmem>> -> memref<1x125xi32, #tpu.memory_space<vmem>>
          %dma_start3A_460 = tpu.memref_squeeze %dma_start3A_459 : memref<1x125xi32, #tpu.memory_space<vmem>> -> memref<125xi32, #tpu.memory_space<vmem>>
          %dma_start3A_461 = arith.constant 0 : i32
          %dma_start3A_462 = arith.constant 0 : i32
          %dma_start3A_463 = tpu.memref_slice %arg16[%dma_start3A_461, %dma_start3A_462] : memref<10240x128xf32, #tpu.memory_space<vmem_shared>> -> memref<10240x128xf32, #tpu.memory_space<vmem_shared>>
          tpu.enqueue_indirect_dma source(%dma_start3A_457 : memref<125x128xf32, #tpu.memory_space<vmem>>) target(%dma_start3A_463 : memref<10240x128xf32, #tpu.memory_space<vmem_shared>>) offsets(%dma_start3A_460 : memref<125xi32, #tpu.memory_space<vmem>>) semaphore(%run_scoped3A_454 : memref<!tpu.dma_semaphore, #tpu.memory_space<semaphore_mem>>) {add = true}
          %dma_wait3A_464 = arith.constant 0 : i32
          %dma_wait3A_465 = arith.constant 0 : i32
          %dma_wait3A_466 = tpu.memref_slice %arg10[%dma_wait3A_464, %dma_wait3A_465] : memref<128x128xf32, #tpu.memory_space<vmem>> -> memref<125x128xf32, #tpu.memory_space<vmem>>
          %dma_wait3A_467 = arith.constant 0 : i32
          %dma_wait3A_468 = tpu.memref_slice %arg8[%run_scoped3A_227, %dma_wait3A_467] : memref<8x125xi32, #tpu.memory_space<vmem>> -> memref<1x125xi32, #tpu.memory_space<vmem>>
          %dma_wait3A_469 = tpu.memref_squeeze %dma_wait3A_468 : memref<1x125xi32, #tpu.memory_space<vmem>> -> memref<125xi32, #tpu.memory_space<vmem>>
          %dma_wait3A_470 = arith.constant 0 : i32
          %dma_wait3A_471 = arith.constant 0 : i32
          %dma_wait3A_472 = tpu.memref_slice %arg16[%dma_wait3A_470, %dma_wait3A_471] : memref<10240x128xf32, #tpu.memory_space<vmem_shared>> -> memref<10240x128xf32, #tpu.memory_space<vmem_shared>>
          tpu.wait_indirect_dma semaphore(%run_scoped3A_454 : memref<!tpu.dma_semaphore, #tpu.memory_space<semaphore_mem>>) src(%dma_wait3A_466 : memref<125x128xf32, #tpu.memory_space<vmem>>) dst(%dma_wait3A_472 : memref<10240x128xf32, #tpu.memory_space<vmem_shared>>)
          tpu.yield
        }) : () -> ()
        %add3A_228 = arith.constant 2 : i32
        %add3A_229 = arith.addi %add3A_217, %add3A_228 : i32
        %lt3A_230 = arith.constant 80 : i32
        %lt3A_231 = arith.cmpi slt, %add3A_229, %lt3A_230 : i32
        %convert_element_type3A_232 = arith.extui %lt3A_231 : i1 to i32
        %cond3A_233 = arith.constant 0 : i32
        %cond3A_234 = arith.cmpi ne, %convert_element_type3A_232, %cond3A_233 : i32
        scf.if %cond3A_234 {
          %add3A_454 = arith.constant 2 : i32
          %add3A_455 = arith.addi %add3A_217, %add3A_454 : i32
          %dma_start3A_456 = arith.constant 0 : i32
          %dma_start3A_457 = arith.constant 0 : i32
          %dma_start3A_458 = tpu.memref_slice %arg10[%dma_start3A_456, %dma_start3A_457] : memref<128x128xf32, #tpu.memory_space<vmem>> -> memref<125x128xf32, #tpu.memory_space<vmem>>
          %dma_start3A_459 = arith.constant 0 : i32
          %dma_start3A_460 = tpu.memref_slice %arg7[%add3A_455, %dma_start3A_459] : memref<80x125xi32, #tpu.memory_space<vmem>> -> memref<1x125xi32, #tpu.memory_space<vmem>>
          %dma_start3A_461 = tpu.memref_squeeze %dma_start3A_460 : memref<1x125xi32, #tpu.memory_space<vmem>> -> memref<125xi32, #tpu.memory_space<vmem>>
          %dma_start3A_462 = arith.constant 0 : i32
          %dma_start3A_463 = arith.constant 0 : i32
          %dma_start3A_464 = tpu.memref_slice %arg2[%dma_start3A_462, %dma_start3A_463] : memref<10000x128xf32, #tpu.memory_space<hbm>> -> memref<10000x128xf32, #tpu.memory_space<hbm>>
          tpu.enqueue_indirect_dma source(%dma_start3A_464 : memref<10000x128xf32, #tpu.memory_space<hbm>>) target(%dma_start3A_458 : memref<125x128xf32, #tpu.memory_space<vmem>>) offsets(%dma_start3A_461 : memref<125xi32, #tpu.memory_space<vmem>>) semaphore(%arg12 : memref<!tpu.dma_semaphore, #tpu.memory_space<semaphore_mem>>)
        } else {
        }
        %mul3A_235 = arith.constant 8 : i32
        %mul3A_236 = arith.muli %add3A_76, %mul3A_235 : i32
        %add3A_237 = arith.constant 7 : i32
        %add3A_238 = arith.addi %mul3A_236, %add3A_237 : i32
        %dma_wait3A_239 = arith.constant 0 : i32
        %dma_wait3A_240 = arith.constant 0 : i32
        %dma_wait3A_241 = tpu.memref_slice %arg11[%dma_wait3A_239, %dma_wait3A_240] : memref<128x128xf32, #tpu.memory_space<vmem>> -> memref<125x128xf32, #tpu.memory_space<vmem>>
        %dma_wait3A_242 = arith.constant 0 : i32
        %dma_wait3A_243 = tpu.memref_slice %arg7[%add3A_238, %dma_wait3A_242] : memref<80x125xi32, #tpu.memory_space<vmem>> -> memref<1x125xi32, #tpu.memory_space<vmem>>
        %dma_wait3A_244 = tpu.memref_squeeze %dma_wait3A_243 : memref<1x125xi32, #tpu.memory_space<vmem>> -> memref<125xi32, #tpu.memory_space<vmem>>
        %dma_wait3A_245 = arith.constant 0 : i32
        %dma_wait3A_246 = arith.constant 0 : i32
        %dma_wait3A_247 = tpu.memref_slice %arg2[%dma_wait3A_245, %dma_wait3A_246] : memref<10000x128xf32, #tpu.memory_space<hbm>> -> memref<10000x128xf32, #tpu.memory_space<hbm>>
        tpu.wait_indirect_dma semaphore(%arg13 : memref<!tpu.dma_semaphore, #tpu.memory_space<semaphore_mem>>) src(%dma_wait3A_247 : memref<10000x128xf32, #tpu.memory_space<hbm>>) dst(%dma_wait3A_241 : memref<125x128xf32, #tpu.memory_space<vmem>>)
        %run_scoped3A_248 = arith.constant 7 : i32
        "tpu.region"() ({
          %run_scoped3A_454 = tpu.sem_alloc : memref<!tpu.dma_semaphore, #tpu.memory_space<semaphore_mem>>
          %dma_start3A_455 = arith.constant 0 : i32
          %dma_start3A_456 = arith.constant 0 : i32
          %dma_start3A_457 = tpu.memref_slice %arg11[%dma_start3A_455, %dma_start3A_456] : memref<128x128xf32, #tpu.memory_space<vmem>> -> memref<125x128xf32, #tpu.memory_space<vmem>>
          %dma_start3A_458 = arith.constant 0 : i32
          %dma_start3A_459 = tpu.memref_slice %arg8[%run_scoped3A_248, %dma_start3A_458] : memref<8x125xi32, #tpu.memory_space<vmem>> -> memref<1x125xi32, #tpu.memory_space<vmem>>
          %dma_start3A_460 = tpu.memref_squeeze %dma_start3A_459 : memref<1x125xi32, #tpu.memory_space<vmem>> -> memref<125xi32, #tpu.memory_space<vmem>>
          %dma_start3A_461 = arith.constant 0 : i32
          %dma_start3A_462 = arith.constant 0 : i32
          %dma_start3A_463 = tpu.memref_slice %arg16[%dma_start3A_461, %dma_start3A_462] : memref<10240x128xf32, #tpu.memory_space<vmem_shared>> -> memref<10240x128xf32, #tpu.memory_space<vmem_shared>>
          tpu.enqueue_indirect_dma source(%dma_start3A_457 : memref<125x128xf32, #tpu.memory_space<vmem>>) target(%dma_start3A_463 : memref<10240x128xf32, #tpu.memory_space<vmem_shared>>) offsets(%dma_start3A_460 : memref<125xi32, #tpu.memory_space<vmem>>) semaphore(%run_scoped3A_454 : memref<!tpu.dma_semaphore, #tpu.memory_space<semaphore_mem>>) {add = true}
          %dma_wait3A_464 = arith.constant 0 : i32
          %dma_wait3A_465 = arith.constant 0 : i32
          %dma_wait3A_466 = tpu.memref_slice %arg11[%dma_wait3A_464, %dma_wait3A_465] : memref<128x128xf32, #tpu.memory_space<vmem>> -> memref<125x128xf32, #tpu.memory_space<vmem>>
          %dma_wait3A_467 = arith.constant 0 : i32
          %dma_wait3A_468 = tpu.memref_slice %arg8[%run_scoped3A_248, %dma_wait3A_467] : memref<8x125xi32, #tpu.memory_space<vmem>> -> memref<1x125xi32, #tpu.memory_space<vmem>>
          %dma_wait3A_469 = tpu.memref_squeeze %dma_wait3A_468 : memref<1x125xi32, #tpu.memory_space<vmem>> -> memref<125xi32, #tpu.memory_space<vmem>>
          %dma_wait3A_470 = arith.constant 0 : i32
          %dma_wait3A_471 = arith.constant 0 : i32
          %dma_wait3A_472 = tpu.memref_slice %arg16[%dma_wait3A_470, %dma_wait3A_471] : memref<10240x128xf32, #tpu.memory_space<vmem_shared>> -> memref<10240x128xf32, #tpu.memory_space<vmem_shared>>
          tpu.wait_indirect_dma semaphore(%run_scoped3A_454 : memref<!tpu.dma_semaphore, #tpu.memory_space<semaphore_mem>>) src(%dma_wait3A_466 : memref<125x128xf32, #tpu.memory_space<vmem>>) dst(%dma_wait3A_472 : memref<10240x128xf32, #tpu.memory_space<vmem_shared>>)
          tpu.yield
        }) : () -> ()
        %add3A_249 = arith.constant 2 : i32
        %add3A_250 = arith.addi %add3A_238, %add3A_249 : i32
        %lt3A_251 = arith.constant 80 : i32
        %lt3A_252 = arith.cmpi slt, %add3A_250, %lt3A_251 : i32
        %convert_element_type3A_253 = arith.extui %lt3A_252 : i1 to i32
        %cond3A_254 = arith.constant 0 : i32
        %cond3A_255 = arith.cmpi ne, %convert_element_type3A_253, %cond3A_254 : i32
        scf.if %cond3A_255 {
          %add3A_454 = arith.constant 2 : i32
          %add3A_455 = arith.addi %add3A_238, %add3A_454 : i32
          %dma_start3A_456 = arith.constant 0 : i32
          %dma_start3A_457 = arith.constant 0 : i32
          %dma_start3A_458 = tpu.memref_slice %arg11[%dma_start3A_456, %dma_start3A_457] : memref<128x128xf32, #tpu.memory_space<vmem>> -> memref<125x128xf32, #tpu.memory_space<vmem>>
          %dma_start3A_459 = arith.constant 0 : i32
          %dma_start3A_460 = tpu.memref_slice %arg7[%add3A_455, %dma_start3A_459] : memref<80x125xi32, #tpu.memory_space<vmem>> -> memref<1x125xi32, #tpu.memory_space<vmem>>
          %dma_start3A_461 = tpu.memref_squeeze %dma_start3A_460 : memref<1x125xi32, #tpu.memory_space<vmem>> -> memref<125xi32, #tpu.memory_space<vmem>>
          %dma_start3A_462 = arith.constant 0 : i32
          %dma_start3A_463 = arith.constant 0 : i32
          %dma_start3A_464 = tpu.memref_slice %arg2[%dma_start3A_462, %dma_start3A_463] : memref<10000x128xf32, #tpu.memory_space<hbm>> -> memref<10000x128xf32, #tpu.memory_space<hbm>>
          tpu.enqueue_indirect_dma source(%dma_start3A_464 : memref<10000x128xf32, #tpu.memory_space<hbm>>) target(%dma_start3A_458 : memref<125x128xf32, #tpu.memory_space<vmem>>) offsets(%dma_start3A_461 : memref<125xi32, #tpu.memory_space<vmem>>) semaphore(%arg13 : memref<!tpu.dma_semaphore, #tpu.memory_space<semaphore_mem>>)
        } else {
        }
        %add3A_256 = arith.constant 2 : i32
        %add3A_257 = arith.addi %add3A_76, %add3A_256 : i32
        %lt3A_258 = arith.constant 10 : i32
        %lt3A_259 = arith.cmpi slt, %add3A_257, %lt3A_258 : i32
        %convert_element_type3A_260 = arith.extui %lt3A_259 : i1 to i32
        %cond3A_261 = arith.constant 0 : i32
        %cond3A_262 = arith.cmpi ne, %convert_element_type3A_260, %cond3A_261 : i32
        scf.if %cond3A_262 {
          %add3A_454 = arith.constant 2 : i32
          %add3A_455 = arith.addi %add3A_76, %add3A_454 : i32
          %mul3A_456 = arith.constant 8 : i32
          %mul3A_457 = arith.muli %add3A_455, %mul3A_456 : i32
          %dma_start3A_458 = arith.constant 0 : i32
          %dma_start3A_459 = arith.constant 0 : i32
          %dma_start3A_460 = tpu.memref_slice %arg5[%arg1, %dma_start3A_458, %dma_start3A_459] : memref<16x80x125xi32, #tpu.memory_space<hbm>> -> memref<1x80x125xi32, #tpu.memory_space<hbm>>
          %dma_start3A_461 = tpu.memref_squeeze %dma_start3A_460 : memref<1x80x125xi32, #tpu.memory_space<hbm>> -> memref<80x125xi32, #tpu.memory_space<hbm>>
          %dma_start3A_462 = arith.constant 0 : i32
          %dma_start3A_463 = tpu.memref_slice %dma_start3A_461[%mul3A_457, %dma_start3A_462] : memref<80x125xi32, #tpu.memory_space<hbm>> -> memref<8x125xi32, #tpu.memory_space<hbm>>
          %dma_start3A_464 = arith.constant 0 : i32
          %dma_start3A_465 = arith.constant 0 : i32
          %dma_start3A_466 = tpu.memref_slice %arg5[%arg1, %dma_start3A_464, %dma_start3A_465] : memref<16x80x125xi32, #tpu.memory_space<hbm>> -> memref<1x80x125xi32, #tpu.memory_space<hbm>>
          %dma_start3A_467 = tpu.memref_squeeze %dma_start3A_466 : memref<1x80x125xi32, #tpu.memory_space<hbm>> -> memref<80x125xi32, #tpu.memory_space<hbm>>
          %dma_start3A_468 = arith.constant 0 : i32
          %dma_start3A_469 = tpu.memref_slice %dma_start3A_467[%mul3A_457, %dma_start3A_468] : memref<80x125xi32, #tpu.memory_space<hbm>> -> memref<8x125xi32, #tpu.memory_space<hbm>>
          tpu.enqueue_dma source(%dma_start3A_469 : memref<8x125xi32, #tpu.memory_space<hbm>>) target(%arg8 : memref<8x125xi32, #tpu.memory_space<vmem>>) target_semaphore(%arg14 : memref<!tpu.dma_semaphore, #tpu.memory_space<semaphore_mem>>)
        } else {
        }
        %add3A_263 = arith.constant 1 : i32
        %add3A_264 = arith.addi %add3A_74, %add3A_263 : i32
        %mul3A_265 = arith.constant 8 : i32
        %mul3A_266 = arith.muli %add3A_264, %mul3A_265 : i32
        %dma_wait3A_267 = arith.constant 0 : i32
        %dma_wait3A_268 = arith.constant 0 : i32
        %dma_wait3A_269 = tpu.memref_slice %arg5[%arg1, %dma_wait3A_267, %dma_wait3A_268] : memref<16x80x125xi32, #tpu.memory_space<hbm>> -> memref<1x80x125xi32, #tpu.memory_space<hbm>>
        %dma_wait3A_270 = tpu.memref_squeeze %dma_wait3A_269 : memref<1x80x125xi32, #tpu.memory_space<hbm>> -> memref<80x125xi32, #tpu.memory_space<hbm>>
        %dma_wait3A_271 = arith.constant 0 : i32
        %dma_wait3A_272 = tpu.memref_slice %dma_wait3A_270[%mul3A_266, %dma_wait3A_271] : memref<80x125xi32, #tpu.memory_space<hbm>> -> memref<8x125xi32, #tpu.memory_space<hbm>>
        %dma_wait3A_273 = arith.constant 0 : i32
        %dma_wait3A_274 = arith.constant 0 : i32
        %dma_wait3A_275 = tpu.memref_slice %arg5[%arg1, %dma_wait3A_273, %dma_wait3A_274] : memref<16x80x125xi32, #tpu.memory_space<hbm>> -> memref<1x80x125xi32, #tpu.memory_space<hbm>>
        %dma_wait3A_276 = tpu.memref_squeeze %dma_wait3A_275 : memref<1x80x125xi32, #tpu.memory_space<hbm>> -> memref<80x125xi32, #tpu.memory_space<hbm>>
        %dma_wait3A_277 = arith.constant 0 : i32
        %dma_wait3A_278 = tpu.memref_slice %dma_wait3A_276[%mul3A_266, %dma_wait3A_277] : memref<80x125xi32, #tpu.memory_space<hbm>> -> memref<8x125xi32, #tpu.memory_space<hbm>>
        tpu.wait_dma2 semaphore(%arg15 : memref<!tpu.dma_semaphore, #tpu.memory_space<semaphore_mem>>) src(%dma_wait3A_278 : memref<8x125xi32, #tpu.memory_space<hbm>>) dst(%arg9 : memref<8x125xi32, #tpu.memory_space<vmem>>)
        %mul3A_279 = arith.constant 8 : i32
        %mul3A_280 = arith.muli %add3A_264, %mul3A_279 : i32
        %add3A_281 = arith.constant 0 : i32
        %add3A_282 = arith.addi %mul3A_280, %add3A_281 : i32
        %dma_wait3A_283 = arith.constant 0 : i32
        %dma_wait3A_284 = arith.constant 0 : i32
        %dma_wait3A_285 = tpu.memref_slice %arg10[%dma_wait3A_283, %dma_wait3A_284] : memref<128x128xf32, #tpu.memory_space<vmem>> -> memref<125x128xf32, #tpu.memory_space<vmem>>
        %dma_wait3A_286 = arith.constant 0 : i32
        %dma_wait3A_287 = tpu.memref_slice %arg7[%add3A_282, %dma_wait3A_286] : memref<80x125xi32, #tpu.memory_space<vmem>> -> memref<1x125xi32, #tpu.memory_space<vmem>>
        %dma_wait3A_288 = tpu.memref_squeeze %dma_wait3A_287 : memref<1x125xi32, #tpu.memory_space<vmem>> -> memref<125xi32, #tpu.memory_space<vmem>>
        %dma_wait3A_289 = arith.constant 0 : i32
        %dma_wait3A_290 = arith.constant 0 : i32
        %dma_wait3A_291 = tpu.memref_slice %arg2[%dma_wait3A_289, %dma_wait3A_290] : memref<10000x128xf32, #tpu.memory_space<hbm>> -> memref<10000x128xf32, #tpu.memory_space<hbm>>
        tpu.wait_indirect_dma semaphore(%arg12 : memref<!tpu.dma_semaphore, #tpu.memory_space<semaphore_mem>>) src(%dma_wait3A_291 : memref<10000x128xf32, #tpu.memory_space<hbm>>) dst(%dma_wait3A_285 : memref<125x128xf32, #tpu.memory_space<vmem>>)
        %run_scoped3A_292 = arith.constant 0 : i32
        "tpu.region"() ({
          %run_scoped3A_454 = tpu.sem_alloc : memref<!tpu.dma_semaphore, #tpu.memory_space<semaphore_mem>>
          %dma_start3A_455 = arith.constant 0 : i32
          %dma_start3A_456 = arith.constant 0 : i32
          %dma_start3A_457 = tpu.memref_slice %arg10[%dma_start3A_455, %dma_start3A_456] : memref<128x128xf32, #tpu.memory_space<vmem>> -> memref<125x128xf32, #tpu.memory_space<vmem>>
          %dma_start3A_458 = arith.constant 0 : i32
          %dma_start3A_459 = tpu.memref_slice %arg9[%run_scoped3A_292, %dma_start3A_458] : memref<8x125xi32, #tpu.memory_space<vmem>> -> memref<1x125xi32, #tpu.memory_space<vmem>>
          %dma_start3A_460 = tpu.memref_squeeze %dma_start3A_459 : memref<1x125xi32, #tpu.memory_space<vmem>> -> memref<125xi32, #tpu.memory_space<vmem>>
          %dma_start3A_461 = arith.constant 0 : i32
          %dma_start3A_462 = arith.constant 0 : i32
          %dma_start3A_463 = tpu.memref_slice %arg16[%dma_start3A_461, %dma_start3A_462] : memref<10240x128xf32, #tpu.memory_space<vmem_shared>> -> memref<10240x128xf32, #tpu.memory_space<vmem_shared>>
          tpu.enqueue_indirect_dma source(%dma_start3A_457 : memref<125x128xf32, #tpu.memory_space<vmem>>) target(%dma_start3A_463 : memref<10240x128xf32, #tpu.memory_space<vmem_shared>>) offsets(%dma_start3A_460 : memref<125xi32, #tpu.memory_space<vmem>>) semaphore(%run_scoped3A_454 : memref<!tpu.dma_semaphore, #tpu.memory_space<semaphore_mem>>) {add = true}
          %dma_wait3A_464 = arith.constant 0 : i32
          %dma_wait3A_465 = arith.constant 0 : i32
          %dma_wait3A_466 = tpu.memref_slice %arg10[%dma_wait3A_464, %dma_wait3A_465] : memref<128x128xf32, #tpu.memory_space<vmem>> -> memref<125x128xf32, #tpu.memory_space<vmem>>
          %dma_wait3A_467 = arith.constant 0 : i32
          %dma_wait3A_468 = tpu.memref_slice %arg9[%run_scoped3A_292, %dma_wait3A_467] : memref<8x125xi32, #tpu.memory_space<vmem>> -> memref<1x125xi32, #tpu.memory_space<vmem>>
          %dma_wait3A_469 = tpu.memref_squeeze %dma_wait3A_468 : memref<1x125xi32, #tpu.memory_space<vmem>> -> memref<125xi32, #tpu.memory_space<vmem>>
          %dma_wait3A_470 = arith.constant 0 : i32
          %dma_wait3A_471 = arith.constant 0 : i32
          %dma_wait3A_472 = tpu.memref_slice %arg16[%dma_wait3A_470, %dma_wait3A_471] : memref<10240x128xf32, #tpu.memory_space<vmem_shared>> -> memref<10240x128xf32, #tpu.memory_space<vmem_shared>>
          tpu.wait_indirect_dma semaphore(%run_scoped3A_454 : memref<!tpu.dma_semaphore, #tpu.memory_space<semaphore_mem>>) src(%dma_wait3A_466 : memref<125x128xf32, #tpu.memory_space<vmem>>) dst(%dma_wait3A_472 : memref<10240x128xf32, #tpu.memory_space<vmem_shared>>)
          tpu.yield
        }) : () -> ()
        %add3A_293 = arith.constant 2 : i32
        %add3A_294 = arith.addi %add3A_282, %add3A_293 : i32
        %lt3A_295 = arith.constant 80 : i32
        %lt3A_296 = arith.cmpi slt, %add3A_294, %lt3A_295 : i32
        %convert_element_type3A_297 = arith.extui %lt3A_296 : i1 to i32
        %cond3A_298 = arith.constant 0 : i32
        %cond3A_299 = arith.cmpi ne, %convert_element_type3A_297, %cond3A_298 : i32
        scf.if %cond3A_299 {
          %add3A_454 = arith.constant 2 : i32
          %add3A_455 = arith.addi %add3A_282, %add3A_454 : i32
          %dma_start3A_456 = arith.constant 0 : i32
          %dma_start3A_457 = arith.constant 0 : i32
          %dma_start3A_458 = tpu.memref_slice %arg10[%dma_start3A_456, %dma_start3A_457] : memref<128x128xf32, #tpu.memory_space<vmem>> -> memref<125x128xf32, #tpu.memory_space<vmem>>
          %dma_start3A_459 = arith.constant 0 : i32
          %dma_start3A_460 = tpu.memref_slice %arg7[%add3A_455, %dma_start3A_459] : memref<80x125xi32, #tpu.memory_space<vmem>> -> memref<1x125xi32, #tpu.memory_space<vmem>>
          %dma_start3A_461 = tpu.memref_squeeze %dma_start3A_460 : memref<1x125xi32, #tpu.memory_space<vmem>> -> memref<125xi32, #tpu.memory_space<vmem>>
          %dma_start3A_462 = arith.constant 0 : i32
          %dma_start3A_463 = arith.constant 0 : i32
          %dma_start3A_464 = tpu.memref_slice %arg2[%dma_start3A_462, %dma_start3A_463] : memref<10000x128xf32, #tpu.memory_space<hbm>> -> memref<10000x128xf32, #tpu.memory_space<hbm>>
          tpu.enqueue_indirect_dma source(%dma_start3A_464 : memref<10000x128xf32, #tpu.memory_space<hbm>>) target(%dma_start3A_458 : memref<125x128xf32, #tpu.memory_space<vmem>>) offsets(%dma_start3A_461 : memref<125xi32, #tpu.memory_space<vmem>>) semaphore(%arg12 : memref<!tpu.dma_semaphore, #tpu.memory_space<semaphore_mem>>)
        } else {
        }
        %mul3A_300 = arith.constant 8 : i32
        %mul3A_301 = arith.muli %add3A_264, %mul3A_300 : i32
        %add3A_302 = arith.constant 1 : i32
        %add3A_303 = arith.addi %mul3A_301, %add3A_302 : i32
        %dma_wait3A_304 = arith.constant 0 : i32
        %dma_wait3A_305 = arith.constant 0 : i32
        %dma_wait3A_306 = tpu.memref_slice %arg11[%dma_wait3A_304, %dma_wait3A_305] : memref<128x128xf32, #tpu.memory_space<vmem>> -> memref<125x128xf32, #tpu.memory_space<vmem>>
        %dma_wait3A_307 = arith.constant 0 : i32
        %dma_wait3A_308 = tpu.memref_slice %arg7[%add3A_303, %dma_wait3A_307] : memref<80x125xi32, #tpu.memory_space<vmem>> -> memref<1x125xi32, #tpu.memory_space<vmem>>
        %dma_wait3A_309 = tpu.memref_squeeze %dma_wait3A_308 : memref<1x125xi32, #tpu.memory_space<vmem>> -> memref<125xi32, #tpu.memory_space<vmem>>
        %dma_wait3A_310 = arith.constant 0 : i32
        %dma_wait3A_311 = arith.constant 0 : i32
        %dma_wait3A_312 = tpu.memref_slice %arg2[%dma_wait3A_310, %dma_wait3A_311] : memref<10000x128xf32, #tpu.memory_space<hbm>> -> memref<10000x128xf32, #tpu.memory_space<hbm>>
        tpu.wait_indirect_dma semaphore(%arg13 : memref<!tpu.dma_semaphore, #tpu.memory_space<semaphore_mem>>) src(%dma_wait3A_312 : memref<10000x128xf32, #tpu.memory_space<hbm>>) dst(%dma_wait3A_306 : memref<125x128xf32, #tpu.memory_space<vmem>>)
        %run_scoped3A_313 = arith.constant 1 : i32
        "tpu.region"() ({
          %run_scoped3A_454 = tpu.sem_alloc : memref<!tpu.dma_semaphore, #tpu.memory_space<semaphore_mem>>
          %dma_start3A_455 = arith.constant 0 : i32
          %dma_start3A_456 = arith.constant 0 : i32
          %dma_start3A_457 = tpu.memref_slice %arg11[%dma_start3A_455, %dma_start3A_456] : memref<128x128xf32, #tpu.memory_space<vmem>> -> memref<125x128xf32, #tpu.memory_space<vmem>>
          %dma_start3A_458 = arith.constant 0 : i32
          %dma_start3A_459 = tpu.memref_slice %arg9[%run_scoped3A_313, %dma_start3A_458] : memref<8x125xi32, #tpu.memory_space<vmem>> -> memref<1x125xi32, #tpu.memory_space<vmem>>
          %dma_start3A_460 = tpu.memref_squeeze %dma_start3A_459 : memref<1x125xi32, #tpu.memory_space<vmem>> -> memref<125xi32, #tpu.memory_space<vmem>>
          %dma_start3A_461 = arith.constant 0 : i32
          %dma_start3A_462 = arith.constant 0 : i32
          %dma_start3A_463 = tpu.memref_slice %arg16[%dma_start3A_461, %dma_start3A_462] : memref<10240x128xf32, #tpu.memory_space<vmem_shared>> -> memref<10240x128xf32, #tpu.memory_space<vmem_shared>>
          tpu.enqueue_indirect_dma source(%dma_start3A_457 : memref<125x128xf32, #tpu.memory_space<vmem>>) target(%dma_start3A_463 : memref<10240x128xf32, #tpu.memory_space<vmem_shared>>) offsets(%dma_start3A_460 : memref<125xi32, #tpu.memory_space<vmem>>) semaphore(%run_scoped3A_454 : memref<!tpu.dma_semaphore, #tpu.memory_space<semaphore_mem>>) {add = true}
          %dma_wait3A_464 = arith.constant 0 : i32
          %dma_wait3A_465 = arith.constant 0 : i32
          %dma_wait3A_466 = tpu.memref_slice %arg11[%dma_wait3A_464, %dma_wait3A_465] : memref<128x128xf32, #tpu.memory_space<vmem>> -> memref<125x128xf32, #tpu.memory_space<vmem>>
          %dma_wait3A_467 = arith.constant 0 : i32
          %dma_wait3A_468 = tpu.memref_slice %arg9[%run_scoped3A_313, %dma_wait3A_467] : memref<8x125xi32, #tpu.memory_space<vmem>> -> memref<1x125xi32, #tpu.memory_space<vmem>>
          %dma_wait3A_469 = tpu.memref_squeeze %dma_wait3A_468 : memref<1x125xi32, #tpu.memory_space<vmem>> -> memref<125xi32, #tpu.memory_space<vmem>>
          %dma_wait3A_470 = arith.constant 0 : i32
          %dma_wait3A_471 = arith.constant 0 : i32
          %dma_wait3A_472 = tpu.memref_slice %arg16[%dma_wait3A_470, %dma_wait3A_471] : memref<10240x128xf32, #tpu.memory_space<vmem_shared>> -> memref<10240x128xf32, #tpu.memory_space<vmem_shared>>
          tpu.wait_indirect_dma semaphore(%run_scoped3A_454 : memref<!tpu.dma_semaphore, #tpu.memory_space<semaphore_mem>>) src(%dma_wait3A_466 : memref<125x128xf32, #tpu.memory_space<vmem>>) dst(%dma_wait3A_472 : memref<10240x128xf32, #tpu.memory_space<vmem_shared>>)
          tpu.yield
        }) : () -> ()
        %add3A_314 = arith.constant 2 : i32
        %add3A_315 = arith.addi %add3A_303, %add3A_314 : i32
        %lt3A_316 = arith.constant 80 : i32
        %lt3A_317 = arith.cmpi slt, %add3A_315, %lt3A_316 : i32
        %convert_element_type3A_318 = arith.extui %lt3A_317 : i1 to i32
        %cond3A_319 = arith.constant 0 : i32
        %cond3A_320 = arith.cmpi ne, %convert_element_type3A_318, %cond3A_319 : i32
        scf.if %cond3A_320 {
          %add3A_454 = arith.constant 2 : i32
          %add3A_455 = arith.addi %add3A_303, %add3A_454 : i32
          %dma_start3A_456 = arith.constant 0 : i32
          %dma_start3A_457 = arith.constant 0 : i32
          %dma_start3A_458 = tpu.memref_slice %arg11[%dma_start3A_456, %dma_start3A_457] : memref<128x128xf32, #tpu.memory_space<vmem>> -> memref<125x128xf32, #tpu.memory_space<vmem>>
          %dma_start3A_459 = arith.constant 0 : i32
          %dma_start3A_460 = tpu.memref_slice %arg7[%add3A_455, %dma_start3A_459] : memref<80x125xi32, #tpu.memory_space<vmem>> -> memref<1x125xi32, #tpu.memory_space<vmem>>
          %dma_start3A_461 = tpu.memref_squeeze %dma_start3A_460 : memref<1x125xi32, #tpu.memory_space<vmem>> -> memref<125xi32, #tpu.memory_space<vmem>>
          %dma_start3A_462 = arith.constant 0 : i32
          %dma_start3A_463 = arith.constant 0 : i32
          %dma_start3A_464 = tpu.memref_slice %arg2[%dma_start3A_462, %dma_start3A_463] : memref<10000x128xf32, #tpu.memory_space<hbm>> -> memref<10000x128xf32, #tpu.memory_space<hbm>>
          tpu.enqueue_indirect_dma source(%dma_start3A_464 : memref<10000x128xf32, #tpu.memory_space<hbm>>) target(%dma_start3A_458 : memref<125x128xf32, #tpu.memory_space<vmem>>) offsets(%dma_start3A_461 : memref<125xi32, #tpu.memory_space<vmem>>) semaphore(%arg13 : memref<!tpu.dma_semaphore, #tpu.memory_space<semaphore_mem>>)
        } else {
        }
        %mul3A_321 = arith.constant 8 : i32
        %mul3A_322 = arith.muli %add3A_264, %mul3A_321 : i32
        %add3A_323 = arith.constant 2 : i32
        %add3A_324 = arith.addi %mul3A_322, %add3A_323 : i32
        %dma_wait3A_325 = arith.constant 0 : i32
        %dma_wait3A_326 = arith.constant 0 : i32
        %dma_wait3A_327 = tpu.memref_slice %arg10[%dma_wait3A_325, %dma_wait3A_326] : memref<128x128xf32, #tpu.memory_space<vmem>> -> memref<125x128xf32, #tpu.memory_space<vmem>>
        %dma_wait3A_328 = arith.constant 0 : i32
        %dma_wait3A_329 = tpu.memref_slice %arg7[%add3A_324, %dma_wait3A_328] : memref<80x125xi32, #tpu.memory_space<vmem>> -> memref<1x125xi32, #tpu.memory_space<vmem>>
        %dma_wait3A_330 = tpu.memref_squeeze %dma_wait3A_329 : memref<1x125xi32, #tpu.memory_space<vmem>> -> memref<125xi32, #tpu.memory_space<vmem>>
        %dma_wait3A_331 = arith.constant 0 : i32
        %dma_wait3A_332 = arith.constant 0 : i32
        %dma_wait3A_333 = tpu.memref_slice %arg2[%dma_wait3A_331, %dma_wait3A_332] : memref<10000x128xf32, #tpu.memory_space<hbm>> -> memref<10000x128xf32, #tpu.memory_space<hbm>>
        tpu.wait_indirect_dma semaphore(%arg12 : memref<!tpu.dma_semaphore, #tpu.memory_space<semaphore_mem>>) src(%dma_wait3A_333 : memref<10000x128xf32, #tpu.memory_space<hbm>>) dst(%dma_wait3A_327 : memref<125x128xf32, #tpu.memory_space<vmem>>)
        %run_scoped3A_334 = arith.constant 2 : i32
        "tpu.region"() ({
          %run_scoped3A_454 = tpu.sem_alloc : memref<!tpu.dma_semaphore, #tpu.memory_space<semaphore_mem>>
          %dma_start3A_455 = arith.constant 0 : i32
          %dma_start3A_456 = arith.constant 0 : i32
          %dma_start3A_457 = tpu.memref_slice %arg10[%dma_start3A_455, %dma_start3A_456] : memref<128x128xf32, #tpu.memory_space<vmem>> -> memref<125x128xf32, #tpu.memory_space<vmem>>
          %dma_start3A_458 = arith.constant 0 : i32
          %dma_start3A_459 = tpu.memref_slice %arg9[%run_scoped3A_334, %dma_start3A_458] : memref<8x125xi32, #tpu.memory_space<vmem>> -> memref<1x125xi32, #tpu.memory_space<vmem>>
          %dma_start3A_460 = tpu.memref_squeeze %dma_start3A_459 : memref<1x125xi32, #tpu.memory_space<vmem>> -> memref<125xi32, #tpu.memory_space<vmem>>
          %dma_start3A_461 = arith.constant 0 : i32
          %dma_start3A_462 = arith.constant 0 : i32
          %dma_start3A_463 = tpu.memref_slice %arg16[%dma_start3A_461, %dma_start3A_462] : memref<10240x128xf32, #tpu.memory_space<vmem_shared>> -> memref<10240x128xf32, #tpu.memory_space<vmem_shared>>
          tpu.enqueue_indirect_dma source(%dma_start3A_457 : memref<125x128xf32, #tpu.memory_space<vmem>>) target(%dma_start3A_463 : memref<10240x128xf32, #tpu.memory_space<vmem_shared>>) offsets(%dma_start3A_460 : memref<125xi32, #tpu.memory_space<vmem>>) semaphore(%run_scoped3A_454 : memref<!tpu.dma_semaphore, #tpu.memory_space<semaphore_mem>>) {add = true}
          %dma_wait3A_464 = arith.constant 0 : i32
          %dma_wait3A_465 = arith.constant 0 : i32
          %dma_wait3A_466 = tpu.memref_slice %arg10[%dma_wait3A_464, %dma_wait3A_465] : memref<128x128xf32, #tpu.memory_space<vmem>> -> memref<125x128xf32, #tpu.memory_space<vmem>>
          %dma_wait3A_467 = arith.constant 0 : i32
          %dma_wait3A_468 = tpu.memref_slice %arg9[%run_scoped3A_334, %dma_wait3A_467] : memref<8x125xi32, #tpu.memory_space<vmem>> -> memref<1x125xi32, #tpu.memory_space<vmem>>
          %dma_wait3A_469 = tpu.memref_squeeze %dma_wait3A_468 : memref<1x125xi32, #tpu.memory_space<vmem>> -> memref<125xi32, #tpu.memory_space<vmem>>
          %dma_wait3A_470 = arith.constant 0 : i32
          %dma_wait3A_471 = arith.constant 0 : i32
          %dma_wait3A_472 = tpu.memref_slice %arg16[%dma_wait3A_470, %dma_wait3A_471] : memref<10240x128xf32, #tpu.memory_space<vmem_shared>> -> memref<10240x128xf32, #tpu.memory_space<vmem_shared>>
          tpu.wait_indirect_dma semaphore(%run_scoped3A_454 : memref<!tpu.dma_semaphore, #tpu.memory_space<semaphore_mem>>) src(%dma_wait3A_466 : memref<125x128xf32, #tpu.memory_space<vmem>>) dst(%dma_wait3A_472 : memref<10240x128xf32, #tpu.memory_space<vmem_shared>>)
          tpu.yield
        }) : () -> ()
        %add3A_335 = arith.constant 2 : i32
        %add3A_336 = arith.addi %add3A_324, %add3A_335 : i32
        %lt3A_337 = arith.constant 80 : i32
        %lt3A_338 = arith.cmpi slt, %add3A_336, %lt3A_337 : i32
        %convert_element_type3A_339 = arith.extui %lt3A_338 : i1 to i32
        %cond3A_340 = arith.constant 0 : i32
        %cond3A_341 = arith.cmpi ne, %convert_element_type3A_339, %cond3A_340 : i32
        scf.if %cond3A_341 {
          %add3A_454 = arith.constant 2 : i32
          %add3A_455 = arith.addi %add3A_324, %add3A_454 : i32
          %dma_start3A_456 = arith.constant 0 : i32
          %dma_start3A_457 = arith.constant 0 : i32
          %dma_start3A_458 = tpu.memref_slice %arg10[%dma_start3A_456, %dma_start3A_457] : memref<128x128xf32, #tpu.memory_space<vmem>> -> memref<125x128xf32, #tpu.memory_space<vmem>>
          %dma_start3A_459 = arith.constant 0 : i32
          %dma_start3A_460 = tpu.memref_slice %arg7[%add3A_455, %dma_start3A_459] : memref<80x125xi32, #tpu.memory_space<vmem>> -> memref<1x125xi32, #tpu.memory_space<vmem>>
          %dma_start3A_461 = tpu.memref_squeeze %dma_start3A_460 : memref<1x125xi32, #tpu.memory_space<vmem>> -> memref<125xi32, #tpu.memory_space<vmem>>
          %dma_start3A_462 = arith.constant 0 : i32
          %dma_start3A_463 = arith.constant 0 : i32
          %dma_start3A_464 = tpu.memref_slice %arg2[%dma_start3A_462, %dma_start3A_463] : memref<10000x128xf32, #tpu.memory_space<hbm>> -> memref<10000x128xf32, #tpu.memory_space<hbm>>
          tpu.enqueue_indirect_dma source(%dma_start3A_464 : memref<10000x128xf32, #tpu.memory_space<hbm>>) target(%dma_start3A_458 : memref<125x128xf32, #tpu.memory_space<vmem>>) offsets(%dma_start3A_461 : memref<125xi32, #tpu.memory_space<vmem>>) semaphore(%arg12 : memref<!tpu.dma_semaphore, #tpu.memory_space<semaphore_mem>>)
        } else {
        }
        %mul3A_342 = arith.constant 8 : i32
        %mul3A_343 = arith.muli %add3A_264, %mul3A_342 : i32
        %add3A_344 = arith.constant 3 : i32
        %add3A_345 = arith.addi %mul3A_343, %add3A_344 : i32
        %dma_wait3A_346 = arith.constant 0 : i32
        %dma_wait3A_347 = arith.constant 0 : i32
        %dma_wait3A_348 = tpu.memref_slice %arg11[%dma_wait3A_346, %dma_wait3A_347] : memref<128x128xf32, #tpu.memory_space<vmem>> -> memref<125x128xf32, #tpu.memory_space<vmem>>
        %dma_wait3A_349 = arith.constant 0 : i32
        %dma_wait3A_350 = tpu.memref_slice %arg7[%add3A_345, %dma_wait3A_349] : memref<80x125xi32, #tpu.memory_space<vmem>> -> memref<1x125xi32, #tpu.memory_space<vmem>>
        %dma_wait3A_351 = tpu.memref_squeeze %dma_wait3A_350 : memref<1x125xi32, #tpu.memory_space<vmem>> -> memref<125xi32, #tpu.memory_space<vmem>>
        %dma_wait3A_352 = arith.constant 0 : i32
        %dma_wait3A_353 = arith.constant 0 : i32
        %dma_wait3A_354 = tpu.memref_slice %arg2[%dma_wait3A_352, %dma_wait3A_353] : memref<10000x128xf32, #tpu.memory_space<hbm>> -> memref<10000x128xf32, #tpu.memory_space<hbm>>
        tpu.wait_indirect_dma semaphore(%arg13 : memref<!tpu.dma_semaphore, #tpu.memory_space<semaphore_mem>>) src(%dma_wait3A_354 : memref<10000x128xf32, #tpu.memory_space<hbm>>) dst(%dma_wait3A_348 : memref<125x128xf32, #tpu.memory_space<vmem>>)
        %run_scoped3A_355 = arith.constant 3 : i32
        "tpu.region"() ({
          %run_scoped3A_454 = tpu.sem_alloc : memref<!tpu.dma_semaphore, #tpu.memory_space<semaphore_mem>>
          %dma_start3A_455 = arith.constant 0 : i32
          %dma_start3A_456 = arith.constant 0 : i32
          %dma_start3A_457 = tpu.memref_slice %arg11[%dma_start3A_455, %dma_start3A_456] : memref<128x128xf32, #tpu.memory_space<vmem>> -> memref<125x128xf32, #tpu.memory_space<vmem>>
          %dma_start3A_458 = arith.constant 0 : i32
          %dma_start3A_459 = tpu.memref_slice %arg9[%run_scoped3A_355, %dma_start3A_458] : memref<8x125xi32, #tpu.memory_space<vmem>> -> memref<1x125xi32, #tpu.memory_space<vmem>>
          %dma_start3A_460 = tpu.memref_squeeze %dma_start3A_459 : memref<1x125xi32, #tpu.memory_space<vmem>> -> memref<125xi32, #tpu.memory_space<vmem>>
          %dma_start3A_461 = arith.constant 0 : i32
          %dma_start3A_462 = arith.constant 0 : i32
          %dma_start3A_463 = tpu.memref_slice %arg16[%dma_start3A_461, %dma_start3A_462] : memref<10240x128xf32, #tpu.memory_space<vmem_shared>> -> memref<10240x128xf32, #tpu.memory_space<vmem_shared>>
          tpu.enqueue_indirect_dma source(%dma_start3A_457 : memref<125x128xf32, #tpu.memory_space<vmem>>) target(%dma_start3A_463 : memref<10240x128xf32, #tpu.memory_space<vmem_shared>>) offsets(%dma_start3A_460 : memref<125xi32, #tpu.memory_space<vmem>>) semaphore(%run_scoped3A_454 : memref<!tpu.dma_semaphore, #tpu.memory_space<semaphore_mem>>) {add = true}
          %dma_wait3A_464 = arith.constant 0 : i32
          %dma_wait3A_465 = arith.constant 0 : i32
          %dma_wait3A_466 = tpu.memref_slice %arg11[%dma_wait3A_464, %dma_wait3A_465] : memref<128x128xf32, #tpu.memory_space<vmem>> -> memref<125x128xf32, #tpu.memory_space<vmem>>
          %dma_wait3A_467 = arith.constant 0 : i32
          %dma_wait3A_468 = tpu.memref_slice %arg9[%run_scoped3A_355, %dma_wait3A_467] : memref<8x125xi32, #tpu.memory_space<vmem>> -> memref<1x125xi32, #tpu.memory_space<vmem>>
          %dma_wait3A_469 = tpu.memref_squeeze %dma_wait3A_468 : memref<1x125xi32, #tpu.memory_space<vmem>> -> memref<125xi32, #tpu.memory_space<vmem>>
          %dma_wait3A_470 = arith.constant 0 : i32
          %dma_wait3A_471 = arith.constant 0 : i32
          %dma_wait3A_472 = tpu.memref_slice %arg16[%dma_wait3A_470, %dma_wait3A_471] : memref<10240x128xf32, #tpu.memory_space<vmem_shared>> -> memref<10240x128xf32, #tpu.memory_space<vmem_shared>>
          tpu.wait_indirect_dma semaphore(%run_scoped3A_454 : memref<!tpu.dma_semaphore, #tpu.memory_space<semaphore_mem>>) src(%dma_wait3A_466 : memref<125x128xf32, #tpu.memory_space<vmem>>) dst(%dma_wait3A_472 : memref<10240x128xf32, #tpu.memory_space<vmem_shared>>)
          tpu.yield
        }) : () -> ()
        %add3A_356 = arith.constant 2 : i32
        %add3A_357 = arith.addi %add3A_345, %add3A_356 : i32
        %lt3A_358 = arith.constant 80 : i32
        %lt3A_359 = arith.cmpi slt, %add3A_357, %lt3A_358 : i32
        %convert_element_type3A_360 = arith.extui %lt3A_359 : i1 to i32
        %cond3A_361 = arith.constant 0 : i32
        %cond3A_362 = arith.cmpi ne, %convert_element_type3A_360, %cond3A_361 : i32
        scf.if %cond3A_362 {
          %add3A_454 = arith.constant 2 : i32
          %add3A_455 = arith.addi %add3A_345, %add3A_454 : i32
          %dma_start3A_456 = arith.constant 0 : i32
          %dma_start3A_457 = arith.constant 0 : i32
          %dma_start3A_458 = tpu.memref_slice %arg11[%dma_start3A_456, %dma_start3A_457] : memref<128x128xf32, #tpu.memory_space<vmem>> -> memref<125x128xf32, #tpu.memory_space<vmem>>
          %dma_start3A_459 = arith.constant 0 : i32
          %dma_start3A_460 = tpu.memref_slice %arg7[%add3A_455, %dma_start3A_459] : memref<80x125xi32, #tpu.memory_space<vmem>> -> memref<1x125xi32, #tpu.memory_space<vmem>>
          %dma_start3A_461 = tpu.memref_squeeze %dma_start3A_460 : memref<1x125xi32, #tpu.memory_space<vmem>> -> memref<125xi32, #tpu.memory_space<vmem>>
          %dma_start3A_462 = arith.constant 0 : i32
          %dma_start3A_463 = arith.constant 0 : i32
          %dma_start3A_464 = tpu.memref_slice %arg2[%dma_start3A_462, %dma_start3A_463] : memref<10000x128xf32, #tpu.memory_space<hbm>> -> memref<10000x128xf32, #tpu.memory_space<hbm>>
          tpu.enqueue_indirect_dma source(%dma_start3A_464 : memref<10000x128xf32, #tpu.memory_space<hbm>>) target(%dma_start3A_458 : memref<125x128xf32, #tpu.memory_space<vmem>>) offsets(%dma_start3A_461 : memref<125xi32, #tpu.memory_space<vmem>>) semaphore(%arg13 : memref<!tpu.dma_semaphore, #tpu.memory_space<semaphore_mem>>)
        } else {
        }
        %mul3A_363 = arith.constant 8 : i32
        %mul3A_364 = arith.muli %add3A_264, %mul3A_363 : i32
        %add3A_365 = arith.constant 4 : i32
        %add3A_366 = arith.addi %mul3A_364, %add3A_365 : i32
        %dma_wait3A_367 = arith.constant 0 : i32
        %dma_wait3A_368 = arith.constant 0 : i32
        %dma_wait3A_369 = tpu.memref_slice %arg10[%dma_wait3A_367, %dma_wait3A_368] : memref<128x128xf32, #tpu.memory_space<vmem>> -> memref<125x128xf32, #tpu.memory_space<vmem>>
        %dma_wait3A_370 = arith.constant 0 : i32
        %dma_wait3A_371 = tpu.memref_slice %arg7[%add3A_366, %dma_wait3A_370] : memref<80x125xi32, #tpu.memory_space<vmem>> -> memref<1x125xi32, #tpu.memory_space<vmem>>
        %dma_wait3A_372 = tpu.memref_squeeze %dma_wait3A_371 : memref<1x125xi32, #tpu.memory_space<vmem>> -> memref<125xi32, #tpu.memory_space<vmem>>
        %dma_wait3A_373 = arith.constant 0 : i32
        %dma_wait3A_374 = arith.constant 0 : i32
        %dma_wait3A_375 = tpu.memref_slice %arg2[%dma_wait3A_373, %dma_wait3A_374] : memref<10000x128xf32, #tpu.memory_space<hbm>> -> memref<10000x128xf32, #tpu.memory_space<hbm>>
        tpu.wait_indirect_dma semaphore(%arg12 : memref<!tpu.dma_semaphore, #tpu.memory_space<semaphore_mem>>) src(%dma_wait3A_375 : memref<10000x128xf32, #tpu.memory_space<hbm>>) dst(%dma_wait3A_369 : memref<125x128xf32, #tpu.memory_space<vmem>>)
        %run_scoped3A_376 = arith.constant 4 : i32
        "tpu.region"() ({
          %run_scoped3A_454 = tpu.sem_alloc : memref<!tpu.dma_semaphore, #tpu.memory_space<semaphore_mem>>
          %dma_start3A_455 = arith.constant 0 : i32
          %dma_start3A_456 = arith.constant 0 : i32
          %dma_start3A_457 = tpu.memref_slice %arg10[%dma_start3A_455, %dma_start3A_456] : memref<128x128xf32, #tpu.memory_space<vmem>> -> memref<125x128xf32, #tpu.memory_space<vmem>>
          %dma_start3A_458 = arith.constant 0 : i32
          %dma_start3A_459 = tpu.memref_slice %arg9[%run_scoped3A_376, %dma_start3A_458] : memref<8x125xi32, #tpu.memory_space<vmem>> -> memref<1x125xi32, #tpu.memory_space<vmem>>
          %dma_start3A_460 = tpu.memref_squeeze %dma_start3A_459 : memref<1x125xi32, #tpu.memory_space<vmem>> -> memref<125xi32, #tpu.memory_space<vmem>>
          %dma_start3A_461 = arith.constant 0 : i32
          %dma_start3A_462 = arith.constant 0 : i32
          %dma_start3A_463 = tpu.memref_slice %arg16[%dma_start3A_461, %dma_start3A_462] : memref<10240x128xf32, #tpu.memory_space<vmem_shared>> -> memref<10240x128xf32, #tpu.memory_space<vmem_shared>>
          tpu.enqueue_indirect_dma source(%dma_start3A_457 : memref<125x128xf32, #tpu.memory_space<vmem>>) target(%dma_start3A_463 : memref<10240x128xf32, #tpu.memory_space<vmem_shared>>) offsets(%dma_start3A_460 : memref<125xi32, #tpu.memory_space<vmem>>) semaphore(%run_scoped3A_454 : memref<!tpu.dma_semaphore, #tpu.memory_space<semaphore_mem>>) {add = true}
          %dma_wait3A_464 = arith.constant 0 : i32
          %dma_wait3A_465 = arith.constant 0 : i32
          %dma_wait3A_466 = tpu.memref_slice %arg10[%dma_wait3A_464, %dma_wait3A_465] : memref<128x128xf32, #tpu.memory_space<vmem>> -> memref<125x128xf32, #tpu.memory_space<vmem>>
          %dma_wait3A_467 = arith.constant 0 : i32
          %dma_wait3A_468 = tpu.memref_slice %arg9[%run_scoped3A_376, %dma_wait3A_467] : memref<8x125xi32, #tpu.memory_space<vmem>> -> memref<1x125xi32, #tpu.memory_space<vmem>>
          %dma_wait3A_469 = tpu.memref_squeeze %dma_wait3A_468 : memref<1x125xi32, #tpu.memory_space<vmem>> -> memref<125xi32, #tpu.memory_space<vmem>>
          %dma_wait3A_470 = arith.constant 0 : i32
          %dma_wait3A_471 = arith.constant 0 : i32
          %dma_wait3A_472 = tpu.memref_slice %arg16[%dma_wait3A_470, %dma_wait3A_471] : memref<10240x128xf32, #tpu.memory_space<vmem_shared>> -> memref<10240x128xf32, #tpu.memory_space<vmem_shared>>
          tpu.wait_indirect_dma semaphore(%run_scoped3A_454 : memref<!tpu.dma_semaphore, #tpu.memory_space<semaphore_mem>>) src(%dma_wait3A_466 : memref<125x128xf32, #tpu.memory_space<vmem>>) dst(%dma_wait3A_472 : memref<10240x128xf32, #tpu.memory_space<vmem_shared>>)
          tpu.yield
        }) : () -> ()
        %add3A_377 = arith.constant 2 : i32
        %add3A_378 = arith.addi %add3A_366, %add3A_377 : i32
        %lt3A_379 = arith.constant 80 : i32
        %lt3A_380 = arith.cmpi slt, %add3A_378, %lt3A_379 : i32
        %convert_element_type3A_381 = arith.extui %lt3A_380 : i1 to i32
        %cond3A_382 = arith.constant 0 : i32
        %cond3A_383 = arith.cmpi ne, %convert_element_type3A_381, %cond3A_382 : i32
        scf.if %cond3A_383 {
          %add3A_454 = arith.constant 2 : i32
          %add3A_455 = arith.addi %add3A_366, %add3A_454 : i32
          %dma_start3A_456 = arith.constant 0 : i32
          %dma_start3A_457 = arith.constant 0 : i32
          %dma_start3A_458 = tpu.memref_slice %arg10[%dma_start3A_456, %dma_start3A_457] : memref<128x128xf32, #tpu.memory_space<vmem>> -> memref<125x128xf32, #tpu.memory_space<vmem>>
          %dma_start3A_459 = arith.constant 0 : i32
          %dma_start3A_460 = tpu.memref_slice %arg7[%add3A_455, %dma_start3A_459] : memref<80x125xi32, #tpu.memory_space<vmem>> -> memref<1x125xi32, #tpu.memory_space<vmem>>
          %dma_start3A_461 = tpu.memref_squeeze %dma_start3A_460 : memref<1x125xi32, #tpu.memory_space<vmem>> -> memref<125xi32, #tpu.memory_space<vmem>>
          %dma_start3A_462 = arith.constant 0 : i32
          %dma_start3A_463 = arith.constant 0 : i32
          %dma_start3A_464 = tpu.memref_slice %arg2[%dma_start3A_462, %dma_start3A_463] : memref<10000x128xf32, #tpu.memory_space<hbm>> -> memref<10000x128xf32, #tpu.memory_space<hbm>>
          tpu.enqueue_indirect_dma source(%dma_start3A_464 : memref<10000x128xf32, #tpu.memory_space<hbm>>) target(%dma_start3A_458 : memref<125x128xf32, #tpu.memory_space<vmem>>) offsets(%dma_start3A_461 : memref<125xi32, #tpu.memory_space<vmem>>) semaphore(%arg12 : memref<!tpu.dma_semaphore, #tpu.memory_space<semaphore_mem>>)
        } else {
        }
        %mul3A_384 = arith.constant 8 : i32
        %mul3A_385 = arith.muli %add3A_264, %mul3A_384 : i32
        %add3A_386 = arith.constant 5 : i32
        %add3A_387 = arith.addi %mul3A_385, %add3A_386 : i32
        %dma_wait3A_388 = arith.constant 0 : i32
        %dma_wait3A_389 = arith.constant 0 : i32
        %dma_wait3A_390 = tpu.memref_slice %arg11[%dma_wait3A_388, %dma_wait3A_389] : memref<128x128xf32, #tpu.memory_space<vmem>> -> memref<125x128xf32, #tpu.memory_space<vmem>>
        %dma_wait3A_391 = arith.constant 0 : i32
        %dma_wait3A_392 = tpu.memref_slice %arg7[%add3A_387, %dma_wait3A_391] : memref<80x125xi32, #tpu.memory_space<vmem>> -> memref<1x125xi32, #tpu.memory_space<vmem>>
        %dma_wait3A_393 = tpu.memref_squeeze %dma_wait3A_392 : memref<1x125xi32, #tpu.memory_space<vmem>> -> memref<125xi32, #tpu.memory_space<vmem>>
        %dma_wait3A_394 = arith.constant 0 : i32
        %dma_wait3A_395 = arith.constant 0 : i32
        %dma_wait3A_396 = tpu.memref_slice %arg2[%dma_wait3A_394, %dma_wait3A_395] : memref<10000x128xf32, #tpu.memory_space<hbm>> -> memref<10000x128xf32, #tpu.memory_space<hbm>>
        tpu.wait_indirect_dma semaphore(%arg13 : memref<!tpu.dma_semaphore, #tpu.memory_space<semaphore_mem>>) src(%dma_wait3A_396 : memref<10000x128xf32, #tpu.memory_space<hbm>>) dst(%dma_wait3A_390 : memref<125x128xf32, #tpu.memory_space<vmem>>)
        %run_scoped3A_397 = arith.constant 5 : i32
        "tpu.region"() ({
          %run_scoped3A_454 = tpu.sem_alloc : memref<!tpu.dma_semaphore, #tpu.memory_space<semaphore_mem>>
          %dma_start3A_455 = arith.constant 0 : i32
          %dma_start3A_456 = arith.constant 0 : i32
          %dma_start3A_457 = tpu.memref_slice %arg11[%dma_start3A_455, %dma_start3A_456] : memref<128x128xf32, #tpu.memory_space<vmem>> -> memref<125x128xf32, #tpu.memory_space<vmem>>
          %dma_start3A_458 = arith.constant 0 : i32
          %dma_start3A_459 = tpu.memref_slice %arg9[%run_scoped3A_397, %dma_start3A_458] : memref<8x125xi32, #tpu.memory_space<vmem>> -> memref<1x125xi32, #tpu.memory_space<vmem>>
          %dma_start3A_460 = tpu.memref_squeeze %dma_start3A_459 : memref<1x125xi32, #tpu.memory_space<vmem>> -> memref<125xi32, #tpu.memory_space<vmem>>
          %dma_start3A_461 = arith.constant 0 : i32
          %dma_start3A_462 = arith.constant 0 : i32
          %dma_start3A_463 = tpu.memref_slice %arg16[%dma_start3A_461, %dma_start3A_462] : memref<10240x128xf32, #tpu.memory_space<vmem_shared>> -> memref<10240x128xf32, #tpu.memory_space<vmem_shared>>
          tpu.enqueue_indirect_dma source(%dma_start3A_457 : memref<125x128xf32, #tpu.memory_space<vmem>>) target(%dma_start3A_463 : memref<10240x128xf32, #tpu.memory_space<vmem_shared>>) offsets(%dma_start3A_460 : memref<125xi32, #tpu.memory_space<vmem>>) semaphore(%run_scoped3A_454 : memref<!tpu.dma_semaphore, #tpu.memory_space<semaphore_mem>>) {add = true}
          %dma_wait3A_464 = arith.constant 0 : i32
          %dma_wait3A_465 = arith.constant 0 : i32
          %dma_wait3A_466 = tpu.memref_slice %arg11[%dma_wait3A_464, %dma_wait3A_465] : memref<128x128xf32, #tpu.memory_space<vmem>> -> memref<125x128xf32, #tpu.memory_space<vmem>>
          %dma_wait3A_467 = arith.constant 0 : i32
          %dma_wait3A_468 = tpu.memref_slice %arg9[%run_scoped3A_397, %dma_wait3A_467] : memref<8x125xi32, #tpu.memory_space<vmem>> -> memref<1x125xi32, #tpu.memory_space<vmem>>
          %dma_wait3A_469 = tpu.memref_squeeze %dma_wait3A_468 : memref<1x125xi32, #tpu.memory_space<vmem>> -> memref<125xi32, #tpu.memory_space<vmem>>
          %dma_wait3A_470 = arith.constant 0 : i32
          %dma_wait3A_471 = arith.constant 0 : i32
          %dma_wait3A_472 = tpu.memref_slice %arg16[%dma_wait3A_470, %dma_wait3A_471] : memref<10240x128xf32, #tpu.memory_space<vmem_shared>> -> memref<10240x128xf32, #tpu.memory_space<vmem_shared>>
          tpu.wait_indirect_dma semaphore(%run_scoped3A_454 : memref<!tpu.dma_semaphore, #tpu.memory_space<semaphore_mem>>) src(%dma_wait3A_466 : memref<125x128xf32, #tpu.memory_space<vmem>>) dst(%dma_wait3A_472 : memref<10240x128xf32, #tpu.memory_space<vmem_shared>>)
          tpu.yield
        }) : () -> ()
        %add3A_398 = arith.constant 2 : i32
        %add3A_399 = arith.addi %add3A_387, %add3A_398 : i32
        %lt3A_400 = arith.constant 80 : i32
        %lt3A_401 = arith.cmpi slt, %add3A_399, %lt3A_400 : i32
        %convert_element_type3A_402 = arith.extui %lt3A_401 : i1 to i32
        %cond3A_403 = arith.constant 0 : i32
        %cond3A_404 = arith.cmpi ne, %convert_element_type3A_402, %cond3A_403 : i32
        scf.if %cond3A_404 {
          %add3A_454 = arith.constant 2 : i32
          %add3A_455 = arith.addi %add3A_387, %add3A_454 : i32
          %dma_start3A_456 = arith.constant 0 : i32
          %dma_start3A_457 = arith.constant 0 : i32
          %dma_start3A_458 = tpu.memref_slice %arg11[%dma_start3A_456, %dma_start3A_457] : memref<128x128xf32, #tpu.memory_space<vmem>> -> memref<125x128xf32, #tpu.memory_space<vmem>>
          %dma_start3A_459 = arith.constant 0 : i32
          %dma_start3A_460 = tpu.memref_slice %arg7[%add3A_455, %dma_start3A_459] : memref<80x125xi32, #tpu.memory_space<vmem>> -> memref<1x125xi32, #tpu.memory_space<vmem>>
          %dma_start3A_461 = tpu.memref_squeeze %dma_start3A_460 : memref<1x125xi32, #tpu.memory_space<vmem>> -> memref<125xi32, #tpu.memory_space<vmem>>
          %dma_start3A_462 = arith.constant 0 : i32
          %dma_start3A_463 = arith.constant 0 : i32
          %dma_start3A_464 = tpu.memref_slice %arg2[%dma_start3A_462, %dma_start3A_463] : memref<10000x128xf32, #tpu.memory_space<hbm>> -> memref<10000x128xf32, #tpu.memory_space<hbm>>
          tpu.enqueue_indirect_dma source(%dma_start3A_464 : memref<10000x128xf32, #tpu.memory_space<hbm>>) target(%dma_start3A_458 : memref<125x128xf32, #tpu.memory_space<vmem>>) offsets(%dma_start3A_461 : memref<125xi32, #tpu.memory_space<vmem>>) semaphore(%arg13 : memref<!tpu.dma_semaphore, #tpu.memory_space<semaphore_mem>>)
        } else {
        }
        %mul3A_405 = arith.constant 8 : i32
        %mul3A_406 = arith.muli %add3A_264, %mul3A_405 : i32
        %add3A_407 = arith.constant 6 : i32
        %add3A_408 = arith.addi %mul3A_406, %add3A_407 : i32
        %dma_wait3A_409 = arith.constant 0 : i32
        %dma_wait3A_410 = arith.constant 0 : i32
        %dma_wait3A_411 = tpu.memref_slice %arg10[%dma_wait3A_409, %dma_wait3A_410] : memref<128x128xf32, #tpu.memory_space<vmem>> -> memref<125x128xf32, #tpu.memory_space<vmem>>
        %dma_wait3A_412 = arith.constant 0 : i32
        %dma_wait3A_413 = tpu.memref_slice %arg7[%add3A_408, %dma_wait3A_412] : memref<80x125xi32, #tpu.memory_space<vmem>> -> memref<1x125xi32, #tpu.memory_space<vmem>>
        %dma_wait3A_414 = tpu.memref_squeeze %dma_wait3A_413 : memref<1x125xi32, #tpu.memory_space<vmem>> -> memref<125xi32, #tpu.memory_space<vmem>>
        %dma_wait3A_415 = arith.constant 0 : i32
        %dma_wait3A_416 = arith.constant 0 : i32
        %dma_wait3A_417 = tpu.memref_slice %arg2[%dma_wait3A_415, %dma_wait3A_416] : memref<10000x128xf32, #tpu.memory_space<hbm>> -> memref<10000x128xf32, #tpu.memory_space<hbm>>
        tpu.wait_indirect_dma semaphore(%arg12 : memref<!tpu.dma_semaphore, #tpu.memory_space<semaphore_mem>>) src(%dma_wait3A_417 : memref<10000x128xf32, #tpu.memory_space<hbm>>) dst(%dma_wait3A_411 : memref<125x128xf32, #tpu.memory_space<vmem>>)
        %run_scoped3A_418 = arith.constant 6 : i32
        "tpu.region"() ({
          %run_scoped3A_454 = tpu.sem_alloc : memref<!tpu.dma_semaphore, #tpu.memory_space<semaphore_mem>>
          %dma_start3A_455 = arith.constant 0 : i32
          %dma_start3A_456 = arith.constant 0 : i32
          %dma_start3A_457 = tpu.memref_slice %arg10[%dma_start3A_455, %dma_start3A_456] : memref<128x128xf32, #tpu.memory_space<vmem>> -> memref<125x128xf32, #tpu.memory_space<vmem>>
          %dma_start3A_458 = arith.constant 0 : i32
          %dma_start3A_459 = tpu.memref_slice %arg9[%run_scoped3A_418, %dma_start3A_458] : memref<8x125xi32, #tpu.memory_space<vmem>> -> memref<1x125xi32, #tpu.memory_space<vmem>>
          %dma_start3A_460 = tpu.memref_squeeze %dma_start3A_459 : memref<1x125xi32, #tpu.memory_space<vmem>> -> memref<125xi32, #tpu.memory_space<vmem>>
          %dma_start3A_461 = arith.constant 0 : i32
          %dma_start3A_462 = arith.constant 0 : i32
          %dma_start3A_463 = tpu.memref_slice %arg16[%dma_start3A_461, %dma_start3A_462] : memref<10240x128xf32, #tpu.memory_space<vmem_shared>> -> memref<10240x128xf32, #tpu.memory_space<vmem_shared>>
          tpu.enqueue_indirect_dma source(%dma_start3A_457 : memref<125x128xf32, #tpu.memory_space<vmem>>) target(%dma_start3A_463 : memref<10240x128xf32, #tpu.memory_space<vmem_shared>>) offsets(%dma_start3A_460 : memref<125xi32, #tpu.memory_space<vmem>>) semaphore(%run_scoped3A_454 : memref<!tpu.dma_semaphore, #tpu.memory_space<semaphore_mem>>) {add = true}
          %dma_wait3A_464 = arith.constant 0 : i32
          %dma_wait3A_465 = arith.constant 0 : i32
          %dma_wait3A_466 = tpu.memref_slice %arg10[%dma_wait3A_464, %dma_wait3A_465] : memref<128x128xf32, #tpu.memory_space<vmem>> -> memref<125x128xf32, #tpu.memory_space<vmem>>
          %dma_wait3A_467 = arith.constant 0 : i32
          %dma_wait3A_468 = tpu.memref_slice %arg9[%run_scoped3A_418, %dma_wait3A_467] : memref<8x125xi32, #tpu.memory_space<vmem>> -> memref<1x125xi32, #tpu.memory_space<vmem>>
          %dma_wait3A_469 = tpu.memref_squeeze %dma_wait3A_468 : memref<1x125xi32, #tpu.memory_space<vmem>> -> memref<125xi32, #tpu.memory_space<vmem>>
          %dma_wait3A_470 = arith.constant 0 : i32
          %dma_wait3A_471 = arith.constant 0 : i32
          %dma_wait3A_472 = tpu.memref_slice %arg16[%dma_wait3A_470, %dma_wait3A_471] : memref<10240x128xf32, #tpu.memory_space<vmem_shared>> -> memref<10240x128xf32, #tpu.memory_space<vmem_shared>>
          tpu.wait_indirect_dma semaphore(%run_scoped3A_454 : memref<!tpu.dma_semaphore, #tpu.memory_space<semaphore_mem>>) src(%dma_wait3A_466 : memref<125x128xf32, #tpu.memory_space<vmem>>) dst(%dma_wait3A_472 : memref<10240x128xf32, #tpu.memory_space<vmem_shared>>)
          tpu.yield
        }) : () -> ()
        %add3A_419 = arith.constant 2 : i32
        %add3A_420 = arith.addi %add3A_408, %add3A_419 : i32
        %lt3A_421 = arith.constant 80 : i32
        %lt3A_422 = arith.cmpi slt, %add3A_420, %lt3A_421 : i32
        %convert_element_type3A_423 = arith.extui %lt3A_422 : i1 to i32
        %cond3A_424 = arith.constant 0 : i32
        %cond3A_425 = arith.cmpi ne, %convert_element_type3A_423, %cond3A_424 : i32
        scf.if %cond3A_425 {
          %add3A_454 = arith.constant 2 : i32
          %add3A_455 = arith.addi %add3A_408, %add3A_454 : i32
          %dma_start3A_456 = arith.constant 0 : i32
          %dma_start3A_457 = arith.constant 0 : i32
          %dma_start3A_458 = tpu.memref_slice %arg10[%dma_start3A_456, %dma_start3A_457] : memref<128x128xf32, #tpu.memory_space<vmem>> -> memref<125x128xf32, #tpu.memory_space<vmem>>
          %dma_start3A_459 = arith.constant 0 : i32
          %dma_start3A_460 = tpu.memref_slice %arg7[%add3A_455, %dma_start3A_459] : memref<80x125xi32, #tpu.memory_space<vmem>> -> memref<1x125xi32, #tpu.memory_space<vmem>>
          %dma_start3A_461 = tpu.memref_squeeze %dma_start3A_460 : memref<1x125xi32, #tpu.memory_space<vmem>> -> memref<125xi32, #tpu.memory_space<vmem>>
          %dma_start3A_462 = arith.constant 0 : i32
          %dma_start3A_463 = arith.constant 0 : i32
          %dma_start3A_464 = tpu.memref_slice %arg2[%dma_start3A_462, %dma_start3A_463] : memref<10000x128xf32, #tpu.memory_space<hbm>> -> memref<10000x128xf32, #tpu.memory_space<hbm>>
          tpu.enqueue_indirect_dma source(%dma_start3A_464 : memref<10000x128xf32, #tpu.memory_space<hbm>>) target(%dma_start3A_458 : memref<125x128xf32, #tpu.memory_space<vmem>>) offsets(%dma_start3A_461 : memref<125xi32, #tpu.memory_space<vmem>>) semaphore(%arg12 : memref<!tpu.dma_semaphore, #tpu.memory_space<semaphore_mem>>)
        } else {
        }
        %mul3A_426 = arith.constant 8 : i32
        %mul3A_427 = arith.muli %add3A_264, %mul3A_426 : i32
        %add3A_428 = arith.constant 7 : i32
        %add3A_429 = arith.addi %mul3A_427, %add3A_428 : i32
        %dma_wait3A_430 = arith.constant 0 : i32
        %dma_wait3A_431 = arith.constant 0 : i32
        %dma_wait3A_432 = tpu.memref_slice %arg11[%dma_wait3A_430, %dma_wait3A_431] : memref<128x128xf32, #tpu.memory_space<vmem>> -> memref<125x128xf32, #tpu.memory_space<vmem>>
        %dma_wait3A_433 = arith.constant 0 : i32
        %dma_wait3A_434 = tpu.memref_slice %arg7[%add3A_429, %dma_wait3A_433] : memref<80x125xi32, #tpu.memory_space<vmem>> -> memref<1x125xi32, #tpu.memory_space<vmem>>
        %dma_wait3A_435 = tpu.memref_squeeze %dma_wait3A_434 : memref<1x125xi32, #tpu.memory_space<vmem>> -> memref<125xi32, #tpu.memory_space<vmem>>
        %dma_wait3A_436 = arith.constant 0 : i32
        %dma_wait3A_437 = arith.constant 0 : i32
        %dma_wait3A_438 = tpu.memref_slice %arg2[%dma_wait3A_436, %dma_wait3A_437] : memref<10000x128xf32, #tpu.memory_space<hbm>> -> memref<10000x128xf32, #tpu.memory_space<hbm>>
        tpu.wait_indirect_dma semaphore(%arg13 : memref<!tpu.dma_semaphore, #tpu.memory_space<semaphore_mem>>) src(%dma_wait3A_438 : memref<10000x128xf32, #tpu.memory_space<hbm>>) dst(%dma_wait3A_432 : memref<125x128xf32, #tpu.memory_space<vmem>>)
        %run_scoped3A_439 = arith.constant 7 : i32
        "tpu.region"() ({
          %run_scoped3A_454 = tpu.sem_alloc : memref<!tpu.dma_semaphore, #tpu.memory_space<semaphore_mem>>
          %dma_start3A_455 = arith.constant 0 : i32
          %dma_start3A_456 = arith.constant 0 : i32
          %dma_start3A_457 = tpu.memref_slice %arg11[%dma_start3A_455, %dma_start3A_456] : memref<128x128xf32, #tpu.memory_space<vmem>> -> memref<125x128xf32, #tpu.memory_space<vmem>>
          %dma_start3A_458 = arith.constant 0 : i32
          %dma_start3A_459 = tpu.memref_slice %arg9[%run_scoped3A_439, %dma_start3A_458] : memref<8x125xi32, #tpu.memory_space<vmem>> -> memref<1x125xi32, #tpu.memory_space<vmem>>
          %dma_start3A_460 = tpu.memref_squeeze %dma_start3A_459 : memref<1x125xi32, #tpu.memory_space<vmem>> -> memref<125xi32, #tpu.memory_space<vmem>>
          %dma_start3A_461 = arith.constant 0 : i32
          %dma_start3A_462 = arith.constant 0 : i32
          %dma_start3A_463 = tpu.memref_slice %arg16[%dma_start3A_461, %dma_start3A_462] : memref<10240x128xf32, #tpu.memory_space<vmem_shared>> -> memref<10240x128xf32, #tpu.memory_space<vmem_shared>>
          tpu.enqueue_indirect_dma source(%dma_start3A_457 : memref<125x128xf32, #tpu.memory_space<vmem>>) target(%dma_start3A_463 : memref<10240x128xf32, #tpu.memory_space<vmem_shared>>) offsets(%dma_start3A_460 : memref<125xi32, #tpu.memory_space<vmem>>) semaphore(%run_scoped3A_454 : memref<!tpu.dma_semaphore, #tpu.memory_space<semaphore_mem>>) {add = true}
          %dma_wait3A_464 = arith.constant 0 : i32
          %dma_wait3A_465 = arith.constant 0 : i32
          %dma_wait3A_466 = tpu.memref_slice %arg11[%dma_wait3A_464, %dma_wait3A_465] : memref<128x128xf32, #tpu.memory_space<vmem>> -> memref<125x128xf32, #tpu.memory_space<vmem>>
          %dma_wait3A_467 = arith.constant 0 : i32
          %dma_wait3A_468 = tpu.memref_slice %arg9[%run_scoped3A_439, %dma_wait3A_467] : memref<8x125xi32, #tpu.memory_space<vmem>> -> memref<1x125xi32, #tpu.memory_space<vmem>>
          %dma_wait3A_469 = tpu.memref_squeeze %dma_wait3A_468 : memref<1x125xi32, #tpu.memory_space<vmem>> -> memref<125xi32, #tpu.memory_space<vmem>>
          %dma_wait3A_470 = arith.constant 0 : i32
          %dma_wait3A_471 = arith.constant 0 : i32
          %dma_wait3A_472 = tpu.memref_slice %arg16[%dma_wait3A_470, %dma_wait3A_471] : memref<10240x128xf32, #tpu.memory_space<vmem_shared>> -> memref<10240x128xf32, #tpu.memory_space<vmem_shared>>
          tpu.wait_indirect_dma semaphore(%run_scoped3A_454 : memref<!tpu.dma_semaphore, #tpu.memory_space<semaphore_mem>>) src(%dma_wait3A_466 : memref<125x128xf32, #tpu.memory_space<vmem>>) dst(%dma_wait3A_472 : memref<10240x128xf32, #tpu.memory_space<vmem_shared>>)
          tpu.yield
        }) : () -> ()
        %add3A_440 = arith.constant 2 : i32
        %add3A_441 = arith.addi %add3A_429, %add3A_440 : i32
        %lt3A_442 = arith.constant 80 : i32
        %lt3A_443 = arith.cmpi slt, %add3A_441, %lt3A_442 : i32
        %convert_element_type3A_444 = arith.extui %lt3A_443 : i1 to i32
        %cond3A_445 = arith.constant 0 : i32
        %cond3A_446 = arith.cmpi ne, %convert_element_type3A_444, %cond3A_445 : i32
        scf.if %cond3A_446 {
          %add3A_454 = arith.constant 2 : i32
          %add3A_455 = arith.addi %add3A_429, %add3A_454 : i32
          %dma_start3A_456 = arith.constant 0 : i32
          %dma_start3A_457 = arith.constant 0 : i32
          %dma_start3A_458 = tpu.memref_slice %arg11[%dma_start3A_456, %dma_start3A_457] : memref<128x128xf32, #tpu.memory_space<vmem>> -> memref<125x128xf32, #tpu.memory_space<vmem>>
          %dma_start3A_459 = arith.constant 0 : i32
          %dma_start3A_460 = tpu.memref_slice %arg7[%add3A_455, %dma_start3A_459] : memref<80x125xi32, #tpu.memory_space<vmem>> -> memref<1x125xi32, #tpu.memory_space<vmem>>
          %dma_start3A_461 = tpu.memref_squeeze %dma_start3A_460 : memref<1x125xi32, #tpu.memory_space<vmem>> -> memref<125xi32, #tpu.memory_space<vmem>>
          %dma_start3A_462 = arith.constant 0 : i32
          %dma_start3A_463 = arith.constant 0 : i32
          %dma_start3A_464 = tpu.memref_slice %arg2[%dma_start3A_462, %dma_start3A_463] : memref<10000x128xf32, #tpu.memory_space<hbm>> -> memref<10000x128xf32, #tpu.memory_space<hbm>>
          tpu.enqueue_indirect_dma source(%dma_start3A_464 : memref<10000x128xf32, #tpu.memory_space<hbm>>) target(%dma_start3A_458 : memref<125x128xf32, #tpu.memory_space<vmem>>) offsets(%dma_start3A_461 : memref<125xi32, #tpu.memory_space<vmem>>) semaphore(%arg13 : memref<!tpu.dma_semaphore, #tpu.memory_space<semaphore_mem>>)
        } else {
        }
        %add3A_447 = arith.constant 2 : i32
        %add3A_448 = arith.addi %add3A_264, %add3A_447 : i32
        %lt3A_449 = arith.constant 10 : i32
        %lt3A_450 = arith.cmpi slt, %add3A_448, %lt3A_449 : i32
        %convert_element_type3A_451 = arith.extui %lt3A_450 : i1 to i32
        %cond3A_452 = arith.constant 0 : i32
        %cond3A_453 = arith.cmpi ne, %convert_element_type3A_451, %cond3A_452 : i32
        scf.if %cond3A_453 {
          %add3A_454 = arith.constant 2 : i32
          %add3A_455 = arith.addi %add3A_264, %add3A_454 : i32
          %mul3A_456 = arith.constant 8 : i32
          %mul3A_457 = arith.muli %add3A_455, %mul3A_456 : i32
          %dma_start3A_458 = arith.constant 0 : i32
          %dma_start3A_459 = arith.constant 0 : i32
          %dma_start3A_460 = tpu.memref_slice %arg5[%arg1, %dma_start3A_458, %dma_start3A_459] : memref<16x80x125xi32, #tpu.memory_space<hbm>> -> memref<1x80x125xi32, #tpu.memory_space<hbm>>
          %dma_start3A_461 = tpu.memref_squeeze %dma_start3A_460 : memref<1x80x125xi32, #tpu.memory_space<hbm>> -> memref<80x125xi32, #tpu.memory_space<hbm>>
          %dma_start3A_462 = arith.constant 0 : i32
          %dma_start3A_463 = tpu.memref_slice %dma_start3A_461[%mul3A_457, %dma_start3A_462] : memref<80x125xi32, #tpu.memory_space<hbm>> -> memref<8x125xi32, #tpu.memory_space<hbm>>
          %dma_start3A_464 = arith.constant 0 : i32
          %dma_start3A_465 = arith.constant 0 : i32
          %dma_start3A_466 = tpu.memref_slice %arg5[%arg1, %dma_start3A_464, %dma_start3A_465] : memref<16x80x125xi32, #tpu.memory_space<hbm>> -> memref<1x80x125xi32, #tpu.memory_space<hbm>>
          %dma_start3A_467 = tpu.memref_squeeze %dma_start3A_466 : memref<1x80x125xi32, #tpu.memory_space<hbm>> -> memref<80x125xi32, #tpu.memory_space<hbm>>
          %dma_start3A_468 = arith.constant 0 : i32
          %dma_start3A_469 = tpu.memref_slice %dma_start3A_467[%mul3A_457, %dma_start3A_468] : memref<80x125xi32, #tpu.memory_space<hbm>> -> memref<8x125xi32, #tpu.memory_space<hbm>>
          tpu.enqueue_dma source(%dma_start3A_469 : memref<8x125xi32, #tpu.memory_space<hbm>>) target(%arg9 : memref<8x125xi32, #tpu.memory_space<vmem>>) target_semaphore(%arg15 : memref<!tpu.dma_semaphore, #tpu.memory_space<semaphore_mem>>)
        } else {
        }
      }
      %scan3A_70 = arith.constant 5 : i32
    } else {
    }
    %eq3A_12 = arith.constant 1 : i32
    %eq3A_13 = arith.cmpi eq, %arg0, %eq3A_12 : i32
    %convert_element_type3A_14 = arith.extui %eq3A_13 : i1 to i32
    %cond3A_15 = arith.constant 0 : i32
    %cond3A_16 = arith.cmpi ne, %convert_element_type3A_14, %cond3A_15 : i32
    scf.if %cond3A_16 {
      %dma_start3A = arith.constant 0 : i32
      %dma_start3A_19 = arith.constant 0 : i32
      %dma_start3A_20 = tpu.memref_slice %arg5[%arg1, %dma_start3A, %dma_start3A_19] : memref<16x80x125xi32, #tpu.memory_space<hbm>> -> memref<1x80x125xi32, #tpu.memory_space<hbm>>
      %dma_start3A_21 = tpu.memref_squeeze %dma_start3A_20 : memref<1x80x125xi32, #tpu.memory_space<hbm>> -> memref<80x125xi32, #tpu.memory_space<hbm>>
      %dma_start3A_22 = arith.constant 0 : i32
      %dma_start3A_23 = arith.constant 0 : i32
      %dma_start3A_24 = tpu.memref_slice %dma_start3A_21[%dma_start3A_22, %dma_start3A_23] : memref<80x125xi32, #tpu.memory_space<hbm>> -> memref<8x125xi32, #tpu.memory_space<hbm>>
      %dma_start3A_25 = arith.constant 0 : i32
      %dma_start3A_26 = arith.constant 0 : i32
      %dma_start3A_27 = tpu.memref_slice %arg5[%arg1, %dma_start3A_25, %dma_start3A_26] : memref<16x80x125xi32, #tpu.memory_space<hbm>> -> memref<1x80x125xi32, #tpu.memory_space<hbm>>
      %dma_start3A_28 = tpu.memref_squeeze %dma_start3A_27 : memref<1x80x125xi32, #tpu.memory_space<hbm>> -> memref<80x125xi32, #tpu.memory_space<hbm>>
      %dma_start3A_29 = arith.constant 0 : i32
      %dma_start3A_30 = arith.constant 0 : i32
      %dma_start3A_31 = tpu.memref_slice %dma_start3A_28[%dma_start3A_29, %dma_start3A_30] : memref<80x125xi32, #tpu.memory_space<hbm>> -> memref<8x125xi32, #tpu.memory_space<hbm>>
      tpu.enqueue_dma source(%dma_start3A_31 : memref<8x125xi32, #tpu.memory_space<hbm>>) target(%arg8 : memref<8x125xi32, #tpu.memory_space<vmem>>) target_semaphore(%arg14 : memref<!tpu.dma_semaphore, #tpu.memory_space<semaphore_mem>>)
      %dma_start3A_32 = arith.constant 0 : i32
      %dma_start3A_33 = arith.constant 0 : i32
      %dma_start3A_34 = tpu.memref_slice %arg5[%arg1, %dma_start3A_32, %dma_start3A_33] : memref<16x80x125xi32, #tpu.memory_space<hbm>> -> memref<1x80x125xi32, #tpu.memory_space<hbm>>
      %dma_start3A_35 = tpu.memref_squeeze %dma_start3A_34 : memref<1x80x125xi32, #tpu.memory_space<hbm>> -> memref<80x125xi32, #tpu.memory_space<hbm>>
      %dma_start3A_36 = arith.constant 8 : i32
      %dma_start3A_37 = arith.constant 0 : i32
      %dma_start3A_38 = tpu.memref_slice %dma_start3A_35[%dma_start3A_36, %dma_start3A_37] : memref<80x125xi32, #tpu.memory_space<hbm>> -> memref<8x125xi32, #tpu.memory_space<hbm>>
      %dma_start3A_39 = arith.constant 0 : i32
      %dma_start3A_40 = arith.constant 0 : i32
      %dma_start3A_41 = tpu.memref_slice %arg5[%arg1, %dma_start3A_39, %dma_start3A_40] : memref<16x80x125xi32, #tpu.memory_space<hbm>> -> memref<1x80x125xi32, #tpu.memory_space<hbm>>
      %dma_start3A_42 = tpu.memref_squeeze %dma_start3A_41 : memref<1x80x125xi32, #tpu.memory_space<hbm>> -> memref<80x125xi32, #tpu.memory_space<hbm>>
      %dma_start3A_43 = arith.constant 8 : i32
      %dma_start3A_44 = arith.constant 0 : i32
      %dma_start3A_45 = tpu.memref_slice %dma_start3A_42[%dma_start3A_43, %dma_start3A_44] : memref<80x125xi32, #tpu.memory_space<hbm>> -> memref<8x125xi32, #tpu.memory_space<hbm>>
      tpu.enqueue_dma source(%dma_start3A_45 : memref<8x125xi32, #tpu.memory_space<hbm>>) target(%arg9 : memref<8x125xi32, #tpu.memory_space<vmem>>) target_semaphore(%arg15 : memref<!tpu.dma_semaphore, #tpu.memory_space<semaphore_mem>>)
      %dma_start3A_46 = arith.constant 0 : i32
      %dma_start3A_47 = arith.constant 0 : i32
      %dma_start3A_48 = arith.constant 0 : i32
      %dma_start3A_49 = tpu.memref_slice %arg10[%dma_start3A_47, %dma_start3A_48] : memref<128x128xf32, #tpu.memory_space<vmem>> -> memref<125x128xf32, #tpu.memory_space<vmem>>
      %dma_start3A_50 = arith.constant 0 : i32
      %dma_start3A_51 = tpu.memref_slice %arg7[%dma_start3A_46, %dma_start3A_50] : memref<80x125xi32, #tpu.memory_space<vmem>> -> memref<1x125xi32, #tpu.memory_space<vmem>>
      %dma_start3A_52 = tpu.memref_squeeze %dma_start3A_51 : memref<1x125xi32, #tpu.memory_space<vmem>> -> memref<125xi32, #tpu.memory_space<vmem>>
      %dma_start3A_53 = arith.constant 0 : i32
      %dma_start3A_54 = arith.constant 0 : i32
      %dma_start3A_55 = tpu.memref_slice %arg3[%dma_start3A_53, %dma_start3A_54] : memref<10000x128xf32, #tpu.memory_space<hbm>> -> memref<10000x128xf32, #tpu.memory_space<hbm>>
      tpu.enqueue_indirect_dma source(%dma_start3A_55 : memref<10000x128xf32, #tpu.memory_space<hbm>>) target(%dma_start3A_49 : memref<125x128xf32, #tpu.memory_space<vmem>>) offsets(%dma_start3A_52 : memref<125xi32, #tpu.memory_space<vmem>>) semaphore(%arg12 : memref<!tpu.dma_semaphore, #tpu.memory_space<semaphore_mem>>)
      %dma_start3A_56 = arith.constant 1 : i32
      %dma_start3A_57 = arith.constant 0 : i32
      %dma_start3A_58 = arith.constant 0 : i32
      %dma_start3A_59 = tpu.memref_slice %arg11[%dma_start3A_57, %dma_start3A_58] : memref<128x128xf32, #tpu.memory_space<vmem>> -> memref<125x128xf32, #tpu.memory_space<vmem>>
      %dma_start3A_60 = arith.constant 0 : i32
      %dma_start3A_61 = tpu.memref_slice %arg7[%dma_start3A_56, %dma_start3A_60] : memref<80x125xi32, #tpu.memory_space<vmem>> -> memref<1x125xi32, #tpu.memory_space<vmem>>
      %dma_start3A_62 = tpu.memref_squeeze %dma_start3A_61 : memref<1x125xi32, #tpu.memory_space<vmem>> -> memref<125xi32, #tpu.memory_space<vmem>>
      %dma_start3A_63 = arith.constant 0 : i32
      %dma_start3A_64 = arith.constant 0 : i32
      %dma_start3A_65 = tpu.memref_slice %arg3[%dma_start3A_63, %dma_start3A_64] : memref<10000x128xf32, #tpu.memory_space<hbm>> -> memref<10000x128xf32, #tpu.memory_space<hbm>>
      tpu.enqueue_indirect_dma source(%dma_start3A_65 : memref<10000x128xf32, #tpu.memory_space<hbm>>) target(%dma_start3A_59 : memref<125x128xf32, #tpu.memory_space<vmem>>) offsets(%dma_start3A_62 : memref<125xi32, #tpu.memory_space<vmem>>) semaphore(%arg13 : memref<!tpu.dma_semaphore, #tpu.memory_space<semaphore_mem>>)
      %scan3A_66 = arith.constant 0 : i32
      %scan3A_67 = arith.constant 5 : i32
      %scan3A_68 = arith.addi %scan3A_66, %scan3A_67 : i32
      %scan3A_69 = arith.constant 1 : i32
      scf.for %scan3A_71 = %scan3A_66 to %scan3A_68 step %scan3A_69  : i32 {
        %mul3A_72 = arith.constant 2 : i32
        %mul3A_73 = arith.muli %scan3A_71, %mul3A_72 : i32
        %add3A = arith.constant 0 : i32
        %add3A_74 = arith.addi %add3A, %mul3A_73 : i32
        %add3A_75 = arith.constant 0 : i32
        %add3A_76 = arith.addi %add3A_74, %add3A_75 : i32
        %mul3A_77 = arith.constant 8 : i32
        %mul3A_78 = arith.muli %add3A_76, %mul3A_77 : i32
        %dma_wait3A = arith.constant 0 : i32
        %dma_wait3A_79 = arith.constant 0 : i32
        %dma_wait3A_80 = tpu.memref_slice %arg5[%arg1, %dma_wait3A, %dma_wait3A_79] : memref<16x80x125xi32, #tpu.memory_space<hbm>> -> memref<1x80x125xi32, #tpu.memory_space<hbm>>
        %dma_wait3A_81 = tpu.memref_squeeze %dma_wait3A_80 : memref<1x80x125xi32, #tpu.memory_space<hbm>> -> memref<80x125xi32, #tpu.memory_space<hbm>>
        %dma_wait3A_82 = arith.constant 0 : i32
        %dma_wait3A_83 = tpu.memref_slice %dma_wait3A_81[%mul3A_78, %dma_wait3A_82] : memref<80x125xi32, #tpu.memory_space<hbm>> -> memref<8x125xi32, #tpu.memory_space<hbm>>
        %dma_wait3A_84 = arith.constant 0 : i32
        %dma_wait3A_85 = arith.constant 0 : i32
        %dma_wait3A_86 = tpu.memref_slice %arg5[%arg1, %dma_wait3A_84, %dma_wait3A_85] : memref<16x80x125xi32, #tpu.memory_space<hbm>> -> memref<1x80x125xi32, #tpu.memory_space<hbm>>
        %dma_wait3A_87 = tpu.memref_squeeze %dma_wait3A_86 : memref<1x80x125xi32, #tpu.memory_space<hbm>> -> memref<80x125xi32, #tpu.memory_space<hbm>>
        %dma_wait3A_88 = arith.constant 0 : i32
        %dma_wait3A_89 = tpu.memref_slice %dma_wait3A_87[%mul3A_78, %dma_wait3A_88] : memref<80x125xi32, #tpu.memory_space<hbm>> -> memref<8x125xi32, #tpu.memory_space<hbm>>
        tpu.wait_dma2 semaphore(%arg14 : memref<!tpu.dma_semaphore, #tpu.memory_space<semaphore_mem>>) src(%dma_wait3A_89 : memref<8x125xi32, #tpu.memory_space<hbm>>) dst(%arg8 : memref<8x125xi32, #tpu.memory_space<vmem>>)
        %mul3A_90 = arith.constant 8 : i32
        %mul3A_91 = arith.muli %add3A_76, %mul3A_90 : i32
        %add3A_92 = arith.constant 0 : i32
        %add3A_93 = arith.addi %mul3A_91, %add3A_92 : i32
        %dma_wait3A_94 = arith.constant 0 : i32
        %dma_wait3A_95 = arith.constant 0 : i32
        %dma_wait3A_96 = tpu.memref_slice %arg10[%dma_wait3A_94, %dma_wait3A_95] : memref<128x128xf32, #tpu.memory_space<vmem>> -> memref<125x128xf32, #tpu.memory_space<vmem>>
        %dma_wait3A_97 = arith.constant 0 : i32
        %dma_wait3A_98 = tpu.memref_slice %arg7[%add3A_93, %dma_wait3A_97] : memref<80x125xi32, #tpu.memory_space<vmem>> -> memref<1x125xi32, #tpu.memory_space<vmem>>
        %dma_wait3A_99 = tpu.memref_squeeze %dma_wait3A_98 : memref<1x125xi32, #tpu.memory_space<vmem>> -> memref<125xi32, #tpu.memory_space<vmem>>
        %dma_wait3A_100 = arith.constant 0 : i32
        %dma_wait3A_101 = arith.constant 0 : i32
        %dma_wait3A_102 = tpu.memref_slice %arg3[%dma_wait3A_100, %dma_wait3A_101] : memref<10000x128xf32, #tpu.memory_space<hbm>> -> memref<10000x128xf32, #tpu.memory_space<hbm>>
        tpu.wait_indirect_dma semaphore(%arg12 : memref<!tpu.dma_semaphore, #tpu.memory_space<semaphore_mem>>) src(%dma_wait3A_102 : memref<10000x128xf32, #tpu.memory_space<hbm>>) dst(%dma_wait3A_96 : memref<125x128xf32, #tpu.memory_space<vmem>>)
        %run_scoped3A = arith.constant 0 : i32
        "tpu.region"() ({
          %run_scoped3A_454 = tpu.sem_alloc : memref<!tpu.dma_semaphore, #tpu.memory_space<semaphore_mem>>
          %dma_start3A_455 = arith.constant 0 : i32
          %dma_start3A_456 = arith.constant 0 : i32
          %dma_start3A_457 = tpu.memref_slice %arg10[%dma_start3A_455, %dma_start3A_456] : memref<128x128xf32, #tpu.memory_space<vmem>> -> memref<125x128xf32, #tpu.memory_space<vmem>>
          %dma_start3A_458 = arith.constant 0 : i32
          %dma_start3A_459 = tpu.memref_slice %arg8[%run_scoped3A, %dma_start3A_458] : memref<8x125xi32, #tpu.memory_space<vmem>> -> memref<1x125xi32, #tpu.memory_space<vmem>>
          %dma_start3A_460 = tpu.memref_squeeze %dma_start3A_459 : memref<1x125xi32, #tpu.memory_space<vmem>> -> memref<125xi32, #tpu.memory_space<vmem>>
          %dma_start3A_461 = arith.constant 0 : i32
          %dma_start3A_462 = arith.constant 0 : i32
          %dma_start3A_463 = tpu.memref_slice %arg16[%dma_start3A_461, %dma_start3A_462] : memref<10240x128xf32, #tpu.memory_space<vmem_shared>> -> memref<10240x128xf32, #tpu.memory_space<vmem_shared>>
          tpu.enqueue_indirect_dma source(%dma_start3A_457 : memref<125x128xf32, #tpu.memory_space<vmem>>) target(%dma_start3A_463 : memref<10240x128xf32, #tpu.memory_space<vmem_shared>>) offsets(%dma_start3A_460 : memref<125xi32, #tpu.memory_space<vmem>>) semaphore(%run_scoped3A_454 : memref<!tpu.dma_semaphore, #tpu.memory_space<semaphore_mem>>) {add = true}
          %dma_wait3A_464 = arith.constant 0 : i32
          %dma_wait3A_465 = arith.constant 0 : i32
          %dma_wait3A_466 = tpu.memref_slice %arg10[%dma_wait3A_464, %dma_wait3A_465] : memref<128x128xf32, #tpu.memory_space<vmem>> -> memref<125x128xf32, #tpu.memory_space<vmem>>
          %dma_wait3A_467 = arith.constant 0 : i32
          %dma_wait3A_468 = tpu.memref_slice %arg8[%run_scoped3A, %dma_wait3A_467] : memref<8x125xi32, #tpu.memory_space<vmem>> -> memref<1x125xi32, #tpu.memory_space<vmem>>
          %dma_wait3A_469 = tpu.memref_squeeze %dma_wait3A_468 : memref<1x125xi32, #tpu.memory_space<vmem>> -> memref<125xi32, #tpu.memory_space<vmem>>
          %dma_wait3A_470 = arith.constant 0 : i32
          %dma_wait3A_471 = arith.constant 0 : i32
          %dma_wait3A_472 = tpu.memref_slice %arg16[%dma_wait3A_470, %dma_wait3A_471] : memref<10240x128xf32, #tpu.memory_space<vmem_shared>> -> memref<10240x128xf32, #tpu.memory_space<vmem_shared>>
          tpu.wait_indirect_dma semaphore(%run_scoped3A_454 : memref<!tpu.dma_semaphore, #tpu.memory_space<semaphore_mem>>) src(%dma_wait3A_466 : memref<125x128xf32, #tpu.memory_space<vmem>>) dst(%dma_wait3A_472 : memref<10240x128xf32, #tpu.memory_space<vmem_shared>>)
          tpu.yield
        }) : () -> ()
        %add3A_103 = arith.constant 2 : i32
        %add3A_104 = arith.addi %add3A_93, %add3A_103 : i32
        %lt3A = arith.constant 80 : i32
        %lt3A_105 = arith.cmpi slt, %add3A_104, %lt3A : i32
        %convert_element_type3A_106 = arith.extui %lt3A_105 : i1 to i32
        %cond3A_107 = arith.constant 0 : i32
        %cond3A_108 = arith.cmpi ne, %convert_element_type3A_106, %cond3A_107 : i32
        scf.if %cond3A_108 {
          %add3A_454 = arith.constant 2 : i32
          %add3A_455 = arith.addi %add3A_93, %add3A_454 : i32
          %dma_start3A_456 = arith.constant 0 : i32
          %dma_start3A_457 = arith.constant 0 : i32
          %dma_start3A_458 = tpu.memref_slice %arg10[%dma_start3A_456, %dma_start3A_457] : memref<128x128xf32, #tpu.memory_space<vmem>> -> memref<125x128xf32, #tpu.memory_space<vmem>>
          %dma_start3A_459 = arith.constant 0 : i32
          %dma_start3A_460 = tpu.memref_slice %arg7[%add3A_455, %dma_start3A_459] : memref<80x125xi32, #tpu.memory_space<vmem>> -> memref<1x125xi32, #tpu.memory_space<vmem>>
          %dma_start3A_461 = tpu.memref_squeeze %dma_start3A_460 : memref<1x125xi32, #tpu.memory_space<vmem>> -> memref<125xi32, #tpu.memory_space<vmem>>
          %dma_start3A_462 = arith.constant 0 : i32
          %dma_start3A_463 = arith.constant 0 : i32
          %dma_start3A_464 = tpu.memref_slice %arg3[%dma_start3A_462, %dma_start3A_463] : memref<10000x128xf32, #tpu.memory_space<hbm>> -> memref<10000x128xf32, #tpu.memory_space<hbm>>
          tpu.enqueue_indirect_dma source(%dma_start3A_464 : memref<10000x128xf32, #tpu.memory_space<hbm>>) target(%dma_start3A_458 : memref<125x128xf32, #tpu.memory_space<vmem>>) offsets(%dma_start3A_461 : memref<125xi32, #tpu.memory_space<vmem>>) semaphore(%arg12 : memref<!tpu.dma_semaphore, #tpu.memory_space<semaphore_mem>>)
        } else {
        }
        %mul3A_109 = arith.constant 8 : i32
        %mul3A_110 = arith.muli %add3A_76, %mul3A_109 : i32
        %add3A_111 = arith.constant 1 : i32
        %add3A_112 = arith.addi %mul3A_110, %add3A_111 : i32
        %dma_wait3A_113 = arith.constant 0 : i32
        %dma_wait3A_114 = arith.constant 0 : i32
        %dma_wait3A_115 = tpu.memref_slice %arg11[%dma_wait3A_113, %dma_wait3A_114] : memref<128x128xf32, #tpu.memory_space<vmem>> -> memref<125x128xf32, #tpu.memory_space<vmem>>
        %dma_wait3A_116 = arith.constant 0 : i32
        %dma_wait3A_117 = tpu.memref_slice %arg7[%add3A_112, %dma_wait3A_116] : memref<80x125xi32, #tpu.memory_space<vmem>> -> memref<1x125xi32, #tpu.memory_space<vmem>>
        %dma_wait3A_118 = tpu.memref_squeeze %dma_wait3A_117 : memref<1x125xi32, #tpu.memory_space<vmem>> -> memref<125xi32, #tpu.memory_space<vmem>>
        %dma_wait3A_119 = arith.constant 0 : i32
        %dma_wait3A_120 = arith.constant 0 : i32
        %dma_wait3A_121 = tpu.memref_slice %arg3[%dma_wait3A_119, %dma_wait3A_120] : memref<10000x128xf32, #tpu.memory_space<hbm>> -> memref<10000x128xf32, #tpu.memory_space<hbm>>
        tpu.wait_indirect_dma semaphore(%arg13 : memref<!tpu.dma_semaphore, #tpu.memory_space<semaphore_mem>>) src(%dma_wait3A_121 : memref<10000x128xf32, #tpu.memory_space<hbm>>) dst(%dma_wait3A_115 : memref<125x128xf32, #tpu.memory_space<vmem>>)
        %run_scoped3A_122 = arith.constant 1 : i32
        "tpu.region"() ({
          %run_scoped3A_454 = tpu.sem_alloc : memref<!tpu.dma_semaphore, #tpu.memory_space<semaphore_mem>>
          %dma_start3A_455 = arith.constant 0 : i32
          %dma_start3A_456 = arith.constant 0 : i32
          %dma_start3A_457 = tpu.memref_slice %arg11[%dma_start3A_455, %dma_start3A_456] : memref<128x128xf32, #tpu.memory_space<vmem>> -> memref<125x128xf32, #tpu.memory_space<vmem>>
          %dma_start3A_458 = arith.constant 0 : i32
          %dma_start3A_459 = tpu.memref_slice %arg8[%run_scoped3A_122, %dma_start3A_458] : memref<8x125xi32, #tpu.memory_space<vmem>> -> memref<1x125xi32, #tpu.memory_space<vmem>>
          %dma_start3A_460 = tpu.memref_squeeze %dma_start3A_459 : memref<1x125xi32, #tpu.memory_space<vmem>> -> memref<125xi32, #tpu.memory_space<vmem>>
          %dma_start3A_461 = arith.constant 0 : i32
          %dma_start3A_462 = arith.constant 0 : i32
          %dma_start3A_463 = tpu.memref_slice %arg16[%dma_start3A_461, %dma_start3A_462] : memref<10240x128xf32, #tpu.memory_space<vmem_shared>> -> memref<10240x128xf32, #tpu.memory_space<vmem_shared>>
          tpu.enqueue_indirect_dma source(%dma_start3A_457 : memref<125x128xf32, #tpu.memory_space<vmem>>) target(%dma_start3A_463 : memref<10240x128xf32, #tpu.memory_space<vmem_shared>>) offsets(%dma_start3A_460 : memref<125xi32, #tpu.memory_space<vmem>>) semaphore(%run_scoped3A_454 : memref<!tpu.dma_semaphore, #tpu.memory_space<semaphore_mem>>) {add = true}
          %dma_wait3A_464 = arith.constant 0 : i32
          %dma_wait3A_465 = arith.constant 0 : i32
          %dma_wait3A_466 = tpu.memref_slice %arg11[%dma_wait3A_464, %dma_wait3A_465] : memref<128x128xf32, #tpu.memory_space<vmem>> -> memref<125x128xf32, #tpu.memory_space<vmem>>
          %dma_wait3A_467 = arith.constant 0 : i32
          %dma_wait3A_468 = tpu.memref_slice %arg8[%run_scoped3A_122, %dma_wait3A_467] : memref<8x125xi32, #tpu.memory_space<vmem>> -> memref<1x125xi32, #tpu.memory_space<vmem>>
          %dma_wait3A_469 = tpu.memref_squeeze %dma_wait3A_468 : memref<1x125xi32, #tpu.memory_space<vmem>> -> memref<125xi32, #tpu.memory_space<vmem>>
          %dma_wait3A_470 = arith.constant 0 : i32
          %dma_wait3A_471 = arith.constant 0 : i32
          %dma_wait3A_472 = tpu.memref_slice %arg16[%dma_wait3A_470, %dma_wait3A_471] : memref<10240x128xf32, #tpu.memory_space<vmem_shared>> -> memref<10240x128xf32, #tpu.memory_space<vmem_shared>>
          tpu.wait_indirect_dma semaphore(%run_scoped3A_454 : memref<!tpu.dma_semaphore, #tpu.memory_space<semaphore_mem>>) src(%dma_wait3A_466 : memref<125x128xf32, #tpu.memory_space<vmem>>) dst(%dma_wait3A_472 : memref<10240x128xf32, #tpu.memory_space<vmem_shared>>)
          tpu.yield
        }) : () -> ()
        %add3A_123 = arith.constant 2 : i32
        %add3A_124 = arith.addi %add3A_112, %add3A_123 : i32
        %lt3A_125 = arith.constant 80 : i32
        %lt3A_126 = arith.cmpi slt, %add3A_124, %lt3A_125 : i32
        %convert_element_type3A_127 = arith.extui %lt3A_126 : i1 to i32
        %cond3A_128 = arith.constant 0 : i32
        %cond3A_129 = arith.cmpi ne, %convert_element_type3A_127, %cond3A_128 : i32
        scf.if %cond3A_129 {
          %add3A_454 = arith.constant 2 : i32
          %add3A_455 = arith.addi %add3A_112, %add3A_454 : i32
          %dma_start3A_456 = arith.constant 0 : i32
          %dma_start3A_457 = arith.constant 0 : i32
          %dma_start3A_458 = tpu.memref_slice %arg11[%dma_start3A_456, %dma_start3A_457] : memref<128x128xf32, #tpu.memory_space<vmem>> -> memref<125x128xf32, #tpu.memory_space<vmem>>
          %dma_start3A_459 = arith.constant 0 : i32
          %dma_start3A_460 = tpu.memref_slice %arg7[%add3A_455, %dma_start3A_459] : memref<80x125xi32, #tpu.memory_space<vmem>> -> memref<1x125xi32, #tpu.memory_space<vmem>>
          %dma_start3A_461 = tpu.memref_squeeze %dma_start3A_460 : memref<1x125xi32, #tpu.memory_space<vmem>> -> memref<125xi32, #tpu.memory_space<vmem>>
          %dma_start3A_462 = arith.constant 0 : i32
          %dma_start3A_463 = arith.constant 0 : i32
          %dma_start3A_464 = tpu.memref_slice %arg3[%dma_start3A_462, %dma_start3A_463] : memref<10000x128xf32, #tpu.memory_space<hbm>> -> memref<10000x128xf32, #tpu.memory_space<hbm>>
          tpu.enqueue_indirect_dma source(%dma_start3A_464 : memref<10000x128xf32, #tpu.memory_space<hbm>>) target(%dma_start3A_458 : memref<125x128xf32, #tpu.memory_space<vmem>>) offsets(%dma_start3A_461 : memref<125xi32, #tpu.memory_space<vmem>>) semaphore(%arg13 : memref<!tpu.dma_semaphore, #tpu.memory_space<semaphore_mem>>)
        } else {
        }
        %mul3A_130 = arith.constant 8 : i32
        %mul3A_131 = arith.muli %add3A_76, %mul3A_130 : i32
        %add3A_132 = arith.constant 2 : i32
        %add3A_133 = arith.addi %mul3A_131, %add3A_132 : i32
        %dma_wait3A_134 = arith.constant 0 : i32
        %dma_wait3A_135 = arith.constant 0 : i32
        %dma_wait3A_136 = tpu.memref_slice %arg10[%dma_wait3A_134, %dma_wait3A_135] : memref<128x128xf32, #tpu.memory_space<vmem>> -> memref<125x128xf32, #tpu.memory_space<vmem>>
        %dma_wait3A_137 = arith.constant 0 : i32
        %dma_wait3A_138 = tpu.memref_slice %arg7[%add3A_133, %dma_wait3A_137] : memref<80x125xi32, #tpu.memory_space<vmem>> -> memref<1x125xi32, #tpu.memory_space<vmem>>
        %dma_wait3A_139 = tpu.memref_squeeze %dma_wait3A_138 : memref<1x125xi32, #tpu.memory_space<vmem>> -> memref<125xi32, #tpu.memory_space<vmem>>
        %dma_wait3A_140 = arith.constant 0 : i32
        %dma_wait3A_141 = arith.constant 0 : i32
        %dma_wait3A_142 = tpu.memref_slice %arg3[%dma_wait3A_140, %dma_wait3A_141] : memref<10000x128xf32, #tpu.memory_space<hbm>> -> memref<10000x128xf32, #tpu.memory_space<hbm>>
        tpu.wait_indirect_dma semaphore(%arg12 : memref<!tpu.dma_semaphore, #tpu.memory_space<semaphore_mem>>) src(%dma_wait3A_142 : memref<10000x128xf32, #tpu.memory_space<hbm>>) dst(%dma_wait3A_136 : memref<125x128xf32, #tpu.memory_space<vmem>>)
        %run_scoped3A_143 = arith.constant 2 : i32
        "tpu.region"() ({
          %run_scoped3A_454 = tpu.sem_alloc : memref<!tpu.dma_semaphore, #tpu.memory_space<semaphore_mem>>
          %dma_start3A_455 = arith.constant 0 : i32
          %dma_start3A_456 = arith.constant 0 : i32
          %dma_start3A_457 = tpu.memref_slice %arg10[%dma_start3A_455, %dma_start3A_456] : memref<128x128xf32, #tpu.memory_space<vmem>> -> memref<125x128xf32, #tpu.memory_space<vmem>>
          %dma_start3A_458 = arith.constant 0 : i32
          %dma_start3A_459 = tpu.memref_slice %arg8[%run_scoped3A_143, %dma_start3A_458] : memref<8x125xi32, #tpu.memory_space<vmem>> -> memref<1x125xi32, #tpu.memory_space<vmem>>
          %dma_start3A_460 = tpu.memref_squeeze %dma_start3A_459 : memref<1x125xi32, #tpu.memory_space<vmem>> -> memref<125xi32, #tpu.memory_space<vmem>>
          %dma_start3A_461 = arith.constant 0 : i32
          %dma_start3A_462 = arith.constant 0 : i32
          %dma_start3A_463 = tpu.memref_slice %arg16[%dma_start3A_461, %dma_start3A_462] : memref<10240x128xf32, #tpu.memory_space<vmem_shared>> -> memref<10240x128xf32, #tpu.memory_space<vmem_shared>>
          tpu.enqueue_indirect_dma source(%dma_start3A_457 : memref<125x128xf32, #tpu.memory_space<vmem>>) target(%dma_start3A_463 : memref<10240x128xf32, #tpu.memory_space<vmem_shared>>) offsets(%dma_start3A_460 : memref<125xi32, #tpu.memory_space<vmem>>) semaphore(%run_scoped3A_454 : memref<!tpu.dma_semaphore, #tpu.memory_space<semaphore_mem>>) {add = true}
          %dma_wait3A_464 = arith.constant 0 : i32
          %dma_wait3A_465 = arith.constant 0 : i32
          %dma_wait3A_466 = tpu.memref_slice %arg10[%dma_wait3A_464, %dma_wait3A_465] : memref<128x128xf32, #tpu.memory_space<vmem>> -> memref<125x128xf32, #tpu.memory_space<vmem>>
          %dma_wait3A_467 = arith.constant 0 : i32
          %dma_wait3A_468 = tpu.memref_slice %arg8[%run_scoped3A_143, %dma_wait3A_467] : memref<8x125xi32, #tpu.memory_space<vmem>> -> memref<1x125xi32, #tpu.memory_space<vmem>>
          %dma_wait3A_469 = tpu.memref_squeeze %dma_wait3A_468 : memref<1x125xi32, #tpu.memory_space<vmem>> -> memref<125xi32, #tpu.memory_space<vmem>>
          %dma_wait3A_470 = arith.constant 0 : i32
          %dma_wait3A_471 = arith.constant 0 : i32
          %dma_wait3A_472 = tpu.memref_slice %arg16[%dma_wait3A_470, %dma_wait3A_471] : memref<10240x128xf32, #tpu.memory_space<vmem_shared>> -> memref<10240x128xf32, #tpu.memory_space<vmem_shared>>
          tpu.wait_indirect_dma semaphore(%run_scoped3A_454 : memref<!tpu.dma_semaphore, #tpu.memory_space<semaphore_mem>>) src(%dma_wait3A_466 : memref<125x128xf32, #tpu.memory_space<vmem>>) dst(%dma_wait3A_472 : memref<10240x128xf32, #tpu.memory_space<vmem_shared>>)
          tpu.yield
        }) : () -> ()
        %add3A_144 = arith.constant 2 : i32
        %add3A_145 = arith.addi %add3A_133, %add3A_144 : i32
        %lt3A_146 = arith.constant 80 : i32
        %lt3A_147 = arith.cmpi slt, %add3A_145, %lt3A_146 : i32
        %convert_element_type3A_148 = arith.extui %lt3A_147 : i1 to i32
        %cond3A_149 = arith.constant 0 : i32
        %cond3A_150 = arith.cmpi ne, %convert_element_type3A_148, %cond3A_149 : i32
        scf.if %cond3A_150 {
          %add3A_454 = arith.constant 2 : i32
          %add3A_455 = arith.addi %add3A_133, %add3A_454 : i32
          %dma_start3A_456 = arith.constant 0 : i32
          %dma_start3A_457 = arith.constant 0 : i32
          %dma_start3A_458 = tpu.memref_slice %arg10[%dma_start3A_456, %dma_start3A_457] : memref<128x128xf32, #tpu.memory_space<vmem>> -> memref<125x128xf32, #tpu.memory_space<vmem>>
          %dma_start3A_459 = arith.constant 0 : i32
          %dma_start3A_460 = tpu.memref_slice %arg7[%add3A_455, %dma_start3A_459] : memref<80x125xi32, #tpu.memory_space<vmem>> -> memref<1x125xi32, #tpu.memory_space<vmem>>
          %dma_start3A_461 = tpu.memref_squeeze %dma_start3A_460 : memref<1x125xi32, #tpu.memory_space<vmem>> -> memref<125xi32, #tpu.memory_space<vmem>>
          %dma_start3A_462 = arith.constant 0 : i32
          %dma_start3A_463 = arith.constant 0 : i32
          %dma_start3A_464 = tpu.memref_slice %arg3[%dma_start3A_462, %dma_start3A_463] : memref<10000x128xf32, #tpu.memory_space<hbm>> -> memref<10000x128xf32, #tpu.memory_space<hbm>>
          tpu.enqueue_indirect_dma source(%dma_start3A_464 : memref<10000x128xf32, #tpu.memory_space<hbm>>) target(%dma_start3A_458 : memref<125x128xf32, #tpu.memory_space<vmem>>) offsets(%dma_start3A_461 : memref<125xi32, #tpu.memory_space<vmem>>) semaphore(%arg12 : memref<!tpu.dma_semaphore, #tpu.memory_space<semaphore_mem>>)
        } else {
        }
        %mul3A_151 = arith.constant 8 : i32
        %mul3A_152 = arith.muli %add3A_76, %mul3A_151 : i32
        %add3A_153 = arith.constant 3 : i32
        %add3A_154 = arith.addi %mul3A_152, %add3A_153 : i32
        %dma_wait3A_155 = arith.constant 0 : i32
        %dma_wait3A_156 = arith.constant 0 : i32
        %dma_wait3A_157 = tpu.memref_slice %arg11[%dma_wait3A_155, %dma_wait3A_156] : memref<128x128xf32, #tpu.memory_space<vmem>> -> memref<125x128xf32, #tpu.memory_space<vmem>>
        %dma_wait3A_158 = arith.constant 0 : i32
        %dma_wait3A_159 = tpu.memref_slice %arg7[%add3A_154, %dma_wait3A_158] : memref<80x125xi32, #tpu.memory_space<vmem>> -> memref<1x125xi32, #tpu.memory_space<vmem>>
        %dma_wait3A_160 = tpu.memref_squeeze %dma_wait3A_159 : memref<1x125xi32, #tpu.memory_space<vmem>> -> memref<125xi32, #tpu.memory_space<vmem>>
        %dma_wait3A_161 = arith.constant 0 : i32
        %dma_wait3A_162 = arith.constant 0 : i32
        %dma_wait3A_163 = tpu.memref_slice %arg3[%dma_wait3A_161, %dma_wait3A_162] : memref<10000x128xf32, #tpu.memory_space<hbm>> -> memref<10000x128xf32, #tpu.memory_space<hbm>>
        tpu.wait_indirect_dma semaphore(%arg13 : memref<!tpu.dma_semaphore, #tpu.memory_space<semaphore_mem>>) src(%dma_wait3A_163 : memref<10000x128xf32, #tpu.memory_space<hbm>>) dst(%dma_wait3A_157 : memref<125x128xf32, #tpu.memory_space<vmem>>)
        %run_scoped3A_164 = arith.constant 3 : i32
        "tpu.region"() ({
          %run_scoped3A_454 = tpu.sem_alloc : memref<!tpu.dma_semaphore, #tpu.memory_space<semaphore_mem>>
          %dma_start3A_455 = arith.constant 0 : i32
          %dma_start3A_456 = arith.constant 0 : i32
          %dma_start3A_457 = tpu.memref_slice %arg11[%dma_start3A_455, %dma_start3A_456] : memref<128x128xf32, #tpu.memory_space<vmem>> -> memref<125x128xf32, #tpu.memory_space<vmem>>
          %dma_start3A_458 = arith.constant 0 : i32
          %dma_start3A_459 = tpu.memref_slice %arg8[%run_scoped3A_164, %dma_start3A_458] : memref<8x125xi32, #tpu.memory_space<vmem>> -> memref<1x125xi32, #tpu.memory_space<vmem>>
          %dma_start3A_460 = tpu.memref_squeeze %dma_start3A_459 : memref<1x125xi32, #tpu.memory_space<vmem>> -> memref<125xi32, #tpu.memory_space<vmem>>
          %dma_start3A_461 = arith.constant 0 : i32
          %dma_start3A_462 = arith.constant 0 : i32
          %dma_start3A_463 = tpu.memref_slice %arg16[%dma_start3A_461, %dma_start3A_462] : memref<10240x128xf32, #tpu.memory_space<vmem_shared>> -> memref<10240x128xf32, #tpu.memory_space<vmem_shared>>
          tpu.enqueue_indirect_dma source(%dma_start3A_457 : memref<125x128xf32, #tpu.memory_space<vmem>>) target(%dma_start3A_463 : memref<10240x128xf32, #tpu.memory_space<vmem_shared>>) offsets(%dma_start3A_460 : memref<125xi32, #tpu.memory_space<vmem>>) semaphore(%run_scoped3A_454 : memref<!tpu.dma_semaphore, #tpu.memory_space<semaphore_mem>>) {add = true}
          %dma_wait3A_464 = arith.constant 0 : i32
          %dma_wait3A_465 = arith.constant 0 : i32
          %dma_wait3A_466 = tpu.memref_slice %arg11[%dma_wait3A_464, %dma_wait3A_465] : memref<128x128xf32, #tpu.memory_space<vmem>> -> memref<125x128xf32, #tpu.memory_space<vmem>>
          %dma_wait3A_467 = arith.constant 0 : i32
          %dma_wait3A_468 = tpu.memref_slice %arg8[%run_scoped3A_164, %dma_wait3A_467] : memref<8x125xi32, #tpu.memory_space<vmem>> -> memref<1x125xi32, #tpu.memory_space<vmem>>
          %dma_wait3A_469 = tpu.memref_squeeze %dma_wait3A_468 : memref<1x125xi32, #tpu.memory_space<vmem>> -> memref<125xi32, #tpu.memory_space<vmem>>
          %dma_wait3A_470 = arith.constant 0 : i32
          %dma_wait3A_471 = arith.constant 0 : i32
          %dma_wait3A_472 = tpu.memref_slice %arg16[%dma_wait3A_470, %dma_wait3A_471] : memref<10240x128xf32, #tpu.memory_space<vmem_shared>> -> memref<10240x128xf32, #tpu.memory_space<vmem_shared>>
          tpu.wait_indirect_dma semaphore(%run_scoped3A_454 : memref<!tpu.dma_semaphore, #tpu.memory_space<semaphore_mem>>) src(%dma_wait3A_466 : memref<125x128xf32, #tpu.memory_space<vmem>>) dst(%dma_wait3A_472 : memref<10240x128xf32, #tpu.memory_space<vmem_shared>>)
          tpu.yield
        }) : () -> ()
        %add3A_165 = arith.constant 2 : i32
        %add3A_166 = arith.addi %add3A_154, %add3A_165 : i32
        %lt3A_167 = arith.constant 80 : i32
        %lt3A_168 = arith.cmpi slt, %add3A_166, %lt3A_167 : i32
        %convert_element_type3A_169 = arith.extui %lt3A_168 : i1 to i32
        %cond3A_170 = arith.constant 0 : i32
        %cond3A_171 = arith.cmpi ne, %convert_element_type3A_169, %cond3A_170 : i32
        scf.if %cond3A_171 {
          %add3A_454 = arith.constant 2 : i32
          %add3A_455 = arith.addi %add3A_154, %add3A_454 : i32
          %dma_start3A_456 = arith.constant 0 : i32
          %dma_start3A_457 = arith.constant 0 : i32
          %dma_start3A_458 = tpu.memref_slice %arg11[%dma_start3A_456, %dma_start3A_457] : memref<128x128xf32, #tpu.memory_space<vmem>> -> memref<125x128xf32, #tpu.memory_space<vmem>>
          %dma_start3A_459 = arith.constant 0 : i32
          %dma_start3A_460 = tpu.memref_slice %arg7[%add3A_455, %dma_start3A_459] : memref<80x125xi32, #tpu.memory_space<vmem>> -> memref<1x125xi32, #tpu.memory_space<vmem>>
          %dma_start3A_461 = tpu.memref_squeeze %dma_start3A_460 : memref<1x125xi32, #tpu.memory_space<vmem>> -> memref<125xi32, #tpu.memory_space<vmem>>
          %dma_start3A_462 = arith.constant 0 : i32
          %dma_start3A_463 = arith.constant 0 : i32
          %dma_start3A_464 = tpu.memref_slice %arg3[%dma_start3A_462, %dma_start3A_463] : memref<10000x128xf32, #tpu.memory_space<hbm>> -> memref<10000x128xf32, #tpu.memory_space<hbm>>
          tpu.enqueue_indirect_dma source(%dma_start3A_464 : memref<10000x128xf32, #tpu.memory_space<hbm>>) target(%dma_start3A_458 : memref<125x128xf32, #tpu.memory_space<vmem>>) offsets(%dma_start3A_461 : memref<125xi32, #tpu.memory_space<vmem>>) semaphore(%arg13 : memref<!tpu.dma_semaphore, #tpu.memory_space<semaphore_mem>>)
        } else {
        }
        %mul3A_172 = arith.constant 8 : i32
        %mul3A_173 = arith.muli %add3A_76, %mul3A_172 : i32
        %add3A_174 = arith.constant 4 : i32
        %add3A_175 = arith.addi %mul3A_173, %add3A_174 : i32
        %dma_wait3A_176 = arith.constant 0 : i32
        %dma_wait3A_177 = arith.constant 0 : i32
        %dma_wait3A_178 = tpu.memref_slice %arg10[%dma_wait3A_176, %dma_wait3A_177] : memref<128x128xf32, #tpu.memory_space<vmem>> -> memref<125x128xf32, #tpu.memory_space<vmem>>
        %dma_wait3A_179 = arith.constant 0 : i32
        %dma_wait3A_180 = tpu.memref_slice %arg7[%add3A_175, %dma_wait3A_179] : memref<80x125xi32, #tpu.memory_space<vmem>> -> memref<1x125xi32, #tpu.memory_space<vmem>>
        %dma_wait3A_181 = tpu.memref_squeeze %dma_wait3A_180 : memref<1x125xi32, #tpu.memory_space<vmem>> -> memref<125xi32, #tpu.memory_space<vmem>>
        %dma_wait3A_182 = arith.constant 0 : i32
        %dma_wait3A_183 = arith.constant 0 : i32
        %dma_wait3A_184 = tpu.memref_slice %arg3[%dma_wait3A_182, %dma_wait3A_183] : memref<10000x128xf32, #tpu.memory_space<hbm>> -> memref<10000x128xf32, #tpu.memory_space<hbm>>
        tpu.wait_indirect_dma semaphore(%arg12 : memref<!tpu.dma_semaphore, #tpu.memory_space<semaphore_mem>>) src(%dma_wait3A_184 : memref<10000x128xf32, #tpu.memory_space<hbm>>) dst(%dma_wait3A_178 : memref<125x128xf32, #tpu.memory_space<vmem>>)
        %run_scoped3A_185 = arith.constant 4 : i32
        "tpu.region"() ({
          %run_scoped3A_454 = tpu.sem_alloc : memref<!tpu.dma_semaphore, #tpu.memory_space<semaphore_mem>>
          %dma_start3A_455 = arith.constant 0 : i32
          %dma_start3A_456 = arith.constant 0 : i32
          %dma_start3A_457 = tpu.memref_slice %arg10[%dma_start3A_455, %dma_start3A_456] : memref<128x128xf32, #tpu.memory_space<vmem>> -> memref<125x128xf32, #tpu.memory_space<vmem>>
          %dma_start3A_458 = arith.constant 0 : i32
          %dma_start3A_459 = tpu.memref_slice %arg8[%run_scoped3A_185, %dma_start3A_458] : memref<8x125xi32, #tpu.memory_space<vmem>> -> memref<1x125xi32, #tpu.memory_space<vmem>>
          %dma_start3A_460 = tpu.memref_squeeze %dma_start3A_459 : memref<1x125xi32, #tpu.memory_space<vmem>> -> memref<125xi32, #tpu.memory_space<vmem>>
          %dma_start3A_461 = arith.constant 0 : i32
          %dma_start3A_462 = arith.constant 0 : i32
          %dma_start3A_463 = tpu.memref_slice %arg16[%dma_start3A_461, %dma_start3A_462] : memref<10240x128xf32, #tpu.memory_space<vmem_shared>> -> memref<10240x128xf32, #tpu.memory_space<vmem_shared>>
          tpu.enqueue_indirect_dma source(%dma_start3A_457 : memref<125x128xf32, #tpu.memory_space<vmem>>) target(%dma_start3A_463 : memref<10240x128xf32, #tpu.memory_space<vmem_shared>>) offsets(%dma_start3A_460 : memref<125xi32, #tpu.memory_space<vmem>>) semaphore(%run_scoped3A_454 : memref<!tpu.dma_semaphore, #tpu.memory_space<semaphore_mem>>) {add = true}
          %dma_wait3A_464 = arith.constant 0 : i32
          %dma_wait3A_465 = arith.constant 0 : i32
          %dma_wait3A_466 = tpu.memref_slice %arg10[%dma_wait3A_464, %dma_wait3A_465] : memref<128x128xf32, #tpu.memory_space<vmem>> -> memref<125x128xf32, #tpu.memory_space<vmem>>
          %dma_wait3A_467 = arith.constant 0 : i32
          %dma_wait3A_468 = tpu.memref_slice %arg8[%run_scoped3A_185, %dma_wait3A_467] : memref<8x125xi32, #tpu.memory_space<vmem>> -> memref<1x125xi32, #tpu.memory_space<vmem>>
          %dma_wait3A_469 = tpu.memref_squeeze %dma_wait3A_468 : memref<1x125xi32, #tpu.memory_space<vmem>> -> memref<125xi32, #tpu.memory_space<vmem>>
          %dma_wait3A_470 = arith.constant 0 : i32
          %dma_wait3A_471 = arith.constant 0 : i32
          %dma_wait3A_472 = tpu.memref_slice %arg16[%dma_wait3A_470, %dma_wait3A_471] : memref<10240x128xf32, #tpu.memory_space<vmem_shared>> -> memref<10240x128xf32, #tpu.memory_space<vmem_shared>>
          tpu.wait_indirect_dma semaphore(%run_scoped3A_454 : memref<!tpu.dma_semaphore, #tpu.memory_space<semaphore_mem>>) src(%dma_wait3A_466 : memref<125x128xf32, #tpu.memory_space<vmem>>) dst(%dma_wait3A_472 : memref<10240x128xf32, #tpu.memory_space<vmem_shared>>)
          tpu.yield
        }) : () -> ()
        %add3A_186 = arith.constant 2 : i32
        %add3A_187 = arith.addi %add3A_175, %add3A_186 : i32
        %lt3A_188 = arith.constant 80 : i32
        %lt3A_189 = arith.cmpi slt, %add3A_187, %lt3A_188 : i32
        %convert_element_type3A_190 = arith.extui %lt3A_189 : i1 to i32
        %cond3A_191 = arith.constant 0 : i32
        %cond3A_192 = arith.cmpi ne, %convert_element_type3A_190, %cond3A_191 : i32
        scf.if %cond3A_192 {
          %add3A_454 = arith.constant 2 : i32
          %add3A_455 = arith.addi %add3A_175, %add3A_454 : i32
          %dma_start3A_456 = arith.constant 0 : i32
          %dma_start3A_457 = arith.constant 0 : i32
          %dma_start3A_458 = tpu.memref_slice %arg10[%dma_start3A_456, %dma_start3A_457] : memref<128x128xf32, #tpu.memory_space<vmem>> -> memref<125x128xf32, #tpu.memory_space<vmem>>
          %dma_start3A_459 = arith.constant 0 : i32
          %dma_start3A_460 = tpu.memref_slice %arg7[%add3A_455, %dma_start3A_459] : memref<80x125xi32, #tpu.memory_space<vmem>> -> memref<1x125xi32, #tpu.memory_space<vmem>>
          %dma_start3A_461 = tpu.memref_squeeze %dma_start3A_460 : memref<1x125xi32, #tpu.memory_space<vmem>> -> memref<125xi32, #tpu.memory_space<vmem>>
          %dma_start3A_462 = arith.constant 0 : i32
          %dma_start3A_463 = arith.constant 0 : i32
          %dma_start3A_464 = tpu.memref_slice %arg3[%dma_start3A_462, %dma_start3A_463] : memref<10000x128xf32, #tpu.memory_space<hbm>> -> memref<10000x128xf32, #tpu.memory_space<hbm>>
          tpu.enqueue_indirect_dma source(%dma_start3A_464 : memref<10000x128xf32, #tpu.memory_space<hbm>>) target(%dma_start3A_458 : memref<125x128xf32, #tpu.memory_space<vmem>>) offsets(%dma_start3A_461 : memref<125xi32, #tpu.memory_space<vmem>>) semaphore(%arg12 : memref<!tpu.dma_semaphore, #tpu.memory_space<semaphore_mem>>)
        } else {
        }
        %mul3A_193 = arith.constant 8 : i32
        %mul3A_194 = arith.muli %add3A_76, %mul3A_193 : i32
        %add3A_195 = arith.constant 5 : i32
        %add3A_196 = arith.addi %mul3A_194, %add3A_195 : i32
        %dma_wait3A_197 = arith.constant 0 : i32
        %dma_wait3A_198 = arith.constant 0 : i32
        %dma_wait3A_199 = tpu.memref_slice %arg11[%dma_wait3A_197, %dma_wait3A_198] : memref<128x128xf32, #tpu.memory_space<vmem>> -> memref<125x128xf32, #tpu.memory_space<vmem>>
        %dma_wait3A_200 = arith.constant 0 : i32
        %dma_wait3A_201 = tpu.memref_slice %arg7[%add3A_196, %dma_wait3A_200] : memref<80x125xi32, #tpu.memory_space<vmem>> -> memref<1x125xi32, #tpu.memory_space<vmem>>
        %dma_wait3A_202 = tpu.memref_squeeze %dma_wait3A_201 : memref<1x125xi32, #tpu.memory_space<vmem>> -> memref<125xi32, #tpu.memory_space<vmem>>
        %dma_wait3A_203 = arith.constant 0 : i32
        %dma_wait3A_204 = arith.constant 0 : i32
        %dma_wait3A_205 = tpu.memref_slice %arg3[%dma_wait3A_203, %dma_wait3A_204] : memref<10000x128xf32, #tpu.memory_space<hbm>> -> memref<10000x128xf32, #tpu.memory_space<hbm>>
        tpu.wait_indirect_dma semaphore(%arg13 : memref<!tpu.dma_semaphore, #tpu.memory_space<semaphore_mem>>) src(%dma_wait3A_205 : memref<10000x128xf32, #tpu.memory_space<hbm>>) dst(%dma_wait3A_199 : memref<125x128xf32, #tpu.memory_space<vmem>>)
        %run_scoped3A_206 = arith.constant 5 : i32
        "tpu.region"() ({
          %run_scoped3A_454 = tpu.sem_alloc : memref<!tpu.dma_semaphore, #tpu.memory_space<semaphore_mem>>
          %dma_start3A_455 = arith.constant 0 : i32
          %dma_start3A_456 = arith.constant 0 : i32
          %dma_start3A_457 = tpu.memref_slice %arg11[%dma_start3A_455, %dma_start3A_456] : memref<128x128xf32, #tpu.memory_space<vmem>> -> memref<125x128xf32, #tpu.memory_space<vmem>>
          %dma_start3A_458 = arith.constant 0 : i32
          %dma_start3A_459 = tpu.memref_slice %arg8[%run_scoped3A_206, %dma_start3A_458] : memref<8x125xi32, #tpu.memory_space<vmem>> -> memref<1x125xi32, #tpu.memory_space<vmem>>
          %dma_start3A_460 = tpu.memref_squeeze %dma_start3A_459 : memref<1x125xi32, #tpu.memory_space<vmem>> -> memref<125xi32, #tpu.memory_space<vmem>>
          %dma_start3A_461 = arith.constant 0 : i32
          %dma_start3A_462 = arith.constant 0 : i32
          %dma_start3A_463 = tpu.memref_slice %arg16[%dma_start3A_461, %dma_start3A_462] : memref<10240x128xf32, #tpu.memory_space<vmem_shared>> -> memref<10240x128xf32, #tpu.memory_space<vmem_shared>>
          tpu.enqueue_indirect_dma source(%dma_start3A_457 : memref<125x128xf32, #tpu.memory_space<vmem>>) target(%dma_start3A_463 : memref<10240x128xf32, #tpu.memory_space<vmem_shared>>) offsets(%dma_start3A_460 : memref<125xi32, #tpu.memory_space<vmem>>) semaphore(%run_scoped3A_454 : memref<!tpu.dma_semaphore, #tpu.memory_space<semaphore_mem>>) {add = true}
          %dma_wait3A_464 = arith.constant 0 : i32
          %dma_wait3A_465 = arith.constant 0 : i32
          %dma_wait3A_466 = tpu.memref_slice %arg11[%dma_wait3A_464, %dma_wait3A_465] : memref<128x128xf32, #tpu.memory_space<vmem>> -> memref<125x128xf32, #tpu.memory_space<vmem>>
          %dma_wait3A_467 = arith.constant 0 : i32
          %dma_wait3A_468 = tpu.memref_slice %arg8[%run_scoped3A_206, %dma_wait3A_467] : memref<8x125xi32, #tpu.memory_space<vmem>> -> memref<1x125xi32, #tpu.memory_space<vmem>>
          %dma_wait3A_469 = tpu.memref_squeeze %dma_wait3A_468 : memref<1x125xi32, #tpu.memory_space<vmem>> -> memref<125xi32, #tpu.memory_space<vmem>>
          %dma_wait3A_470 = arith.constant 0 : i32
          %dma_wait3A_471 = arith.constant 0 : i32
          %dma_wait3A_472 = tpu.memref_slice %arg16[%dma_wait3A_470, %dma_wait3A_471] : memref<10240x128xf32, #tpu.memory_space<vmem_shared>> -> memref<10240x128xf32, #tpu.memory_space<vmem_shared>>
          tpu.wait_indirect_dma semaphore(%run_scoped3A_454 : memref<!tpu.dma_semaphore, #tpu.memory_space<semaphore_mem>>) src(%dma_wait3A_466 : memref<125x128xf32, #tpu.memory_space<vmem>>) dst(%dma_wait3A_472 : memref<10240x128xf32, #tpu.memory_space<vmem_shared>>)
          tpu.yield
        }) : () -> ()
        %add3A_207 = arith.constant 2 : i32
        %add3A_208 = arith.addi %add3A_196, %add3A_207 : i32
        %lt3A_209 = arith.constant 80 : i32
        %lt3A_210 = arith.cmpi slt, %add3A_208, %lt3A_209 : i32
        %convert_element_type3A_211 = arith.extui %lt3A_210 : i1 to i32
        %cond3A_212 = arith.constant 0 : i32
        %cond3A_213 = arith.cmpi ne, %convert_element_type3A_211, %cond3A_212 : i32
        scf.if %cond3A_213 {
          %add3A_454 = arith.constant 2 : i32
          %add3A_455 = arith.addi %add3A_196, %add3A_454 : i32
          %dma_start3A_456 = arith.constant 0 : i32
          %dma_start3A_457 = arith.constant 0 : i32
          %dma_start3A_458 = tpu.memref_slice %arg11[%dma_start3A_456, %dma_start3A_457] : memref<128x128xf32, #tpu.memory_space<vmem>> -> memref<125x128xf32, #tpu.memory_space<vmem>>
          %dma_start3A_459 = arith.constant 0 : i32
          %dma_start3A_460 = tpu.memref_slice %arg7[%add3A_455, %dma_start3A_459] : memref<80x125xi32, #tpu.memory_space<vmem>> -> memref<1x125xi32, #tpu.memory_space<vmem>>
          %dma_start3A_461 = tpu.memref_squeeze %dma_start3A_460 : memref<1x125xi32, #tpu.memory_space<vmem>> -> memref<125xi32, #tpu.memory_space<vmem>>
          %dma_start3A_462 = arith.constant 0 : i32
          %dma_start3A_463 = arith.constant 0 : i32
          %dma_start3A_464 = tpu.memref_slice %arg3[%dma_start3A_462, %dma_start3A_463] : memref<10000x128xf32, #tpu.memory_space<hbm>> -> memref<10000x128xf32, #tpu.memory_space<hbm>>
          tpu.enqueue_indirect_dma source(%dma_start3A_464 : memref<10000x128xf32, #tpu.memory_space<hbm>>) target(%dma_start3A_458 : memref<125x128xf32, #tpu.memory_space<vmem>>) offsets(%dma_start3A_461 : memref<125xi32, #tpu.memory_space<vmem>>) semaphore(%arg13 : memref<!tpu.dma_semaphore, #tpu.memory_space<semaphore_mem>>)
        } else {
        }
        %mul3A_214 = arith.constant 8 : i32
        %mul3A_215 = arith.muli %add3A_76, %mul3A_214 : i32
        %add3A_216 = arith.constant 6 : i32
        %add3A_217 = arith.addi %mul3A_215, %add3A_216 : i32
        %dma_wait3A_218 = arith.constant 0 : i32
        %dma_wait3A_219 = arith.constant 0 : i32
        %dma_wait3A_220 = tpu.memref_slice %arg10[%dma_wait3A_218, %dma_wait3A_219] : memref<128x128xf32, #tpu.memory_space<vmem>> -> memref<125x128xf32, #tpu.memory_space<vmem>>
        %dma_wait3A_221 = arith.constant 0 : i32
        %dma_wait3A_222 = tpu.memref_slice %arg7[%add3A_217, %dma_wait3A_221] : memref<80x125xi32, #tpu.memory_space<vmem>> -> memref<1x125xi32, #tpu.memory_space<vmem>>
        %dma_wait3A_223 = tpu.memref_squeeze %dma_wait3A_222 : memref<1x125xi32, #tpu.memory_space<vmem>> -> memref<125xi32, #tpu.memory_space<vmem>>
        %dma_wait3A_224 = arith.constant 0 : i32
        %dma_wait3A_225 = arith.constant 0 : i32
        %dma_wait3A_226 = tpu.memref_slice %arg3[%dma_wait3A_224, %dma_wait3A_225] : memref<10000x128xf32, #tpu.memory_space<hbm>> -> memref<10000x128xf32, #tpu.memory_space<hbm>>
        tpu.wait_indirect_dma semaphore(%arg12 : memref<!tpu.dma_semaphore, #tpu.memory_space<semaphore_mem>>) src(%dma_wait3A_226 : memref<10000x128xf32, #tpu.memory_space<hbm>>) dst(%dma_wait3A_220 : memref<125x128xf32, #tpu.memory_space<vmem>>)
        %run_scoped3A_227 = arith.constant 6 : i32
        "tpu.region"() ({
          %run_scoped3A_454 = tpu.sem_alloc : memref<!tpu.dma_semaphore, #tpu.memory_space<semaphore_mem>>
          %dma_start3A_455 = arith.constant 0 : i32
          %dma_start3A_456 = arith.constant 0 : i32
          %dma_start3A_457 = tpu.memref_slice %arg10[%dma_start3A_455, %dma_start3A_456] : memref<128x128xf32, #tpu.memory_space<vmem>> -> memref<125x128xf32, #tpu.memory_space<vmem>>
          %dma_start3A_458 = arith.constant 0 : i32
          %dma_start3A_459 = tpu.memref_slice %arg8[%run_scoped3A_227, %dma_start3A_458] : memref<8x125xi32, #tpu.memory_space<vmem>> -> memref<1x125xi32, #tpu.memory_space<vmem>>
          %dma_start3A_460 = tpu.memref_squeeze %dma_start3A_459 : memref<1x125xi32, #tpu.memory_space<vmem>> -> memref<125xi32, #tpu.memory_space<vmem>>
          %dma_start3A_461 = arith.constant 0 : i32
          %dma_start3A_462 = arith.constant 0 : i32
          %dma_start3A_463 = tpu.memref_slice %arg16[%dma_start3A_461, %dma_start3A_462] : memref<10240x128xf32, #tpu.memory_space<vmem_shared>> -> memref<10240x128xf32, #tpu.memory_space<vmem_shared>>
          tpu.enqueue_indirect_dma source(%dma_start3A_457 : memref<125x128xf32, #tpu.memory_space<vmem>>) target(%dma_start3A_463 : memref<10240x128xf32, #tpu.memory_space<vmem_shared>>) offsets(%dma_start3A_460 : memref<125xi32, #tpu.memory_space<vmem>>) semaphore(%run_scoped3A_454 : memref<!tpu.dma_semaphore, #tpu.memory_space<semaphore_mem>>) {add = true}
          %dma_wait3A_464 = arith.constant 0 : i32
          %dma_wait3A_465 = arith.constant 0 : i32
          %dma_wait3A_466 = tpu.memref_slice %arg10[%dma_wait3A_464, %dma_wait3A_465] : memref<128x128xf32, #tpu.memory_space<vmem>> -> memref<125x128xf32, #tpu.memory_space<vmem>>
          %dma_wait3A_467 = arith.constant 0 : i32
          %dma_wait3A_468 = tpu.memref_slice %arg8[%run_scoped3A_227, %dma_wait3A_467] : memref<8x125xi32, #tpu.memory_space<vmem>> -> memref<1x125xi32, #tpu.memory_space<vmem>>
          %dma_wait3A_469 = tpu.memref_squeeze %dma_wait3A_468 : memref<1x125xi32, #tpu.memory_space<vmem>> -> memref<125xi32, #tpu.memory_space<vmem>>
          %dma_wait3A_470 = arith.constant 0 : i32
          %dma_wait3A_471 = arith.constant 0 : i32
          %dma_wait3A_472 = tpu.memref_slice %arg16[%dma_wait3A_470, %dma_wait3A_471] : memref<10240x128xf32, #tpu.memory_space<vmem_shared>> -> memref<10240x128xf32, #tpu.memory_space<vmem_shared>>
          tpu.wait_indirect_dma semaphore(%run_scoped3A_454 : memref<!tpu.dma_semaphore, #tpu.memory_space<semaphore_mem>>) src(%dma_wait3A_466 : memref<125x128xf32, #tpu.memory_space<vmem>>) dst(%dma_wait3A_472 : memref<10240x128xf32, #tpu.memory_space<vmem_shared>>)
          tpu.yield
        }) : () -> ()
        %add3A_228 = arith.constant 2 : i32
        %add3A_229 = arith.addi %add3A_217, %add3A_228 : i32
        %lt3A_230 = arith.constant 80 : i32
        %lt3A_231 = arith.cmpi slt, %add3A_229, %lt3A_230 : i32
        %convert_element_type3A_232 = arith.extui %lt3A_231 : i1 to i32
        %cond3A_233 = arith.constant 0 : i32
        %cond3A_234 = arith.cmpi ne, %convert_element_type3A_232, %cond3A_233 : i32
        scf.if %cond3A_234 {
          %add3A_454 = arith.constant 2 : i32
          %add3A_455 = arith.addi %add3A_217, %add3A_454 : i32
          %dma_start3A_456 = arith.constant 0 : i32
          %dma_start3A_457 = arith.constant 0 : i32
          %dma_start3A_458 = tpu.memref_slice %arg10[%dma_start3A_456, %dma_start3A_457] : memref<128x128xf32, #tpu.memory_space<vmem>> -> memref<125x128xf32, #tpu.memory_space<vmem>>
          %dma_start3A_459 = arith.constant 0 : i32
          %dma_start3A_460 = tpu.memref_slice %arg7[%add3A_455, %dma_start3A_459] : memref<80x125xi32, #tpu.memory_space<vmem>> -> memref<1x125xi32, #tpu.memory_space<vmem>>
          %dma_start3A_461 = tpu.memref_squeeze %dma_start3A_460 : memref<1x125xi32, #tpu.memory_space<vmem>> -> memref<125xi32, #tpu.memory_space<vmem>>
          %dma_start3A_462 = arith.constant 0 : i32
          %dma_start3A_463 = arith.constant 0 : i32
          %dma_start3A_464 = tpu.memref_slice %arg3[%dma_start3A_462, %dma_start3A_463] : memref<10000x128xf32, #tpu.memory_space<hbm>> -> memref<10000x128xf32, #tpu.memory_space<hbm>>
          tpu.enqueue_indirect_dma source(%dma_start3A_464 : memref<10000x128xf32, #tpu.memory_space<hbm>>) target(%dma_start3A_458 : memref<125x128xf32, #tpu.memory_space<vmem>>) offsets(%dma_start3A_461 : memref<125xi32, #tpu.memory_space<vmem>>) semaphore(%arg12 : memref<!tpu.dma_semaphore, #tpu.memory_space<semaphore_mem>>)
        } else {
        }
        %mul3A_235 = arith.constant 8 : i32
        %mul3A_236 = arith.muli %add3A_76, %mul3A_235 : i32
        %add3A_237 = arith.constant 7 : i32
        %add3A_238 = arith.addi %mul3A_236, %add3A_237 : i32
        %dma_wait3A_239 = arith.constant 0 : i32
        %dma_wait3A_240 = arith.constant 0 : i32
        %dma_wait3A_241 = tpu.memref_slice %arg11[%dma_wait3A_239, %dma_wait3A_240] : memref<128x128xf32, #tpu.memory_space<vmem>> -> memref<125x128xf32, #tpu.memory_space<vmem>>
        %dma_wait3A_242 = arith.constant 0 : i32
        %dma_wait3A_243 = tpu.memref_slice %arg7[%add3A_238, %dma_wait3A_242] : memref<80x125xi32, #tpu.memory_space<vmem>> -> memref<1x125xi32, #tpu.memory_space<vmem>>
        %dma_wait3A_244 = tpu.memref_squeeze %dma_wait3A_243 : memref<1x125xi32, #tpu.memory_space<vmem>> -> memref<125xi32, #tpu.memory_space<vmem>>
        %dma_wait3A_245 = arith.constant 0 : i32
        %dma_wait3A_246 = arith.constant 0 : i32
        %dma_wait3A_247 = tpu.memref_slice %arg3[%dma_wait3A_245, %dma_wait3A_246] : memref<10000x128xf32, #tpu.memory_space<hbm>> -> memref<10000x128xf32, #tpu.memory_space<hbm>>
        tpu.wait_indirect_dma semaphore(%arg13 : memref<!tpu.dma_semaphore, #tpu.memory_space<semaphore_mem>>) src(%dma_wait3A_247 : memref<10000x128xf32, #tpu.memory_space<hbm>>) dst(%dma_wait3A_241 : memref<125x128xf32, #tpu.memory_space<vmem>>)
        %run_scoped3A_248 = arith.constant 7 : i32
        "tpu.region"() ({
          %run_scoped3A_454 = tpu.sem_alloc : memref<!tpu.dma_semaphore, #tpu.memory_space<semaphore_mem>>
          %dma_start3A_455 = arith.constant 0 : i32
          %dma_start3A_456 = arith.constant 0 : i32
          %dma_start3A_457 = tpu.memref_slice %arg11[%dma_start3A_455, %dma_start3A_456] : memref<128x128xf32, #tpu.memory_space<vmem>> -> memref<125x128xf32, #tpu.memory_space<vmem>>
          %dma_start3A_458 = arith.constant 0 : i32
          %dma_start3A_459 = tpu.memref_slice %arg8[%run_scoped3A_248, %dma_start3A_458] : memref<8x125xi32, #tpu.memory_space<vmem>> -> memref<1x125xi32, #tpu.memory_space<vmem>>
          %dma_start3A_460 = tpu.memref_squeeze %dma_start3A_459 : memref<1x125xi32, #tpu.memory_space<vmem>> -> memref<125xi32, #tpu.memory_space<vmem>>
          %dma_start3A_461 = arith.constant 0 : i32
          %dma_start3A_462 = arith.constant 0 : i32
          %dma_start3A_463 = tpu.memref_slice %arg16[%dma_start3A_461, %dma_start3A_462] : memref<10240x128xf32, #tpu.memory_space<vmem_shared>> -> memref<10240x128xf32, #tpu.memory_space<vmem_shared>>
          tpu.enqueue_indirect_dma source(%dma_start3A_457 : memref<125x128xf32, #tpu.memory_space<vmem>>) target(%dma_start3A_463 : memref<10240x128xf32, #tpu.memory_space<vmem_shared>>) offsets(%dma_start3A_460 : memref<125xi32, #tpu.memory_space<vmem>>) semaphore(%run_scoped3A_454 : memref<!tpu.dma_semaphore, #tpu.memory_space<semaphore_mem>>) {add = true}
          %dma_wait3A_464 = arith.constant 0 : i32
          %dma_wait3A_465 = arith.constant 0 : i32
          %dma_wait3A_466 = tpu.memref_slice %arg11[%dma_wait3A_464, %dma_wait3A_465] : memref<128x128xf32, #tpu.memory_space<vmem>> -> memref<125x128xf32, #tpu.memory_space<vmem>>
          %dma_wait3A_467 = arith.constant 0 : i32
          %dma_wait3A_468 = tpu.memref_slice %arg8[%run_scoped3A_248, %dma_wait3A_467] : memref<8x125xi32, #tpu.memory_space<vmem>> -> memref<1x125xi32, #tpu.memory_space<vmem>>
          %dma_wait3A_469 = tpu.memref_squeeze %dma_wait3A_468 : memref<1x125xi32, #tpu.memory_space<vmem>> -> memref<125xi32, #tpu.memory_space<vmem>>
          %dma_wait3A_470 = arith.constant 0 : i32
          %dma_wait3A_471 = arith.constant 0 : i32
          %dma_wait3A_472 = tpu.memref_slice %arg16[%dma_wait3A_470, %dma_wait3A_471] : memref<10240x128xf32, #tpu.memory_space<vmem_shared>> -> memref<10240x128xf32, #tpu.memory_space<vmem_shared>>
          tpu.wait_indirect_dma semaphore(%run_scoped3A_454 : memref<!tpu.dma_semaphore, #tpu.memory_space<semaphore_mem>>) src(%dma_wait3A_466 : memref<125x128xf32, #tpu.memory_space<vmem>>) dst(%dma_wait3A_472 : memref<10240x128xf32, #tpu.memory_space<vmem_shared>>)
          tpu.yield
        }) : () -> ()
        %add3A_249 = arith.constant 2 : i32
        %add3A_250 = arith.addi %add3A_238, %add3A_249 : i32
        %lt3A_251 = arith.constant 80 : i32
        %lt3A_252 = arith.cmpi slt, %add3A_250, %lt3A_251 : i32
        %convert_element_type3A_253 = arith.extui %lt3A_252 : i1 to i32
        %cond3A_254 = arith.constant 0 : i32
        %cond3A_255 = arith.cmpi ne, %convert_element_type3A_253, %cond3A_254 : i32
        scf.if %cond3A_255 {
          %add3A_454 = arith.constant 2 : i32
          %add3A_455 = arith.addi %add3A_238, %add3A_454 : i32
          %dma_start3A_456 = arith.constant 0 : i32
          %dma_start3A_457 = arith.constant 0 : i32
          %dma_start3A_458 = tpu.memref_slice %arg11[%dma_start3A_456, %dma_start3A_457] : memref<128x128xf32, #tpu.memory_space<vmem>> -> memref<125x128xf32, #tpu.memory_space<vmem>>
          %dma_start3A_459 = arith.constant 0 : i32
          %dma_start3A_460 = tpu.memref_slice %arg7[%add3A_455, %dma_start3A_459] : memref<80x125xi32, #tpu.memory_space<vmem>> -> memref<1x125xi32, #tpu.memory_space<vmem>>
          %dma_start3A_461 = tpu.memref_squeeze %dma_start3A_460 : memref<1x125xi32, #tpu.memory_space<vmem>> -> memref<125xi32, #tpu.memory_space<vmem>>
          %dma_start3A_462 = arith.constant 0 : i32
          %dma_start3A_463 = arith.constant 0 : i32
          %dma_start3A_464 = tpu.memref_slice %arg3[%dma_start3A_462, %dma_start3A_463] : memref<10000x128xf32, #tpu.memory_space<hbm>> -> memref<10000x128xf32, #tpu.memory_space<hbm>>
          tpu.enqueue_indirect_dma source(%dma_start3A_464 : memref<10000x128xf32, #tpu.memory_space<hbm>>) target(%dma_start3A_458 : memref<125x128xf32, #tpu.memory_space<vmem>>) offsets(%dma_start3A_461 : memref<125xi32, #tpu.memory_space<vmem>>) semaphore(%arg13 : memref<!tpu.dma_semaphore, #tpu.memory_space<semaphore_mem>>)
        } else {
        }
        %add3A_256 = arith.constant 2 : i32
        %add3A_257 = arith.addi %add3A_76, %add3A_256 : i32
        %lt3A_258 = arith.constant 10 : i32
        %lt3A_259 = arith.cmpi slt, %add3A_257, %lt3A_258 : i32
        %convert_element_type3A_260 = arith.extui %lt3A_259 : i1 to i32
        %cond3A_261 = arith.constant 0 : i32
        %cond3A_262 = arith.cmpi ne, %convert_element_type3A_260, %cond3A_261 : i32
        scf.if %cond3A_262 {
          %add3A_454 = arith.constant 2 : i32
          %add3A_455 = arith.addi %add3A_76, %add3A_454 : i32
          %mul3A_456 = arith.constant 8 : i32
          %mul3A_457 = arith.muli %add3A_455, %mul3A_456 : i32
          %dma_start3A_458 = arith.constant 0 : i32
          %dma_start3A_459 = arith.constant 0 : i32
          %dma_start3A_460 = tpu.memref_slice %arg5[%arg1, %dma_start3A_458, %dma_start3A_459] : memref<16x80x125xi32, #tpu.memory_space<hbm>> -> memref<1x80x125xi32, #tpu.memory_space<hbm>>
          %dma_start3A_461 = tpu.memref_squeeze %dma_start3A_460 : memref<1x80x125xi32, #tpu.memory_space<hbm>> -> memref<80x125xi32, #tpu.memory_space<hbm>>
          %dma_start3A_462 = arith.constant 0 : i32
          %dma_start3A_463 = tpu.memref_slice %dma_start3A_461[%mul3A_457, %dma_start3A_462] : memref<80x125xi32, #tpu.memory_space<hbm>> -> memref<8x125xi32, #tpu.memory_space<hbm>>
          %dma_start3A_464 = arith.constant 0 : i32
          %dma_start3A_465 = arith.constant 0 : i32
          %dma_start3A_466 = tpu.memref_slice %arg5[%arg1, %dma_start3A_464, %dma_start3A_465] : memref<16x80x125xi32, #tpu.memory_space<hbm>> -> memref<1x80x125xi32, #tpu.memory_space<hbm>>
          %dma_start3A_467 = tpu.memref_squeeze %dma_start3A_466 : memref<1x80x125xi32, #tpu.memory_space<hbm>> -> memref<80x125xi32, #tpu.memory_space<hbm>>
          %dma_start3A_468 = arith.constant 0 : i32
          %dma_start3A_469 = tpu.memref_slice %dma_start3A_467[%mul3A_457, %dma_start3A_468] : memref<80x125xi32, #tpu.memory_space<hbm>> -> memref<8x125xi32, #tpu.memory_space<hbm>>
          tpu.enqueue_dma source(%dma_start3A_469 : memref<8x125xi32, #tpu.memory_space<hbm>>) target(%arg8 : memref<8x125xi32, #tpu.memory_space<vmem>>) target_semaphore(%arg14 : memref<!tpu.dma_semaphore, #tpu.memory_space<semaphore_mem>>)
        } else {
        }
        %add3A_263 = arith.constant 1 : i32
        %add3A_264 = arith.addi %add3A_74, %add3A_263 : i32
        %mul3A_265 = arith.constant 8 : i32
        %mul3A_266 = arith.muli %add3A_264, %mul3A_265 : i32
        %dma_wait3A_267 = arith.constant 0 : i32
        %dma_wait3A_268 = arith.constant 0 : i32
        %dma_wait3A_269 = tpu.memref_slice %arg5[%arg1, %dma_wait3A_267, %dma_wait3A_268] : memref<16x80x125xi32, #tpu.memory_space<hbm>> -> memref<1x80x125xi32, #tpu.memory_space<hbm>>
        %dma_wait3A_270 = tpu.memref_squeeze %dma_wait3A_269 : memref<1x80x125xi32, #tpu.memory_space<hbm>> -> memref<80x125xi32, #tpu.memory_space<hbm>>
        %dma_wait3A_271 = arith.constant 0 : i32
        %dma_wait3A_272 = tpu.memref_slice %dma_wait3A_270[%mul3A_266, %dma_wait3A_271] : memref<80x125xi32, #tpu.memory_space<hbm>> -> memref<8x125xi32, #tpu.memory_space<hbm>>
        %dma_wait3A_273 = arith.constant 0 : i32
        %dma_wait3A_274 = arith.constant 0 : i32
        %dma_wait3A_275 = tpu.memref_slice %arg5[%arg1, %dma_wait3A_273, %dma_wait3A_274] : memref<16x80x125xi32, #tpu.memory_space<hbm>> -> memref<1x80x125xi32, #tpu.memory_space<hbm>>
        %dma_wait3A_276 = tpu.memref_squeeze %dma_wait3A_275 : memref<1x80x125xi32, #tpu.memory_space<hbm>> -> memref<80x125xi32, #tpu.memory_space<hbm>>
        %dma_wait3A_277 = arith.constant 0 : i32
        %dma_wait3A_278 = tpu.memref_slice %dma_wait3A_276[%mul3A_266, %dma_wait3A_277] : memref<80x125xi32, #tpu.memory_space<hbm>> -> memref<8x125xi32, #tpu.memory_space<hbm>>
        tpu.wait_dma2 semaphore(%arg15 : memref<!tpu.dma_semaphore, #tpu.memory_space<semaphore_mem>>) src(%dma_wait3A_278 : memref<8x125xi32, #tpu.memory_space<hbm>>) dst(%arg9 : memref<8x125xi32, #tpu.memory_space<vmem>>)
        %mul3A_279 = arith.constant 8 : i32
        %mul3A_280 = arith.muli %add3A_264, %mul3A_279 : i32
        %add3A_281 = arith.constant 0 : i32
        %add3A_282 = arith.addi %mul3A_280, %add3A_281 : i32
        %dma_wait3A_283 = arith.constant 0 : i32
        %dma_wait3A_284 = arith.constant 0 : i32
        %dma_wait3A_285 = tpu.memref_slice %arg10[%dma_wait3A_283, %dma_wait3A_284] : memref<128x128xf32, #tpu.memory_space<vmem>> -> memref<125x128xf32, #tpu.memory_space<vmem>>
        %dma_wait3A_286 = arith.constant 0 : i32
        %dma_wait3A_287 = tpu.memref_slice %arg7[%add3A_282, %dma_wait3A_286] : memref<80x125xi32, #tpu.memory_space<vmem>> -> memref<1x125xi32, #tpu.memory_space<vmem>>
        %dma_wait3A_288 = tpu.memref_squeeze %dma_wait3A_287 : memref<1x125xi32, #tpu.memory_space<vmem>> -> memref<125xi32, #tpu.memory_space<vmem>>
        %dma_wait3A_289 = arith.constant 0 : i32
        %dma_wait3A_290 = arith.constant 0 : i32
        %dma_wait3A_291 = tpu.memref_slice %arg3[%dma_wait3A_289, %dma_wait3A_290] : memref<10000x128xf32, #tpu.memory_space<hbm>> -> memref<10000x128xf32, #tpu.memory_space<hbm>>
        tpu.wait_indirect_dma semaphore(%arg12 : memref<!tpu.dma_semaphore, #tpu.memory_space<semaphore_mem>>) src(%dma_wait3A_291 : memref<10000x128xf32, #tpu.memory_space<hbm>>) dst(%dma_wait3A_285 : memref<125x128xf32, #tpu.memory_space<vmem>>)
        %run_scoped3A_292 = arith.constant 0 : i32
        "tpu.region"() ({
          %run_scoped3A_454 = tpu.sem_alloc : memref<!tpu.dma_semaphore, #tpu.memory_space<semaphore_mem>>
          %dma_start3A_455 = arith.constant 0 : i32
          %dma_start3A_456 = arith.constant 0 : i32
          %dma_start3A_457 = tpu.memref_slice %arg10[%dma_start3A_455, %dma_start3A_456] : memref<128x128xf32, #tpu.memory_space<vmem>> -> memref<125x128xf32, #tpu.memory_space<vmem>>
          %dma_start3A_458 = arith.constant 0 : i32
          %dma_start3A_459 = tpu.memref_slice %arg9[%run_scoped3A_292, %dma_start3A_458] : memref<8x125xi32, #tpu.memory_space<vmem>> -> memref<1x125xi32, #tpu.memory_space<vmem>>
          %dma_start3A_460 = tpu.memref_squeeze %dma_start3A_459 : memref<1x125xi32, #tpu.memory_space<vmem>> -> memref<125xi32, #tpu.memory_space<vmem>>
          %dma_start3A_461 = arith.constant 0 : i32
          %dma_start3A_462 = arith.constant 0 : i32
          %dma_start3A_463 = tpu.memref_slice %arg16[%dma_start3A_461, %dma_start3A_462] : memref<10240x128xf32, #tpu.memory_space<vmem_shared>> -> memref<10240x128xf32, #tpu.memory_space<vmem_shared>>
          tpu.enqueue_indirect_dma source(%dma_start3A_457 : memref<125x128xf32, #tpu.memory_space<vmem>>) target(%dma_start3A_463 : memref<10240x128xf32, #tpu.memory_space<vmem_shared>>) offsets(%dma_start3A_460 : memref<125xi32, #tpu.memory_space<vmem>>) semaphore(%run_scoped3A_454 : memref<!tpu.dma_semaphore, #tpu.memory_space<semaphore_mem>>) {add = true}
          %dma_wait3A_464 = arith.constant 0 : i32
          %dma_wait3A_465 = arith.constant 0 : i32
          %dma_wait3A_466 = tpu.memref_slice %arg10[%dma_wait3A_464, %dma_wait3A_465] : memref<128x128xf32, #tpu.memory_space<vmem>> -> memref<125x128xf32, #tpu.memory_space<vmem>>
          %dma_wait3A_467 = arith.constant 0 : i32
          %dma_wait3A_468 = tpu.memref_slice %arg9[%run_scoped3A_292, %dma_wait3A_467] : memref<8x125xi32, #tpu.memory_space<vmem>> -> memref<1x125xi32, #tpu.memory_space<vmem>>
          %dma_wait3A_469 = tpu.memref_squeeze %dma_wait3A_468 : memref<1x125xi32, #tpu.memory_space<vmem>> -> memref<125xi32, #tpu.memory_space<vmem>>
          %dma_wait3A_470 = arith.constant 0 : i32
          %dma_wait3A_471 = arith.constant 0 : i32
          %dma_wait3A_472 = tpu.memref_slice %arg16[%dma_wait3A_470, %dma_wait3A_471] : memref<10240x128xf32, #tpu.memory_space<vmem_shared>> -> memref<10240x128xf32, #tpu.memory_space<vmem_shared>>
          tpu.wait_indirect_dma semaphore(%run_scoped3A_454 : memref<!tpu.dma_semaphore, #tpu.memory_space<semaphore_mem>>) src(%dma_wait3A_466 : memref<125x128xf32, #tpu.memory_space<vmem>>) dst(%dma_wait3A_472 : memref<10240x128xf32, #tpu.memory_space<vmem_shared>>)
          tpu.yield
        }) : () -> ()
        %add3A_293 = arith.constant 2 : i32
        %add3A_294 = arith.addi %add3A_282, %add3A_293 : i32
        %lt3A_295 = arith.constant 80 : i32
        %lt3A_296 = arith.cmpi slt, %add3A_294, %lt3A_295 : i32
        %convert_element_type3A_297 = arith.extui %lt3A_296 : i1 to i32
        %cond3A_298 = arith.constant 0 : i32
        %cond3A_299 = arith.cmpi ne, %convert_element_type3A_297, %cond3A_298 : i32
        scf.if %cond3A_299 {
          %add3A_454 = arith.constant 2 : i32
          %add3A_455 = arith.addi %add3A_282, %add3A_454 : i32
          %dma_start3A_456 = arith.constant 0 : i32
          %dma_start3A_457 = arith.constant 0 : i32
          %dma_start3A_458 = tpu.memref_slice %arg10[%dma_start3A_456, %dma_start3A_457] : memref<128x128xf32, #tpu.memory_space<vmem>> -> memref<125x128xf32, #tpu.memory_space<vmem>>
          %dma_start3A_459 = arith.constant 0 : i32
          %dma_start3A_460 = tpu.memref_slice %arg7[%add3A_455, %dma_start3A_459] : memref<80x125xi32, #tpu.memory_space<vmem>> -> memref<1x125xi32, #tpu.memory_space<vmem>>
          %dma_start3A_461 = tpu.memref_squeeze %dma_start3A_460 : memref<1x125xi32, #tpu.memory_space<vmem>> -> memref<125xi32, #tpu.memory_space<vmem>>
          %dma_start3A_462 = arith.constant 0 : i32
          %dma_start3A_463 = arith.constant 0 : i32
          %dma_start3A_464 = tpu.memref_slice %arg3[%dma_start3A_462, %dma_start3A_463] : memref<10000x128xf32, #tpu.memory_space<hbm>> -> memref<10000x128xf32, #tpu.memory_space<hbm>>
          tpu.enqueue_indirect_dma source(%dma_start3A_464 : memref<10000x128xf32, #tpu.memory_space<hbm>>) target(%dma_start3A_458 : memref<125x128xf32, #tpu.memory_space<vmem>>) offsets(%dma_start3A_461 : memref<125xi32, #tpu.memory_space<vmem>>) semaphore(%arg12 : memref<!tpu.dma_semaphore, #tpu.memory_space<semaphore_mem>>)
        } else {
        }
        %mul3A_300 = arith.constant 8 : i32
        %mul3A_301 = arith.muli %add3A_264, %mul3A_300 : i32
        %add3A_302 = arith.constant 1 : i32
        %add3A_303 = arith.addi %mul3A_301, %add3A_302 : i32
        %dma_wait3A_304 = arith.constant 0 : i32
        %dma_wait3A_305 = arith.constant 0 : i32
        %dma_wait3A_306 = tpu.memref_slice %arg11[%dma_wait3A_304, %dma_wait3A_305] : memref<128x128xf32, #tpu.memory_space<vmem>> -> memref<125x128xf32, #tpu.memory_space<vmem>>
        %dma_wait3A_307 = arith.constant 0 : i32
        %dma_wait3A_308 = tpu.memref_slice %arg7[%add3A_303, %dma_wait3A_307] : memref<80x125xi32, #tpu.memory_space<vmem>> -> memref<1x125xi32, #tpu.memory_space<vmem>>
        %dma_wait3A_309 = tpu.memref_squeeze %dma_wait3A_308 : memref<1x125xi32, #tpu.memory_space<vmem>> -> memref<125xi32, #tpu.memory_space<vmem>>
        %dma_wait3A_310 = arith.constant 0 : i32
        %dma_wait3A_311 = arith.constant 0 : i32
        %dma_wait3A_312 = tpu.memref_slice %arg3[%dma_wait3A_310, %dma_wait3A_311] : memref<10000x128xf32, #tpu.memory_space<hbm>> -> memref<10000x128xf32, #tpu.memory_space<hbm>>
        tpu.wait_indirect_dma semaphore(%arg13 : memref<!tpu.dma_semaphore, #tpu.memory_space<semaphore_mem>>) src(%dma_wait3A_312 : memref<10000x128xf32, #tpu.memory_space<hbm>>) dst(%dma_wait3A_306 : memref<125x128xf32, #tpu.memory_space<vmem>>)
        %run_scoped3A_313 = arith.constant 1 : i32
        "tpu.region"() ({
          %run_scoped3A_454 = tpu.sem_alloc : memref<!tpu.dma_semaphore, #tpu.memory_space<semaphore_mem>>
          %dma_start3A_455 = arith.constant 0 : i32
          %dma_start3A_456 = arith.constant 0 : i32
          %dma_start3A_457 = tpu.memref_slice %arg11[%dma_start3A_455, %dma_start3A_456] : memref<128x128xf32, #tpu.memory_space<vmem>> -> memref<125x128xf32, #tpu.memory_space<vmem>>
          %dma_start3A_458 = arith.constant 0 : i32
          %dma_start3A_459 = tpu.memref_slice %arg9[%run_scoped3A_313, %dma_start3A_458] : memref<8x125xi32, #tpu.memory_space<vmem>> -> memref<1x125xi32, #tpu.memory_space<vmem>>
          %dma_start3A_460 = tpu.memref_squeeze %dma_start3A_459 : memref<1x125xi32, #tpu.memory_space<vmem>> -> memref<125xi32, #tpu.memory_space<vmem>>
          %dma_start3A_461 = arith.constant 0 : i32
          %dma_start3A_462 = arith.constant 0 : i32
          %dma_start3A_463 = tpu.memref_slice %arg16[%dma_start3A_461, %dma_start3A_462] : memref<10240x128xf32, #tpu.memory_space<vmem_shared>> -> memref<10240x128xf32, #tpu.memory_space<vmem_shared>>
          tpu.enqueue_indirect_dma source(%dma_start3A_457 : memref<125x128xf32, #tpu.memory_space<vmem>>) target(%dma_start3A_463 : memref<10240x128xf32, #tpu.memory_space<vmem_shared>>) offsets(%dma_start3A_460 : memref<125xi32, #tpu.memory_space<vmem>>) semaphore(%run_scoped3A_454 : memref<!tpu.dma_semaphore, #tpu.memory_space<semaphore_mem>>) {add = true}
          %dma_wait3A_464 = arith.constant 0 : i32
          %dma_wait3A_465 = arith.constant 0 : i32
          %dma_wait3A_466 = tpu.memref_slice %arg11[%dma_wait3A_464, %dma_wait3A_465] : memref<128x128xf32, #tpu.memory_space<vmem>> -> memref<125x128xf32, #tpu.memory_space<vmem>>
          %dma_wait3A_467 = arith.constant 0 : i32
          %dma_wait3A_468 = tpu.memref_slice %arg9[%run_scoped3A_313, %dma_wait3A_467] : memref<8x125xi32, #tpu.memory_space<vmem>> -> memref<1x125xi32, #tpu.memory_space<vmem>>
          %dma_wait3A_469 = tpu.memref_squeeze %dma_wait3A_468 : memref<1x125xi32, #tpu.memory_space<vmem>> -> memref<125xi32, #tpu.memory_space<vmem>>
          %dma_wait3A_470 = arith.constant 0 : i32
          %dma_wait3A_471 = arith.constant 0 : i32
          %dma_wait3A_472 = tpu.memref_slice %arg16[%dma_wait3A_470, %dma_wait3A_471] : memref<10240x128xf32, #tpu.memory_space<vmem_shared>> -> memref<10240x128xf32, #tpu.memory_space<vmem_shared>>
          tpu.wait_indirect_dma semaphore(%run_scoped3A_454 : memref<!tpu.dma_semaphore, #tpu.memory_space<semaphore_mem>>) src(%dma_wait3A_466 : memref<125x128xf32, #tpu.memory_space<vmem>>) dst(%dma_wait3A_472 : memref<10240x128xf32, #tpu.memory_space<vmem_shared>>)
          tpu.yield
        }) : () -> ()
        %add3A_314 = arith.constant 2 : i32
        %add3A_315 = arith.addi %add3A_303, %add3A_314 : i32
        %lt3A_316 = arith.constant 80 : i32
        %lt3A_317 = arith.cmpi slt, %add3A_315, %lt3A_316 : i32
        %convert_element_type3A_318 = arith.extui %lt3A_317 : i1 to i32
        %cond3A_319 = arith.constant 0 : i32
        %cond3A_320 = arith.cmpi ne, %convert_element_type3A_318, %cond3A_319 : i32
        scf.if %cond3A_320 {
          %add3A_454 = arith.constant 2 : i32
          %add3A_455 = arith.addi %add3A_303, %add3A_454 : i32
          %dma_start3A_456 = arith.constant 0 : i32
          %dma_start3A_457 = arith.constant 0 : i32
          %dma_start3A_458 = tpu.memref_slice %arg11[%dma_start3A_456, %dma_start3A_457] : memref<128x128xf32, #tpu.memory_space<vmem>> -> memref<125x128xf32, #tpu.memory_space<vmem>>
          %dma_start3A_459 = arith.constant 0 : i32
          %dma_start3A_460 = tpu.memref_slice %arg7[%add3A_455, %dma_start3A_459] : memref<80x125xi32, #tpu.memory_space<vmem>> -> memref<1x125xi32, #tpu.memory_space<vmem>>
          %dma_start3A_461 = tpu.memref_squeeze %dma_start3A_460 : memref<1x125xi32, #tpu.memory_space<vmem>> -> memref<125xi32, #tpu.memory_space<vmem>>
          %dma_start3A_462 = arith.constant 0 : i32
          %dma_start3A_463 = arith.constant 0 : i32
          %dma_start3A_464 = tpu.memref_slice %arg3[%dma_start3A_462, %dma_start3A_463] : memref<10000x128xf32, #tpu.memory_space<hbm>> -> memref<10000x128xf32, #tpu.memory_space<hbm>>
          tpu.enqueue_indirect_dma source(%dma_start3A_464 : memref<10000x128xf32, #tpu.memory_space<hbm>>) target(%dma_start3A_458 : memref<125x128xf32, #tpu.memory_space<vmem>>) offsets(%dma_start3A_461 : memref<125xi32, #tpu.memory_space<vmem>>) semaphore(%arg13 : memref<!tpu.dma_semaphore, #tpu.memory_space<semaphore_mem>>)
        } else {
        }
        %mul3A_321 = arith.constant 8 : i32
        %mul3A_322 = arith.muli %add3A_264, %mul3A_321 : i32
        %add3A_323 = arith.constant 2 : i32
        %add3A_324 = arith.addi %mul3A_322, %add3A_323 : i32
        %dma_wait3A_325 = arith.constant 0 : i32
        %dma_wait3A_326 = arith.constant 0 : i32
        %dma_wait3A_327 = tpu.memref_slice %arg10[%dma_wait3A_325, %dma_wait3A_326] : memref<128x128xf32, #tpu.memory_space<vmem>> -> memref<125x128xf32, #tpu.memory_space<vmem>>
        %dma_wait3A_328 = arith.constant 0 : i32
        %dma_wait3A_329 = tpu.memref_slice %arg7[%add3A_324, %dma_wait3A_328] : memref<80x125xi32, #tpu.memory_space<vmem>> -> memref<1x125xi32, #tpu.memory_space<vmem>>
        %dma_wait3A_330 = tpu.memref_squeeze %dma_wait3A_329 : memref<1x125xi32, #tpu.memory_space<vmem>> -> memref<125xi32, #tpu.memory_space<vmem>>
        %dma_wait3A_331 = arith.constant 0 : i32
        %dma_wait3A_332 = arith.constant 0 : i32
        %dma_wait3A_333 = tpu.memref_slice %arg3[%dma_wait3A_331, %dma_wait3A_332] : memref<10000x128xf32, #tpu.memory_space<hbm>> -> memref<10000x128xf32, #tpu.memory_space<hbm>>
        tpu.wait_indirect_dma semaphore(%arg12 : memref<!tpu.dma_semaphore, #tpu.memory_space<semaphore_mem>>) src(%dma_wait3A_333 : memref<10000x128xf32, #tpu.memory_space<hbm>>) dst(%dma_wait3A_327 : memref<125x128xf32, #tpu.memory_space<vmem>>)
        %run_scoped3A_334 = arith.constant 2 : i32
        "tpu.region"() ({
          %run_scoped3A_454 = tpu.sem_alloc : memref<!tpu.dma_semaphore, #tpu.memory_space<semaphore_mem>>
          %dma_start3A_455 = arith.constant 0 : i32
          %dma_start3A_456 = arith.constant 0 : i32
          %dma_start3A_457 = tpu.memref_slice %arg10[%dma_start3A_455, %dma_start3A_456] : memref<128x128xf32, #tpu.memory_space<vmem>> -> memref<125x128xf32, #tpu.memory_space<vmem>>
          %dma_start3A_458 = arith.constant 0 : i32
          %dma_start3A_459 = tpu.memref_slice %arg9[%run_scoped3A_334, %dma_start3A_458] : memref<8x125xi32, #tpu.memory_space<vmem>> -> memref<1x125xi32, #tpu.memory_space<vmem>>
          %dma_start3A_460 = tpu.memref_squeeze %dma_start3A_459 : memref<1x125xi32, #tpu.memory_space<vmem>> -> memref<125xi32, #tpu.memory_space<vmem>>
          %dma_start3A_461 = arith.constant 0 : i32
          %dma_start3A_462 = arith.constant 0 : i32
          %dma_start3A_463 = tpu.memref_slice %arg16[%dma_start3A_461, %dma_start3A_462] : memref<10240x128xf32, #tpu.memory_space<vmem_shared>> -> memref<10240x128xf32, #tpu.memory_space<vmem_shared>>
          tpu.enqueue_indirect_dma source(%dma_start3A_457 : memref<125x128xf32, #tpu.memory_space<vmem>>) target(%dma_start3A_463 : memref<10240x128xf32, #tpu.memory_space<vmem_shared>>) offsets(%dma_start3A_460 : memref<125xi32, #tpu.memory_space<vmem>>) semaphore(%run_scoped3A_454 : memref<!tpu.dma_semaphore, #tpu.memory_space<semaphore_mem>>) {add = true}
          %dma_wait3A_464 = arith.constant 0 : i32
          %dma_wait3A_465 = arith.constant 0 : i32
          %dma_wait3A_466 = tpu.memref_slice %arg10[%dma_wait3A_464, %dma_wait3A_465] : memref<128x128xf32, #tpu.memory_space<vmem>> -> memref<125x128xf32, #tpu.memory_space<vmem>>
          %dma_wait3A_467 = arith.constant 0 : i32
          %dma_wait3A_468 = tpu.memref_slice %arg9[%run_scoped3A_334, %dma_wait3A_467] : memref<8x125xi32, #tpu.memory_space<vmem>> -> memref<1x125xi32, #tpu.memory_space<vmem>>
          %dma_wait3A_469 = tpu.memref_squeeze %dma_wait3A_468 : memref<1x125xi32, #tpu.memory_space<vmem>> -> memref<125xi32, #tpu.memory_space<vmem>>
          %dma_wait3A_470 = arith.constant 0 : i32
          %dma_wait3A_471 = arith.constant 0 : i32
          %dma_wait3A_472 = tpu.memref_slice %arg16[%dma_wait3A_470, %dma_wait3A_471] : memref<10240x128xf32, #tpu.memory_space<vmem_shared>> -> memref<10240x128xf32, #tpu.memory_space<vmem_shared>>
          tpu.wait_indirect_dma semaphore(%run_scoped3A_454 : memref<!tpu.dma_semaphore, #tpu.memory_space<semaphore_mem>>) src(%dma_wait3A_466 : memref<125x128xf32, #tpu.memory_space<vmem>>) dst(%dma_wait3A_472 : memref<10240x128xf32, #tpu.memory_space<vmem_shared>>)
          tpu.yield
        }) : () -> ()
        %add3A_335 = arith.constant 2 : i32
        %add3A_336 = arith.addi %add3A_324, %add3A_335 : i32
        %lt3A_337 = arith.constant 80 : i32
        %lt3A_338 = arith.cmpi slt, %add3A_336, %lt3A_337 : i32
        %convert_element_type3A_339 = arith.extui %lt3A_338 : i1 to i32
        %cond3A_340 = arith.constant 0 : i32
        %cond3A_341 = arith.cmpi ne, %convert_element_type3A_339, %cond3A_340 : i32
        scf.if %cond3A_341 {
          %add3A_454 = arith.constant 2 : i32
          %add3A_455 = arith.addi %add3A_324, %add3A_454 : i32
          %dma_start3A_456 = arith.constant 0 : i32
          %dma_start3A_457 = arith.constant 0 : i32
          %dma_start3A_458 = tpu.memref_slice %arg10[%dma_start3A_456, %dma_start3A_457] : memref<128x128xf32, #tpu.memory_space<vmem>> -> memref<125x128xf32, #tpu.memory_space<vmem>>
          %dma_start3A_459 = arith.constant 0 : i32
          %dma_start3A_460 = tpu.memref_slice %arg7[%add3A_455, %dma_start3A_459] : memref<80x125xi32, #tpu.memory_space<vmem>> -> memref<1x125xi32, #tpu.memory_space<vmem>>
          %dma_start3A_461 = tpu.memref_squeeze %dma_start3A_460 : memref<1x125xi32, #tpu.memory_space<vmem>> -> memref<125xi32, #tpu.memory_space<vmem>>
          %dma_start3A_462 = arith.constant 0 : i32
          %dma_start3A_463 = arith.constant 0 : i32
          %dma_start3A_464 = tpu.memref_slice %arg3[%dma_start3A_462, %dma_start3A_463] : memref<10000x128xf32, #tpu.memory_space<hbm>> -> memref<10000x128xf32, #tpu.memory_space<hbm>>
          tpu.enqueue_indirect_dma source(%dma_start3A_464 : memref<10000x128xf32, #tpu.memory_space<hbm>>) target(%dma_start3A_458 : memref<125x128xf32, #tpu.memory_space<vmem>>) offsets(%dma_start3A_461 : memref<125xi32, #tpu.memory_space<vmem>>) semaphore(%arg12 : memref<!tpu.dma_semaphore, #tpu.memory_space<semaphore_mem>>)
        } else {
        }
        %mul3A_342 = arith.constant 8 : i32
        %mul3A_343 = arith.muli %add3A_264, %mul3A_342 : i32
        %add3A_344 = arith.constant 3 : i32
        %add3A_345 = arith.addi %mul3A_343, %add3A_344 : i32
        %dma_wait3A_346 = arith.constant 0 : i32
        %dma_wait3A_347 = arith.constant 0 : i32
        %dma_wait3A_348 = tpu.memref_slice %arg11[%dma_wait3A_346, %dma_wait3A_347] : memref<128x128xf32, #tpu.memory_space<vmem>> -> memref<125x128xf32, #tpu.memory_space<vmem>>
        %dma_wait3A_349 = arith.constant 0 : i32
        %dma_wait3A_350 = tpu.memref_slice %arg7[%add3A_345, %dma_wait3A_349] : memref<80x125xi32, #tpu.memory_space<vmem>> -> memref<1x125xi32, #tpu.memory_space<vmem>>
        %dma_wait3A_351 = tpu.memref_squeeze %dma_wait3A_350 : memref<1x125xi32, #tpu.memory_space<vmem>> -> memref<125xi32, #tpu.memory_space<vmem>>
        %dma_wait3A_352 = arith.constant 0 : i32
        %dma_wait3A_353 = arith.constant 0 : i32
        %dma_wait3A_354 = tpu.memref_slice %arg3[%dma_wait3A_352, %dma_wait3A_353] : memref<10000x128xf32, #tpu.memory_space<hbm>> -> memref<10000x128xf32, #tpu.memory_space<hbm>>
        tpu.wait_indirect_dma semaphore(%arg13 : memref<!tpu.dma_semaphore, #tpu.memory_space<semaphore_mem>>) src(%dma_wait3A_354 : memref<10000x128xf32, #tpu.memory_space<hbm>>) dst(%dma_wait3A_348 : memref<125x128xf32, #tpu.memory_space<vmem>>)
        %run_scoped3A_355 = arith.constant 3 : i32
        "tpu.region"() ({
          %run_scoped3A_454 = tpu.sem_alloc : memref<!tpu.dma_semaphore, #tpu.memory_space<semaphore_mem>>
          %dma_start3A_455 = arith.constant 0 : i32
          %dma_start3A_456 = arith.constant 0 : i32
          %dma_start3A_457 = tpu.memref_slice %arg11[%dma_start3A_455, %dma_start3A_456] : memref<128x128xf32, #tpu.memory_space<vmem>> -> memref<125x128xf32, #tpu.memory_space<vmem>>
          %dma_start3A_458 = arith.constant 0 : i32
          %dma_start3A_459 = tpu.memref_slice %arg9[%run_scoped3A_355, %dma_start3A_458] : memref<8x125xi32, #tpu.memory_space<vmem>> -> memref<1x125xi32, #tpu.memory_space<vmem>>
          %dma_start3A_460 = tpu.memref_squeeze %dma_start3A_459 : memref<1x125xi32, #tpu.memory_space<vmem>> -> memref<125xi32, #tpu.memory_space<vmem>>
          %dma_start3A_461 = arith.constant 0 : i32
          %dma_start3A_462 = arith.constant 0 : i32
          %dma_start3A_463 = tpu.memref_slice %arg16[%dma_start3A_461, %dma_start3A_462] : memref<10240x128xf32, #tpu.memory_space<vmem_shared>> -> memref<10240x128xf32, #tpu.memory_space<vmem_shared>>
          tpu.enqueue_indirect_dma source(%dma_start3A_457 : memref<125x128xf32, #tpu.memory_space<vmem>>) target(%dma_start3A_463 : memref<10240x128xf32, #tpu.memory_space<vmem_shared>>) offsets(%dma_start3A_460 : memref<125xi32, #tpu.memory_space<vmem>>) semaphore(%run_scoped3A_454 : memref<!tpu.dma_semaphore, #tpu.memory_space<semaphore_mem>>) {add = true}
          %dma_wait3A_464 = arith.constant 0 : i32
          %dma_wait3A_465 = arith.constant 0 : i32
          %dma_wait3A_466 = tpu.memref_slice %arg11[%dma_wait3A_464, %dma_wait3A_465] : memref<128x128xf32, #tpu.memory_space<vmem>> -> memref<125x128xf32, #tpu.memory_space<vmem>>
          %dma_wait3A_467 = arith.constant 0 : i32
          %dma_wait3A_468 = tpu.memref_slice %arg9[%run_scoped3A_355, %dma_wait3A_467] : memref<8x125xi32, #tpu.memory_space<vmem>> -> memref<1x125xi32, #tpu.memory_space<vmem>>
          %dma_wait3A_469 = tpu.memref_squeeze %dma_wait3A_468 : memref<1x125xi32, #tpu.memory_space<vmem>> -> memref<125xi32, #tpu.memory_space<vmem>>
          %dma_wait3A_470 = arith.constant 0 : i32
          %dma_wait3A_471 = arith.constant 0 : i32
          %dma_wait3A_472 = tpu.memref_slice %arg16[%dma_wait3A_470, %dma_wait3A_471] : memref<10240x128xf32, #tpu.memory_space<vmem_shared>> -> memref<10240x128xf32, #tpu.memory_space<vmem_shared>>
          tpu.wait_indirect_dma semaphore(%run_scoped3A_454 : memref<!tpu.dma_semaphore, #tpu.memory_space<semaphore_mem>>) src(%dma_wait3A_466 : memref<125x128xf32, #tpu.memory_space<vmem>>) dst(%dma_wait3A_472 : memref<10240x128xf32, #tpu.memory_space<vmem_shared>>)
          tpu.yield
        }) : () -> ()
        %add3A_356 = arith.constant 2 : i32
        %add3A_357 = arith.addi %add3A_345, %add3A_356 : i32
        %lt3A_358 = arith.constant 80 : i32
        %lt3A_359 = arith.cmpi slt, %add3A_357, %lt3A_358 : i32
        %convert_element_type3A_360 = arith.extui %lt3A_359 : i1 to i32
        %cond3A_361 = arith.constant 0 : i32
        %cond3A_362 = arith.cmpi ne, %convert_element_type3A_360, %cond3A_361 : i32
        scf.if %cond3A_362 {
          %add3A_454 = arith.constant 2 : i32
          %add3A_455 = arith.addi %add3A_345, %add3A_454 : i32
          %dma_start3A_456 = arith.constant 0 : i32
          %dma_start3A_457 = arith.constant 0 : i32
          %dma_start3A_458 = tpu.memref_slice %arg11[%dma_start3A_456, %dma_start3A_457] : memref<128x128xf32, #tpu.memory_space<vmem>> -> memref<125x128xf32, #tpu.memory_space<vmem>>
          %dma_start3A_459 = arith.constant 0 : i32
          %dma_start3A_460 = tpu.memref_slice %arg7[%add3A_455, %dma_start3A_459] : memref<80x125xi32, #tpu.memory_space<vmem>> -> memref<1x125xi32, #tpu.memory_space<vmem>>
          %dma_start3A_461 = tpu.memref_squeeze %dma_start3A_460 : memref<1x125xi32, #tpu.memory_space<vmem>> -> memref<125xi32, #tpu.memory_space<vmem>>
          %dma_start3A_462 = arith.constant 0 : i32
          %dma_start3A_463 = arith.constant 0 : i32
          %dma_start3A_464 = tpu.memref_slice %arg3[%dma_start3A_462, %dma_start3A_463] : memref<10000x128xf32, #tpu.memory_space<hbm>> -> memref<10000x128xf32, #tpu.memory_space<hbm>>
          tpu.enqueue_indirect_dma source(%dma_start3A_464 : memref<10000x128xf32, #tpu.memory_space<hbm>>) target(%dma_start3A_458 : memref<125x128xf32, #tpu.memory_space<vmem>>) offsets(%dma_start3A_461 : memref<125xi32, #tpu.memory_space<vmem>>) semaphore(%arg13 : memref<!tpu.dma_semaphore, #tpu.memory_space<semaphore_mem>>)
        } else {
        }
        %mul3A_363 = arith.constant 8 : i32
        %mul3A_364 = arith.muli %add3A_264, %mul3A_363 : i32
        %add3A_365 = arith.constant 4 : i32
        %add3A_366 = arith.addi %mul3A_364, %add3A_365 : i32
        %dma_wait3A_367 = arith.constant 0 : i32
        %dma_wait3A_368 = arith.constant 0 : i32
        %dma_wait3A_369 = tpu.memref_slice %arg10[%dma_wait3A_367, %dma_wait3A_368] : memref<128x128xf32, #tpu.memory_space<vmem>> -> memref<125x128xf32, #tpu.memory_space<vmem>>
        %dma_wait3A_370 = arith.constant 0 : i32
        %dma_wait3A_371 = tpu.memref_slice %arg7[%add3A_366, %dma_wait3A_370] : memref<80x125xi32, #tpu.memory_space<vmem>> -> memref<1x125xi32, #tpu.memory_space<vmem>>
        %dma_wait3A_372 = tpu.memref_squeeze %dma_wait3A_371 : memref<1x125xi32, #tpu.memory_space<vmem>> -> memref<125xi32, #tpu.memory_space<vmem>>
        %dma_wait3A_373 = arith.constant 0 : i32
        %dma_wait3A_374 = arith.constant 0 : i32
        %dma_wait3A_375 = tpu.memref_slice %arg3[%dma_wait3A_373, %dma_wait3A_374] : memref<10000x128xf32, #tpu.memory_space<hbm>> -> memref<10000x128xf32, #tpu.memory_space<hbm>>
        tpu.wait_indirect_dma semaphore(%arg12 : memref<!tpu.dma_semaphore, #tpu.memory_space<semaphore_mem>>) src(%dma_wait3A_375 : memref<10000x128xf32, #tpu.memory_space<hbm>>) dst(%dma_wait3A_369 : memref<125x128xf32, #tpu.memory_space<vmem>>)
        %run_scoped3A_376 = arith.constant 4 : i32
        "tpu.region"() ({
          %run_scoped3A_454 = tpu.sem_alloc : memref<!tpu.dma_semaphore, #tpu.memory_space<semaphore_mem>>
          %dma_start3A_455 = arith.constant 0 : i32
          %dma_start3A_456 = arith.constant 0 : i32
          %dma_start3A_457 = tpu.memref_slice %arg10[%dma_start3A_455, %dma_start3A_456] : memref<128x128xf32, #tpu.memory_space<vmem>> -> memref<125x128xf32, #tpu.memory_space<vmem>>
          %dma_start3A_458 = arith.constant 0 : i32
          %dma_start3A_459 = tpu.memref_slice %arg9[%run_scoped3A_376, %dma_start3A_458] : memref<8x125xi32, #tpu.memory_space<vmem>> -> memref<1x125xi32, #tpu.memory_space<vmem>>
          %dma_start3A_460 = tpu.memref_squeeze %dma_start3A_459 : memref<1x125xi32, #tpu.memory_space<vmem>> -> memref<125xi32, #tpu.memory_space<vmem>>
          %dma_start3A_461 = arith.constant 0 : i32
          %dma_start3A_462 = arith.constant 0 : i32
          %dma_start3A_463 = tpu.memref_slice %arg16[%dma_start3A_461, %dma_start3A_462] : memref<10240x128xf32, #tpu.memory_space<vmem_shared>> -> memref<10240x128xf32, #tpu.memory_space<vmem_shared>>
          tpu.enqueue_indirect_dma source(%dma_start3A_457 : memref<125x128xf32, #tpu.memory_space<vmem>>) target(%dma_start3A_463 : memref<10240x128xf32, #tpu.memory_space<vmem_shared>>) offsets(%dma_start3A_460 : memref<125xi32, #tpu.memory_space<vmem>>) semaphore(%run_scoped3A_454 : memref<!tpu.dma_semaphore, #tpu.memory_space<semaphore_mem>>) {add = true}
          %dma_wait3A_464 = arith.constant 0 : i32
          %dma_wait3A_465 = arith.constant 0 : i32
          %dma_wait3A_466 = tpu.memref_slice %arg10[%dma_wait3A_464, %dma_wait3A_465] : memref<128x128xf32, #tpu.memory_space<vmem>> -> memref<125x128xf32, #tpu.memory_space<vmem>>
          %dma_wait3A_467 = arith.constant 0 : i32
          %dma_wait3A_468 = tpu.memref_slice %arg9[%run_scoped3A_376, %dma_wait3A_467] : memref<8x125xi32, #tpu.memory_space<vmem>> -> memref<1x125xi32, #tpu.memory_space<vmem>>
          %dma_wait3A_469 = tpu.memref_squeeze %dma_wait3A_468 : memref<1x125xi32, #tpu.memory_space<vmem>> -> memref<125xi32, #tpu.memory_space<vmem>>
          %dma_wait3A_470 = arith.constant 0 : i32
          %dma_wait3A_471 = arith.constant 0 : i32
          %dma_wait3A_472 = tpu.memref_slice %arg16[%dma_wait3A_470, %dma_wait3A_471] : memref<10240x128xf32, #tpu.memory_space<vmem_shared>> -> memref<10240x128xf32, #tpu.memory_space<vmem_shared>>
          tpu.wait_indirect_dma semaphore(%run_scoped3A_454 : memref<!tpu.dma_semaphore, #tpu.memory_space<semaphore_mem>>) src(%dma_wait3A_466 : memref<125x128xf32, #tpu.memory_space<vmem>>) dst(%dma_wait3A_472 : memref<10240x128xf32, #tpu.memory_space<vmem_shared>>)
          tpu.yield
        }) : () -> ()
        %add3A_377 = arith.constant 2 : i32
        %add3A_378 = arith.addi %add3A_366, %add3A_377 : i32
        %lt3A_379 = arith.constant 80 : i32
        %lt3A_380 = arith.cmpi slt, %add3A_378, %lt3A_379 : i32
        %convert_element_type3A_381 = arith.extui %lt3A_380 : i1 to i32
        %cond3A_382 = arith.constant 0 : i32
        %cond3A_383 = arith.cmpi ne, %convert_element_type3A_381, %cond3A_382 : i32
        scf.if %cond3A_383 {
          %add3A_454 = arith.constant 2 : i32
          %add3A_455 = arith.addi %add3A_366, %add3A_454 : i32
          %dma_start3A_456 = arith.constant 0 : i32
          %dma_start3A_457 = arith.constant 0 : i32
          %dma_start3A_458 = tpu.memref_slice %arg10[%dma_start3A_456, %dma_start3A_457] : memref<128x128xf32, #tpu.memory_space<vmem>> -> memref<125x128xf32, #tpu.memory_space<vmem>>
          %dma_start3A_459 = arith.constant 0 : i32
          %dma_start3A_460 = tpu.memref_slice %arg7[%add3A_455, %dma_start3A_459] : memref<80x125xi32, #tpu.memory_space<vmem>> -> memref<1x125xi32, #tpu.memory_space<vmem>>
          %dma_start3A_461 = tpu.memref_squeeze %dma_start3A_460 : memref<1x125xi32, #tpu.memory_space<vmem>> -> memref<125xi32, #tpu.memory_space<vmem>>
          %dma_start3A_462 = arith.constant 0 : i32
          %dma_start3A_463 = arith.constant 0 : i32
          %dma_start3A_464 = tpu.memref_slice %arg3[%dma_start3A_462, %dma_start3A_463] : memref<10000x128xf32, #tpu.memory_space<hbm>> -> memref<10000x128xf32, #tpu.memory_space<hbm>>
          tpu.enqueue_indirect_dma source(%dma_start3A_464 : memref<10000x128xf32, #tpu.memory_space<hbm>>) target(%dma_start3A_458 : memref<125x128xf32, #tpu.memory_space<vmem>>) offsets(%dma_start3A_461 : memref<125xi32, #tpu.memory_space<vmem>>) semaphore(%arg12 : memref<!tpu.dma_semaphore, #tpu.memory_space<semaphore_mem>>)
        } else {
        }
        %mul3A_384 = arith.constant 8 : i32
        %mul3A_385 = arith.muli %add3A_264, %mul3A_384 : i32
        %add3A_386 = arith.constant 5 : i32
        %add3A_387 = arith.addi %mul3A_385, %add3A_386 : i32
        %dma_wait3A_388 = arith.constant 0 : i32
        %dma_wait3A_389 = arith.constant 0 : i32
        %dma_wait3A_390 = tpu.memref_slice %arg11[%dma_wait3A_388, %dma_wait3A_389] : memref<128x128xf32, #tpu.memory_space<vmem>> -> memref<125x128xf32, #tpu.memory_space<vmem>>
        %dma_wait3A_391 = arith.constant 0 : i32
        %dma_wait3A_392 = tpu.memref_slice %arg7[%add3A_387, %dma_wait3A_391] : memref<80x125xi32, #tpu.memory_space<vmem>> -> memref<1x125xi32, #tpu.memory_space<vmem>>
        %dma_wait3A_393 = tpu.memref_squeeze %dma_wait3A_392 : memref<1x125xi32, #tpu.memory_space<vmem>> -> memref<125xi32, #tpu.memory_space<vmem>>
        %dma_wait3A_394 = arith.constant 0 : i32
        %dma_wait3A_395 = arith.constant 0 : i32
        %dma_wait3A_396 = tpu.memref_slice %arg3[%dma_wait3A_394, %dma_wait3A_395] : memref<10000x128xf32, #tpu.memory_space<hbm>> -> memref<10000x128xf32, #tpu.memory_space<hbm>>
        tpu.wait_indirect_dma semaphore(%arg13 : memref<!tpu.dma_semaphore, #tpu.memory_space<semaphore_mem>>) src(%dma_wait3A_396 : memref<10000x128xf32, #tpu.memory_space<hbm>>) dst(%dma_wait3A_390 : memref<125x128xf32, #tpu.memory_space<vmem>>)
        %run_scoped3A_397 = arith.constant 5 : i32
        "tpu.region"() ({
          %run_scoped3A_454 = tpu.sem_alloc : memref<!tpu.dma_semaphore, #tpu.memory_space<semaphore_mem>>
          %dma_start3A_455 = arith.constant 0 : i32
          %dma_start3A_456 = arith.constant 0 : i32
          %dma_start3A_457 = tpu.memref_slice %arg11[%dma_start3A_455, %dma_start3A_456] : memref<128x128xf32, #tpu.memory_space<vmem>> -> memref<125x128xf32, #tpu.memory_space<vmem>>
          %dma_start3A_458 = arith.constant 0 : i32
          %dma_start3A_459 = tpu.memref_slice %arg9[%run_scoped3A_397, %dma_start3A_458] : memref<8x125xi32, #tpu.memory_space<vmem>> -> memref<1x125xi32, #tpu.memory_space<vmem>>
          %dma_start3A_460 = tpu.memref_squeeze %dma_start3A_459 : memref<1x125xi32, #tpu.memory_space<vmem>> -> memref<125xi32, #tpu.memory_space<vmem>>
          %dma_start3A_461 = arith.constant 0 : i32
          %dma_start3A_462 = arith.constant 0 : i32
          %dma_start3A_463 = tpu.memref_slice %arg16[%dma_start3A_461, %dma_start3A_462] : memref<10240x128xf32, #tpu.memory_space<vmem_shared>> -> memref<10240x128xf32, #tpu.memory_space<vmem_shared>>
          tpu.enqueue_indirect_dma source(%dma_start3A_457 : memref<125x128xf32, #tpu.memory_space<vmem>>) target(%dma_start3A_463 : memref<10240x128xf32, #tpu.memory_space<vmem_shared>>) offsets(%dma_start3A_460 : memref<125xi32, #tpu.memory_space<vmem>>) semaphore(%run_scoped3A_454 : memref<!tpu.dma_semaphore, #tpu.memory_space<semaphore_mem>>) {add = true}
          %dma_wait3A_464 = arith.constant 0 : i32
          %dma_wait3A_465 = arith.constant 0 : i32
          %dma_wait3A_466 = tpu.memref_slice %arg11[%dma_wait3A_464, %dma_wait3A_465] : memref<128x128xf32, #tpu.memory_space<vmem>> -> memref<125x128xf32, #tpu.memory_space<vmem>>
          %dma_wait3A_467 = arith.constant 0 : i32
          %dma_wait3A_468 = tpu.memref_slice %arg9[%run_scoped3A_397, %dma_wait3A_467] : memref<8x125xi32, #tpu.memory_space<vmem>> -> memref<1x125xi32, #tpu.memory_space<vmem>>
          %dma_wait3A_469 = tpu.memref_squeeze %dma_wait3A_468 : memref<1x125xi32, #tpu.memory_space<vmem>> -> memref<125xi32, #tpu.memory_space<vmem>>
          %dma_wait3A_470 = arith.constant 0 : i32
          %dma_wait3A_471 = arith.constant 0 : i32
          %dma_wait3A_472 = tpu.memref_slice %arg16[%dma_wait3A_470, %dma_wait3A_471] : memref<10240x128xf32, #tpu.memory_space<vmem_shared>> -> memref<10240x128xf32, #tpu.memory_space<vmem_shared>>
          tpu.wait_indirect_dma semaphore(%run_scoped3A_454 : memref<!tpu.dma_semaphore, #tpu.memory_space<semaphore_mem>>) src(%dma_wait3A_466 : memref<125x128xf32, #tpu.memory_space<vmem>>) dst(%dma_wait3A_472 : memref<10240x128xf32, #tpu.memory_space<vmem_shared>>)
          tpu.yield
        }) : () -> ()
        %add3A_398 = arith.constant 2 : i32
        %add3A_399 = arith.addi %add3A_387, %add3A_398 : i32
        %lt3A_400 = arith.constant 80 : i32
        %lt3A_401 = arith.cmpi slt, %add3A_399, %lt3A_400 : i32
        %convert_element_type3A_402 = arith.extui %lt3A_401 : i1 to i32
        %cond3A_403 = arith.constant 0 : i32
        %cond3A_404 = arith.cmpi ne, %convert_element_type3A_402, %cond3A_403 : i32
        scf.if %cond3A_404 {
          %add3A_454 = arith.constant 2 : i32
          %add3A_455 = arith.addi %add3A_387, %add3A_454 : i32
          %dma_start3A_456 = arith.constant 0 : i32
          %dma_start3A_457 = arith.constant 0 : i32
          %dma_start3A_458 = tpu.memref_slice %arg11[%dma_start3A_456, %dma_start3A_457] : memref<128x128xf32, #tpu.memory_space<vmem>> -> memref<125x128xf32, #tpu.memory_space<vmem>>
          %dma_start3A_459 = arith.constant 0 : i32
          %dma_start3A_460 = tpu.memref_slice %arg7[%add3A_455, %dma_start3A_459] : memref<80x125xi32, #tpu.memory_space<vmem>> -> memref<1x125xi32, #tpu.memory_space<vmem>>
          %dma_start3A_461 = tpu.memref_squeeze %dma_start3A_460 : memref<1x125xi32, #tpu.memory_space<vmem>> -> memref<125xi32, #tpu.memory_space<vmem>>
          %dma_start3A_462 = arith.constant 0 : i32
          %dma_start3A_463 = arith.constant 0 : i32
          %dma_start3A_464 = tpu.memref_slice %arg3[%dma_start3A_462, %dma_start3A_463] : memref<10000x128xf32, #tpu.memory_space<hbm>> -> memref<10000x128xf32, #tpu.memory_space<hbm>>
          tpu.enqueue_indirect_dma source(%dma_start3A_464 : memref<10000x128xf32, #tpu.memory_space<hbm>>) target(%dma_start3A_458 : memref<125x128xf32, #tpu.memory_space<vmem>>) offsets(%dma_start3A_461 : memref<125xi32, #tpu.memory_space<vmem>>) semaphore(%arg13 : memref<!tpu.dma_semaphore, #tpu.memory_space<semaphore_mem>>)
        } else {
        }
        %mul3A_405 = arith.constant 8 : i32
        %mul3A_406 = arith.muli %add3A_264, %mul3A_405 : i32
        %add3A_407 = arith.constant 6 : i32
        %add3A_408 = arith.addi %mul3A_406, %add3A_407 : i32
        %dma_wait3A_409 = arith.constant 0 : i32
        %dma_wait3A_410 = arith.constant 0 : i32
        %dma_wait3A_411 = tpu.memref_slice %arg10[%dma_wait3A_409, %dma_wait3A_410] : memref<128x128xf32, #tpu.memory_space<vmem>> -> memref<125x128xf32, #tpu.memory_space<vmem>>
        %dma_wait3A_412 = arith.constant 0 : i32
        %dma_wait3A_413 = tpu.memref_slice %arg7[%add3A_408, %dma_wait3A_412] : memref<80x125xi32, #tpu.memory_space<vmem>> -> memref<1x125xi32, #tpu.memory_space<vmem>>
        %dma_wait3A_414 = tpu.memref_squeeze %dma_wait3A_413 : memref<1x125xi32, #tpu.memory_space<vmem>> -> memref<125xi32, #tpu.memory_space<vmem>>
        %dma_wait3A_415 = arith.constant 0 : i32
        %dma_wait3A_416 = arith.constant 0 : i32
        %dma_wait3A_417 = tpu.memref_slice %arg3[%dma_wait3A_415, %dma_wait3A_416] : memref<10000x128xf32, #tpu.memory_space<hbm>> -> memref<10000x128xf32, #tpu.memory_space<hbm>>
        tpu.wait_indirect_dma semaphore(%arg12 : memref<!tpu.dma_semaphore, #tpu.memory_space<semaphore_mem>>) src(%dma_wait3A_417 : memref<10000x128xf32, #tpu.memory_space<hbm>>) dst(%dma_wait3A_411 : memref<125x128xf32, #tpu.memory_space<vmem>>)
        %run_scoped3A_418 = arith.constant 6 : i32
        "tpu.region"() ({
          %run_scoped3A_454 = tpu.sem_alloc : memref<!tpu.dma_semaphore, #tpu.memory_space<semaphore_mem>>
          %dma_start3A_455 = arith.constant 0 : i32
          %dma_start3A_456 = arith.constant 0 : i32
          %dma_start3A_457 = tpu.memref_slice %arg10[%dma_start3A_455, %dma_start3A_456] : memref<128x128xf32, #tpu.memory_space<vmem>> -> memref<125x128xf32, #tpu.memory_space<vmem>>
          %dma_start3A_458 = arith.constant 0 : i32
          %dma_start3A_459 = tpu.memref_slice %arg9[%run_scoped3A_418, %dma_start3A_458] : memref<8x125xi32, #tpu.memory_space<vmem>> -> memref<1x125xi32, #tpu.memory_space<vmem>>
          %dma_start3A_460 = tpu.memref_squeeze %dma_start3A_459 : memref<1x125xi32, #tpu.memory_space<vmem>> -> memref<125xi32, #tpu.memory_space<vmem>>
          %dma_start3A_461 = arith.constant 0 : i32
          %dma_start3A_462 = arith.constant 0 : i32
          %dma_start3A_463 = tpu.memref_slice %arg16[%dma_start3A_461, %dma_start3A_462] : memref<10240x128xf32, #tpu.memory_space<vmem_shared>> -> memref<10240x128xf32, #tpu.memory_space<vmem_shared>>
          tpu.enqueue_indirect_dma source(%dma_start3A_457 : memref<125x128xf32, #tpu.memory_space<vmem>>) target(%dma_start3A_463 : memref<10240x128xf32, #tpu.memory_space<vmem_shared>>) offsets(%dma_start3A_460 : memref<125xi32, #tpu.memory_space<vmem>>) semaphore(%run_scoped3A_454 : memref<!tpu.dma_semaphore, #tpu.memory_space<semaphore_mem>>) {add = true}
          %dma_wait3A_464 = arith.constant 0 : i32
          %dma_wait3A_465 = arith.constant 0 : i32
          %dma_wait3A_466 = tpu.memref_slice %arg10[%dma_wait3A_464, %dma_wait3A_465] : memref<128x128xf32, #tpu.memory_space<vmem>> -> memref<125x128xf32, #tpu.memory_space<vmem>>
          %dma_wait3A_467 = arith.constant 0 : i32
          %dma_wait3A_468 = tpu.memref_slice %arg9[%run_scoped3A_418, %dma_wait3A_467] : memref<8x125xi32, #tpu.memory_space<vmem>> -> memref<1x125xi32, #tpu.memory_space<vmem>>
          %dma_wait3A_469 = tpu.memref_squeeze %dma_wait3A_468 : memref<1x125xi32, #tpu.memory_space<vmem>> -> memref<125xi32, #tpu.memory_space<vmem>>
          %dma_wait3A_470 = arith.constant 0 : i32
          %dma_wait3A_471 = arith.constant 0 : i32
          %dma_wait3A_472 = tpu.memref_slice %arg16[%dma_wait3A_470, %dma_wait3A_471] : memref<10240x128xf32, #tpu.memory_space<vmem_shared>> -> memref<10240x128xf32, #tpu.memory_space<vmem_shared>>
          tpu.wait_indirect_dma semaphore(%run_scoped3A_454 : memref<!tpu.dma_semaphore, #tpu.memory_space<semaphore_mem>>) src(%dma_wait3A_466 : memref<125x128xf32, #tpu.memory_space<vmem>>) dst(%dma_wait3A_472 : memref<10240x128xf32, #tpu.memory_space<vmem_shared>>)
          tpu.yield
        }) : () -> ()
        %add3A_419 = arith.constant 2 : i32
        %add3A_420 = arith.addi %add3A_408, %add3A_419 : i32
        %lt3A_421 = arith.constant 80 : i32
        %lt3A_422 = arith.cmpi slt, %add3A_420, %lt3A_421 : i32
        %convert_element_type3A_423 = arith.extui %lt3A_422 : i1 to i32
        %cond3A_424 = arith.constant 0 : i32
        %cond3A_425 = arith.cmpi ne, %convert_element_type3A_423, %cond3A_424 : i32
        scf.if %cond3A_425 {
          %add3A_454 = arith.constant 2 : i32
          %add3A_455 = arith.addi %add3A_408, %add3A_454 : i32
          %dma_start3A_456 = arith.constant 0 : i32
          %dma_start3A_457 = arith.constant 0 : i32
          %dma_start3A_458 = tpu.memref_slice %arg10[%dma_start3A_456, %dma_start3A_457] : memref<128x128xf32, #tpu.memory_space<vmem>> -> memref<125x128xf32, #tpu.memory_space<vmem>>
          %dma_start3A_459 = arith.constant 0 : i32
          %dma_start3A_460 = tpu.memref_slice %arg7[%add3A_455, %dma_start3A_459] : memref<80x125xi32, #tpu.memory_space<vmem>> -> memref<1x125xi32, #tpu.memory_space<vmem>>
          %dma_start3A_461 = tpu.memref_squeeze %dma_start3A_460 : memref<1x125xi32, #tpu.memory_space<vmem>> -> memref<125xi32, #tpu.memory_space<vmem>>
          %dma_start3A_462 = arith.constant 0 : i32
          %dma_start3A_463 = arith.constant 0 : i32
          %dma_start3A_464 = tpu.memref_slice %arg3[%dma_start3A_462, %dma_start3A_463] : memref<10000x128xf32, #tpu.memory_space<hbm>> -> memref<10000x128xf32, #tpu.memory_space<hbm>>
          tpu.enqueue_indirect_dma source(%dma_start3A_464 : memref<10000x128xf32, #tpu.memory_space<hbm>>) target(%dma_start3A_458 : memref<125x128xf32, #tpu.memory_space<vmem>>) offsets(%dma_start3A_461 : memref<125xi32, #tpu.memory_space<vmem>>) semaphore(%arg12 : memref<!tpu.dma_semaphore, #tpu.memory_space<semaphore_mem>>)
        } else {
        }
        %mul3A_426 = arith.constant 8 : i32
        %mul3A_427 = arith.muli %add3A_264, %mul3A_426 : i32
        %add3A_428 = arith.constant 7 : i32
        %add3A_429 = arith.addi %mul3A_427, %add3A_428 : i32
        %dma_wait3A_430 = arith.constant 0 : i32
        %dma_wait3A_431 = arith.constant 0 : i32
        %dma_wait3A_432 = tpu.memref_slice %arg11[%dma_wait3A_430, %dma_wait3A_431] : memref<128x128xf32, #tpu.memory_space<vmem>> -> memref<125x128xf32, #tpu.memory_space<vmem>>
        %dma_wait3A_433 = arith.constant 0 : i32
        %dma_wait3A_434 = tpu.memref_slice %arg7[%add3A_429, %dma_wait3A_433] : memref<80x125xi32, #tpu.memory_space<vmem>> -> memref<1x125xi32, #tpu.memory_space<vmem>>
        %dma_wait3A_435 = tpu.memref_squeeze %dma_wait3A_434 : memref<1x125xi32, #tpu.memory_space<vmem>> -> memref<125xi32, #tpu.memory_space<vmem>>
        %dma_wait3A_436 = arith.constant 0 : i32
        %dma_wait3A_437 = arith.constant 0 : i32
        %dma_wait3A_438 = tpu.memref_slice %arg3[%dma_wait3A_436, %dma_wait3A_437] : memref<10000x128xf32, #tpu.memory_space<hbm>> -> memref<10000x128xf32, #tpu.memory_space<hbm>>
        tpu.wait_indirect_dma semaphore(%arg13 : memref<!tpu.dma_semaphore, #tpu.memory_space<semaphore_mem>>) src(%dma_wait3A_438 : memref<10000x128xf32, #tpu.memory_space<hbm>>) dst(%dma_wait3A_432 : memref<125x128xf32, #tpu.memory_space<vmem>>)
        %run_scoped3A_439 = arith.constant 7 : i32
        "tpu.region"() ({
          %run_scoped3A_454 = tpu.sem_alloc : memref<!tpu.dma_semaphore, #tpu.memory_space<semaphore_mem>>
          %dma_start3A_455 = arith.constant 0 : i32
          %dma_start3A_456 = arith.constant 0 : i32
          %dma_start3A_457 = tpu.memref_slice %arg11[%dma_start3A_455, %dma_start3A_456] : memref<128x128xf32, #tpu.memory_space<vmem>> -> memref<125x128xf32, #tpu.memory_space<vmem>>
          %dma_start3A_458 = arith.constant 0 : i32
          %dma_start3A_459 = tpu.memref_slice %arg9[%run_scoped3A_439, %dma_start3A_458] : memref<8x125xi32, #tpu.memory_space<vmem>> -> memref<1x125xi32, #tpu.memory_space<vmem>>
          %dma_start3A_460 = tpu.memref_squeeze %dma_start3A_459 : memref<1x125xi32, #tpu.memory_space<vmem>> -> memref<125xi32, #tpu.memory_space<vmem>>
          %dma_start3A_461 = arith.constant 0 : i32
          %dma_start3A_462 = arith.constant 0 : i32
          %dma_start3A_463 = tpu.memref_slice %arg16[%dma_start3A_461, %dma_start3A_462] : memref<10240x128xf32, #tpu.memory_space<vmem_shared>> -> memref<10240x128xf32, #tpu.memory_space<vmem_shared>>
          tpu.enqueue_indirect_dma source(%dma_start3A_457 : memref<125x128xf32, #tpu.memory_space<vmem>>) target(%dma_start3A_463 : memref<10240x128xf32, #tpu.memory_space<vmem_shared>>) offsets(%dma_start3A_460 : memref<125xi32, #tpu.memory_space<vmem>>) semaphore(%run_scoped3A_454 : memref<!tpu.dma_semaphore, #tpu.memory_space<semaphore_mem>>) {add = true}
          %dma_wait3A_464 = arith.constant 0 : i32
          %dma_wait3A_465 = arith.constant 0 : i32
          %dma_wait3A_466 = tpu.memref_slice %arg11[%dma_wait3A_464, %dma_wait3A_465] : memref<128x128xf32, #tpu.memory_space<vmem>> -> memref<125x128xf32, #tpu.memory_space<vmem>>
          %dma_wait3A_467 = arith.constant 0 : i32
          %dma_wait3A_468 = tpu.memref_slice %arg9[%run_scoped3A_439, %dma_wait3A_467] : memref<8x125xi32, #tpu.memory_space<vmem>> -> memref<1x125xi32, #tpu.memory_space<vmem>>
          %dma_wait3A_469 = tpu.memref_squeeze %dma_wait3A_468 : memref<1x125xi32, #tpu.memory_space<vmem>> -> memref<125xi32, #tpu.memory_space<vmem>>
          %dma_wait3A_470 = arith.constant 0 : i32
          %dma_wait3A_471 = arith.constant 0 : i32
          %dma_wait3A_472 = tpu.memref_slice %arg16[%dma_wait3A_470, %dma_wait3A_471] : memref<10240x128xf32, #tpu.memory_space<vmem_shared>> -> memref<10240x128xf32, #tpu.memory_space<vmem_shared>>
          tpu.wait_indirect_dma semaphore(%run_scoped3A_454 : memref<!tpu.dma_semaphore, #tpu.memory_space<semaphore_mem>>) src(%dma_wait3A_466 : memref<125x128xf32, #tpu.memory_space<vmem>>) dst(%dma_wait3A_472 : memref<10240x128xf32, #tpu.memory_space<vmem_shared>>)
          tpu.yield
        }) : () -> ()
        %add3A_440 = arith.constant 2 : i32
        %add3A_441 = arith.addi %add3A_429, %add3A_440 : i32
        %lt3A_442 = arith.constant 80 : i32
        %lt3A_443 = arith.cmpi slt, %add3A_441, %lt3A_442 : i32
        %convert_element_type3A_444 = arith.extui %lt3A_443 : i1 to i32
        %cond3A_445 = arith.constant 0 : i32
        %cond3A_446 = arith.cmpi ne, %convert_element_type3A_444, %cond3A_445 : i32
        scf.if %cond3A_446 {
          %add3A_454 = arith.constant 2 : i32
          %add3A_455 = arith.addi %add3A_429, %add3A_454 : i32
          %dma_start3A_456 = arith.constant 0 : i32
          %dma_start3A_457 = arith.constant 0 : i32
          %dma_start3A_458 = tpu.memref_slice %arg11[%dma_start3A_456, %dma_start3A_457] : memref<128x128xf32, #tpu.memory_space<vmem>> -> memref<125x128xf32, #tpu.memory_space<vmem>>
          %dma_start3A_459 = arith.constant 0 : i32
          %dma_start3A_460 = tpu.memref_slice %arg7[%add3A_455, %dma_start3A_459] : memref<80x125xi32, #tpu.memory_space<vmem>> -> memref<1x125xi32, #tpu.memory_space<vmem>>
          %dma_start3A_461 = tpu.memref_squeeze %dma_start3A_460 : memref<1x125xi32, #tpu.memory_space<vmem>> -> memref<125xi32, #tpu.memory_space<vmem>>
          %dma_start3A_462 = arith.constant 0 : i32
          %dma_start3A_463 = arith.constant 0 : i32
          %dma_start3A_464 = tpu.memref_slice %arg3[%dma_start3A_462, %dma_start3A_463] : memref<10000x128xf32, #tpu.memory_space<hbm>> -> memref<10000x128xf32, #tpu.memory_space<hbm>>
          tpu.enqueue_indirect_dma source(%dma_start3A_464 : memref<10000x128xf32, #tpu.memory_space<hbm>>) target(%dma_start3A_458 : memref<125x128xf32, #tpu.memory_space<vmem>>) offsets(%dma_start3A_461 : memref<125xi32, #tpu.memory_space<vmem>>) semaphore(%arg13 : memref<!tpu.dma_semaphore, #tpu.memory_space<semaphore_mem>>)
        } else {
        }
        %add3A_447 = arith.constant 2 : i32
        %add3A_448 = arith.addi %add3A_264, %add3A_447 : i32
        %lt3A_449 = arith.constant 10 : i32
        %lt3A_450 = arith.cmpi slt, %add3A_448, %lt3A_449 : i32
        %convert_element_type3A_451 = arith.extui %lt3A_450 : i1 to i32
        %cond3A_452 = arith.constant 0 : i32
        %cond3A_453 = arith.cmpi ne, %convert_element_type3A_451, %cond3A_452 : i32
        scf.if %cond3A_453 {
          %add3A_454 = arith.constant 2 : i32
          %add3A_455 = arith.addi %add3A_264, %add3A_454 : i32
          %mul3A_456 = arith.constant 8 : i32
          %mul3A_457 = arith.muli %add3A_455, %mul3A_456 : i32
          %dma_start3A_458 = arith.constant 0 : i32
          %dma_start3A_459 = arith.constant 0 : i32
          %dma_start3A_460 = tpu.memref_slice %arg5[%arg1, %dma_start3A_458, %dma_start3A_459] : memref<16x80x125xi32, #tpu.memory_space<hbm>> -> memref<1x80x125xi32, #tpu.memory_space<hbm>>
          %dma_start3A_461 = tpu.memref_squeeze %dma_start3A_460 : memref<1x80x125xi32, #tpu.memory_space<hbm>> -> memref<80x125xi32, #tpu.memory_space<hbm>>
          %dma_start3A_462 = arith.constant 0 : i32
          %dma_start3A_463 = tpu.memref_slice %dma_start3A_461[%mul3A_457, %dma_start3A_462] : memref<80x125xi32, #tpu.memory_space<hbm>> -> memref<8x125xi32, #tpu.memory_space<hbm>>
          %dma_start3A_464 = arith.constant 0 : i32
          %dma_start3A_465 = arith.constant 0 : i32
          %dma_start3A_466 = tpu.memref_slice %arg5[%arg1, %dma_start3A_464, %dma_start3A_465] : memref<16x80x125xi32, #tpu.memory_space<hbm>> -> memref<1x80x125xi32, #tpu.memory_space<hbm>>
          %dma_start3A_467 = tpu.memref_squeeze %dma_start3A_466 : memref<1x80x125xi32, #tpu.memory_space<hbm>> -> memref<80x125xi32, #tpu.memory_space<hbm>>
          %dma_start3A_468 = arith.constant 0 : i32
          %dma_start3A_469 = tpu.memref_slice %dma_start3A_467[%mul3A_457, %dma_start3A_468] : memref<80x125xi32, #tpu.memory_space<hbm>> -> memref<8x125xi32, #tpu.memory_space<hbm>>
          tpu.enqueue_dma source(%dma_start3A_469 : memref<8x125xi32, #tpu.memory_space<hbm>>) target(%arg9 : memref<8x125xi32, #tpu.memory_space<vmem>>) target_semaphore(%arg15 : memref<!tpu.dma_semaphore, #tpu.memory_space<semaphore_mem>>)
        } else {
        }
      }
      %scan3A_70 = arith.constant 5 : i32
    } else {
    }
    %barrier3A_17 = arith.constant 0 : index
    tpu.barrier barrier_id(%barrier3A_17)
    %mul3A = arith.constant 640 : i32
    %mul3A_18 = arith.muli %arg1, %mul3A : i32
    "tpu.region"() ({
      %run_scoped3A = tpu.sem_alloc : memref<!tpu.dma_semaphore, #tpu.memory_space<semaphore_mem>>
      %dma_start3A = arith.constant 0 : i32
      %dma_start3A_19 = arith.constant 0 : i32
      %dma_start3A_20 = tpu.memref_slice %arg6[%arg0, %dma_start3A, %dma_start3A_19] : memref<2x10240x128xf32, #tpu.memory_space<hbm>> -> memref<1x10240x128xf32, #tpu.memory_space<hbm>>
      %dma_start3A_21 = tpu.memref_squeeze %dma_start3A_20 : memref<1x10240x128xf32, #tpu.memory_space<hbm>> -> memref<10240x128xf32, #tpu.memory_space<hbm>>
      %dma_start3A_22 = arith.constant 0 : i32
      %dma_start3A_23 = tpu.memref_slice %dma_start3A_21[%mul3A_18, %dma_start3A_22] : memref<10240x128xf32, #tpu.memory_space<hbm>> -> memref<640x128xf32, #tpu.memory_space<hbm>>
      %dma_start3A_24 = arith.constant 0 : i32
      %dma_start3A_25 = tpu.memref_slice %arg16[%mul3A_18, %dma_start3A_24] : memref<10240x128xf32, #tpu.memory_space<vmem_shared>> -> memref<640x128xf32, #tpu.memory_space<vmem_shared>>
      tpu.enqueue_dma source(%dma_start3A_25 : memref<640x128xf32, #tpu.memory_space<vmem_shared>>) target(%dma_start3A_23 : memref<640x128xf32, #tpu.memory_space<hbm>>) target_semaphore(%run_scoped3A : memref<!tpu.dma_semaphore, #tpu.memory_space<semaphore_mem>>)
      %dma_wait3A = arith.constant 0 : i32
      %dma_wait3A_26 = arith.constant 0 : i32
      %dma_wait3A_27 = tpu.memref_slice %arg6[%arg0, %dma_wait3A, %dma_wait3A_26] : memref<2x10240x128xf32, #tpu.memory_space<hbm>> -> memref<1x10240x128xf32, #tpu.memory_space<hbm>>
      %dma_wait3A_28 = tpu.memref_squeeze %dma_wait3A_27 : memref<1x10240x128xf32, #tpu.memory_space<hbm>> -> memref<10240x128xf32, #tpu.memory_space<hbm>>
      %dma_wait3A_29 = arith.constant 0 : i32
      %dma_wait3A_30 = tpu.memref_slice %dma_wait3A_28[%mul3A_18, %dma_wait3A_29] : memref<10240x128xf32, #tpu.memory_space<hbm>> -> memref<640x128xf32, #tpu.memory_space<hbm>>
      %dma_wait3A_31 = arith.constant 0 : i32
      %dma_wait3A_32 = tpu.memref_slice %arg16[%mul3A_18, %dma_wait3A_31] : memref<10240x128xf32, #tpu.memory_space<vmem_shared>> -> memref<640x128xf32, #tpu.memory_space<vmem_shared>>
      tpu.wait_dma2 semaphore(%run_scoped3A : memref<!tpu.dma_semaphore, #tpu.memory_space<semaphore_mem>>) src(%dma_wait3A_32 : memref<640x128xf32, #tpu.memory_space<vmem_shared>>) dst(%dma_wait3A_30 : memref<640x128xf32, #tpu.memory_space<hbm>>)
      tpu.yield
    }) : () -> ()
    return
  }
}

module attributes {stable_mosaic.version = 14 : i64} {
  func.func @_mm_body(%arg0: i32, %arg1: memref<1000x256xf32, #tpu.memory_space<vmem>>, %arg2: memref<256x256xf32, #tpu.memory_space<vmem>>, %arg3: memref<1000x1xf32, #tpu.memory_space<vmem>>, %arg4: memref<1000x128xf32, #tpu.memory_space<vmem>>, %arg5: memref<1000x128xf32, #tpu.memory_space<vmem>>) attributes {dimension_semantics = [#tpu.dimension_semantics<arbitrary>], iteration_bounds = array<i64: 10>, scalar_prefetch = 0 : i64, scratch_operands = 0 : i64, tpu.core_type = #tpu.core_type<tc>, window_params = [{transform_indices = @transform_0, window_bounds = array<i64: 1000, 256>}, {pipeline_mode = #tpu.pipeline_mode<synchronous>, transform_indices = @transform_1, window_bounds = array<i64: 256, 256>}, {transform_indices = @transform_2, window_bounds = array<i64: 1000, 1>}, {transform_indices = @transform_3, window_bounds = array<i64: 1000, 128>}, {transform_indices = @transform_4, window_bounds = array<i64: 1000, 128>}]} {
    %get3A = arith.constant 0 : index
    %get3A_0 = arith.constant 0 : index
    %get3A_1 = vector.load %arg1[%get3A, %get3A_0] : memref<1000x256xf32, #tpu.memory_space<vmem>>, vector<1000x256xf32>
    %get3A_2 = arith.constant 0 : index
    %get3A_3 = arith.constant 0 : index
    %get3A_4 = vector.load %arg2[%get3A_2, %get3A_3] : memref<256x256xf32, #tpu.memory_space<vmem>>, vector<256x256xf32>
    %dot_general3A = arith.constant dense<0.000000e+00> : vector<1000x256xf32>
    %dot_general3A_5 = tpu.matmul %get3A_1, %get3A_4, %dot_general3A {dimension_numbers = #tpu.dot_dimension_numbers<[1], [0], [0], [1], [0, 0, 1, 1], [], []>, transpose_lhs_hint = false} : vector<1000x256xf32>, vector<256x256xf32>, vector<1000x256xf32> -> vector<1000x256xf32>
    %get3A_6 = arith.constant 0 : index
    %get3A_7 = arith.constant 0 : index
    %get3A_8 = vector.load %arg3[%get3A_6, %get3A_7] : memref<1000x1xf32, #tpu.memory_space<vmem>>, vector<1000x1xf32>
    %mul3A = vector.broadcast %get3A_8 : vector<1000x1xf32> to vector<1000x256xf32>
    %mul3A_9 = arith.mulf %dot_general3A_5, %mul3A : vector<1000x256xf32>
    %slice3A = vector.extract_strided_slice %mul3A_9 {offsets = [0, 0], sizes = [1000, 128], strides = [1, 1]} : vector<1000x256xf32> to vector<1000x128xf32>
    %swap3A = arith.constant 0 : index
    %swap3A_10 = arith.constant 0 : index
    %swap3A_11 = vector.load %arg4[%swap3A, %swap3A_10] : memref<1000x128xf32, #tpu.memory_space<vmem>>, vector<1000x128xf32>
    tpu.vector_store %arg4[%swap3A, %swap3A_10], %slice3A {strides = array<i32>} : memref<1000x128xf32, #tpu.memory_space<vmem>>, vector<1000x128xf32>,
    %slice3A_12 = vector.extract_strided_slice %mul3A_9 {offsets = [0, 128], sizes = [1000, 128], strides = [1, 1]} : vector<1000x256xf32> to vector<1000x128xf32>
    %swap3A_13 = arith.constant 0 : index
    %swap3A_14 = arith.constant 0 : index
    %swap3A_15 = vector.load %arg5[%swap3A_13, %swap3A_14] : memref<1000x128xf32, #tpu.memory_space<vmem>>, vector<1000x128xf32>
    tpu.vector_store %arg5[%swap3A_13, %swap3A_14], %slice3A_12 {strides = array<i32>} : memref<1000x128xf32, #tpu.memory_space<vmem>>, vector<1000x128xf32>,
    return
  }
  func.func @transform_0(%arg0: i32) -> (i32, i32) {
    %c0_i32 = arith.constant 0 : i32
    %c0_i32_0 = arith.constant 0 : i32
    return %arg0, %c0_i32 : i32, i32
  }
  func.func @transform_1(%arg0: i32) -> (i32, i32) {
    %c0_i32 = arith.constant 0 : i32
    %c0_i32_0 = arith.constant 0 : i32
    %c0_i32_1 = arith.constant 0 : i32
    return %c0_i32, %c0_i32_0 : i32, i32
  }
  func.func @transform_2(%arg0: i32) -> (i32, i32) {
    %c0_i32 = arith.constant 0 : i32
    %c0_i32_0 = arith.constant 0 : i32
    return %arg0, %c0_i32 : i32, i32
  }
  func.func @transform_3(%arg0: i32) -> (i32, i32) {
    %c0_i32 = arith.constant 0 : i32
    %c0_i32_0 = arith.constant 0 : i32
    return %arg0, %c0_i32 : i32, i32
  }
  func.func @transform_4(%arg0: i32) -> (i32, i32) {
    %c0_i32 = arith.constant 0 : i32
    %c0_i32_0 = arith.constant 0 : i32
    return %arg0, %c0_i32 : i32, i32
  }
}

module attributes {stable_mosaic.version = 14 : i64} {
  func.func @_final_body(%arg0: i32, %arg1: memref<1x1000x128xf32, #tpu.memory_space<vmem>>, %arg2: memref<1x1000x128xf32, #tpu.memory_space<vmem>>, %arg3: memref<1000x1xf32, #tpu.memory_space<vmem>>, %arg4: memref<1x256xf32, #tpu.memory_space<vmem>>, %arg5: memref<1000x256xf32, #tpu.memory_space<vmem>>) attributes {dimension_semantics = [#tpu.dimension_semantics<arbitrary>], iteration_bounds = array<i64: 10>, scalar_prefetch = 0 : i64, scratch_operands = 0 : i64, tpu.core_type = #tpu.core_type<tc>, window_params = [{transform_indices = @transform_0, window_bounds = array<i64: 1, 1000, 128>}, {transform_indices = @transform_1, window_bounds = array<i64: 1, 1000, 128>}, {transform_indices = @transform_2, window_bounds = array<i64: 1000, 1>}, {pipeline_mode = #tpu.pipeline_mode<synchronous>, transform_indices = @transform_3, window_bounds = array<i64: 1, 256>}, {transform_indices = @transform_4, window_bounds = array<i64: 1000, 256>}]} {
    %get3A = arith.constant 0 : index
    %get3A_0 = arith.constant 0 : index
    %get3A_1 = vector.load %arg3[%get3A, %get3A_0] : memref<1000x1xf32, #tpu.memory_space<vmem>>, vector<1000x1xf32>
    %get3A_2 = arith.constant 0 : index
    %get3A_3 = arith.constant 0 : index
    %get3A_4 = arith.constant 0 : index
    %get3A_5 = vector.load %arg1[%get3A_2, %get3A_3, %get3A_4] : memref<1x1000x128xf32, #tpu.memory_space<vmem>>, vector<1x1000x128xf32>
    %get3A_6 = vector.shape_cast %get3A_5 : vector<1x1000x128xf32> to vector<1000x128xf32>
    %mul3A = vector.broadcast %get3A_1 : vector<1000x1xf32> to vector<1000x128xf32>
    %mul3A_7 = arith.mulf %get3A_6, %mul3A : vector<1000x128xf32>
    %get3A_8 = arith.constant 0 : index
    %get3A_9 = arith.constant 0 : index
    %get3A_10 = arith.constant 0 : index
    %get3A_11 = vector.load %arg2[%get3A_8, %get3A_9, %get3A_10] : memref<1x1000x128xf32, #tpu.memory_space<vmem>>, vector<1x1000x128xf32>
    %get3A_12 = vector.shape_cast %get3A_11 : vector<1x1000x128xf32> to vector<1000x128xf32>
    %mul3A_13 = vector.broadcast %get3A_1 : vector<1000x1xf32> to vector<1000x128xf32>
    %mul3A_14 = arith.mulf %get3A_12, %mul3A_13 : vector<1000x128xf32>
    %concatenate3A = tpu.concatenate %mul3A_7, %mul3A_14 in 1 : vector<1000x128xf32>, vector<1000x128xf32> -> vector<1000x256xf32>
    %get3A_15 = arith.constant 0 : index
    %get3A_16 = arith.constant 0 : index
    %get3A_17 = vector.load %arg4[%get3A_15, %get3A_16] : memref<1x256xf32, #tpu.memory_space<vmem>>, vector<1x256xf32>
    %add3A = vector.broadcast %get3A_17 : vector<1x256xf32> to vector<1000x256xf32>
    %add3A_18 = arith.addf %concatenate3A, %add3A : vector<1000x256xf32>
    %max3A = arith.constant 0.000000e+00 : f32
    %max3A_19 = vector.broadcast %max3A : f32 to vector<1000x256xf32>
    %max3A_20 = arith.maximumf %add3A_18, %max3A_19 : vector<1000x256xf32>
    %swap3A = arith.constant 0 : index
    %swap3A_21 = arith.constant 0 : index
    %swap3A_22 = vector.load %arg5[%swap3A, %swap3A_21] : memref<1000x256xf32, #tpu.memory_space<vmem>>, vector<1000x256xf32>
    tpu.vector_store %arg5[%swap3A, %swap3A_21], %max3A_20 {strides = array<i32>} : memref<1000x256xf32, #tpu.memory_space<vmem>>, vector<1000x256xf32>,
    return
  }
  func.func @transform_0(%arg0: i32) -> (i32, i32, i32) {
    %c0_i32 = arith.constant 0 : i32
    %c0_i32_0 = arith.constant 0 : i32
    %c0_i32_1 = arith.constant 0 : i32
    return %c0_i32, %arg0, %c0_i32_0 : i32, i32, i32
  }
  func.func @transform_1(%arg0: i32) -> (i32, i32, i32) {
    %c1_i32 = arith.constant 1 : i32
    %c0_i32 = arith.constant 0 : i32
    %c0_i32_0 = arith.constant 0 : i32
    return %c1_i32, %arg0, %c0_i32 : i32, i32, i32
  }
  func.func @transform_2(%arg0: i32) -> (i32, i32) {
    %c0_i32 = arith.constant 0 : i32
    %c0_i32_0 = arith.constant 0 : i32
    return %arg0, %c0_i32 : i32, i32
  }
  func.func @transform_3(%arg0: i32) -> (i32, i32) {
    %c0_i32 = arith.constant 0 : i32
    %c0_i32_0 = arith.constant 0 : i32
    %c0_i32_1 = arith.constant 0 : i32
    return %c0_i32, %c0_i32_0 : i32, i32
  }
  func.func @transform_4(%arg0: i32) -> (i32, i32) {
    %c0_i32 = arith.constant 0 : i32
    %c0_i32_0 = arith.constant 0 : i32
    return %arg0, %c0_i32 : i32, i32
  }
}

</mosaic_0001>

<sc_bundles>
// kernel: kernel.6.cloned.1.call-start
scs
__scs_entry_jumppad:
0x0: {  	(pc) =	sbr.rel $0x88, $3  }
0x1: {  	(tag) =	ssettag $0x0;
	lr =	simm.s32 $0x1  }
0x2: {  	[smem:$0x3F9D] =	sst lr;
	_ =	strace $0xD0000000  }
0x3: {  	_ = 	snop  }
0x4: {  	_ = 	snop  }
0x5: {  	_ = 	snop  }
0x6: {  	_ = 	snop  }
0x7: {  	_ = 	snop  }
__scs_overlays_trampoline_lowered:
0x8: {  	[smem:$0x3FAC] =	sst s0  }
0x9: {  	[smem:$0x3FAD] =	sst s1  }
0xa: {  	[smem:$0x3FAE] =	sst s2  }
0xb: {  	[smem:$0x3FAF] =	sst s3  }
0xc: {  	[smem:$0x3FB0] =	sst s4  }
0xd: {  	[smem:$0x3FB1] =	sst s5  }
0xe: {  	[smem:$0x3FB2] =	sst s6  }
0xf: {  	[smem:$0x3FB3] =	sst s7  }
0x10: {  	[smem:$0x3FB4] =	sst s8  }
0x11: {  	[smem:$0x3FB5] =	sst s9;
	s0 =	simm.s32 @!p0 $0x0  }
0x12: {  	s1 =	sld [smem:$0x3F9B];
	s0 =	simm.s32 @p0 $0x1  }
0x13: {  	[smem:$0x3FB6] =	sst s0;
	s0 =	simm.s32 @!p1 $0x0  }
0x14: {  	s2 =	sld [smem:$0x3F9A];
	s0 =	simm.s32 @p1 $0x1  }
0x15: {  	[smem:$0x3FB7] =	sst s0;
	s0 =	simm.s32 @!p2 $0x0  }
0x16: {  	s3 =	sld [smem:$0x3FDB];
	s0 =	simm.s32 @p2 $0x1  }
0x17: {  	s4 =	simm.s32 $0x1BF5;
	[smem:$0x3FB9] =	sst s0  }
0x18: {  	s0 =	sld [smem:$0x3F9C];
	_ =	swait.ge [sflag:s4], $0x0  }
0x19: {  	s7 =	sld [smem:$0x3F9D]  }
0x1a: {  	s8 =	sadd.s32 $0xFFFFE003, lr  }
0x1b: {  	s9 =	sadd.s32 $0xFFFFFEF7, lr;
	s5 =	simm.s32 $0xFFFFFFFF;
	p2 =	slt.u32 s8, $0xFFFFF086  }
0x1c: {  	p1 =	slt.u32 s9, $0xF7A;
	s5 =	simm.s32 @!p2 $0x0  }
0x1d: {  	s5 =	simm.s32 @p1 $0x1;
	p0 =	seq.s32 s7, s2  }
0x1e: {  	s7 =	smul.u32 @!p0 $0xF7A, s2;
	p2 =	seq.s32 @!p0 s5, $0x0  }
0x1f: {  	s9 =	smul.u32 $0xF7A, s1;
	s8 =	simm.s32 @!p0 $0x1BF5;
	p2 =	por !p2, p0  }
0x20: {  	[sflag:s8] =	ssyncset.s32 @!p0 $0xFFFFF086;
	s6 =	sadd.s32 @!p0 s3, s7;
	s7 =	simm.s32 @!p0 $0x108  }
0x21: {  	s3 =	sadd.s32 s3, s9;
	s6 =	sadd.s32 @!p0 $0x88, s6;
	s7 =	simm.s32 @p2 $0x1082  }
0x22: {  	[simem:s7], [sflag:s8] =	dma.local @!p0 [hbm:s6], $0xF7A  }
0x23: {  	s9 =	sor.u32 $0xD0000000, s2;
	s6 =	simm.s32 $0x108;
	_ =	swait.ge @!p0 [sflag:s8], $0x0  }
0x24: {  	s3 =	sadd.s32 $0x88, s3;
	s6 =	simm.s32 @!p1 $0x1082;
	[sflag:s4] =	ssyncset.s32 $0xFFFFF086  }
0x25: {  	[simem:s6], [sflag:s4] =	dma.local [hbm:s3], $0xF7A  }
0x26: {  	[smem:$0x3F9D] =	sst s1;
	(tag) =	ssettag s2;
	_ =	strace s9  }
0x27: {  	s1 =	sld [smem:$0x3FAD]  }
0x28: {  	s2 =	sld [smem:$0x3FAE]  }
0x29: {  	s4 =	sld [smem:$0x3FB0]  }
0x2a: {  	p0 =	seq.s32 s5, $0x0;
	s5 =	sld [smem:$0x3FB1]  }
0x2b: {  	s6 =	sld [smem:$0x3FB2]  }
0x2c: {  	s7 =	sld [smem:$0x3FB3]  }
0x2d: {  	s3 =	simm.s32 $0x108;
	s8 =	sld [smem:$0x3FB4]  }
0x2e: {  	s3 =	simm.s32 @!p0 $0x1082;
	s9 =	sld [smem:$0x3FB5]  }
0x2f: {  	lr =	sadd.s32 s0, s3;
	s0 =	sld [smem:$0x3FAC]  }
0x30: {  	s3 =	sld [smem:$0x3FAF]  }
0x31: {  	[smem:$0x3FB8] =	sst s10  }
0x32: {  	s10 =	sld [smem:$0x3FB6];
	_ =	sdelay $0x3  }
0x33: {  	p0 =	seq.s32 s10, $0x1;
	s10 =	sld [smem:$0x3FB8];
	_ =	sdelay $0x3  }
0x34: {  	[smem:$0x3FB8] =	sst s10  }
0x35: {  	s10 =	sld [smem:$0x3FB7];
	_ =	sdelay $0x3  }
0x36: {  	p1 =	seq.s32 s10, $0x1;
	s10 =	sld [smem:$0x3FB8];
	_ =	sdelay $0x3  }
0x37: {  	[smem:$0x3FB8] =	sst s10  }
0x38: {  	s10 =	sld [smem:$0x3FB9]  }
0x39: {  	_ = 	snop;
	(pc) =	sbr.ind lr, $3  }
0x3a: {  	_ = 	snop  }
0x3b: {  	_ = 	snop  }
0x3c: {  	p2 =	seq.s32 s10, $0x1;
	s10 =	sld [smem:$0x3FB8]  }
0x3d: {  	_ =	shalt  }
0x3e: {  	_ =	shalt  }
0x3f: {  	_ =	shalt  }
0x40: {  	_ =	shalt  }
0x41: {  	_ =	shalt  }
0x42: {  	_ =	shalt  }
0x43: {  	_ =	shalt  }
0x44: {  	_ =	shalt  }
0x45: {  	_ =	shalt  }
0x46: {  	_ =	shalt  }
0x47: {  	_ =	shalt  }
0x48: {  	_ =	shalt  }
0x49: {  	_ =	shalt  }
0x4a: {  	_ =	shalt  }
0x4b: {  	_ =	shalt  }
0x4c: {  	_ =	shalt  }
0x4d: {  	_ =	shalt  }
0x4e: {  	_ =	shalt  }
0x4f: {  	_ =	shalt  }
0x50: {  	_ =	shalt  }
0x51: {  	_ =	shalt  }
0x52: {  	_ =	shalt  }
0x53: {  	_ =	shalt  }
0x54: {  	_ =	shalt  }
0x55: {  	_ =	shalt  }
0x56: {  	_ =	shalt  }
0x57: {  	_ =	shalt  }
0x58: {  	_ =	shalt  }
0x59: {  	_ =	shalt  }
0x5a: {  	_ =	shalt  }
0x5b: {  	_ =	shalt  }
0x5c: {  	_ =	shalt  }
0x5d: {  	_ =	shalt  }
0x5e: {  	_ =	shalt  }
0x5f: {  	_ =	shalt  }
0x60: {  	_ =	shalt  }
0x61: {  	_ =	shalt  }
0x62: {  	_ =	shalt  }
0x63: {  	_ =	shalt  }
0x64: {  	_ =	shalt  }
0x65: {  	_ =	shalt  }
0x66: {  	_ =	shalt  }
0x67: {  	_ =	shalt  }
0x68: {  	_ =	shalt  }
0x69: {  	_ =	shalt  }
0x6a: {  	_ =	shalt  }
0x6b: {  	_ =	shalt  }
0x6c: {  	_ =	shalt  }
0x6d: {  	_ =	shalt  }
0x6e: {  	_ =	shalt  }
0x6f: {  	_ =	shalt  }
0x70: {  	_ =	shalt  }
0x71: {  	_ =	shalt  }
0x72: {  	_ =	shalt  }
0x73: {  	_ =	shalt  }
0x74: {  	_ =	shalt  }
0x75: {  	_ =	shalt  }
0x76: {  	_ =	shalt  }
0x77: {  	_ =	shalt  }
0x78: {  	_ =	shalt  }
0x79: {  	_ =	shalt  }
0x7a: {  	_ =	shalt  }
0x7b: {  	_ =	shalt  }
0x7c: {  	_ =	shalt  }
0x7d: {  	_ =	shalt  }
0x7e: {  	_ =	shalt  }
0x7f: {  	_ =	shalt  }
0x80: {  	_ =	shalt  }
0x81: {  	_ =	shalt  }
0x82: {  	_ =	shalt  }
0x83: {  	_ =	shalt  }
0x84: {  	_ =	shalt  }
0x85: {  	_ =	shalt  }
0x86: {  	_ =	shalt  }
0x87: {  	_ =	shalt  }
.Lfunc_end0:
.L_simem_size_0:
called_computation_lowered:
.L_overlay_start_0:
0x88: {  	s2 =	sld [smem:$0x3FD9]  }
0x89: {  	s3 =	sld [smem:$0x3FFE];
	_ =	sdelay $0x1  }
0x8a: {  	s1 =	srdreg.scid  }
0x8b: {  	s0 =	sand.u32 $0x1, s1  }
0x8c: {  	s17 =	sshll.u32 s0, $0xA;
	s2 =	sadd.s32 s3, s2  }
0x8d: {  	s2 =	sadd.s32 s2, s17  }
0x8e: {  	[smem:$0x3FC4] =	sst s2  }
0x8f: {  	_ = 	snop  }
0x90: {  	s2 =	sld [smem:$0x3FD0];
	(tm) =	ssettm $0x1  }
0x91: {  	s18 =	sld [smem:$0x3FFB];
	_ =	sdelay $0x3  }
0x92: {  	_ =	strace s18  }
0x93: {  	s3 =	sld [smem:$0x3FFC];
	_ =	sdelay $0x3  }
0x94: {  	_ =	strace s3  }
0x95: {  	s3 =	sld [smem:$0x3FFD];
	_ =	sdelay $0x3  }
0x96: {  	_ =	strace s3  }
0x97: {  	_ =	strace $0x8FFFFFFF  }
0x98: {  	s19 =	sld [smem:$0x3FDB];
	_ =	sdelay $0x1  }
0x99: {  	s4 =	simm.s32 $_scs_section_size  }
0x9a: {  	s5 =	simm.s32 $_size__tile_overlayer_lowered;
	s6 =	simm.s32 $_tile_overlayer_lowered  }
0x9b: {  	s22 =	simm.s32 $0x1BFF;
	s21 =	sshll.u32 s6, $0x1;
	s3 =	sadd.s32 s4, s19  }
0x9c: {  	s7 =	simm.s32 $0x0;
	s20 =	sshll.u32 s5, $0x1;
	s5 =	sadd.s32 s21, s3  }
0x9d: {  	[timem:s7], [sflag:s22] =	dma.local [hbm:s5], s20  }
0x9e: {  	_ =	swait.ge [sflag:s22], s20  }
0x9f: {  	s4 =	ssub.s32 $0x0, s20;
	[sflag:s22] =	ssyncset.done $0x0  }
0xa0: {  	[sflag:s22] =	ssyncadd.s32 s4;
	_ =	sdelay $0x1  }
0xa1: {  	s23 =	simm.s32 $0x1B8B  }
0xa2: {  	_ =	swait.ge [sflag:s23], $0x1  }
0xa3: {  	[sflag:s23] =	ssyncset.done $0x0  }
0xa4: {  	s25 =	simm.s32 $0x1B8E;
	s24 =	sld [smem:$0x3FFE];
	[sflag:s23] =	ssyncadd.s32 $0xFFFFFFFF  }
0xa5: {  	s26 =	simm.s32 $execute0_lowered;
	[smem:$0x3FD2] =	sst s25  }
0xa6: {  	s5 =	sshll.u32 s26, $0x1;
	_ =	strace $0x80000046;
	[dreg:$0x1] =	wrdreg $0xFFFFFFFF  }
0xa7: {  	s28 =	simm.s32 $_size_execute0_lowered;
	s3 =	sadd.s32 s3, s5;
	[dreg:$0x0] =	wrdreg $0x0  }
0xa8: {  	s5 =	sshll.u32 s28, $0x1;
	[dreg:$0x2] =	wrdreg s3  }
0xa9: {  	[dreg:$0x3] =	wrdreg s5  }
0xaa: {  	[dreg:$0x4] =	wrdreg $0xC0  }
0xab: {  	_ =	task [dreg:s7], $0x5FFFF  }
0xac: {  	[dreg:$0x1] =	wrdreg $0xFFFFFFFF  }
0xad: {  	[dreg:$0x0] =	wrdreg $0x60  }
0xae: {  	[dreg:$0x2] =	wrdreg s2  }
0xaf: {  	[dreg:$0x3] =	wrdreg s24  }
0xb0: {  	[dreg:$0x4] =	wrdreg $0x52800  }
0xb1: {  	[dreg:$0x5] =	wrdreg $0x9  }
0xb2: {  	_ =	task.clear_ibuf [dreg:s7], $0x6FFFF;
	_ =	strace $0x90000046  }
0xb3: {  	s29 =	simm.s32 $0x9;
	_ =	strace $0x80000048  }
0xb4: {  	_ =	swait.ge [sflag:s29], $0x1  }
0xb5: {  	[sflag:s29] =	ssyncadd.s32 $0xFFFFFFFF  }
0xb6: {  	_ =	strace $0x90000048  }
0xb7: {  	_ =	sfence  }
0xb8: {  	s30 =	sld [smem:$0x0];
	_ =	sdelay $0x2  }
0xb9: {  	s31 =	sshll.u32 s1, $0xD;
	s1 =	sshrl.u32 s1, $0x2  }
0xba: {  	s3 =	sand.u32 $0x4000, s31;
	s1 =	sadd.s32 s1, s30  }
0xbb: {  	s0 =	sor.u32 s3, s0;
	s1 =	sshll.u32 s1, $0x11  }
0xbc: {  	s0 =	sor.u32 s1, s0  }
0xbd: {  	s0 =	sadd.s32 $0x8F2B, s0  }
0xbe: {  	[sflag:s0] =	ssyncadd.remote.s32 $0x1  }
0xbf: {  	_ =	sfence.sel $0xFFFF  }
0xc0: {  	[dreg:$0x0] =	wrdreg $0xFFFFFFFF;
	(pc) =	sbr.abs _section_cstart, $3  }
0xc1: {  	[dreg:$0x1] =	wrdreg $0xFFFFFFFF  }
0xc2: {  	_ =	task.clear_ibuf [dreg:s7], $0x2FFFF;
	_ =	strace $0x9FFFFFFF  }
0xc3: {  	(tm) =	ssettm $0x7FFFFFFF  }
tec
execute0_lowered:
.L_overlay_start_1:
0x0: {  	(tag) =	ssettag $0x1  }
0x1: {  	s1 =	srdreg.scid  }
0x2: {  	s1 =	sand.u32 $0x1, s1  }
0x3: {  	p0 =	seq.s32 s1, $0x1  }
.Ltmp0:
0x4: {  	s4 =	rddreg [dreg:$0x0];
	(pc) =	sbr.rel @p0 .LBB2_8-.Ltmp0, $4  }
0x5: {  	s2 =	rddreg [dreg:$0x1]  }
0x6: {  	s3 =	rddreg [dreg:$0x2];
	s5 =	simm.s32 $0x0  }
0x7: {  	[smem:$0x7FF] =	sst s5  }
0x8: {  	s0 =	rddreg [dreg:$0x3];
	_ =	strace $0x80000047;
	s1 =	stileid.u32  }
0x9: {  	s6 =	smul.u32 $0x4E2, s1;
	_ =	sdelay $0x1  }
0xa: {  	s30 =	simm.s32 $0x1;
	s4 =	sadd.s32 s4, s6  }
0xb: {  	[tilespmem:s5], [sflag:$0x1] =	stream.linear.gather [hbm4b:s4+s5], $0x2710, $0x38;
	[tilespmem:$0x5500] =	vst v63  }
0xc: {  	_ =	swait.ge [sflag:s30], $0x2710  }
0xd: {  	[sflag:s30] =	ssyncset.done $0x0  }
0xe: {  	v0 =	vimm.f32 $0.0e+00;
	s4 =	simm.s32 $0x2880;
	[sflag:s30] =	ssyncadd.s32 $0xFFFFD8F0  }
0xf: {  	[tilespmem:s4+$0xFFFFFF00] =	vst v0  }
0x10: {  	[tilespmem:s4+$0xF0] =	vst v0  }
0x11: {  	[tilespmem:s4+$0xE0] =	vst v0  }
0x12: {  	[tilespmem:s4+$0xD0] =	vst v0  }
0x13: {  	[tilespmem:s4+$0xC0] =	vst v0  }
0x14: {  	[tilespmem:s4+$0xB0] =	vst v0  }
0x15: {  	[tilespmem:s4+$0xA0] =	vst v0  }
0x16: {  	[tilespmem:s4+$0x90] =	vst v0  }
0x17: {  	[tilespmem:s4+$0x80] =	vst v0  }
0x18: {  	[tilespmem:s4+$0x70] =	vst v0  }
0x19: {  	[tilespmem:s4+$0x60] =	vst v0  }
0x1a: {  	[tilespmem:s4+$0x50] =	vst v0  }
0x1b: {  	[tilespmem:s4+$0x40] =	vst v0  }
0x1c: {  	[tilespmem:s4+$0x30] =	vst v0  }
0x1d: {  	[tilespmem:s4+$0x20] =	vst v0  }
0x1e: {  	[tilespmem:s4+$0x10] =	vst v0  }
0x1f: {  	[tilespmem:s4+$0x0] =	vst v0  }
0x20: {  	[tilespmem:s4+$0xFFFFFFF0] =	vst v0  }
0x21: {  	[tilespmem:s4+$0xFFFFFFE0] =	vst v0  }
0x22: {  	[tilespmem:s4+$0xFFFFFFD0] =	vst v0  }
0x23: {  	[tilespmem:s4+$0xFFFFFFC0] =	vst v0  }
0x24: {  	[tilespmem:s4+$0xFFFFFFB0] =	vst v0  }
0x25: {  	[tilespmem:s4+$0xFFFFFFA0] =	vst v0  }
0x26: {  	[tilespmem:s4+$0xFFFFFF90] =	vst v0  }
0x27: {  	[tilespmem:s4+$0xFFFFFF80] =	vst v0  }
0x28: {  	[tilespmem:s4+$0xFFFFFF70] =	vst v0  }
0x29: {  	[tilespmem:s4+$0xFFFFFF60] =	vst v0  }
0x2a: {  	s31 =	smul.u32 $0x50, s1;
	[tilespmem:s4+$0xFFFFFF50] =	vst v0  }
0x2b: {  	[tilespmem:s4+$0xFFFFFF40] =	vst v0  }
0x2c: {  	s2 =	sadd.s32 s31, s2;
	[tilespmem:s4+$0xFFFFFF30] =	vst v0  }
0x2d: {  	s2 =	sadd.s32 $0xC00, s2;
	s5 =	simm.s32 $0x0;
	[tilespmem:s4+$0xFFFFFF20] =	vst v0  }
.LBB2_2:
0x2e: {  	s5 =	sadd.s32 $0x4, s5;
	[tilespmem:s4+$0xFFFFFF10] =	vst v0;
	s4 =	sadd.s32 $0x200, s4  }
0x2f: {  	[tilespmem:s4+$0xFFFFFF00] =	vst v0;
	p0 =	slt.u32 s5, $0x4C  }
0x30: {  	[tilespmem:s4+$0xF0] =	vst v0  }
0x31: {  	[tilespmem:s4+$0xE0] =	vst v0  }
0x32: {  	[tilespmem:s4+$0xD0] =	vst v0  }
0x33: {  	[tilespmem:s4+$0xC0] =	vst v0  }
0x34: {  	[tilespmem:s4+$0xB0] =	vst v0  }
0x35: {  	[tilespmem:s4+$0xA0] =	vst v0  }
0x36: {  	[tilespmem:s4+$0x90] =	vst v0  }
0x37: {  	[tilespmem:s4+$0x80] =	vst v0  }
0x38: {  	[tilespmem:s4+$0x70] =	vst v0  }
0x39: {  	[tilespmem:s4+$0x60] =	vst v0  }
0x3a: {  	[tilespmem:s4+$0x50] =	vst v0  }
0x3b: {  	[tilespmem:s4+$0x40] =	vst v0  }
0x3c: {  	[tilespmem:s4+$0x30] =	vst v0  }
0x3d: {  	[tilespmem:s4+$0x20] =	vst v0  }
0x3e: {  	[tilespmem:s4+$0x10] =	vst v0  }
0x3f: {  	[tilespmem:s4+$0x0] =	vst v0  }
0x40: {  	[tilespmem:s4+$0xFFFFFFF0] =	vst v0  }
0x41: {  	[tilespmem:s4+$0xFFFFFFE0] =	vst v0  }
0x42: {  	[tilespmem:s4+$0xFFFFFFD0] =	vst v0  }
0x43: {  	[tilespmem:s4+$0xFFFFFFC0] =	vst v0  }
0x44: {  	[tilespmem:s4+$0xFFFFFFB0] =	vst v0  }
0x45: {  	[tilespmem:s4+$0xFFFFFFA0] =	vst v0  }
0x46: {  	[tilespmem:s4+$0xFFFFFF90] =	vst v0  }
0x47: {  	[tilespmem:s4+$0xFFFFFF80] =	vst v0  }
0x48: {  	[tilespmem:s4+$0xFFFFFF70] =	vst v0  }
.Ltmp1:
0x49: {  	[tilespmem:s4+$0xFFFFFF60] =	vst v0;
	(pc) =	sbr.rel @p0 .LBB2_2-.Ltmp1, $4  }
0x4a: {  	[tilespmem:s4+$0xFFFFFF50] =	vst v0  }
0x4b: {  	[tilespmem:s4+$0xFFFFFF40] =	vst v0  }
0x4c: {  	[tilespmem:s4+$0xFFFFFF30] =	vst v0  }
0x4d: {  	[tilespmem:s4+$0xFFFFFF20] =	vst v0  }
0x4e: {  	p0 =	sne.s32 s1, $0x0  }
0x4f: {  	[tilespmem:s4+$0xFFFFFF10] =	vst v0;
	s4 =	simm.s32 @!p0 $0x2780  }
0x50: {  	[spmem:s3] =	stream.linear.scatter @!p0 [tilespmem:s4], [sflag:$0x1], $0x2800, $0x38;
	[tilespmem:$0x5500] =	vst v63  }
0x51: {  	s4 =	simm.s32 @!p0 $0x1  }
0x52: {  	_ =	swait.ge @!p0 [sflag:s4], $0x2800  }
0x53: {  	[sflag:s4] =	ssyncset.done @!p0 $0x0  }
0x54: {  	v0 =	vlaneseq.u32;
	[sflag:s4] =	ssyncadd.s32 @!p0 $0xFFFFD800  }
0x55: {  	v1 =	vor.u32 $0x10, v0;
	[tilespmem:$0x4F80] =	vst v0  }
0x56: {  	[tilespmem:$0x4F90] =	vst v1;
	v1 =	vor.u32 $0x20, v0  }
0x57: {  	[tilespmem:$0x4FA0] =	vst v1;
	v1 =	vor.u32 $0x30, v0  }
0x58: {  	v0 =	vor.u32 $0x40, v0;
	[tilespmem:$0x4FB0] =	vst v1  }
0x59: {  	s5 =	simm.s32 $0x20;
	[tilespmem:$0x4FC0] =	vst v0  }
0x5a: {  	s6 =	simm.s32 $0x2780;
	s4 =	simm.s32 $0xFFFFFFFC;
	v0 =	vimm.f32 $1.000000000e+00;
	[bflag:$0x0] =	sbarrier.arrive $0xFFFF  }
.LBB2_4:
0x5b: {  	v1 =	vld [tilespmem:s5+$0xFFFFFFE0];
	_ =	sdelay $0x7  }
0x5c: {  	[tilespmem:v1+s6+$0x0] =	vst.idx.add.f32.msk $0xffff, v0  }
0x5d: {  	v1 =	vld [tilespmem:s5+$0xFFFFFFF0];
	_ =	sdelay $0x7  }
0x5e: {  	[tilespmem:v1+s6+$0x0] =	vst.idx.add.f32.msk $0xffff, v0  }
0x5f: {  	v1 =	vld [tilespmem:s5+$0x0];
	_ =	sdelay $0x7  }
0x60: {  	[tilespmem:v1+s6+$0x0] =	vst.idx.add.f32.msk $0xffff, v0  }
0x61: {  	v1 =	vld [tilespmem:s5+$0x10];
	_ =	sdelay $0x1  }
0x62: {  	s4 =	sadd.s32 $0x4, s4  }
0x63: {  	p0 =	slt.u32 s4, $0x26C  }
.Ltmp2:
0x64: {  	_ = 	snop;
	(pc) =	sbr.rel @p0 .LBB2_4-.Ltmp2, $2  }
0x65: {  	_ =	sdelay $0x2  }
0x66: {  	s5 =	sadd.s32 $0x40, s5;
	[tilespmem:v1+s6+$0x0] =	vst.idx.add.f32.msk $0xffff, v0  }
0x67: {  	v0 =	vld [tilespmem:$0x2700];
	_ =	sdelay $0x6  }
0x68: {  	v1 =	vimm.f32 $1.000000000e+00;
	s4 =	simm.s32 $0x2780;
	s5 =	simm.s32 $0x50  }
0x69: {  	s6 =	simm.s32 $0x4F80;
	s30 =	simm.s32 $0x1;
	s31 =	smul.u32 $0xA00, s1;
	[tilespmem:v0+s4+$0x0] =	vst.idx.add.f32.msk $0xffff, v1  }
0x6a: {  	[spmem:s3] =	stream.indirect.scatter.add.f32 [tilespmem:s4], [sflag:$0x1], $0x80, s6, s5, $0xb8;
	[tilespmem:$0x5500] =	vst v63  }
0x6b: {  	_ =	swait.ge [sflag:s30], $0x2800  }
0x6c: {  	s6 =	sshrl.u32 s31, $0x2;
	[sflag:s30] =	ssyncset.done $0x0  }
0x6d: {  	s6 =	sadd.s32 $0x2780, s6;
	[sflag:s30] =	ssyncadd.s32 $0xFFFFD800  }
0x6e: {  	v0 =	vmov s6;
	[bflag:$0x0] =	sbarrier.arrive $0xFFFF  }
0x6f: {  	[tilespmem:s4], [sflag:$0x1] =	stream.linear.gather [spmem:s3], $0x2800, $0x38;
	[tilespmem:$0x5500] =	vst v63  }
0x70: {  	_ =	swait.ge [sflag:s30], $0x2800  }
0x71: {  	[sflag:s30] =	ssyncset.done $0x0  }
0x72: {  	s3 =	simm.s32 $0x0;
	[sflag:s30] =	ssyncadd.s32 $0xFFFFD800  }
0x73: {  	v1 =	vld.idx.msk [tilespmem:v0+s3+$0x0 ss:$0x1], $0xffff;
	_ =	sdelay $0x4  }
0x74: {  	v2 =	vmul.f32 $5.000000000e-01, v1;
	v3 =	vshra.s32 v1, $0x1  }
0x75: {  	v3 =	vsub.s32 $0x5F3759DF, v3  }
0x76: {  	v4 =	vmul.f32 v3, v2;
	_ =	sdelay $0x1  }
0x77: {  	v4 =	vmul.f32 v3, v4;
	_ =	sdelay $0x1  }
0x78: {  	v4 =	vsub.f32 $1.500000000e+00, v4;
	_ =	sdelay $0x1  }
0x79: {  	v3 =	vmul.f32 v3, v4;
	_ =	sdelay $0x1  }
0x7a: {  	v4 =	vmul.f32 v3, v2;
	_ =	sdelay $0x1  }
0x7b: {  	v4 =	vmul.f32 v4, v3;
	_ =	sdelay $0x1  }
0x7c: {  	v4 =	vsub.f32 $1.500000000e+00, v4;
	_ =	sdelay $0x1  }
0x7d: {  	v3 =	vmul.f32 v4, v3;
	_ =	sdelay $0x1  }
0x7e: {  	v2 =	vmul.f32 v3, v2;
	_ =	sdelay $0x1  }
0x7f: {  	v2 =	vmul.f32 v2, v3;
	_ =	sdelay $0x1  }
0x80: {  	v2 =	vsub.f32 $1.500000000e+00, v2;
	_ =	sdelay $0x1  }
0x81: {  	v2 =	vmul.f32 v2, v3  }
0x82: {  	vm0 =	vgt.f32 v1, $0.0e+00  }
0x83: {  	v1 =	vnsel vm0, $0x0, v2  }
0x84: {  	[tilespmem:s3+$0x5000] =	vst v1  }
0x85: {  	v1 =	vld.idx.msk [tilespmem:v0+s3+$0x10 ss:$0x1], $0xffff;
	_ =	sdelay $0x4  }
0x86: {  	v2 =	vmul.f32 $5.000000000e-01, v1;
	v3 =	vshra.s32 v1, $0x1  }
0x87: {  	v3 =	vsub.s32 $0x5F3759DF, v3  }
0x88: {  	v57 =	vmul.f32 v3, v2;
	_ =	sdelay $0x1  }
0x89: {  	v4 =	vmul.f32 v3, v57;
	_ =	sdelay $0x1  }
0x8a: {  	v4 =	vsub.f32 $1.500000000e+00, v4;
	_ =	sdelay $0x1  }
0x8b: {  	v3 =	vmul.f32 v3, v4;
	_ =	sdelay $0x1  }
0x8c: {  	v4 =	vmul.f32 v3, v2;
	_ =	sdelay $0x1  }
0x8d: {  	v4 =	vmul.f32 v4, v3;
	_ =	sdelay $0x1  }
0x8e: {  	v4 =	vsub.f32 $1.500000000e+00, v4;
	_ =	sdelay $0x1  }
0x8f: {  	v3 =	vmul.f32 v4, v3;
	_ =	sdelay $0x1  }
0x90: {  	v2 =	vmul.f32 v3, v2;
	_ =	sdelay $0x1  }
0x91: {  	v2 =	vmul.f32 v2, v3;
	_ =	sdelay $0x1  }
0x92: {  	v2 =	vsub.f32 $1.500000000e+00, v2;
	_ =	sdelay $0x1  }
0x93: {  	v2 =	vmul.f32 v2, v3  }
0x94: {  	vm9 =	vgt.f32 v1, $0.0e+00  }
0x95: {  	v1 =	vnsel vm9, $0x0, v2  }
0x96: {  	[tilespmem:s3+$0x5010] =	vst v1  }
0x97: {  	v1 =	vld.idx.msk [tilespmem:v0+s3+$0x20 ss:$0x1], $0xffff;
	_ =	sdelay $0x4  }
0x98: {  	v2 =	vmul.f32 $5.000000000e-01, v1;
	v3 =	vshra.s32 v1, $0x1  }
0x99: {  	v3 =	vsub.s32 $0x5F3759DF, v3  }
0x9a: {  	v58 =	vmul.f32 v3, v2;
	_ =	sdelay $0x1  }
0x9b: {  	v4 =	vmul.f32 v3, v58;
	_ =	sdelay $0x1  }
0x9c: {  	v4 =	vsub.f32 $1.500000000e+00, v4;
	_ =	sdelay $0x1  }
0x9d: {  	v3 =	vmul.f32 v3, v4;
	_ =	sdelay $0x1  }
0x9e: {  	v4 =	vmul.f32 v3, v2;
	_ =	sdelay $0x1  }
0x9f: {  	v4 =	vmul.f32 v4, v3;
	_ =	sdelay $0x1  }
0xa0: {  	v4 =	vsub.f32 $1.500000000e+00, v4;
	_ =	sdelay $0x1  }
0xa1: {  	v3 =	vmul.f32 v4, v3;
	_ =	sdelay $0x1  }
0xa2: {  	v2 =	vmul.f32 v3, v2;
	_ =	sdelay $0x1  }
0xa3: {  	v2 =	vmul.f32 v2, v3;
	_ =	sdelay $0x1  }
0xa4: {  	v2 =	vsub.f32 $1.500000000e+00, v2;
	_ =	sdelay $0x1  }
0xa5: {  	v2 =	vmul.f32 v2, v3  }
0xa6: {  	vm10 =	vgt.f32 v1, $0.0e+00  }
0xa7: {  	v1 =	vnsel vm10, $0x0, v2  }
0xa8: {  	[tilespmem:s3+$0x5020] =	vst v1  }
0xa9: {  	v1 =	vld.idx.msk [tilespmem:v0+s3+$0x30 ss:$0x1], $0xffff;
	_ =	sdelay $0x4  }
0xaa: {  	v2 =	vmul.f32 $5.000000000e-01, v1;
	v3 =	vshra.s32 v1, $0x1  }
0xab: {  	v3 =	vsub.s32 $0x5F3759DF, v3  }
0xac: {  	v59 =	vmul.f32 v3, v2;
	_ =	sdelay $0x1  }
0xad: {  	v4 =	vmul.f32 v3, v59;
	_ =	sdelay $0x1  }
0xae: {  	v4 =	vsub.f32 $1.500000000e+00, v4;
	_ =	sdelay $0x1  }
0xaf: {  	v3 =	vmul.f32 v3, v4;
	_ =	sdelay $0x1  }
0xb0: {  	v4 =	vmul.f32 v3, v2;
	_ =	sdelay $0x1  }
0xb1: {  	v4 =	vmul.f32 v4, v3;
	_ =	sdelay $0x1  }
0xb2: {  	v4 =	vsub.f32 $1.500000000e+00, v4;
	_ =	sdelay $0x1  }
0xb3: {  	v3 =	vmul.f32 v4, v3;
	_ =	sdelay $0x1  }
0xb4: {  	v2 =	vmul.f32 v3, v2;
	_ =	sdelay $0x1  }
0xb5: {  	v2 =	vmul.f32 v2, v3;
	_ =	sdelay $0x1  }
0xb6: {  	v2 =	vsub.f32 $1.500000000e+00, v2;
	_ =	sdelay $0x1  }
0xb7: {  	v2 =	vmul.f32 v2, v3  }
0xb8: {  	vm11 =	vgt.f32 v1, $0.0e+00  }
0xb9: {  	v1 =	vnsel vm11, $0x0, v2  }
0xba: {  	[tilespmem:s3+$0x5030] =	vst v1  }
0xbb: {  	v1 =	vld.idx.msk [tilespmem:v0+s3+$0x40 ss:$0x1], $0xffff;
	_ =	sdelay $0x4  }
0xbc: {  	v2 =	vmul.f32 $5.000000000e-01, v1;
	v3 =	vshra.s32 v1, $0x1  }
0xbd: {  	v3 =	vsub.s32 $0x5F3759DF, v3  }
0xbe: {  	v60 =	vmul.f32 v3, v2;
	_ =	sdelay $0x1  }
0xbf: {  	v4 =	vmul.f32 v3, v60;
	_ =	sdelay $0x1  }
0xc0: {  	v4 =	vsub.f32 $1.500000000e+00, v4;
	_ =	sdelay $0x1  }
0xc1: {  	v3 =	vmul.f32 v3, v4;
	_ =	sdelay $0x1  }
0xc2: {  	v4 =	vmul.f32 v3, v2;
	_ =	sdelay $0x1  }
0xc3: {  	v4 =	vmul.f32 v4, v3;
	_ =	sdelay $0x1  }
0xc4: {  	v4 =	vsub.f32 $1.500000000e+00, v4;
	_ =	sdelay $0x1  }
0xc5: {  	v3 =	vmul.f32 v4, v3;
	_ =	sdelay $0x1  }
0xc6: {  	v2 =	vmul.f32 v3, v2;
	_ =	sdelay $0x1  }
0xc7: {  	v2 =	vmul.f32 v2, v3;
	_ =	sdelay $0x1  }
0xc8: {  	v2 =	vsub.f32 $1.500000000e+00, v2;
	_ =	sdelay $0x1  }
0xc9: {  	v2 =	vmul.f32 v2, v3  }
0xca: {  	vm12 =	vgt.f32 v1, $0.0e+00  }
0xcb: {  	v1 =	vnsel vm12, $0x0, v2  }
0xcc: {  	[tilespmem:s3+$0x5040] =	vst v1  }
0xcd: {  	v1 =	vld.idx.msk [tilespmem:v0+s3+$0x50 ss:$0x1], $0xffff;
	_ =	sdelay $0x4  }
0xce: {  	v2 =	vmul.f32 $5.000000000e-01, v1;
	v3 =	vshra.s32 v1, $0x1  }
0xcf: {  	v3 =	vsub.s32 $0x5F3759DF, v3  }
0xd0: {  	v61 =	vmul.f32 v3, v2;
	_ =	sdelay $0x1  }
0xd1: {  	v4 =	vmul.f32 v3, v61;
	_ =	sdelay $0x1  }
0xd2: {  	v4 =	vsub.f32 $1.500000000e+00, v4;
	_ =	sdelay $0x1  }
0xd3: {  	v3 =	vmul.f32 v3, v4;
	_ =	sdelay $0x1  }
0xd4: {  	v4 =	vmul.f32 v3, v2;
	_ =	sdelay $0x1  }
0xd5: {  	v4 =	vmul.f32 v4, v3;
	_ =	sdelay $0x1  }
0xd6: {  	v4 =	vsub.f32 $1.500000000e+00, v4;
	_ =	sdelay $0x1  }
0xd7: {  	v3 =	vmul.f32 v4, v3;
	_ =	sdelay $0x1  }
0xd8: {  	v2 =	vmul.f32 v3, v2;
	_ =	sdelay $0x1  }
0xd9: {  	v2 =	vmul.f32 v2, v3;
	_ =	sdelay $0x1  }
0xda: {  	v2 =	vsub.f32 $1.500000000e+00, v2;
	_ =	sdelay $0x1  }
0xdb: {  	v2 =	vmul.f32 v2, v3  }
0xdc: {  	vm13 =	vgt.f32 v1, $0.0e+00  }
0xdd: {  	v1 =	vnsel vm13, $0x0, v2  }
0xde: {  	[tilespmem:s3+$0x5050] =	vst v1  }
0xdf: {  	v1 =	vld.idx.msk [tilespmem:v0+s3+$0x60 ss:$0x1], $0xffff;
	_ =	sdelay $0x4  }
0xe0: {  	v2 =	vmul.f32 $5.000000000e-01, v1;
	v3 =	vshra.s32 v1, $0x1  }
0xe1: {  	v3 =	vsub.s32 $0x5F3759DF, v3  }
0xe2: {  	v62 =	vmul.f32 v3, v2;
	_ =	sdelay $0x1  }
0xe3: {  	v4 =	vmul.f32 v3, v62;
	_ =	sdelay $0x1  }
0xe4: {  	v4 =	vsub.f32 $1.500000000e+00, v4;
	_ =	sdelay $0x1  }
0xe5: {  	v3 =	vmul.f32 v3, v4;
	_ =	sdelay $0x1  }
0xe6: {  	v4 =	vmul.f32 v3, v2;
	_ =	sdelay $0x1  }
0xe7: {  	v4 =	vmul.f32 v4, v3;
	_ =	sdelay $0x1  }
0xe8: {  	v4 =	vsub.f32 $1.500000000e+00, v4;
	_ =	sdelay $0x1  }
0xe9: {  	v3 =	vmul.f32 v4, v3;
	_ =	sdelay $0x1  }
0xea: {  	v2 =	vmul.f32 v3, v2;
	_ =	sdelay $0x1  }
0xeb: {  	v2 =	vmul.f32 v2, v3;
	_ =	sdelay $0x1  }
0xec: {  	v2 =	vsub.f32 $1.500000000e+00, v2;
	_ =	sdelay $0x1  }
0xed: {  	v2 =	vmul.f32 v2, v3  }
0xee: {  	vm14 =	vgt.f32 v1, $0.0e+00  }
0xef: {  	v1 =	vnsel vm14, $0x0, v2  }
0xf0: {  	[tilespmem:s3+$0x5060] =	vst v1  }
0xf1: {  	v1 =	vld.idx.msk [tilespmem:v0+s3+$0x70 ss:$0x1], $0xffff;
	_ =	sdelay $0x4  }
0xf2: {  	v2 =	vmul.f32 $5.000000000e-01, v1;
	v3 =	vshra.s32 v1, $0x1  }
0xf3: {  	v3 =	vsub.s32 $0x5F3759DF, v3  }
0xf4: {  	v63 =	vmul.f32 v3, v2;
	_ =	sdelay $0x1  }
0xf5: {  	v4 =	vmul.f32 v3, v63;
	_ =	sdelay $0x1  }
0xf6: {  	v4 =	vsub.f32 $1.500000000e+00, v4;
	_ =	sdelay $0x1  }
0xf7: {  	v3 =	vmul.f32 v3, v4;
	_ =	sdelay $0x1  }
0xf8: {  	v4 =	vmul.f32 v3, v2;
	_ =	sdelay $0x1  }
0xf9: {  	v4 =	vmul.f32 v4, v3;
	_ =	sdelay $0x1  }
0xfa: {  	v4 =	vsub.f32 $1.500000000e+00, v4;
	_ =	sdelay $0x1  }
0xfb: {  	v3 =	vmul.f32 v4, v3;
	_ =	sdelay $0x1  }
0xfc: {  	v2 =	vmul.f32 v3, v2;
	_ =	sdelay $0x1  }
0xfd: {  	v2 =	vmul.f32 v2, v3;
	_ =	sdelay $0x1  }
0xfe: {  	v2 =	vsub.f32 $1.500000000e+00, v2;
	_ =	sdelay $0x1  }
0xff: {  	v2 =	vmul.f32 v2, v3  }
0x100: {  	vm15 =	vgt.f32 v1, $0.0e+00  }
0x101: {  	s5 =	simm.s32 $0x400;
	s4 =	simm.s32 $0x200;
	v1 =	vnsel vm15, $0x0, v2  }
.LBB2_6:
0x102: {  	p0 =	sne.s32 s5, $0x800  }
0x103: {  	[tilespmem:s3+$0x5070] =	vst v1;
	s3 =	sshra.s32 s4, $0x2;
	s4 =	smov.u32 s5;
	s5 =	sadd.s32 $0x200, s5  }
0x104: {  	v1 =	vld.idx.msk [tilespmem:v0+s3+$0x0 ss:$0x1], $0xffff;
	_ =	sdelay $0x5  }
0x105: {  	v2 =	vmul.f32 $5.000000000e-01, v1;
	v3 =	vshra.s32 v1, $0x1  }
0x106: {  	v3 =	vsub.s32 $0x5F3759DF, v3  }
0x107: {  	v4 =	vmul.f32 v3, v2;
	_ =	sdelay $0x1  }
0x108: {  	v4 =	vmul.f32 v3, v4;
	_ =	sdelay $0x1  }
0x109: {  	v4 =	vsub.f32 $1.500000000e+00, v4;
	_ =	sdelay $0x1  }
0x10a: {  	v3 =	vmul.f32 v3, v4;
	_ =	sdelay $0x1  }
0x10b: {  	v4 =	vmul.f32 v3, v2;
	_ =	sdelay $0x1  }
0x10c: {  	v4 =	vmul.f32 v4, v3;
	_ =	sdelay $0x1  }
0x10d: {  	v4 =	vsub.f32 $1.500000000e+00, v4;
	_ =	sdelay $0x1  }
0x10e: {  	v3 =	vmul.f32 v4, v3;
	_ =	sdelay $0x1  }
0x10f: {  	v2 =	vmul.f32 v3, v2;
	_ =	sdelay $0x1  }
0x110: {  	v2 =	vmul.f32 v2, v3;
	_ =	sdelay $0x1  }
0x111: {  	v2 =	vsub.f32 $1.500000000e+00, v2;
	_ =	sdelay $0x1  }
0x112: {  	v2 =	vmul.f32 v2, v3  }
0x113: {  	vm0 =	vgt.f32 v1, $0.0e+00  }
0x114: {  	v1 =	vnsel vm0, $0x0, v2  }
0x115: {  	[tilespmem:s3+$0x5000] =	vst v1  }
0x116: {  	v1 =	vld.idx.msk [tilespmem:v0+s3+$0x10 ss:$0x1], $0xffff;
	_ =	sdelay $0x5  }
0x117: {  	v2 =	vmul.f32 $5.000000000e-01, v1;
	v3 =	vshra.s32 v1, $0x1  }
0x118: {  	v3 =	vsub.s32 $0x5F3759DF, v3  }
0x119: {  	v4 =	vmul.f32 v3, v2;
	_ =	sdelay $0x1  }
0x11a: {  	v4 =	vmul.f32 v3, v4;
	_ =	sdelay $0x1  }
0x11b: {  	v4 =	vsub.f32 $1.500000000e+00, v4;
	_ =	sdelay $0x1  }
0x11c: {  	v3 =	vmul.f32 v3, v4;
	_ =	sdelay $0x1  }
0x11d: {  	v4 =	vmul.f32 v3, v2;
	_ =	sdelay $0x1  }
0x11e: {  	v4 =	vmul.f32 v4, v3;
	_ =	sdelay $0x1  }
0x11f: {  	v4 =	vsub.f32 $1.500000000e+00, v4;
	_ =	sdelay $0x1  }
0x120: {  	v3 =	vmul.f32 v4, v3;
	_ =	sdelay $0x1  }
0x121: {  	v2 =	vmul.f32 v3, v2;
	_ =	sdelay $0x1  }
0x122: {  	v2 =	vmul.f32 v2, v3;
	_ =	sdelay $0x1  }
0x123: {  	v2 =	vsub.f32 $1.500000000e+00, v2;
	_ =	sdelay $0x1  }
0x124: {  	v2 =	vmul.f32 v2, v3  }
0x125: {  	vm0 =	vgt.f32 v1, $0.0e+00  }
0x126: {  	v1 =	vnsel vm0, $0x0, v2  }
0x127: {  	[tilespmem:s3+$0x5010] =	vst v1  }
0x128: {  	v1 =	vld.idx.msk [tilespmem:v0+s3+$0x20 ss:$0x1], $0xffff;
	_ =	sdelay $0x5  }
0x129: {  	v2 =	vmul.f32 $5.000000000e-01, v1;
	v3 =	vshra.s32 v1, $0x1  }
0x12a: {  	v3 =	vsub.s32 $0x5F3759DF, v3  }
0x12b: {  	v4 =	vmul.f32 v3, v2;
	_ =	sdelay $0x1  }
0x12c: {  	v4 =	vmul.f32 v3, v4;
	_ =	sdelay $0x1  }
0x12d: {  	v4 =	vsub.f32 $1.500000000e+00, v4;
	_ =	sdelay $0x1  }
0x12e: {  	v3 =	vmul.f32 v3, v4;
	_ =	sdelay $0x1  }
0x12f: {  	v4 =	vmul.f32 v3, v2;
	_ =	sdelay $0x1  }
0x130: {  	v4 =	vmul.f32 v4, v3;
	_ =	sdelay $0x1  }
0x131: {  	v4 =	vsub.f32 $1.500000000e+00, v4;
	_ =	sdelay $0x1  }
0x132: {  	v3 =	vmul.f32 v4, v3;
	_ =	sdelay $0x1  }
0x133: {  	v2 =	vmul.f32 v3, v2;
	_ =	sdelay $0x1  }
0x134: {  	v2 =	vmul.f32 v2, v3;
	_ =	sdelay $0x1  }
0x135: {  	v2 =	vsub.f32 $1.500000000e+00, v2;
	_ =	sdelay $0x1  }
0x136: {  	v2 =	vmul.f32 v2, v3  }
0x137: {  	vm0 =	vgt.f32 v1, $0.0e+00  }
0x138: {  	v1 =	vnsel vm0, $0x0, v2  }
0x139: {  	[tilespmem:s3+$0x5020] =	vst v1  }
0x13a: {  	v1 =	vld.idx.msk [tilespmem:v0+s3+$0x30 ss:$0x1], $0xffff;
	_ =	sdelay $0x5  }
0x13b: {  	v2 =	vmul.f32 $5.000000000e-01, v1;
	v3 =	vshra.s32 v1, $0x1  }
0x13c: {  	v3 =	vsub.s32 $0x5F3759DF, v3  }
0x13d: {  	v4 =	vmul.f32 v3, v2;
	_ =	sdelay $0x1  }
0x13e: {  	v4 =	vmul.f32 v3, v4;
	_ =	sdelay $0x1  }
0x13f: {  	v4 =	vsub.f32 $1.500000000e+00, v4;
	_ =	sdelay $0x1  }
0x140: {  	v3 =	vmul.f32 v3, v4;
	_ =	sdelay $0x1  }
0x141: {  	v4 =	vmul.f32 v3, v2;
	_ =	sdelay $0x1  }
0x142: {  	v4 =	vmul.f32 v4, v3;
	_ =	sdelay $0x1  }
0x143: {  	v4 =	vsub.f32 $1.500000000e+00, v4;
	_ =	sdelay $0x1  }
0x144: {  	v3 =	vmul.f32 v4, v3;
	_ =	sdelay $0x1  }
0x145: {  	v2 =	vmul.f32 v3, v2;
	_ =	sdelay $0x1  }
0x146: {  	v2 =	vmul.f32 v2, v3;
	_ =	sdelay $0x1  }
0x147: {  	v2 =	vsub.f32 $1.500000000e+00, v2;
	_ =	sdelay $0x1  }
0x148: {  	v2 =	vmul.f32 v2, v3  }
0x149: {  	vm0 =	vgt.f32 v1, $0.0e+00  }
0x14a: {  	v1 =	vnsel vm0, $0x0, v2  }
0x14b: {  	[tilespmem:s3+$0x5030] =	vst v1  }
0x14c: {  	v1 =	vld.idx.msk [tilespmem:v0+s3+$0x40 ss:$0x1], $0xffff;
	_ =	sdelay $0x5  }
0x14d: {  	v2 =	vmul.f32 $5.000000000e-01, v1;
	v3 =	vshra.s32 v1, $0x1  }
0x14e: {  	v3 =	vsub.s32 $0x5F3759DF, v3  }
0x14f: {  	v4 =	vmul.f32 v3, v2;
	_ =	sdelay $0x1  }
0x150: {  	v4 =	vmul.f32 v3, v4;
	_ =	sdelay $0x1  }
0x151: {  	v4 =	vsub.f32 $1.500000000e+00, v4;
	_ =	sdelay $0x1  }
0x152: {  	v3 =	vmul.f32 v3, v4;
	_ =	sdelay $0x1  }
0x153: {  	v4 =	vmul.f32 v3, v2;
	_ =	sdelay $0x1  }
0x154: {  	v4 =	vmul.f32 v4, v3;
	_ =	sdelay $0x1  }
0x155: {  	v4 =	vsub.f32 $1.500000000e+00, v4;
	_ =	sdelay $0x1  }
0x156: {  	v3 =	vmul.f32 v4, v3;
	_ =	sdelay $0x1  }
0x157: {  	v2 =	vmul.f32 v3, v2;
	_ =	sdelay $0x1  }
0x158: {  	v2 =	vmul.f32 v2, v3;
	_ =	sdelay $0x1  }
0x159: {  	v2 =	vsub.f32 $1.500000000e+00, v2;
	_ =	sdelay $0x1  }
0x15a: {  	v2 =	vmul.f32 v2, v3  }
0x15b: {  	vm0 =	vgt.f32 v1, $0.0e+00  }
0x15c: {  	v1 =	vnsel vm0, $0x0, v2  }
0x15d: {  	[tilespmem:s3+$0x5040] =	vst v1  }
0x15e: {  	v1 =	vld.idx.msk [tilespmem:v0+s3+$0x50 ss:$0x1], $0xffff;
	_ =	sdelay $0x5  }
0x15f: {  	v2 =	vmul.f32 $5.000000000e-01, v1;
	v3 =	vshra.s32 v1, $0x1  }
0x160: {  	v3 =	vsub.s32 $0x5F3759DF, v3  }
0x161: {  	v4 =	vmul.f32 v3, v2;
	_ =	sdelay $0x1  }
0x162: {  	v4 =	vmul.f32 v3, v4;
	_ =	sdelay $0x1  }
0x163: {  	v4 =	vsub.f32 $1.500000000e+00, v4;
	_ =	sdelay $0x1  }
0x164: {  	v3 =	vmul.f32 v3, v4;
	_ =	sdelay $0x1  }
0x165: {  	v4 =	vmul.f32 v3, v2;
	_ =	sdelay $0x1  }
0x166: {  	v4 =	vmul.f32 v4, v3;
	_ =	sdelay $0x1  }
0x167: {  	v4 =	vsub.f32 $1.500000000e+00, v4;
	_ =	sdelay $0x1  }
0x168: {  	v3 =	vmul.f32 v4, v3;
	_ =	sdelay $0x1  }
0x169: {  	v2 =	vmul.f32 v3, v2;
	_ =	sdelay $0x1  }
0x16a: {  	v2 =	vmul.f32 v2, v3;
	_ =	sdelay $0x1  }
0x16b: {  	v2 =	vsub.f32 $1.500000000e+00, v2;
	_ =	sdelay $0x1  }
0x16c: {  	v2 =	vmul.f32 v2, v3  }
0x16d: {  	vm0 =	vgt.f32 v1, $0.0e+00  }
0x16e: {  	v1 =	vnsel vm0, $0x0, v2  }
0x16f: {  	[tilespmem:s3+$0x5050] =	vst v1  }
0x170: {  	v1 =	vld.idx.msk [tilespmem:v0+s3+$0x60 ss:$0x1], $0xffff;
	_ =	sdelay $0x5  }
0x171: {  	v2 =	vmul.f32 $5.000000000e-01, v1;
	v3 =	vshra.s32 v1, $0x1  }
0x172: {  	v3 =	vsub.s32 $0x5F3759DF, v3  }
0x173: {  	v4 =	vmul.f32 v3, v2;
	_ =	sdelay $0x1  }
0x174: {  	v4 =	vmul.f32 v3, v4;
	_ =	sdelay $0x1  }
0x175: {  	v4 =	vsub.f32 $1.500000000e+00, v4;
	_ =	sdelay $0x1  }
0x176: {  	v3 =	vmul.f32 v3, v4;
	_ =	sdelay $0x1  }
0x177: {  	v4 =	vmul.f32 v3, v2;
	_ =	sdelay $0x1  }
0x178: {  	v4 =	vmul.f32 v4, v3;
	_ =	sdelay $0x1  }
0x179: {  	v4 =	vsub.f32 $1.500000000e+00, v4;
	_ =	sdelay $0x1  }
0x17a: {  	v3 =	vmul.f32 v4, v3;
	_ =	sdelay $0x1  }
0x17b: {  	v2 =	vmul.f32 v3, v2;
	_ =	sdelay $0x1  }
0x17c: {  	v2 =	vmul.f32 v2, v3;
	_ =	sdelay $0x1  }
0x17d: {  	v2 =	vsub.f32 $1.500000000e+00, v2;
	_ =	sdelay $0x1  }
0x17e: {  	v2 =	vmul.f32 v2, v3  }
0x17f: {  	vm0 =	vgt.f32 v1, $0.0e+00  }
0x180: {  	v1 =	vnsel vm0, $0x0, v2  }
0x181: {  	[tilespmem:s3+$0x5060] =	vst v1  }
0x182: {  	v1 =	vld.idx.msk [tilespmem:v0+s3+$0x70 ss:$0x1], $0xffff;
	_ =	sdelay $0x5  }
0x183: {  	v2 =	vmul.f32 $5.000000000e-01, v1;
	v3 =	vshra.s32 v1, $0x1  }
0x184: {  	v3 =	vsub.s32 $0x5F3759DF, v3  }
0x185: {  	v4 =	vmul.f32 v3, v2;
	_ =	sdelay $0x1  }
0x186: {  	v4 =	vmul.f32 v3, v4;
	_ =	sdelay $0x1  }
0x187: {  	v4 =	vsub.f32 $1.500000000e+00, v4;
	_ =	sdelay $0x1  }
0x188: {  	v3 =	vmul.f32 v3, v4;
	_ =	sdelay $0x1  }
0x189: {  	v4 =	vmul.f32 v3, v2;
	_ =	sdelay $0x1  }
0x18a: {  	v4 =	vmul.f32 v4, v3;
	_ =	sdelay $0x1  }
0x18b: {  	v4 =	vsub.f32 $1.500000000e+00, v4;
	_ =	sdelay $0x1  }
0x18c: {  	v3 =	vmul.f32 v4, v3;
	_ =	sdelay $0x1  }
0x18d: {  	v2 =	vmul.f32 v3, v2;
	_ =	sdelay $0x1  }
0x18e: {  	v2 =	vmul.f32 v2, v3;
	_ =	sdelay $0x1  }
.Ltmp3:
0x18f: {  	v2 =	vsub.f32 $1.500000000e+00, v2;
	(pc) =	sbr.rel @p0 .LBB2_6-.Ltmp3, $4  }
0x190: {  	_ = 	snop  }
0x191: {  	v2 =	vmul.f32 v2, v3  }
0x192: {  	vm0 =	vgt.f32 v1, $0.0e+00  }
0x193: {  	v1 =	vnsel vm0, $0x0, v2  }
0x194: {  	_ =	sdelay $0x2  }
0x195: {  	s4 =	sshra.s32 s4, $0x2;
	[tilespmem:s3+$0x5070] =	vst v1  }
0x196: {  	v1 =	vld.idx.msk [tilespmem:v0+s4+$0x0 ss:$0x1], $0xffff;
	_ =	sdelay $0x4  }
0x197: {  	v2 =	vmul.f32 $5.000000000e-01, v1;
	v3 =	vshra.s32 v1, $0x1  }
0x198: {  	v3 =	vsub.s32 $0x5F3759DF, v3  }
0x199: {  	v4 =	vmul.f32 v3, v2;
	_ =	sdelay $0x1  }
0x19a: {  	v4 =	vmul.f32 v3, v4;
	_ =	sdelay $0x1  }
0x19b: {  	v4 =	vsub.f32 $1.500000000e+00, v4;
	_ =	sdelay $0x1  }
0x19c: {  	v3 =	vmul.f32 v3, v4;
	_ =	sdelay $0x1  }
0x19d: {  	v4 =	vmul.f32 v3, v2;
	_ =	sdelay $0x1  }
0x19e: {  	v4 =	vmul.f32 v4, v3;
	_ =	sdelay $0x1  }
0x19f: {  	v4 =	vsub.f32 $1.500000000e+00, v4;
	_ =	sdelay $0x1  }
0x1a0: {  	v3 =	vmul.f32 v4, v3;
	_ =	sdelay $0x1  }
0x1a1: {  	v2 =	vmul.f32 v3, v2;
	_ =	sdelay $0x1  }
0x1a2: {  	v2 =	vmul.f32 v2, v3;
	_ =	sdelay $0x1  }
0x1a3: {  	v2 =	vsub.f32 $1.500000000e+00, v2;
	_ =	sdelay $0x1  }
0x1a4: {  	v2 =	vmul.f32 v2, v3  }
0x1a5: {  	vm0 =	vgt.f32 v1, $0.0e+00  }
0x1a6: {  	v1 =	vnsel vm0, $0x0, v2  }
0x1a7: {  	[tilespmem:s4+$0x5000] =	vst v1  }
0x1a8: {  	v1 =	vld.idx.msk [tilespmem:v0+s4+$0x10 ss:$0x1], $0xffff;
	_ =	sdelay $0x4  }
0x1a9: {  	v42 =	vmul.f32 $5.000000000e-01, v1;
	v43 =	vshra.s32 v1, $0x1  }
0x1aa: {  	v3 =	vsub.s32 $0x5F3759DF, v43  }
0x1ab: {  	v44 =	vmul.f32 v3, v42;
	_ =	sdelay $0x1  }
0x1ac: {  	v4 =	vmul.f32 v3, v44;
	_ =	sdelay $0x1  }
0x1ad: {  	v4 =	vsub.f32 $1.500000000e+00, v4;
	_ =	sdelay $0x1  }
0x1ae: {  	v3 =	vmul.f32 v3, v4;
	_ =	sdelay $0x1  }
0x1af: {  	v4 =	vmul.f32 v3, v42;
	_ =	sdelay $0x1  }
0x1b0: {  	v4 =	vmul.f32 v4, v3;
	_ =	sdelay $0x1  }
0x1b1: {  	v4 =	vsub.f32 $1.500000000e+00, v4;
	_ =	sdelay $0x1  }
0x1b2: {  	v3 =	vmul.f32 v4, v3;
	_ =	sdelay $0x1  }
0x1b3: {  	v2 =	vmul.f32 v3, v42;
	_ =	sdelay $0x1  }
0x1b4: {  	v2 =	vmul.f32 v2, v3;
	_ =	sdelay $0x1  }
0x1b5: {  	v2 =	vsub.f32 $1.500000000e+00, v2;
	_ =	sdelay $0x1  }
0x1b6: {  	v2 =	vmul.f32 v2, v3  }
0x1b7: {  	vm9 =	vgt.f32 v1, $0.0e+00  }
0x1b8: {  	v1 =	vnsel vm9, $0x0, v2  }
0x1b9: {  	[tilespmem:s4+$0x5010] =	vst v1  }
0x1ba: {  	v1 =	vld.idx.msk [tilespmem:v0+s4+$0x20 ss:$0x1], $0xffff;
	_ =	sdelay $0x4  }
0x1bb: {  	v45 =	vmul.f32 $5.000000000e-01, v1;
	v46 =	vshra.s32 v1, $0x1  }
0x1bc: {  	v3 =	vsub.s32 $0x5F3759DF, v46  }
0x1bd: {  	v47 =	vmul.f32 v3, v45;
	_ =	sdelay $0x1  }
0x1be: {  	v4 =	vmul.f32 v3, v47;
	_ =	sdelay $0x1  }
0x1bf: {  	v4 =	vsub.f32 $1.500000000e+00, v4;
	_ =	sdelay $0x1  }
0x1c0: {  	v3 =	vmul.f32 v3, v4;
	_ =	sdelay $0x1  }
0x1c1: {  	v4 =	vmul.f32 v3, v45;
	_ =	sdelay $0x1  }
0x1c2: {  	v4 =	vmul.f32 v4, v3;
	_ =	sdelay $0x1  }
0x1c3: {  	v4 =	vsub.f32 $1.500000000e+00, v4;
	_ =	sdelay $0x1  }
0x1c4: {  	v3 =	vmul.f32 v4, v3;
	_ =	sdelay $0x1  }
0x1c5: {  	v2 =	vmul.f32 v3, v45;
	_ =	sdelay $0x1  }
0x1c6: {  	v2 =	vmul.f32 v2, v3;
	_ =	sdelay $0x1  }
0x1c7: {  	v2 =	vsub.f32 $1.500000000e+00, v2;
	_ =	sdelay $0x1  }
0x1c8: {  	v2 =	vmul.f32 v2, v3  }
0x1c9: {  	vm10 =	vgt.f32 v1, $0.0e+00  }
0x1ca: {  	v1 =	vnsel vm10, $0x0, v2  }
0x1cb: {  	[tilespmem:s4+$0x5020] =	vst v1  }
0x1cc: {  	v1 =	vld.idx.msk [tilespmem:v0+s4+$0x30 ss:$0x1], $0xffff;
	_ =	sdelay $0x4  }
0x1cd: {  	v48 =	vmul.f32 $5.000000000e-01, v1;
	v49 =	vshra.s32 v1, $0x1  }
0x1ce: {  	v3 =	vsub.s32 $0x5F3759DF, v49  }
0x1cf: {  	v50 =	vmul.f32 v3, v48;
	_ =	sdelay $0x1  }
0x1d0: {  	v4 =	vmul.f32 v3, v50;
	_ =	sdelay $0x1  }
0x1d1: {  	v4 =	vsub.f32 $1.500000000e+00, v4;
	_ =	sdelay $0x1  }
0x1d2: {  	v3 =	vmul.f32 v3, v4;
	_ =	sdelay $0x1  }
0x1d3: {  	v4 =	vmul.f32 v3, v48;
	_ =	sdelay $0x1  }
0x1d4: {  	v4 =	vmul.f32 v4, v3;
	_ =	sdelay $0x1  }
0x1d5: {  	v4 =	vsub.f32 $1.500000000e+00, v4;
	_ =	sdelay $0x1  }
0x1d6: {  	v3 =	vmul.f32 v4, v3;
	_ =	sdelay $0x1  }
0x1d7: {  	v2 =	vmul.f32 v3, v48;
	_ =	sdelay $0x1  }
0x1d8: {  	v2 =	vmul.f32 v2, v3;
	_ =	sdelay $0x1  }
0x1d9: {  	v2 =	vsub.f32 $1.500000000e+00, v2;
	_ =	sdelay $0x1  }
0x1da: {  	v2 =	vmul.f32 v2, v3  }
0x1db: {  	vm11 =	vgt.f32 v1, $0.0e+00  }
0x1dc: {  	v1 =	vnsel vm11, $0x0, v2  }
0x1dd: {  	[tilespmem:s4+$0x5030] =	vst v1  }
0x1de: {  	v1 =	vld.idx.msk [tilespmem:v0+s4+$0x40 ss:$0x1], $0xffff;
	_ =	sdelay $0x4  }
0x1df: {  	v51 =	vmul.f32 $5.000000000e-01, v1;
	v52 =	vshra.s32 v1, $0x1  }
0x1e0: {  	v3 =	vsub.s32 $0x5F3759DF, v52  }
0x1e1: {  	v53 =	vmul.f32 v3, v51;
	_ =	sdelay $0x1  }
0x1e2: {  	v4 =	vmul.f32 v3, v53;
	_ =	sdelay $0x1  }
0x1e3: {  	v4 =	vsub.f32 $1.500000000e+00, v4;
	_ =	sdelay $0x1  }
0x1e4: {  	v3 =	vmul.f32 v3, v4;
	_ =	sdelay $0x1  }
0x1e5: {  	v4 =	vmul.f32 v3, v51;
	_ =	sdelay $0x1  }
0x1e6: {  	v4 =	vmul.f32 v4, v3;
	_ =	sdelay $0x1  }
0x1e7: {  	v4 =	vsub.f32 $1.500000000e+00, v4;
	_ =	sdelay $0x1  }
0x1e8: {  	v3 =	vmul.f32 v4, v3;
	_ =	sdelay $0x1  }
0x1e9: {  	v2 =	vmul.f32 v3, v51;
	_ =	sdelay $0x1  }
0x1ea: {  	v2 =	vmul.f32 v2, v3;
	_ =	sdelay $0x1  }
0x1eb: {  	v2 =	vsub.f32 $1.500000000e+00, v2;
	_ =	sdelay $0x1  }
0x1ec: {  	v2 =	vmul.f32 v2, v3  }
0x1ed: {  	vm12 =	vgt.f32 v1, $0.0e+00  }
0x1ee: {  	v1 =	vnsel vm12, $0x0, v2  }
0x1ef: {  	[tilespmem:s4+$0x5040] =	vst v1  }
0x1f0: {  	v1 =	vld.idx.msk [tilespmem:v0+s4+$0x50 ss:$0x1], $0xffff;
	_ =	sdelay $0x4  }
0x1f1: {  	v54 =	vmul.f32 $5.000000000e-01, v1;
	v55 =	vshra.s32 v1, $0x1  }
0x1f2: {  	v3 =	vsub.s32 $0x5F3759DF, v55  }
0x1f3: {  	v56 =	vmul.f32 v3, v54;
	_ =	sdelay $0x1  }
0x1f4: {  	v4 =	vmul.f32 v3, v56;
	_ =	sdelay $0x1  }
0x1f5: {  	v4 =	vsub.f32 $1.500000000e+00, v4;
	_ =	sdelay $0x1  }
0x1f6: {  	v3 =	vmul.f32 v3, v4;
	_ =	sdelay $0x1  }
0x1f7: {  	v4 =	vmul.f32 v3, v54;
	_ =	sdelay $0x1  }
0x1f8: {  	v4 =	vmul.f32 v4, v3;
	_ =	sdelay $0x1  }
0x1f9: {  	v4 =	vsub.f32 $1.500000000e+00, v4;
	_ =	sdelay $0x1  }
0x1fa: {  	v3 =	vmul.f32 v4, v3;
	_ =	sdelay $0x1  }
0x1fb: {  	v2 =	vmul.f32 v3, v54;
	_ =	sdelay $0x1  }
0x1fc: {  	v2 =	vmul.f32 v2, v3;
	_ =	sdelay $0x1  }
0x1fd: {  	v2 =	vsub.f32 $1.500000000e+00, v2;
	_ =	sdelay $0x1  }
0x1fe: {  	v2 =	vmul.f32 v2, v3  }
0x1ff: {  	vm13 =	vgt.f32 v1, $0.0e+00  }
0x200: {  	v1 =	vnsel vm13, $0x0, v2  }
0x201: {  	[tilespmem:s4+$0x5050] =	vst v1  }
0x202: {  	v1 =	vld.idx.msk [tilespmem:v0+s4+$0x60 ss:$0x1], $0xffff;
	_ =	sdelay $0x4  }
0x203: {  	v57 =	vmul.f32 $5.000000000e-01, v1;
	v58 =	vshra.s32 v1, $0x1  }
0x204: {  	v3 =	vsub.s32 $0x5F3759DF, v58  }
0x205: {  	v59 =	vmul.f32 v3, v57;
	_ =	sdelay $0x1  }
0x206: {  	v4 =	vmul.f32 v3, v59;
	_ =	sdelay $0x1  }
0x207: {  	v4 =	vsub.f32 $1.500000000e+00, v4;
	_ =	sdelay $0x1  }
0x208: {  	v3 =	vmul.f32 v3, v4;
	_ =	sdelay $0x1  }
0x209: {  	v4 =	vmul.f32 v3, v57;
	_ =	sdelay $0x1  }
0x20a: {  	v4 =	vmul.f32 v4, v3;
	_ =	sdelay $0x1  }
0x20b: {  	v4 =	vsub.f32 $1.500000000e+00, v4;
	_ =	sdelay $0x1  }
0x20c: {  	v3 =	vmul.f32 v4, v3;
	_ =	sdelay $0x1  }
0x20d: {  	v2 =	vmul.f32 v3, v57;
	_ =	sdelay $0x1  }
0x20e: {  	v2 =	vmul.f32 v2, v3;
	_ =	sdelay $0x1  }
0x20f: {  	v2 =	vsub.f32 $1.500000000e+00, v2;
	_ =	sdelay $0x1  }
0x210: {  	v2 =	vmul.f32 v2, v3  }
0x211: {  	vm14 =	vgt.f32 v1, $0.0e+00  }
0x212: {  	v1 =	vnsel vm14, $0x0, v2  }
0x213: {  	[tilespmem:s4+$0x5060] =	vst v1  }
0x214: {  	v60 =	vld.idx.msk [tilespmem:v0+s4+$0x70 ss:$0x1], $0xffff;
	_ =	sdelay $0x4  }
0x215: {  	v61 =	vmul.f32 $5.000000000e-01, v60;
	v62 =	vshra.s32 v60, $0x1  }
0x216: {  	v2 =	vsub.s32 $0x5F3759DF, v62  }
0x217: {  	v63 =	vmul.f32 v2, v61;
	_ =	sdelay $0x1  }
0x218: {  	v3 =	vmul.f32 v2, v63;
	_ =	sdelay $0x1  }
0x219: {  	v3 =	vsub.f32 $1.500000000e+00, v3;
	_ =	sdelay $0x1  }
0x21a: {  	v2 =	vmul.f32 v2, v3;
	_ =	sdelay $0x1  }
0x21b: {  	v3 =	vmul.f32 v2, v61;
	_ =	sdelay $0x1  }
0x21c: {  	v3 =	vmul.f32 v3, v2;
	_ =	sdelay $0x1  }
0x21d: {  	v3 =	vsub.f32 $1.500000000e+00, v3;
	_ =	sdelay $0x1  }
0x21e: {  	v2 =	vmul.f32 v3, v2;
	_ =	sdelay $0x1  }
0x21f: {  	v1 =	vmul.f32 v2, v61;
	_ =	sdelay $0x1  }
0x220: {  	v1 =	vmul.f32 v1, v2;
	_ =	sdelay $0x1  }
0x221: {  	v1 =	vsub.f32 $1.500000000e+00, v1;
	_ =	sdelay $0x1  }
0x222: {  	v1 =	vmul.f32 v1, v2  }
0x223: {  	vm15 =	vgt.f32 v60, $0.0e+00  }
0x224: {  	v0 =	vnsel vm15, $0x0, v1  }
0x225: {  	s29 =	simm.s32 $0x0;
	s30 =	simm.s32 $0x5000;
	s31 =	simm.s32 $0x1;
	[tilespmem:s4+$0x5070] =	vst v0  }
0x226: {  	[hbm4b:s2+s29] =	stream.linear.scatter [tilespmem:s30], [sflag:$0x1], $0x280, $0x38;
	[tilespmem:$0x5500] =	vst v63  }
0x227: {  	_ =	swait.ge [sflag:s31], $0x280  }
0x228: {  	[sflag:s31] =	ssyncset.done $0x0  }
0x229: {  	[sflag:s31] =	ssyncadd.s32 $0xFFFFFD80  }
.LBB2_8:
0x22a: {  	_ =	sfence.sel $0x180000  }
0x22b: {  	[bflag:$0x0] =	sbarrier.arrive $0xFFFF  }
0x22c: {  	p0 =	sne.s32 s1, $0x0;
	_ =	strace $0x90000047  }
0x22d: {  	s0 =	sadd.s32 @!p0 $0x100000, s0;
	[bflag:$0x2] =	sbarrier.arrive $0xFFFF  }
0x22e: {  	[sflag:s0] =	ssyncadd.tile.s32 @!p0 $0x1;
	_ =	shalt  }
.Lfunc_end2:
_tile_overlayer_lowered:
.L_overlay_start_2:
0x22f: {  	(tag) =	ssettag $0x2  }
0x230: {  	s0 =	rddreg [dreg:$0x0];
	s2 =	stileid.u32  }
0x231: {  	s1 =	rddreg [dreg:$0x1];
	p0 =	sne.s32 s2, $0x0  }
0x232: {  	s3 =	rddreg [dreg:$0x2];
	[bflag:$0x3] =	sbarrier.arrive $0xFFFF;
	s2 =	simm.s32 @!p0 $0x1C01  }
0x233: {  	[timem:s3], [sflag:s2] =	dma.local @!p0 [hbm:s0], s1  }
0x234: {  	s0 =	simm.s32 @!p0 $0x1  }
0x235: {  	_ =	swait.ge @!p0 [sflag:s0], s1  }
0x236: {  	s1 =	ssub.s32 @!p0 $0x0, s1;
	[sflag:s0] =	ssyncset.done @!p0 $0x0  }
0x237: {  	[sflag:s0] =	ssyncadd.s32 @!p0 s1  }
0x238: {  	[bflag:$0x3] =	sbarrier.arrive $0xFFFF  }
0x239: {  	_ =	shalt  }

// kernel: kernel.9.cloned.1.call-start
scs
__scs_entry_jumppad:
0x0: {  	(pc) =	sbr.rel $0x88, $3  }
0x1: {  	(tag) =	ssettag $0x0;
	lr =	simm.s32 $0x1  }
0x2: {  	[smem:$0x3F9D] =	sst lr;
	_ =	strace $0xD0000000  }
0x3: {  	_ = 	snop  }
0x4: {  	_ = 	snop  }
0x5: {  	_ = 	snop  }
0x6: {  	_ = 	snop  }
0x7: {  	_ = 	snop  }
__scs_overlays_trampoline_lowered:
0x8: {  	[smem:$0x3FAC] =	sst s0  }
0x9: {  	[smem:$0x3FAD] =	sst s1  }
0xa: {  	[smem:$0x3FAE] =	sst s2  }
0xb: {  	[smem:$0x3FAF] =	sst s3  }
0xc: {  	[smem:$0x3FB0] =	sst s4  }
0xd: {  	[smem:$0x3FB1] =	sst s5  }
0xe: {  	[smem:$0x3FB2] =	sst s6  }
0xf: {  	[smem:$0x3FB3] =	sst s7  }
0x10: {  	[smem:$0x3FB4] =	sst s8  }
0x11: {  	[smem:$0x3FB5] =	sst s9;
	s0 =	simm.s32 @!p0 $0x0  }
0x12: {  	s1 =	sld [smem:$0x3F9B];
	s0 =	simm.s32 @p0 $0x1  }
0x13: {  	[smem:$0x3FB6] =	sst s0;
	s0 =	simm.s32 @!p1 $0x0  }
0x14: {  	s2 =	sld [smem:$0x3F9A];
	s0 =	simm.s32 @p1 $0x1  }
0x15: {  	[smem:$0x3FB7] =	sst s0;
	s0 =	simm.s32 @!p2 $0x0  }
0x16: {  	s3 =	sld [smem:$0x3FDB];
	s0 =	simm.s32 @p2 $0x1  }
0x17: {  	s4 =	simm.s32 $0x1BF5;
	[smem:$0x3FB9] =	sst s0  }
0x18: {  	s0 =	sld [smem:$0x3F9C];
	_ =	swait.ge [sflag:s4], $0x0  }
0x19: {  	s7 =	sld [smem:$0x3F9D]  }
0x1a: {  	s8 =	sadd.s32 $0xFFFFE003, lr  }
0x1b: {  	s9 =	sadd.s32 $0xFFFFFEF7, lr;
	s5 =	simm.s32 $0xFFFFFFFF;
	p2 =	slt.u32 s8, $0xFFFFF086  }
0x1c: {  	p1 =	slt.u32 s9, $0xF7A;
	s5 =	simm.s32 @!p2 $0x0  }
0x1d: {  	s5 =	simm.s32 @p1 $0x1;
	p0 =	seq.s32 s7, s2  }
0x1e: {  	s7 =	smul.u32 @!p0 $0xF7A, s2;
	p2 =	seq.s32 @!p0 s5, $0x0  }
0x1f: {  	s9 =	smul.u32 $0xF7A, s1;
	s8 =	simm.s32 @!p0 $0x1BF5;
	p2 =	por !p2, p0  }
0x20: {  	[sflag:s8] =	ssyncset.s32 @!p0 $0xFFFFF086;
	s6 =	sadd.s32 @!p0 s3, s7;
	s7 =	simm.s32 @!p0 $0x108  }
0x21: {  	s3 =	sadd.s32 s3, s9;
	s6 =	sadd.s32 @!p0 $0x88, s6;
	s7 =	simm.s32 @p2 $0x1082  }
0x22: {  	[simem:s7], [sflag:s8] =	dma.local @!p0 [hbm:s6], $0xF7A  }
0x23: {  	s9 =	sor.u32 $0xD0000000, s2;
	s6 =	simm.s32 $0x108;
	_ =	swait.ge @!p0 [sflag:s8], $0x0  }
0x24: {  	s3 =	sadd.s32 $0x88, s3;
	s6 =	simm.s32 @!p1 $0x1082;
	[sflag:s4] =	ssyncset.s32 $0xFFFFF086  }
0x25: {  	[simem:s6], [sflag:s4] =	dma.local [hbm:s3], $0xF7A  }
0x26: {  	[smem:$0x3F9D] =	sst s1;
	(tag) =	ssettag s2;
	_ =	strace s9  }
0x27: {  	s1 =	sld [smem:$0x3FAD]  }
0x28: {  	s2 =	sld [smem:$0x3FAE]  }
0x29: {  	s4 =	sld [smem:$0x3FB0]  }
0x2a: {  	p0 =	seq.s32 s5, $0x0;
	s5 =	sld [smem:$0x3FB1]  }
0x2b: {  	s6 =	sld [smem:$0x3FB2]  }
0x2c: {  	s7 =	sld [smem:$0x3FB3]  }
0x2d: {  	s3 =	simm.s32 $0x108;
	s8 =	sld [smem:$0x3FB4]  }
0x2e: {  	s3 =	simm.s32 @!p0 $0x1082;
	s9 =	sld [smem:$0x3FB5]  }
0x2f: {  	lr =	sadd.s32 s0, s3;
	s0 =	sld [smem:$0x3FAC]  }
0x30: {  	s3 =	sld [smem:$0x3FAF]  }
0x31: {  	[smem:$0x3FB8] =	sst s10  }
0x32: {  	s10 =	sld [smem:$0x3FB6];
	_ =	sdelay $0x3  }
0x33: {  	p0 =	seq.s32 s10, $0x1;
	s10 =	sld [smem:$0x3FB8];
	_ =	sdelay $0x3  }
0x34: {  	[smem:$0x3FB8] =	sst s10  }
0x35: {  	s10 =	sld [smem:$0x3FB7];
	_ =	sdelay $0x3  }
0x36: {  	p1 =	seq.s32 s10, $0x1;
	s10 =	sld [smem:$0x3FB8];
	_ =	sdelay $0x3  }
0x37: {  	[smem:$0x3FB8] =	sst s10  }
0x38: {  	s10 =	sld [smem:$0x3FB9]  }
0x39: {  	_ = 	snop;
	(pc) =	sbr.ind lr, $3  }
0x3a: {  	_ = 	snop  }
0x3b: {  	_ = 	snop  }
0x3c: {  	p2 =	seq.s32 s10, $0x1;
	s10 =	sld [smem:$0x3FB8]  }
0x3d: {  	_ =	shalt  }
0x3e: {  	_ =	shalt  }
0x3f: {  	_ =	shalt  }
0x40: {  	_ =	shalt  }
0x41: {  	_ =	shalt  }
0x42: {  	_ =	shalt  }
0x43: {  	_ =	shalt  }
0x44: {  	_ =	shalt  }
0x45: {  	_ =	shalt  }
0x46: {  	_ =	shalt  }
0x47: {  	_ =	shalt  }
0x48: {  	_ =	shalt  }
0x49: {  	_ =	shalt  }
0x4a: {  	_ =	shalt  }
0x4b: {  	_ =	shalt  }
0x4c: {  	_ =	shalt  }
0x4d: {  	_ =	shalt  }
0x4e: {  	_ =	shalt  }
0x4f: {  	_ =	shalt  }
0x50: {  	_ =	shalt  }
0x51: {  	_ =	shalt  }
0x52: {  	_ =	shalt  }
0x53: {  	_ =	shalt  }
0x54: {  	_ =	shalt  }
0x55: {  	_ =	shalt  }
0x56: {  	_ =	shalt  }
0x57: {  	_ =	shalt  }
0x58: {  	_ =	shalt  }
0x59: {  	_ =	shalt  }
0x5a: {  	_ =	shalt  }
0x5b: {  	_ =	shalt  }
0x5c: {  	_ =	shalt  }
0x5d: {  	_ =	shalt  }
0x5e: {  	_ =	shalt  }
0x5f: {  	_ =	shalt  }
0x60: {  	_ =	shalt  }
0x61: {  	_ =	shalt  }
0x62: {  	_ =	shalt  }
0x63: {  	_ =	shalt  }
0x64: {  	_ =	shalt  }
0x65: {  	_ =	shalt  }
0x66: {  	_ =	shalt  }
0x67: {  	_ =	shalt  }
0x68: {  	_ =	shalt  }
0x69: {  	_ =	shalt  }
0x6a: {  	_ =	shalt  }
0x6b: {  	_ =	shalt  }
0x6c: {  	_ =	shalt  }
0x6d: {  	_ =	shalt  }
0x6e: {  	_ =	shalt  }
0x6f: {  	_ =	shalt  }
0x70: {  	_ =	shalt  }
0x71: {  	_ =	shalt  }
0x72: {  	_ =	shalt  }
0x73: {  	_ =	shalt  }
0x74: {  	_ =	shalt  }
0x75: {  	_ =	shalt  }
0x76: {  	_ =	shalt  }
0x77: {  	_ =	shalt  }
0x78: {  	_ =	shalt  }
0x79: {  	_ =	shalt  }
0x7a: {  	_ =	shalt  }
0x7b: {  	_ =	shalt  }
0x7c: {  	_ =	shalt  }
0x7d: {  	_ =	shalt  }
0x7e: {  	_ =	shalt  }
0x7f: {  	_ =	shalt  }
0x80: {  	_ =	shalt  }
0x81: {  	_ =	shalt  }
0x82: {  	_ =	shalt  }
0x83: {  	_ =	shalt  }
0x84: {  	_ =	shalt  }
0x85: {  	_ =	shalt  }
0x86: {  	_ =	shalt  }
0x87: {  	_ =	shalt  }
.Lfunc_end0:
.L_simem_size_0:
called_computation.1_lowered:
.L_overlay_start_0:
0x88: {  	s2 =	sld [smem:$0x3FD9]  }
0x89: {  	s3 =	sld [smem:$0x3FFE];
	_ =	sdelay $0x1  }
0x8a: {  	s1 =	srdreg.scid  }
0x8b: {  	s0 =	sand.u32 $0x1, s1  }
0x8c: {  	s17 =	sshll.u32 s0, $0xA;
	s2 =	sadd.s32 s3, s2  }
0x8d: {  	s2 =	sadd.s32 s2, s17  }
0x8e: {  	[smem:$0x3FC4] =	sst s2  }
0x8f: {  	_ = 	snop  }
0x90: {  	s2 =	sld [smem:$0x3FD0];
	(tm) =	ssettm $0x1  }
0x91: {  	s18 =	sld [smem:$0x3FFB];
	_ =	sdelay $0x3  }
0x92: {  	_ =	strace s18  }
0x93: {  	s3 =	sld [smem:$0x3FFC];
	_ =	sdelay $0x3  }
0x94: {  	_ =	strace s3  }
0x95: {  	s3 =	sld [smem:$0x3FFD];
	_ =	sdelay $0x3  }
0x96: {  	_ =	strace s3  }
0x97: {  	_ =	strace $0x8FFFFFFF  }
0x98: {  	s19 =	sld [smem:$0x3FDB];
	_ =	sdelay $0x1  }
0x99: {  	s4 =	simm.s32 $_scs_section_size  }
0x9a: {  	s5 =	simm.s32 $_size__tile_overlayer_lowered;
	s6 =	simm.s32 $_tile_overlayer_lowered  }
0x9b: {  	s22 =	simm.s32 $0x1BFF;
	s21 =	sshll.u32 s6, $0x1;
	s3 =	sadd.s32 s4, s19  }
0x9c: {  	s7 =	simm.s32 $0x0;
	s20 =	sshll.u32 s5, $0x1;
	s5 =	sadd.s32 s21, s3  }
0x9d: {  	[timem:s7], [sflag:s22] =	dma.local [hbm:s5], s20  }
0x9e: {  	_ =	swait.ge [sflag:s22], s20  }
0x9f: {  	s4 =	ssub.s32 $0x0, s20;
	[sflag:s22] =	ssyncset.done $0x0  }
0xa0: {  	[sflag:s22] =	ssyncadd.s32 s4;
	_ =	sdelay $0x1  }
0xa1: {  	s23 =	simm.s32 $0x1B8B  }
0xa2: {  	_ =	swait.ge [sflag:s23], $0x1  }
0xa3: {  	[sflag:s23] =	ssyncset.done $0x0  }
0xa4: {  	s25 =	simm.s32 $0x1B8E;
	s24 =	sld [smem:$0x3FFE];
	[sflag:s23] =	ssyncadd.s32 $0xFFFFFFFF  }
0xa5: {  	s26 =	simm.s32 $execute0_lowered;
	[smem:$0x3FD2] =	sst s25  }
0xa6: {  	s5 =	sshll.u32 s26, $0x1;
	_ =	strace $0x80000049;
	[dreg:$0x1] =	wrdreg $0xFFFFFFFF  }
0xa7: {  	s28 =	simm.s32 $_size_execute0_lowered;
	s3 =	sadd.s32 s3, s5;
	[dreg:$0x0] =	wrdreg $0x0  }
0xa8: {  	s5 =	sshll.u32 s28, $0x1;
	[dreg:$0x2] =	wrdreg s3  }
0xa9: {  	[dreg:$0x3] =	wrdreg s5  }
0xaa: {  	[dreg:$0x4] =	wrdreg $0xC0  }
0xab: {  	_ =	task [dreg:s7], $0x5FFFF  }
0xac: {  	[dreg:$0x1] =	wrdreg $0xFFFFFFFF  }
0xad: {  	[dreg:$0x0] =	wrdreg $0x60  }
0xae: {  	[dreg:$0x2] =	wrdreg s2  }
0xaf: {  	[dreg:$0x3] =	wrdreg s24  }
0xb0: {  	[dreg:$0x4] =	wrdreg $0xB0000  }
0xb1: {  	[dreg:$0x5] =	wrdreg $0x9  }
0xb2: {  	_ =	task.clear_ibuf [dreg:s7], $0x6FFFF;
	_ =	strace $0x90000049  }
0xb3: {  	s29 =	simm.s32 $0x9;
	_ =	strace $0x8000004B  }
0xb4: {  	_ =	swait.ge [sflag:s29], $0x1  }
0xb5: {  	[sflag:s29] =	ssyncadd.s32 $0xFFFFFFFF  }
0xb6: {  	_ =	strace $0x9000004B  }
0xb7: {  	_ =	sfence  }
0xb8: {  	s30 =	sld [smem:$0x0];
	_ =	sdelay $0x2  }
0xb9: {  	s31 =	sshll.u32 s1, $0xD;
	s1 =	sshrl.u32 s1, $0x2  }
0xba: {  	s3 =	sand.u32 $0x4000, s31;
	s1 =	sadd.s32 s1, s30  }
0xbb: {  	s0 =	sor.u32 s3, s0;
	s1 =	sshll.u32 s1, $0x11  }
0xbc: {  	s0 =	sor.u32 s1, s0  }
0xbd: {  	s0 =	sadd.s32 $0x8F2B, s0  }
0xbe: {  	[sflag:s0] =	ssyncadd.remote.s32 $0x1  }
0xbf: {  	_ =	sfence.sel $0xFFFF  }
0xc0: {  	[dreg:$0x0] =	wrdreg $0xFFFFFFFF;
	(pc) =	sbr.abs _section_cstart, $3  }
0xc1: {  	[dreg:$0x1] =	wrdreg $0xFFFFFFFF  }
0xc2: {  	_ =	task.clear_ibuf [dreg:s7], $0x2FFFF;
	_ =	strace $0x9FFFFFFF  }
0xc3: {  	(tm) =	ssettm $0x7FFFFFFF  }
tec
execute0_lowered:
.L_overlay_start_1:
0x0: {  	(tag) =	ssettag $0x1  }
0x1: {  	s2 =	rddreg [dreg:$0x0]  }
0x2: {  	s0 =	rddreg [dreg:$0x1]  }
0x3: {  	s3 =	rddreg [dreg:$0x2]  }
0x4: {  	s4 =	stileid.u32;
	s1 =	srdreg.scid;
	s5 =	simm.s32 $0x0  }
0x5: {  	s29 =	simm.s32 $0x0;
	s18 =	simm.s32 $0x2C00;
	s19 =	simm.s32 $0x7D  }
0x6: {  	s30 =	simm.s32 $0x2A00;
	s31 =	simm.s32 $0x2A80;
	s6 =	smul.u32 $0x500, s4  }
0x7: {  	s11 =	simm.s32 $0x2E00;
	s12 =	simm.s32 $0x2E80;
	s9 =	smul.u32 $0x50000, s4  }
0x8: {  	s13 =	simm.s32 $0x2F00;
	s1 =	sand.u32 $0x1, s1;
	s17 =	smul.u32 $0x2800, s4  }
0x9: {  	[smem:$0x7FF] =	sst s5;
	s5 =	sadd.s32 $0xB200, s0;
	s7 =	smul.u32 $0x28000, s1  }
0xa: {  	_ =	strace $0x8000004A;
	s8 =	ssub.s32 $0x2, s1;
	p0 =	seq.s32 s1, $0x1  }
0xb: {  	s1 =	simm.s32 $0x4;
	s6 =	sadd.s32 s6, s0;
	s10 =	sshrl.u32 s8, $0x1  }
0xc: {  	s15 =	sshrl.u32 s9, $0x2;
	s9 =	simm.s32 $0x2D00;
	s16 =	sadd.s32 $0x6200, s6  }
0xd: {  	s0 =	sadd.s32 s7, s0;
	s26 =	sadd.s32 $0x1200, s6;
	[dreg:$0x4] =	wrdreg s16  }
0xe: {  	s14 =	ssub.s32 s8, s10;
	s24 =	sadd.s32 s15, s3;
	[dreg:$0x6] =	wrdreg s26  }
0xf: {  	s15 =	simm.s32 $0x3000;
	s20 =	smax.u32 s14, $0x1;
	[dreg:$0x5] =	wrdreg s24  }
0x10: {  	s6 =	simm.s32 $0x2C80;
	s21 =	sadd.s32 $0x4000, s24;
	[dreg:$0x7] =	wrdreg s20  }
0x11: {  	s10 =	simm.s32 $0x2D80;
	s22 =	sadd.s32 $0x8000, s24;
	[dreg:$0x8] =	wrdreg s21  }
0x12: {  	s7 =	simm.s32 $0x0;
	s23 =	sadd.s32 $0xC000, s24;
	[dreg:$0x9] =	wrdreg s22  }
0x13: {  	s0 =	sadd.s32 $0x32400, s0;
	s25 =	sadd.s32 $0x10000, s24;
	[dreg:$0xa] =	wrdreg s23  }
.Ltmp0:
0x14: {  	s28 =	sadd.s32 $0x80, s26;
	[dreg:$0xb] =	wrdreg s25;
	(pc) =	sbr.rel .LBB2_1-.Ltmp0, $4  }
0x15: {  	s14 =	simm.s32 $0x5;
	s16 =	simm.s32 $0x2800;
	[dreg:$0xc] =	wrdreg s28  }
0x16: {  	s21 =	simm.s32 $0x7000;
	s22 =	simm.s32 $0x3;
	s23 =	simm.s32 $0x1  }
0x17: {  	s0 =	sadd.s32 s17, s0;
	s25 =	simm.s32 $0x2;
	s20 =	simm.s32 $0x2B80  }
0x18: {  	v0 =	vimm.f32 $0.0e+00;
	s17 =	simm.s32 $0x2F80;
	[dreg:$0xd] =	wrdreg s0;
	s0 =	simm.s32 $0x2B00  }
.LBB2_10:
0x19: {  	_ =	swait.ge [sflag:s25], $0x3E80  }
0x1a: {  	[sflag:s25] =	ssyncset.done $0x0  }
0x1b: {  	[sflag:s25] =	ssyncadd.s32 $0xFFFFC180  }
0x1c: {  	[spmem:s3] =	stream.indirect.scatter.add.f32 [tilespmem:s21], [sflag:$0x5], $0x80, s17, s19, $0xb8;
	[tilespmem:$0x1F000] =	vst v63  }
0x1d: {  	_ =	swait.ge [sflag:s14], $0x3E80  }
0x1e: {  	[sflag:s14] =	ssyncset.done $0x0  }
0x1f: {  	[sflag:s14] =	ssyncadd.s32 $0xFFFFC180  }
0x20: {  	s4 =	stileid.u32;
	[bflag:$0x0] =	sbarrier.arrive $0xFFFF  }
0x21: {  	s4 =	sshll.u32 s4, $0x6;
	s24 =	rddreg [dreg:$0x5]  }
0x22: {  	s4 =	sor.u32 $0x1C05, s4;
	s8 =	rddreg [dreg:$0xd];
	s7 =	sshrl.u32 s24, $0x3  }
0x23: {  	[hbm:s8], [sflag:s4] =	dma.local [spmem:s7], $0x2800  }
0x24: {  	_ =	swait.ge [sflag:s14], $0x2800  }
0x25: {  	s26 =	rddreg [dreg:$0xe]  }
0x26: {  	s28 =	rddreg [dreg:$0x7];
	s7 =	sadd.s32 $0x1, s26  }
0x27: {  	p1 =	sne.s32 s7, s28  }
.Ltmp1:
0x28: {  	_ = 	snop;
	(pc) =	sbr.rel @!p1 .LBB2_11-.Ltmp1, $3  }
0x29: {  	_ =	sdelay $0x1  }
0x2a: {  	[sflag:s14] =	ssyncset.done $0x0  }
0x2b: {  	[sflag:s14] =	ssyncadd.s32 $0xFFFFD800;
	s26 =	rddreg [dreg:$0x6]  }
.LBB2_1:
0x2c: {  	[dreg:$0xe] =	wrdreg s7  }
0x2d: {  	s4 =	rddreg [dreg:$0x4]  }
0x2e: {  	[tilespmem:s29], [sflag:$0x5] =	stream.linear.gather [hbm4b:s4+s29], $0x2800, $0x38;
	[tilespmem:$0x1F000] =	vst v63  }
0x2f: {  	_ =	swait.ge [sflag:s14], $0x2800  }
0x30: {  	[sflag:s14] =	ssyncset.done $0x0  }
0x31: {  	s7 =	simm.s32 $0x0;
	s8 =	simm.s32 $0x200;
	[sflag:s14] =	ssyncadd.s32 $0xFFFFD800  }
.LBB2_2:
0x32: {  	p1 =	sne.s32 s8, $0xFE00;
	[tilespmem:s7+$0x3070] =	vst v0  }
0x33: {  	[tilespmem:s7+$0x3000] =	vst v0  }
0x34: {  	[tilespmem:s7+$0x3010] =	vst v0  }
.Ltmp2:
0x35: {  	[tilespmem:s7+$0x3020] =	vst v0;
	(pc) =	sbr.rel @p1 .LBB2_2-.Ltmp2, $4  }
0x36: {  	[tilespmem:s7+$0x3030] =	vst v0  }
0x37: {  	[tilespmem:s7+$0x3040] =	vst v0  }
0x38: {  	[tilespmem:s7+$0x3050] =	vst v0  }
0x39: {  	[tilespmem:s7+$0x3060] =	vst v0;
	s7 =	sshra.s32 s8, $0x2;
	s8 =	sadd.s32 $0x200, s8  }
0x3a: {  	[tilespmem:s7+$0x3070] =	vst v0  }
0x3b: {  	[tilespmem:s7+$0x3000] =	vst v0  }
0x3c: {  	[tilespmem:s7+$0x3010] =	vst v0  }
0x3d: {  	[tilespmem:s7+$0x3020] =	vst v0  }
0x3e: {  	[tilespmem:s7+$0x3030] =	vst v0  }
0x3f: {  	[tilespmem:s7+$0x3040] =	vst v0  }
0x40: {  	[tilespmem:s7+$0x3050] =	vst v0  }
0x41: {  	[tilespmem:s7+$0x3060] =	vst v0  }
0x42: {  	[spmem:s24] =	stream.linear.scatter [tilespmem:s15], [sflag:$0x5], $0x4000, $0x38;
	[tilespmem:$0x1F000] =	vst v63  }
0x43: {  	_ =	swait.ge [sflag:s14], $0x4000  }
0x44: {  	[sflag:s14] =	ssyncset.done $0x0  }
0x45: {  	s4 =	rddreg [dreg:$0x8];
	[sflag:s14] =	ssyncadd.s32 $0xFFFFC000  }
0x46: {  	[spmem:s4] =	stream.linear.scatter [tilespmem:s15], [sflag:$0x5], $0x4000, $0x38;
	[tilespmem:$0x1F000] =	vst v63  }
0x47: {  	_ =	swait.ge [sflag:s14], $0x4000  }
0x48: {  	[sflag:s14] =	ssyncset.done $0x0  }
0x49: {  	s28 =	rddreg [dreg:$0x9];
	[sflag:s14] =	ssyncadd.s32 $0xFFFFC000  }
0x4a: {  	[spmem:s28] =	stream.linear.scatter [tilespmem:s15], [sflag:$0x5], $0x4000, $0x38;
	[tilespmem:$0x1F000] =	vst v63  }
0x4b: {  	_ =	swait.ge [sflag:s14], $0x4000  }
0x4c: {  	[sflag:s14] =	ssyncset.done $0x0  }
0x4d: {  	s7 =	rddreg [dreg:$0xa];
	[sflag:s14] =	ssyncadd.s32 $0xFFFFC000  }
0x4e: {  	[spmem:s7] =	stream.linear.scatter [tilespmem:s15], [sflag:$0x5], $0x4000, $0x38;
	[tilespmem:$0x1F000] =	vst v63  }
0x4f: {  	_ =	swait.ge [sflag:s14], $0x4000  }
0x50: {  	[sflag:s14] =	ssyncset.done $0x0  }
0x51: {  	s8 =	rddreg [dreg:$0xb];
	[sflag:s14] =	ssyncadd.s32 $0xFFFFC000  }
0x52: {  	[spmem:s8] =	stream.linear.scatter [tilespmem:s15], [sflag:$0x5], $0x4000, $0x38;
	[tilespmem:$0x1F000] =	vst v63  }
0x53: {  	_ =	swait.ge [sflag:s14], $0x4000  }
0x54: {  	[sflag:s14] =	ssyncset.done $0x0  }
.Ltmp3:
0x55: {  	[sflag:s14] =	ssyncadd.s32 $0xFFFFC000;
	(pc) =	sbr.rel @!p0 .LBB2_4-.Ltmp3, $4  }
0x56: {  	s24 =	simm.s32 $0x0;
	[bflag:$0x0] =	sbarrier.arrive $0xFFFF  }
0x57: {  	[tilespmem:s16], [sflag:$0x3] =	stream.linear.gather [hbm4b:s26+s24], $0x400, $0x38;
	[tilespmem:$0x1F000] =	vst v63  }
0x58: {  	s29 =	simm.s32 $0x0;
	s7 =	sadd.s32 $0x180, s26;
	s28 =	rddreg [dreg:$0xc]  }
0x59: {  	[tilespmem:s18], [sflag:$0x4] =	stream.linear.gather [hbm4b:s28+s24], $0x400, $0x38;
	[tilespmem:$0x1F000] =	vst v63  }
0x5a: {  	s7 =	simm.s32 $0x0  }
0x5b: {  	[tilespmem:s15], [sflag:$0x1] =	stream.indirect.gather [hbm4b:s5+s19], $0x80, s7, s19, $0xb8;
	[tilespmem:$0x1F000] =	vst v63  }
0x5c: {  	s4 =	simm.s32 $0x80;
	s8 =	sadd.s32 $0x180, s26  }
0x5d: {  	[tilespmem:s21], [sflag:$0x2] =	stream.indirect.gather [hbm4b:s5+s19], $0x80, s4, s19, $0xb8;
	[tilespmem:$0x1F000] =	vst v63  }
.LBB2_8:
0x5e: {  	_ =	swait.ge [sflag:s22], $0x400  }
0x5f: {  	[sflag:s22] =	ssyncset.done $0x0  }
0x60: {  	[sflag:s22] =	ssyncadd.s32 $0xFFFFFC00  }
0x61: {  	_ =	swait.ge [sflag:s23], $0x3E80  }
0x62: {  	[sflag:s23] =	ssyncset.done $0x0  }
0x63: {  	[sflag:s23] =	ssyncadd.s32 $0xFFFFC180  }
0x64: {  	[spmem:s3] =	stream.indirect.scatter.add.f32 [tilespmem:s15], [sflag:$0x5], $0x80, s16, s19, $0xb8;
	[tilespmem:$0x1F000] =	vst v63  }
0x65: {  	_ =	swait.ge [sflag:s14], $0x3E80  }
0x66: {  	s24 =	sshra.s32 s7, $0x2;
	[sflag:s14] =	ssyncset.done $0x0  }
0x67: {  	s4 =	sadd.s32 $0x100, s24;
	[sflag:s14] =	ssyncadd.s32 $0xFFFFC180  }
0x68: {  	[tilespmem:s15], [sflag:$0x1] =	stream.indirect.gather [hbm4b:s5+s19], $0x80, s4, s19, $0xb8;
	[tilespmem:$0x1F000] =	vst v63  }
0x69: {  	_ =	swait.ge [sflag:s25], $0x3E80  }
0x6a: {  	[sflag:s25] =	ssyncset.done $0x0  }
0x6b: {  	s26 =	simm.s32 $0x2880;
	[sflag:s25] =	ssyncadd.s32 $0xFFFFC180  }
0x6c: {  	[spmem:s3] =	stream.indirect.scatter.add.f32 [tilespmem:s21], [sflag:$0x5], $0x80, s26, s19, $0xb8;
	[tilespmem:$0x1F000] =	vst v63  }
0x6d: {  	_ =	swait.ge [sflag:s14], $0x3E80  }
0x6e: {  	[sflag:s14] =	ssyncset.done $0x0  }
0x6f: {  	s28 =	sadd.s32 $0x180, s24;
	[sflag:s14] =	ssyncadd.s32 $0xFFFFC180  }
0x70: {  	[tilespmem:s21], [sflag:$0x2] =	stream.indirect.gather [hbm4b:s5+s19], $0x80, s28, s19, $0xb8;
	[tilespmem:$0x1F000] =	vst v63  }
0x71: {  	_ =	swait.ge [sflag:s23], $0x3E80  }
0x72: {  	[sflag:s23] =	ssyncset.done $0x0  }
0x73: {  	s26 =	simm.s32 $0x2900;
	[sflag:s23] =	ssyncadd.s32 $0xFFFFC180  }
0x74: {  	[spmem:s3] =	stream.indirect.scatter.add.f32 [tilespmem:s15], [sflag:$0x5], $0x80, s26, s19, $0xb8;
	[tilespmem:$0x1F000] =	vst v63  }
0x75: {  	_ =	swait.ge [sflag:s14], $0x3E80  }
0x76: {  	[sflag:s14] =	ssyncset.done $0x0  }
0x77: {  	s28 =	sadd.s32 $0x200, s24;
	[sflag:s14] =	ssyncadd.s32 $0xFFFFC180  }
0x78: {  	[tilespmem:s15], [sflag:$0x1] =	stream.indirect.gather [hbm4b:s5+s19], $0x80, s28, s19, $0xb8;
	[tilespmem:$0x1F000] =	vst v63  }
0x79: {  	_ =	swait.ge [sflag:s25], $0x3E80  }
0x7a: {  	[sflag:s25] =	ssyncset.done $0x0  }
0x7b: {  	s26 =	simm.s32 $0x2980;
	[sflag:s25] =	ssyncadd.s32 $0xFFFFC180  }
0x7c: {  	[spmem:s3] =	stream.indirect.scatter.add.f32 [tilespmem:s21], [sflag:$0x5], $0x80, s26, s19, $0xb8;
	[tilespmem:$0x1F000] =	vst v63  }
0x7d: {  	_ =	swait.ge [sflag:s14], $0x3E80  }
0x7e: {  	[sflag:s14] =	ssyncset.done $0x0  }
0x7f: {  	s28 =	sadd.s32 $0x280, s24;
	[sflag:s14] =	ssyncadd.s32 $0xFFFFC180  }
0x80: {  	[tilespmem:s21], [sflag:$0x2] =	stream.indirect.gather [hbm4b:s5+s19], $0x80, s28, s19, $0xb8;
	[tilespmem:$0x1F000] =	vst v63  }
0x81: {  	_ =	swait.ge [sflag:s23], $0x3E80  }
0x82: {  	[sflag:s23] =	ssyncset.done $0x0  }
0x83: {  	[sflag:s23] =	ssyncadd.s32 $0xFFFFC180  }
0x84: {  	[spmem:s3] =	stream.indirect.scatter.add.f32 [tilespmem:s15], [sflag:$0x5], $0x80, s30, s19, $0xb8;
	[tilespmem:$0x1F000] =	vst v63  }
0x85: {  	_ =	swait.ge [sflag:s14], $0x3E80  }
0x86: {  	[sflag:s14] =	ssyncset.done $0x0  }
0x87: {  	s26 =	sadd.s32 $0x300, s24;
	[sflag:s14] =	ssyncadd.s32 $0xFFFFC180  }
0x88: {  	[tilespmem:s15], [sflag:$0x1] =	stream.indirect.gather [hbm4b:s5+s19], $0x80, s26, s19, $0xb8;
	[tilespmem:$0x1F000] =	vst v63  }
0x89: {  	_ =	swait.ge [sflag:s25], $0x3E80  }
0x8a: {  	[sflag:s25] =	ssyncset.done $0x0  }
0x8b: {  	[sflag:s25] =	ssyncadd.s32 $0xFFFFC180  }
0x8c: {  	[spmem:s3] =	stream.indirect.scatter.add.f32 [tilespmem:s21], [sflag:$0x5], $0x80, s31, s19, $0xb8;
	[tilespmem:$0x1F000] =	vst v63  }
0x8d: {  	_ =	swait.ge [sflag:s14], $0x3E80  }
0x8e: {  	[sflag:s14] =	ssyncset.done $0x0  }
0x8f: {  	s28 =	sadd.s32 $0x380, s24;
	[sflag:s14] =	ssyncadd.s32 $0xFFFFC180  }
0x90: {  	[tilespmem:s21], [sflag:$0x2] =	stream.indirect.gather [hbm4b:s5+s19], $0x80, s28, s19, $0xb8;
	[tilespmem:$0x1F000] =	vst v63  }
0x91: {  	_ =	swait.ge [sflag:s23], $0x3E80  }
0x92: {  	[sflag:s23] =	ssyncset.done $0x0  }
0x93: {  	[sflag:s23] =	ssyncadd.s32 $0xFFFFC180  }
0x94: {  	[spmem:s3] =	stream.indirect.scatter.add.f32 [tilespmem:s15], [sflag:$0x5], $0x80, s0, s19, $0xb8;
	[tilespmem:$0x1F000] =	vst v63  }
0x95: {  	_ =	swait.ge [sflag:s14], $0x3E80  }
0x96: {  	[sflag:s14] =	ssyncset.done $0x0  }
0x97: {  	s26 =	sadd.s32 $0x400, s24;
	[sflag:s14] =	ssyncadd.s32 $0xFFFFC180  }
0x98: {  	[tilespmem:s15], [sflag:$0x1] =	stream.indirect.gather [hbm4b:s5+s19], $0x80, s26, s19, $0xb8;
	[tilespmem:$0x1F000] =	vst v63  }
0x99: {  	_ =	swait.ge [sflag:s25], $0x3E80  }
0x9a: {  	[sflag:s25] =	ssyncset.done $0x0  }
0x9b: {  	[sflag:s25] =	ssyncadd.s32 $0xFFFFC180  }
0x9c: {  	[spmem:s3] =	stream.indirect.scatter.add.f32 [tilespmem:s21], [sflag:$0x5], $0x80, s20, s19, $0xb8;
	[tilespmem:$0x1F000] =	vst v63  }
0x9d: {  	_ =	swait.ge [sflag:s14], $0x3E80  }
0x9e: {  	[sflag:s14] =	ssyncset.done $0x0  }
0x9f: {  	p1 =	seq.s32 s7, $0x8000;
	s28 =	sadd.s32 $0x480, s24;
	[sflag:s14] =	ssyncadd.s32 $0xFFFFC180  }
0xa0: {  	[tilespmem:s21], [sflag:$0x2] =	stream.indirect.gather [hbm4b:s5+s19], $0x80, s28, s19, $0xb8;
	[tilespmem:$0x1F000] =	vst v63  }
0xa1: {  	s4 =	sadd.s32 @!p1 $0xFFFFFF80, s8;
	s26 =	simm.s32 @!p1 $0x0;
	s28 =	simm.s32 @!p1 $0x2800  }
0xa2: {  	[tilespmem:s28], [sflag:$0x3] =	stream.linear.gather @!p1 [hbm4b:s4+s26], $0x400, $0x38;
	[tilespmem:$0x1F000] =	vst v63  }
0xa3: {  	_ =	swait.ge [sflag:s1], $0x400  }
0xa4: {  	[sflag:s1] =	ssyncset.done $0x0  }
0xa5: {  	[sflag:s1] =	ssyncadd.s32 $0xFFFFFC00  }
0xa6: {  	_ =	swait.ge [sflag:s23], $0x3E80  }
0xa7: {  	[sflag:s23] =	ssyncset.done $0x0  }
0xa8: {  	[sflag:s23] =	ssyncadd.s32 $0xFFFFC180  }
0xa9: {  	[spmem:s3] =	stream.indirect.scatter.add.f32 [tilespmem:s15], [sflag:$0x5], $0x80, s18, s19, $0xb8;
	[tilespmem:$0x1F000] =	vst v63  }
0xaa: {  	_ =	swait.ge [sflag:s14], $0x3E80  }
0xab: {  	[sflag:s14] =	ssyncset.done $0x0  }
0xac: {  	s26 =	sadd.s32 $0x500, s24;
	[sflag:s14] =	ssyncadd.s32 $0xFFFFC180  }
0xad: {  	[tilespmem:s15], [sflag:$0x1] =	stream.indirect.gather [hbm4b:s5+s19], $0x80, s26, s19, $0xb8;
	[tilespmem:$0x1F000] =	vst v63  }
0xae: {  	_ =	swait.ge [sflag:s25], $0x3E80  }
0xaf: {  	[sflag:s25] =	ssyncset.done $0x0  }
0xb0: {  	[sflag:s25] =	ssyncadd.s32 $0xFFFFC180  }
0xb1: {  	[spmem:s3] =	stream.indirect.scatter.add.f32 [tilespmem:s21], [sflag:$0x5], $0x80, s6, s19, $0xb8;
	[tilespmem:$0x1F000] =	vst v63  }
0xb2: {  	_ =	swait.ge [sflag:s14], $0x3E80  }
0xb3: {  	[sflag:s14] =	ssyncset.done $0x0  }
0xb4: {  	s28 =	sadd.s32 $0x580, s24;
	[sflag:s14] =	ssyncadd.s32 $0xFFFFC180  }
0xb5: {  	[tilespmem:s21], [sflag:$0x2] =	stream.indirect.gather [hbm4b:s5+s19], $0x80, s28, s19, $0xb8;
	[tilespmem:$0x1F000] =	vst v63  }
0xb6: {  	_ =	swait.ge [sflag:s23], $0x3E80  }
0xb7: {  	[sflag:s23] =	ssyncset.done $0x0  }
0xb8: {  	[sflag:s23] =	ssyncadd.s32 $0xFFFFC180  }
0xb9: {  	[spmem:s3] =	stream.indirect.scatter.add.f32 [tilespmem:s15], [sflag:$0x5], $0x80, s9, s19, $0xb8;
	[tilespmem:$0x1F000] =	vst v63  }
0xba: {  	_ =	swait.ge [sflag:s14], $0x3E80  }
0xbb: {  	[sflag:s14] =	ssyncset.done $0x0  }
0xbc: {  	s26 =	sadd.s32 $0x600, s24;
	[sflag:s14] =	ssyncadd.s32 $0xFFFFC180  }
0xbd: {  	[tilespmem:s15], [sflag:$0x1] =	stream.indirect.gather [hbm4b:s5+s19], $0x80, s26, s19, $0xb8;
	[tilespmem:$0x1F000] =	vst v63  }
0xbe: {  	_ =	swait.ge [sflag:s25], $0x3E80  }
0xbf: {  	[sflag:s25] =	ssyncset.done $0x0  }
0xc0: {  	[sflag:s25] =	ssyncadd.s32 $0xFFFFC180  }
0xc1: {  	[spmem:s3] =	stream.indirect.scatter.add.f32 [tilespmem:s21], [sflag:$0x5], $0x80, s10, s19, $0xb8;
	[tilespmem:$0x1F000] =	vst v63  }
0xc2: {  	_ =	swait.ge [sflag:s14], $0x3E80  }
0xc3: {  	[sflag:s14] =	ssyncset.done $0x0  }
0xc4: {  	s28 =	sadd.s32 $0x680, s24;
	[sflag:s14] =	ssyncadd.s32 $0xFFFFC180  }
0xc5: {  	[tilespmem:s21], [sflag:$0x2] =	stream.indirect.gather [hbm4b:s5+s19], $0x80, s28, s19, $0xb8;
	[tilespmem:$0x1F000] =	vst v63  }
0xc6: {  	_ =	swait.ge [sflag:s23], $0x3E80  }
0xc7: {  	[sflag:s23] =	ssyncset.done $0x0  }
0xc8: {  	[sflag:s23] =	ssyncadd.s32 $0xFFFFC180  }
0xc9: {  	[spmem:s3] =	stream.indirect.scatter.add.f32 [tilespmem:s15], [sflag:$0x5], $0x80, s11, s19, $0xb8;
	[tilespmem:$0x1F000] =	vst v63  }
0xca: {  	_ =	swait.ge [sflag:s14], $0x3E80  }
0xcb: {  	[sflag:s14] =	ssyncset.done $0x0  }
0xcc: {  	s26 =	sadd.s32 $0x700, s24;
	[sflag:s14] =	ssyncadd.s32 $0xFFFFC180  }
0xcd: {  	[tilespmem:s15], [sflag:$0x1] =	stream.indirect.gather [hbm4b:s5+s19], $0x80, s26, s19, $0xb8;
	[tilespmem:$0x1F000] =	vst v63  }
0xce: {  	_ =	swait.ge [sflag:s25], $0x3E80  }
0xcf: {  	[sflag:s25] =	ssyncset.done $0x0  }
0xd0: {  	[sflag:s25] =	ssyncadd.s32 $0xFFFFC180  }
0xd1: {  	[spmem:s3] =	stream.indirect.scatter.add.f32 [tilespmem:s21], [sflag:$0x5], $0x80, s12, s19, $0xb8;
	[tilespmem:$0x1F000] =	vst v63  }
0xd2: {  	_ =	swait.ge [sflag:s14], $0x3E80  }
0xd3: {  	[sflag:s14] =	ssyncset.done $0x0  }
0xd4: {  	s28 =	sadd.s32 $0x780, s24;
	[sflag:s14] =	ssyncadd.s32 $0xFFFFC180  }
0xd5: {  	[tilespmem:s21], [sflag:$0x2] =	stream.indirect.gather [hbm4b:s5+s19], $0x80, s28, s19, $0xb8;
	[tilespmem:$0x1F000] =	vst v63  }
0xd6: {  	_ =	swait.ge [sflag:s23], $0x3E80  }
0xd7: {  	[sflag:s23] =	ssyncset.done $0x0  }
.Ltmp4:
0xd8: {  	[sflag:s23] =	ssyncadd.s32 $0xFFFFC180;
	(pc) =	sbr.rel @p1 .LBB2_10-.Ltmp4, $4  }
0xd9: {  	[spmem:s3] =	stream.indirect.scatter.add.f32 [tilespmem:s15], [sflag:$0x5], $0x80, s13, s19, $0xb8;
	[tilespmem:$0x1F000] =	vst v63  }
0xda: {  	_ =	swait.ge [sflag:s14], $0x3E80  }
0xdb: {  	[sflag:s14] =	ssyncset.done $0x0  }
0xdc: {  	[sflag:s14] =	ssyncadd.s32 $0xFFFFC180  }
0xdd: {  	s4 =	sadd.s32 $0x800, s24  }
0xde: {  	[tilespmem:s15], [sflag:$0x1] =	stream.indirect.gather [hbm4b:s5+s19], $0x80, s4, s19, $0xb8;
	[tilespmem:$0x1F000] =	vst v63  }
0xdf: {  	_ =	swait.ge [sflag:s25], $0x3E80  }
0xe0: {  	[sflag:s25] =	ssyncset.done $0x0  }
0xe1: {  	[sflag:s25] =	ssyncadd.s32 $0xFFFFC180  }
0xe2: {  	[spmem:s3] =	stream.indirect.scatter.add.f32 [tilespmem:s21], [sflag:$0x5], $0x80, s17, s19, $0xb8;
	[tilespmem:$0x1F000] =	vst v63  }
0xe3: {  	_ =	swait.ge [sflag:s14], $0x3E80  }
0xe4: {  	[sflag:s14] =	ssyncset.done $0x0  }
.Ltmp5:
0xe5: {  	s28 =	sadd.s32 $0x880, s24;
	[sflag:s14] =	ssyncadd.s32 $0xFFFFC180;
	(pc) =	sbr.rel .LBB2_8-.Ltmp5, $4  }
0xe6: {  	[tilespmem:s21], [sflag:$0x2] =	stream.indirect.gather [hbm4b:s5+s19], $0x80, s28, s19, $0xb8;
	[tilespmem:$0x1F000] =	vst v63  }
0xe7: {  	_ = 	snop  }
0xe8: {  	[tilespmem:s18], [sflag:$0x4] =	stream.linear.gather [hbm4b:s8+s29], $0x400, $0x38;
	[tilespmem:$0x1F000] =	vst v63  }
0xe9: {  	s7 =	sadd.s32 $0x2000, s7;
	s8 =	sadd.s32 $0x100, s8  }
.LBB2_4:
0xea: {  	s8 =	simm.s32 $0x0  }
0xeb: {  	[tilespmem:s15], [sflag:$0x1] =	stream.indirect.gather [hbm4b:s2+s19], $0x80, s8, s19, $0xb8;
	[tilespmem:$0x1F000] =	vst v63  }
0xec: {  	s4 =	simm.s32 $0x80  }
0xed: {  	[tilespmem:s21], [sflag:$0x2] =	stream.indirect.gather [hbm4b:s2+s19], $0x80, s4, s19, $0xb8;
	[tilespmem:$0x1F000] =	vst v63  }
.LBB2_5:
0xee: {  	_ =	swait.ge [sflag:s22], $0x400  }
0xef: {  	[sflag:s22] =	ssyncset.done $0x0  }
0xf0: {  	[sflag:s22] =	ssyncadd.s32 $0xFFFFFC00  }
0xf1: {  	_ =	swait.ge [sflag:s23], $0x3E80  }
0xf2: {  	[sflag:s23] =	ssyncset.done $0x0  }
0xf3: {  	[sflag:s23] =	ssyncadd.s32 $0xFFFFC180  }
0xf4: {  	[spmem:s3] =	stream.indirect.scatter.add.f32 [tilespmem:s15], [sflag:$0x5], $0x80, s16, s19, $0xb8;
	[tilespmem:$0x1F000] =	vst v63  }
0xf5: {  	_ =	swait.ge [sflag:s14], $0x3E80  }
0xf6: {  	s24 =	sshra.s32 s8, $0x2;
	[sflag:s14] =	ssyncset.done $0x0  }
0xf7: {  	s4 =	sadd.s32 $0x100, s24;
	[sflag:s14] =	ssyncadd.s32 $0xFFFFC180  }
0xf8: {  	[tilespmem:s15], [sflag:$0x1] =	stream.indirect.gather [hbm4b:s2+s19], $0x80, s4, s19, $0xb8;
	[tilespmem:$0x1F000] =	vst v63  }
0xf9: {  	_ =	swait.ge [sflag:s25], $0x3E80  }
0xfa: {  	[sflag:s25] =	ssyncset.done $0x0  }
0xfb: {  	s26 =	simm.s32 $0x2880;
	[sflag:s25] =	ssyncadd.s32 $0xFFFFC180  }
0xfc: {  	[spmem:s3] =	stream.indirect.scatter.add.f32 [tilespmem:s21], [sflag:$0x5], $0x80, s26, s19, $0xb8;
	[tilespmem:$0x1F000] =	vst v63  }
0xfd: {  	_ =	swait.ge [sflag:s14], $0x3E80  }
0xfe: {  	[sflag:s14] =	ssyncset.done $0x0  }
0xff: {  	s28 =	sadd.s32 $0x180, s24;
	[sflag:s14] =	ssyncadd.s32 $0xFFFFC180  }
0x100: {  	[tilespmem:s21], [sflag:$0x2] =	stream.indirect.gather [hbm4b:s2+s19], $0x80, s28, s19, $0xb8;
	[tilespmem:$0x1F000] =	vst v63  }
0x101: {  	_ =	swait.ge [sflag:s23], $0x3E80  }
0x102: {  	[sflag:s23] =	ssyncset.done $0x0  }
0x103: {  	s26 =	simm.s32 $0x2900;
	[sflag:s23] =	ssyncadd.s32 $0xFFFFC180  }
0x104: {  	[spmem:s3] =	stream.indirect.scatter.add.f32 [tilespmem:s15], [sflag:$0x5], $0x80, s26, s19, $0xb8;
	[tilespmem:$0x1F000] =	vst v63  }
0x105: {  	_ =	swait.ge [sflag:s14], $0x3E80  }
0x106: {  	[sflag:s14] =	ssyncset.done $0x0  }
0x107: {  	s28 =	sadd.s32 $0x200, s24;
	[sflag:s14] =	ssyncadd.s32 $0xFFFFC180  }
0x108: {  	[tilespmem:s15], [sflag:$0x1] =	stream.indirect.gather [hbm4b:s2+s19], $0x80, s28, s19, $0xb8;
	[tilespmem:$0x1F000] =	vst v63  }
0x109: {  	_ =	swait.ge [sflag:s25], $0x3E80  }
0x10a: {  	[sflag:s25] =	ssyncset.done $0x0  }
0x10b: {  	s26 =	simm.s32 $0x2980;
	[sflag:s25] =	ssyncadd.s32 $0xFFFFC180  }
0x10c: {  	[spmem:s3] =	stream.indirect.scatter.add.f32 [tilespmem:s21], [sflag:$0x5], $0x80, s26, s19, $0xb8;
	[tilespmem:$0x1F000] =	vst v63  }
0x10d: {  	_ =	swait.ge [sflag:s14], $0x3E80  }
0x10e: {  	[sflag:s14] =	ssyncset.done $0x0  }
0x10f: {  	s28 =	sadd.s32 $0x280, s24;
	[sflag:s14] =	ssyncadd.s32 $0xFFFFC180  }
0x110: {  	[tilespmem:s21], [sflag:$0x2] =	stream.indirect.gather [hbm4b:s2+s19], $0x80, s28, s19, $0xb8;
	[tilespmem:$0x1F000] =	vst v63  }
0x111: {  	_ =	swait.ge [sflag:s23], $0x3E80  }
0x112: {  	[sflag:s23] =	ssyncset.done $0x0  }
0x113: {  	[sflag:s23] =	ssyncadd.s32 $0xFFFFC180  }
0x114: {  	[spmem:s3] =	stream.indirect.scatter.add.f32 [tilespmem:s15], [sflag:$0x5], $0x80, s30, s19, $0xb8;
	[tilespmem:$0x1F000] =	vst v63  }
0x115: {  	_ =	swait.ge [sflag:s14], $0x3E80  }
0x116: {  	[sflag:s14] =	ssyncset.done $0x0  }
0x117: {  	s26 =	sadd.s32 $0x300, s24;
	[sflag:s14] =	ssyncadd.s32 $0xFFFFC180  }
0x118: {  	[tilespmem:s15], [sflag:$0x1] =	stream.indirect.gather [hbm4b:s2+s19], $0x80, s26, s19, $0xb8;
	[tilespmem:$0x1F000] =	vst v63  }
0x119: {  	_ =	swait.ge [sflag:s25], $0x3E80  }
0x11a: {  	[sflag:s25] =	ssyncset.done $0x0  }
0x11b: {  	[sflag:s25] =	ssyncadd.s32 $0xFFFFC180  }
0x11c: {  	[spmem:s3] =	stream.indirect.scatter.add.f32 [tilespmem:s21], [sflag:$0x5], $0x80, s31, s19, $0xb8;
	[tilespmem:$0x1F000] =	vst v63  }
0x11d: {  	_ =	swait.ge [sflag:s14], $0x3E80  }
0x11e: {  	[sflag:s14] =	ssyncset.done $0x0  }
0x11f: {  	s28 =	sadd.s32 $0x380, s24;
	[sflag:s14] =	ssyncadd.s32 $0xFFFFC180  }
0x120: {  	[tilespmem:s21], [sflag:$0x2] =	stream.indirect.gather [hbm4b:s2+s19], $0x80, s28, s19, $0xb8;
	[tilespmem:$0x1F000] =	vst v63  }
0x121: {  	_ =	swait.ge [sflag:s23], $0x3E80  }
0x122: {  	[sflag:s23] =	ssyncset.done $0x0  }
0x123: {  	[sflag:s23] =	ssyncadd.s32 $0xFFFFC180  }
0x124: {  	[spmem:s3] =	stream.indirect.scatter.add.f32 [tilespmem:s15], [sflag:$0x5], $0x80, s0, s19, $0xb8;
	[tilespmem:$0x1F000] =	vst v63  }
0x125: {  	_ =	swait.ge [sflag:s14], $0x3E80  }
0x126: {  	[sflag:s14] =	ssyncset.done $0x0  }
0x127: {  	s26 =	sadd.s32 $0x400, s24;
	[sflag:s14] =	ssyncadd.s32 $0xFFFFC180  }
0x128: {  	[tilespmem:s15], [sflag:$0x1] =	stream.indirect.gather [hbm4b:s2+s19], $0x80, s26, s19, $0xb8;
	[tilespmem:$0x1F000] =	vst v63  }
0x129: {  	_ =	swait.ge [sflag:s25], $0x3E80  }
0x12a: {  	[sflag:s25] =	ssyncset.done $0x0  }
0x12b: {  	[sflag:s25] =	ssyncadd.s32 $0xFFFFC180  }
0x12c: {  	[spmem:s3] =	stream.indirect.scatter.add.f32 [tilespmem:s21], [sflag:$0x5], $0x80, s20, s19, $0xb8;
	[tilespmem:$0x1F000] =	vst v63  }
0x12d: {  	_ =	swait.ge [sflag:s14], $0x3E80  }
0x12e: {  	[sflag:s14] =	ssyncset.done $0x0  }
0x12f: {  	p1 =	seq.s32 s8, $0x8000;
	s28 =	sadd.s32 $0x480, s24;
	[sflag:s14] =	ssyncadd.s32 $0xFFFFC180  }
0x130: {  	[tilespmem:s21], [sflag:$0x2] =	stream.indirect.gather [hbm4b:s2+s19], $0x80, s28, s19, $0xb8;
	[tilespmem:$0x1F000] =	vst v63  }
0x131: {  	s4 =	sadd.s32 @!p1 $0xFFFFFF80, s7;
	s26 =	simm.s32 @!p1 $0x0;
	s28 =	simm.s32 @!p1 $0x2800  }
0x132: {  	[tilespmem:s28], [sflag:$0x3] =	stream.linear.gather @!p1 [hbm4b:s4+s26], $0x400, $0x38;
	[tilespmem:$0x1F000] =	vst v63  }
0x133: {  	_ =	swait.ge [sflag:s1], $0x400  }
0x134: {  	[sflag:s1] =	ssyncset.done $0x0  }
0x135: {  	[sflag:s1] =	ssyncadd.s32 $0xFFFFFC00  }
0x136: {  	_ =	swait.ge [sflag:s23], $0x3E80  }
0x137: {  	[sflag:s23] =	ssyncset.done $0x0  }
0x138: {  	[sflag:s23] =	ssyncadd.s32 $0xFFFFC180  }
0x139: {  	[spmem:s3] =	stream.indirect.scatter.add.f32 [tilespmem:s15], [sflag:$0x5], $0x80, s18, s19, $0xb8;
	[tilespmem:$0x1F000] =	vst v63  }
0x13a: {  	_ =	swait.ge [sflag:s14], $0x3E80  }
0x13b: {  	[sflag:s14] =	ssyncset.done $0x0  }
0x13c: {  	s26 =	sadd.s32 $0x500, s24;
	[sflag:s14] =	ssyncadd.s32 $0xFFFFC180  }
0x13d: {  	[tilespmem:s15], [sflag:$0x1] =	stream.indirect.gather [hbm4b:s2+s19], $0x80, s26, s19, $0xb8;
	[tilespmem:$0x1F000] =	vst v63  }
0x13e: {  	_ =	swait.ge [sflag:s25], $0x3E80  }
0x13f: {  	[sflag:s25] =	ssyncset.done $0x0  }
0x140: {  	[sflag:s25] =	ssyncadd.s32 $0xFFFFC180  }
0x141: {  	[spmem:s3] =	stream.indirect.scatter.add.f32 [tilespmem:s21], [sflag:$0x5], $0x80, s6, s19, $0xb8;
	[tilespmem:$0x1F000] =	vst v63  }
0x142: {  	_ =	swait.ge [sflag:s14], $0x3E80  }
0x143: {  	[sflag:s14] =	ssyncset.done $0x0  }
0x144: {  	s28 =	sadd.s32 $0x580, s24;
	[sflag:s14] =	ssyncadd.s32 $0xFFFFC180  }
0x145: {  	[tilespmem:s21], [sflag:$0x2] =	stream.indirect.gather [hbm4b:s2+s19], $0x80, s28, s19, $0xb8;
	[tilespmem:$0x1F000] =	vst v63  }
0x146: {  	_ =	swait.ge [sflag:s23], $0x3E80  }
0x147: {  	[sflag:s23] =	ssyncset.done $0x0  }
0x148: {  	[sflag:s23] =	ssyncadd.s32 $0xFFFFC180  }
0x149: {  	[spmem:s3] =	stream.indirect.scatter.add.f32 [tilespmem:s15], [sflag:$0x5], $0x80, s9, s19, $0xb8;
	[tilespmem:$0x1F000] =	vst v63  }
0x14a: {  	_ =	swait.ge [sflag:s14], $0x3E80  }
0x14b: {  	[sflag:s14] =	ssyncset.done $0x0  }
0x14c: {  	s26 =	sadd.s32 $0x600, s24;
	[sflag:s14] =	ssyncadd.s32 $0xFFFFC180  }
0x14d: {  	[tilespmem:s15], [sflag:$0x1] =	stream.indirect.gather [hbm4b:s2+s19], $0x80, s26, s19, $0xb8;
	[tilespmem:$0x1F000] =	vst v63  }
0x14e: {  	_ =	swait.ge [sflag:s25], $0x3E80  }
0x14f: {  	[sflag:s25] =	ssyncset.done $0x0  }
0x150: {  	[sflag:s25] =	ssyncadd.s32 $0xFFFFC180  }
0x151: {  	[spmem:s3] =	stream.indirect.scatter.add.f32 [tilespmem:s21], [sflag:$0x5], $0x80, s10, s19, $0xb8;
	[tilespmem:$0x1F000] =	vst v63  }
0x152: {  	_ =	swait.ge [sflag:s14], $0x3E80  }
0x153: {  	[sflag:s14] =	ssyncset.done $0x0  }
0x154: {  	s28 =	sadd.s32 $0x680, s24;
	[sflag:s14] =	ssyncadd.s32 $0xFFFFC180  }
0x155: {  	[tilespmem:s21], [sflag:$0x2] =	stream.indirect.gather [hbm4b:s2+s19], $0x80, s28, s19, $0xb8;
	[tilespmem:$0x1F000] =	vst v63  }
0x156: {  	_ =	swait.ge [sflag:s23], $0x3E80  }
0x157: {  	[sflag:s23] =	ssyncset.done $0x0  }
0x158: {  	[sflag:s23] =	ssyncadd.s32 $0xFFFFC180  }
0x159: {  	[spmem:s3] =	stream.indirect.scatter.add.f32 [tilespmem:s15], [sflag:$0x5], $0x80, s11, s19, $0xb8;
	[tilespmem:$0x1F000] =	vst v63  }
0x15a: {  	_ =	swait.ge [sflag:s14], $0x3E80  }
0x15b: {  	[sflag:s14] =	ssyncset.done $0x0  }
0x15c: {  	s26 =	sadd.s32 $0x700, s24;
	[sflag:s14] =	ssyncadd.s32 $0xFFFFC180  }
0x15d: {  	[tilespmem:s15], [sflag:$0x1] =	stream.indirect.gather [hbm4b:s2+s19], $0x80, s26, s19, $0xb8;
	[tilespmem:$0x1F000] =	vst v63  }
0x15e: {  	_ =	swait.ge [sflag:s25], $0x3E80  }
0x15f: {  	[sflag:s25] =	ssyncset.done $0x0  }
0x160: {  	[sflag:s25] =	ssyncadd.s32 $0xFFFFC180  }
0x161: {  	[spmem:s3] =	stream.indirect.scatter.add.f32 [tilespmem:s21], [sflag:$0x5], $0x80, s12, s19, $0xb8;
	[tilespmem:$0x1F000] =	vst v63  }
0x162: {  	_ =	swait.ge [sflag:s14], $0x3E80  }
0x163: {  	[sflag:s14] =	ssyncset.done $0x0  }
0x164: {  	s28 =	sadd.s32 $0x780, s24;
	[sflag:s14] =	ssyncadd.s32 $0xFFFFC180  }
0x165: {  	[tilespmem:s21], [sflag:$0x2] =	stream.indirect.gather [hbm4b:s2+s19], $0x80, s28, s19, $0xb8;
	[tilespmem:$0x1F000] =	vst v63  }
0x166: {  	_ =	swait.ge [sflag:s23], $0x3E80  }
0x167: {  	[sflag:s23] =	ssyncset.done $0x0  }
.Ltmp6:
0x168: {  	[sflag:s23] =	ssyncadd.s32 $0xFFFFC180;
	(pc) =	sbr.rel @p1 .LBB2_10-.Ltmp6, $4  }
0x169: {  	[spmem:s3] =	stream.indirect.scatter.add.f32 [tilespmem:s15], [sflag:$0x5], $0x80, s13, s19, $0xb8;
	[tilespmem:$0x1F000] =	vst v63  }
0x16a: {  	_ =	swait.ge [sflag:s14], $0x3E80  }
0x16b: {  	[sflag:s14] =	ssyncset.done $0x0  }
0x16c: {  	[sflag:s14] =	ssyncadd.s32 $0xFFFFC180  }
0x16d: {  	s4 =	sadd.s32 $0x800, s24  }
0x16e: {  	[tilespmem:s15], [sflag:$0x1] =	stream.indirect.gather [hbm4b:s2+s19], $0x80, s4, s19, $0xb8;
	[tilespmem:$0x1F000] =	vst v63  }
0x16f: {  	_ =	swait.ge [sflag:s25], $0x3E80  }
0x170: {  	[sflag:s25] =	ssyncset.done $0x0  }
0x171: {  	[sflag:s25] =	ssyncadd.s32 $0xFFFFC180  }
0x172: {  	[spmem:s3] =	stream.indirect.scatter.add.f32 [tilespmem:s21], [sflag:$0x5], $0x80, s17, s19, $0xb8;
	[tilespmem:$0x1F000] =	vst v63  }
0x173: {  	_ =	swait.ge [sflag:s14], $0x3E80  }
0x174: {  	[sflag:s14] =	ssyncset.done $0x0  }
.Ltmp7:
0x175: {  	s28 =	sadd.s32 $0x880, s24;
	[sflag:s14] =	ssyncadd.s32 $0xFFFFC180;
	(pc) =	sbr.rel .LBB2_5-.Ltmp7, $4  }
0x176: {  	[tilespmem:s21], [sflag:$0x2] =	stream.indirect.gather [hbm4b:s2+s19], $0x80, s28, s19, $0xb8;
	[tilespmem:$0x1F000] =	vst v63  }
0x177: {  	_ = 	snop  }
0x178: {  	[tilespmem:s18], [sflag:$0x4] =	stream.linear.gather [hbm4b:s7+s29], $0x400, $0x38;
	[tilespmem:$0x1F000] =	vst v63  }
0x179: {  	s8 =	sadd.s32 $0x2000, s8;
	s7 =	sadd.s32 $0x100, s7  }
.LBB2_11:
0x17a: {  	_ =	sfence.sel $0x180000  }
0x17b: {  	[bflag:$0x0] =	sbarrier.arrive $0xFFFF  }
0x17c: {  	_ =	strace $0x9000004A  }
0x17d: {  	s0 =	stileid.u32;
	[bflag:$0x2] =	sbarrier.arrive $0xFFFF  }
0x17e: {  	p0 =	sne.s32 s0, $0x0;
	s0 =	rddreg [dreg:$0x3]  }
0x17f: {  	s0 =	sadd.s32 @!p0 $0x100000, s0  }
0x180: {  	[sflag:s0] =	ssyncadd.tile.s32 @!p0 $0x1;
	_ =	shalt  }
.Lfunc_end2:
_tile_overlayer_lowered:
.L_overlay_start_2:
0x181: {  	(tag) =	ssettag $0x2  }
0x182: {  	s0 =	rddreg [dreg:$0x0];
	s2 =	stileid.u32  }
0x183: {  	s1 =	rddreg [dreg:$0x1];
	p0 =	sne.s32 s2, $0x0  }
0x184: {  	s3 =	rddreg [dreg:$0x2];
	[bflag:$0x3] =	sbarrier.arrive $0xFFFF;
	s2 =	simm.s32 @!p0 $0x1C05  }
0x185: {  	[timem:s3], [sflag:s2] =	dma.local @!p0 [hbm:s0], s1  }
0x186: {  	s0 =	simm.s32 @!p0 $0x5  }
0x187: {  	_ =	swait.ge @!p0 [sflag:s0], s1  }
0x188: {  	s1 =	ssub.s32 @!p0 $0x0, s1;
	[sflag:s0] =	ssyncset.done @!p0 $0x0  }
0x189: {  	[sflag:s0] =	ssyncadd.s32 @!p0 s1  }
0x18a: {  	[bflag:$0x3] =	sbarrier.arrive $0xFFFF  }
0x18b: {  	_ =	shalt  }

</sc_bundles>
